<compile_context>
chip_gen: v7x
topology: tpu7x:2x2x1
jax: 0.10.2.dev20260603
libtpu: 0.0.44.dev20260713+nightly
codegen_flags: <defaults>
</compile_context>

<pallas_src>
import functools

import jax
import jax.numpy as jnp
from jax import lax
from jax.experimental import pallas as pl
from jax.experimental.pallas import tpu as pltpu
from jax.experimental.pallas import tpu_sc as plsc

EPS = 1e-5
NC = 2
NS = 16
NW = NC * NS
C = 80


def _sc_mesh():
    return plsc.VectorSubcoreMesh(
        core_axis_name="c", subcore_axis_name="s", num_cores=NC, num_subcores=NS
    )


def _make_degree_kernel(N, E):
    CHT = E // NS // C
    CH = CHT // NC
    S_MAIN = (N // NS) // 8 * 8
    TAIL = N - NS * S_MAIN

    @functools.partial(
        pl.kernel,
        out_type=jax.ShapeDtypeStruct((NC * N,), jnp.float32),
        mesh=_sc_mesh(),
        scratch_types=[
            pltpu.VMEM((CH, C), jnp.int32),
            pltpu.VMEM((C,), jnp.float32),
            pltpu.VMEM((S_MAIN,), jnp.float32),
            pltpu.VMEM_SHARED((N,), jnp.float32),
        ],
        compiler_params=pltpu.CompilerParams(use_tc_tiling_on_sc=False),
    )
    def deg_kernel(dst_hbm, zeros_hbm, out_hbm, dst_v, ones_v, zbuf, acc_sh):
        c = lax.axis_index("c")
        s = lax.axis_index("s")
        pltpu.sync_copy(dst_hbm.at[s].at[pl.ds(c * CH, CH)], dst_v)
        for i in range(C // 16):
            ones_v[pl.ds(i * 16, 16)] = jnp.ones((16,), jnp.float32)
        base = s * S_MAIN
        pltpu.sync_copy(zeros_hbm.at[pl.ds(0, S_MAIN)], zbuf)
        pltpu.sync_copy(zbuf, acc_sh.at[pl.ds(base, S_MAIN)])
        if TAIL:
            @pl.when(s == NS - 1)
            def _():
                pltpu.sync_copy(zbuf.at[pl.ds(0, TAIL)],
                                acc_sh.at[pl.ds(NS * S_MAIN, TAIL)])
        plsc.subcore_barrier()

        def body(j, carry):
            pltpu.sync_copy(ones_v, acc_sh.at[dst_v.at[j]], add=True)
            return carry

        lax.fori_loop(0, CH, body, 0)
        plsc.subcore_barrier()
        pltpu.sync_copy(acc_sh.at[pl.ds(base, S_MAIN)], zbuf)
        pltpu.sync_copy(zbuf, out_hbm.at[pl.ds(c * N + base, S_MAIN)])
        if TAIL:
            @pl.when(s == NS - 1)
            def _():
                pltpu.sync_copy(acc_sh.at[pl.ds(NS * S_MAIN, TAIL)],
                                zbuf.at[pl.ds(0, TAIL)])
                pltpu.sync_copy(zbuf.at[pl.ds(0, TAIL)],
                                out_hbm.at[pl.ds(c * N + NS * S_MAIN, TAIL)])

    return deg_kernel


def _make_scatter_kernel(N, Dh, E):
    CH = E // NS // C
    NB = 6
    K = NB // 2
    T = CH // NB
    TL = CH - NB * T
    S2 = (N // NS) // 8 * 8
    TAIL2 = N - NS * S2
    W = S2 // 3
    assert 3 * W == S2 and W % 8 == 0 and 2 * W <= NB * C

    @functools.partial(
        pl.kernel,
        out_type=jax.ShapeDtypeStruct((NC, N, 128), jnp.float32),
        mesh=_sc_mesh(),
        scratch_types=[
            pltpu.VMEM((CH, C), jnp.int32),
            pltpu.VMEM((CH, C), jnp.int32),
            pltpu.VMEM((NB * C, Dh), jnp.float32),
            pltpu.VMEM_SHARED((N, Dh), jnp.float32),
            [pltpu.SemaphoreType.DMA] * NB,
            [pltpu.SemaphoreType.DMA] * NB,
        ],
        compiler_params=pltpu.CompilerParams(use_tc_tiling_on_sc=False),
    )
    def scatter_kernel(y2_hbm, srcx_hbm, dst_hbm, zeros_hbm, out_hbm,
                       src_v, dst_v, rows_v, acc_sh, sem_g, sem_s):
        c = lax.axis_index("c")
        s = lax.axis_index("s")

        def rbuf(b):
            return rows_v.at[pl.ds(b * C, C)]

        pltpu.async_copy(srcx_hbm.at[c, s], src_v, sem_g[0])
        pltpu.async_copy(dst_hbm.at[s], dst_v, sem_g[1])
        zslice = rows_v.at[pl.ds(0, W)]
        pltpu.sync_copy(zeros_hbm, zslice)
        for k in range(3):
            pltpu.sync_copy(zslice, acc_sh.at[pl.ds(s * S2 + k * W, W)])
        if TAIL2:
            @pl.when(s == NS - 1)
            def _():
                pltpu.sync_copy(rows_v.at[pl.ds(0, TAIL2)],
                                acc_sh.at[pl.ds(NS * S2, TAIL2)])
        pltpu.make_async_copy(srcx_hbm.at[c, s], src_v, sem_g[0]).wait()
        pltpu.make_async_copy(dst_hbm.at[s], dst_v, sem_g[1]).wait()
        plsc.subcore_barrier()

        def step(j, b):
            b2 = (b + K) % NB

            @pl.when(j >= K)
            def _():
                pltpu.make_async_copy(
                    rbuf(b2), acc_sh.at[dst_v.at[j - K]],
                    sem_s[b2]).wait()

            @pl.when(j + K < CH)
            def _():
                pltpu.async_copy(y2_hbm.at[src_v.at[j + K]], rbuf(b2),
                                 sem_g[b2])

            pltpu.make_async_copy(
                y2_hbm.at[src_v.at[j]], rbuf(b), sem_g[b]).wait()
            pltpu.async_copy(rbuf(b), acc_sh.at[dst_v.at[j]],
                             sem_s[b], add=True)

        for j0 in range(K):
            pltpu.async_copy(y2_hbm.at[src_v.at[j0]], rbuf(j0), sem_g[j0])

        def body(t, carry):
            for b in range(NB):
                step(t * NB + b, b)
            return carry

        lax.fori_loop(0, T, body, 0)
        for r in range(TL):
            step(NB * T + r, r)
        for j in range(CH - K, CH):
            b = j % NB
            pltpu.make_async_copy(
                rbuf(b), acc_sh.at[dst_v.at[j]], sem_s[b]).wait()
        plsc.subcore_barrier()

        def wslice(k):
            return rows_v.at[pl.ds((k % 2) * W, W)]

        def hbm_dst(off, n):
            return out_hbm.at[c].at[pl.ds(off, n), pl.ds(0, Dh)]

        for k in range(3):
            if k >= 2:
                pltpu.make_async_copy(
                    wslice(k), hbm_dst(s * S2 + (k - 2) * W, W),
                    sem_s[k - 2]).wait()
            pltpu.sync_copy(acc_sh.at[pl.ds(s * S2 + k * W, W)], wslice(k))
            pltpu.async_copy(wslice(k), hbm_dst(s * S2 + k * W, W),
                             sem_s[k % 2])
        for k in range(1, 3):
            pltpu.make_async_copy(
                wslice(k), hbm_dst(s * S2 + k * W, W), sem_s[k % 2]).wait()
        if TAIL2:
            @pl.when(s == NS - 1)
            def _():
                tbuf = rows_v.at[pl.ds(2 * W, TAIL2)]
                pltpu.sync_copy(acc_sh.at[pl.ds(NS * S2, TAIL2)], tbuf)
                pltpu.sync_copy(tbuf, hbm_dst(NS * S2, TAIL2))

    return scatter_kernel


def _first_dense(x, W1, cnt, B):
    N, D = x.shape
    H = W1.shape[1]

    def body(x_ref, w_ref, cnt_ref, y_ref, dinv_ref):
        deg = cnt_ref[0] + cnt_ref[1] + 1.0
        dinv = lax.rsqrt(deg)
        dinv_ref[...] = dinv
        y_ref[...] = jnp.dot(x_ref[...], w_ref[...],
                             preferred_element_type=jnp.float32) * dinv

    return pl.pallas_call(
        body,
        grid=(N // B,),
        in_specs=[
            pl.BlockSpec((B, D), lambda i: (i, 0)),
            pl.BlockSpec((D, H), lambda i: (0, 0)),
            pl.BlockSpec((2, B, 1), lambda i: (0, i, 0)),
        ],
        out_specs=[
            pl.BlockSpec((B, H), lambda i: (i, 0)),
            pl.BlockSpec((B, 1), lambda i: (i, 0)),
        ],
        out_shape=[
            jax.ShapeDtypeStruct((N, H), jnp.float32),
            jax.ShapeDtypeStruct((N, 1), jnp.float32),
        ],
    )(x, W1, cnt)


def _agg_full(p_ref, y_ref, Dh):
    return jnp.concatenate(
        [p_ref[0][:, :Dh], p_ref[1][:, :Dh]], axis=-1) + y_ref[...]


def _mid_dense(p, y, dinv, b, g, bt, W, B):
    N, H = y.shape
    Dh = H // 2

    def body(p_ref, y_ref, dinv_ref, b_ref, g_ref, bt_ref, w_ref, out_ref):
        pre = _agg_full(p_ref, y_ref, Dh) * dinv_ref[...] + b_ref[...]
        m = jnp.mean(pre, axis=-1, keepdims=True)
        d = pre - m
        v = jnp.mean(d * d, axis=-1, keepdims=True)
        h = jnp.maximum(d * lax.rsqrt(v + EPS) * g_ref[...] + bt_ref[...], 0.0)
        out_ref[...] = jnp.dot(h, w_ref[...],
                               preferred_element_type=jnp.float32) * dinv_ref[...]

    return pl.pallas_call(
        body,
        grid=(N // B,),
        in_specs=[
            pl.BlockSpec((2, B, 128), lambda i: (0, i, 0)),
            pl.BlockSpec((B, H), lambda i: (i, 0)),
            pl.BlockSpec((B, 1), lambda i: (i, 0)),
            pl.BlockSpec((1, H), lambda i: (0, 0)),
            pl.BlockSpec((1, H), lambda i: (0, 0)),
            pl.BlockSpec((1, H), lambda i: (0, 0)),
            pl.BlockSpec((H, H), lambda i: (0, 0)),
        ],
        out_specs=pl.BlockSpec((B, H), lambda i: (i, 0)),
        out_shape=jax.ShapeDtypeStruct((N, H), jnp.float32),
    )(p, y, dinv, b, g, bt, W)


def _final_dense(p, y, dinv, b, g, bt, Wl_pad, bl_pad, B):
    N, H = y.shape
    Dh = H // 2

    def body(p_ref, y_ref, dinv_ref, b_ref, g_ref, bt_ref, wl_ref, bl_ref,
             out_ref, acc_ref):
        i = pl.program_id(0)

        @pl.when(i == 0)
        def _():
            acc_ref[...] = jnp.zeros_like(acc_ref)

        pre = _agg_full(p_ref, y_ref, Dh) * dinv_ref[...] + b_ref[...]
        m = jnp.mean(pre, axis=-1, keepdims=True)
        d = pre - m
        v = jnp.mean(d * d, axis=-1, keepdims=True)
        h = jnp.maximum(d * lax.rsqrt(v + EPS) * g_ref[...] + bt_ref[...], 0.0)
        acc_ref[...] += jnp.sum(h, axis=0, keepdims=True)

        @pl.when(i == pl.num_programs(0) - 1)
        def _():
            out_ref[...] = jnp.dot(acc_ref[...] * (1.0 / N), wl_ref[...],
                                   preferred_element_type=jnp.float32) + bl_ref[...]

    return pl.pallas_call(
        body,
        grid=(N // B,),
        in_specs=[
            pl.BlockSpec((2, B, 128), lambda i: (0, i, 0)),
            pl.BlockSpec((B, H), lambda i: (i, 0)),
            pl.BlockSpec((B, 1), lambda i: (i, 0)),
            pl.BlockSpec((1, H), lambda i: (0, 0)),
            pl.BlockSpec((1, H), lambda i: (0, 0)),
            pl.BlockSpec((1, H), lambda i: (0, 0)),
            pl.BlockSpec((H, 128), lambda i: (0, 0)),
            pl.BlockSpec((1, 128), lambda i: (0, 0)),
        ],
        out_specs=pl.BlockSpec((1, 128), lambda i: (0, 0)),
        out_shape=jax.ShapeDtypeStruct((1, 128), jnp.float32),
        scratch_shapes=[pltpu.VMEM((1, 128), jnp.float32)],
    )(p, y, dinv, b, g, bt, Wl_pad, bl_pad)


def kernel(x, edge_index, W1, b1, W2, b2, W3, b3,
           g1, bt1, g2, bt2, g3, bt3, Wl, bl):
    N, D = x.shape
    H = W1.shape[1]
    E = edge_index.shape[1]
    OUT = Wl.shape[1]
    Dh = H // 2
    CHT = E // NS // C
    assert NS * CHT * C == E

    src2 = 2 * edge_index[0]
    srcx = jnp.stack([src2, src2 + 1]).reshape(NC, NS, CHT, C)
    dst16 = edge_index[1].reshape(NS, CHT, C)
    zeros1 = jnp.zeros((N,), jnp.float32)
    zeros2 = jnp.zeros(((N // NS) // 8 * 8 // 3, Dh), jnp.float32)

    deg_k = _make_degree_kernel(N, E)
    scat_k = _make_scatter_kernel(N, Dh, E)

    cnt = deg_k(dst16, zeros1).reshape(NC, N, 1)
    B = 2000
    y1, dinv = _first_dense(x, W1, cnt, B)

    b1r, g1r, bt1r = b1.reshape(1, H), g1.reshape(1, H), bt1.reshape(1, H)
    b2r, g2r, bt2r = b2.reshape(1, H), g2.reshape(1, H), bt2.reshape(1, H)
    b3r, g3r, bt3r = b3.reshape(1, H), g3.reshape(1, H), bt3.reshape(1, H)
    Wl_pad = jnp.zeros((H, 128), jnp.float32).at[:, :OUT].set(Wl)
    bl_pad = jnp.zeros((1, 128), jnp.float32).at[0, :OUT].set(bl)

    p = scat_k(y1.reshape(NC * N, Dh), srcx, dst16, zeros2)
    y2 = _mid_dense(p, y1, dinv, b1r, g1r, bt1r, W2, B)
    p = scat_k(y2.reshape(NC * N, Dh), srcx, dst16, zeros2)
    y3 = _mid_dense(p, y2, dinv, b2r, g2r, bt2r, W3, B)
    p = scat_k(y3.reshape(NC * N, Dh), srcx, dst16, zeros2)
    res = _final_dense(p, y3, dinv, b3r, g3r, bt3r, Wl_pad, bl_pad, B)
    return res[0, :OUT]

# --- scband reference (transcript-rebuilt; emitter-appended) ---
"""Pipeline reference for scband-gcn-graph3-6090263626391 (READ-ONLY COPY).

The authoritative reference and input builder live on the scoring server;
editing this copy changes nothing except your own understanding.
"""

import jax, jax.numpy as jnp
import numpy as np

N = 10000
E = 320000
D = 128
H = 128
OUT = 7
EPS = 1e-5


def setup_inputs(seed: int = 0) -> dict:
    key = jax.random.key(seed)
    ks = jax.random.split(key, 16)
    x = jax.random.normal(ks[0], (N, D), dtype=jnp.float32)
    edge_index = jax.random.randint(ks[1], (2, E), 0, N, dtype=jnp.int32)
    def glorot(k, fan_in, fan_out):
        s = jnp.sqrt(6.0 / (fan_in + fan_out))
        return jax.random.uniform(k, (fan_in, fan_out), minval=-s, maxval=s, dtype=jnp.float32)
    return {
        "x": x,
        "edge_index": edge_index,
        "W1": glorot(ks[2], D, H), "b1": jnp.zeros((H,), jnp.float32),
        "W2": glorot(ks[3], H, H), "b2": jnp.zeros((H,), jnp.float32),
        "W3": glorot(ks[4], H, H), "b3": jnp.zeros((H,), jnp.float32),
        "g1": jnp.ones((H,), jnp.float32), "bt1": jnp.zeros((H,), jnp.float32),
        "g2": jnp.ones((H,), jnp.float32), "bt2": jnp.zeros((H,), jnp.float32),
        "g3": jnp.ones((H,), jnp.float32), "bt3": jnp.zeros((H,), jnp.float32),
        "Wl": glorot(ks[5], H, OUT), "bl": jnp.zeros((OUT,), jnp.float32),
    }


def _gcn_conv(x, src, dst, W, b):
    # PyG GCNConv: x' = D^{-1/2} (A + I) D^{-1/2} X W + b, self-loops already in src/dst
    xw = x @ W
    ones = jnp.ones(src.shape[0], dtype=x.dtype)
    deg = jax.ops.segment_sum(ones, dst, num_segments=N)
    dinv = jnp.where(deg > 0, 1.0 / jnp.sqrt(deg), 0.0)
    norm = dinv[src] * dinv[dst]
    msg = xw[src] * norm[:, None]
    out = jax.ops.segment_sum(msg, dst, num_segments=N)
    return out + b


def _layer_norm_node(x, g, b):
    mean = jnp.mean(x, axis=-1, keepdims=True)
    var = jnp.var(x, axis=-1, keepdims=True)
    return (x - mean) / jnp.sqrt(var + EPS) * g + b


def reference(x, edge_index, W1, b1, W2, b2, W3, b3, g1, bt1, g2, bt2, g3, bt3, Wl, bl):
    loop = jnp.arange(N, dtype=edge_index.dtype)
    src = jnp.concatenate([edge_index[0], loop])
    dst = jnp.concatenate([edge_index[1], loop])
    h = jax.nn.relu(_layer_norm_node(_gcn_conv(x, src, dst, W1, b1), g1, bt1))
    h = jax.nn.relu(_layer_norm_node(_gcn_conv(h, src, dst, W2, b2), g2, bt2))
    h = jax.nn.relu(_layer_norm_node(_gcn_conv(h, src, dst, W3, b3), g3, bt3))
    h = jnp.mean(h, axis=0)
    return h @ Wl + bl

if __name__ == "__main__":
    import jax
    _d = setup_inputs()
    print(jax.jit(kernel)(*tuple(_d.values())))

</pallas_src>

<mosaic_0001>
#map = affine_map<(d0, d1) -> (0, 0, 0)>
#map1 = affine_map<(d0, d1) -> (0)>
module attributes {stable_mosaic.version = 14 : i64} {
  func.func @deg_kernel(%arg0: i32, %arg1: i32, %arg2: memref<16x250x80xi32, #tpu.memory_space<hbm>>, %arg3: memref<10000xf32, #tpu.memory_space<hbm>>, %arg4: memref<20000xf32, #tpu.memory_space<hbm>>, %arg5: memref<125x80xi32, #tpu.memory_space<vmem>>, %arg6: memref<80xf32, #tpu.memory_space<vmem>>, %arg7: memref<624xf32, #tpu.memory_space<vmem>>, %arg8: memref<10000xf32, #tpu.memory_space<vmem_shared>>) attributes {dimension_semantics = [#tpu.dimension_semantics<core_parallel>, #tpu.dimension_semantics<subcore_parallel>], iteration_bounds = array<i64: 2, 16>, scalar_prefetch = 0 : i64, scratch_operands = 4 : i64, tpu.core_type = #tpu.core_type<sc_vector_subcore>, window_params = [{transform_indices = #map}, {transform_indices = #map1}, {transform_indices = #map1}]} {
    %mul3A = arith.constant 125 : i32
    %mul3A_0 = arith.muli %arg0, %mul3A : i32
    "tpu.region"() ({
      %run_scoped3A = tpu.sem_alloc : memref<!tpu.dma_semaphore, #tpu.memory_space<semaphore_mem>>
      %dma_start3A = arith.constant 0 : i32
      %dma_start3A_46 = arith.constant 0 : i32
      %dma_start3A_47 = tpu.memref_slice %arg2[%arg1, %dma_start3A, %dma_start3A_46] : memref<16x250x80xi32, #tpu.memory_space<hbm>> -> memref<1x250x80xi32, #tpu.memory_space<hbm>>
      %dma_start3A_48 = tpu.memref_squeeze %dma_start3A_47 : memref<1x250x80xi32, #tpu.memory_space<hbm>> -> memref<250x80xi32, #tpu.memory_space<hbm>>
      %dma_start3A_49 = arith.constant 0 : i32
      %dma_start3A_50 = tpu.memref_slice %dma_start3A_48[%mul3A_0, %dma_start3A_49] : memref<250x80xi32, #tpu.memory_space<hbm>> -> memref<125x80xi32, #tpu.memory_space<hbm>>
      %dma_start3A_51 = arith.constant 0 : i32
      %dma_start3A_52 = arith.constant 0 : i32
      %dma_start3A_53 = tpu.memref_slice %arg2[%arg1, %dma_start3A_51, %dma_start3A_52] : memref<16x250x80xi32, #tpu.memory_space<hbm>> -> memref<1x250x80xi32, #tpu.memory_space<hbm>>
      %dma_start3A_54 = tpu.memref_squeeze %dma_start3A_53 : memref<1x250x80xi32, #tpu.memory_space<hbm>> -> memref<250x80xi32, #tpu.memory_space<hbm>>
      %dma_start3A_55 = arith.constant 0 : i32
      %dma_start3A_56 = tpu.memref_slice %dma_start3A_54[%mul3A_0, %dma_start3A_55] : memref<250x80xi32, #tpu.memory_space<hbm>> -> memref<125x80xi32, #tpu.memory_space<hbm>>
      tpu.enqueue_dma source(%dma_start3A_56 : memref<125x80xi32, #tpu.memory_space<hbm>>) target(%arg5 : memref<125x80xi32, #tpu.memory_space<vmem>>) target_semaphore(%run_scoped3A : memref<!tpu.dma_semaphore, #tpu.memory_space<semaphore_mem>>)
      %dma_wait3A = arith.constant 0 : i32
      %dma_wait3A_57 = arith.constant 0 : i32
      %dma_wait3A_58 = tpu.memref_slice %arg2[%arg1, %dma_wait3A, %dma_wait3A_57] : memref<16x250x80xi32, #tpu.memory_space<hbm>> -> memref<1x250x80xi32, #tpu.memory_space<hbm>>
      %dma_wait3A_59 = tpu.memref_squeeze %dma_wait3A_58 : memref<1x250x80xi32, #tpu.memory_space<hbm>> -> memref<250x80xi32, #tpu.memory_space<hbm>>
      %dma_wait3A_60 = arith.constant 0 : i32
      %dma_wait3A_61 = tpu.memref_slice %dma_wait3A_59[%mul3A_0, %dma_wait3A_60] : memref<250x80xi32, #tpu.memory_space<hbm>> -> memref<125x80xi32, #tpu.memory_space<hbm>>
      %dma_wait3A_62 = arith.constant 0 : i32
      %dma_wait3A_63 = arith.constant 0 : i32
      %dma_wait3A_64 = tpu.memref_slice %arg2[%arg1, %dma_wait3A_62, %dma_wait3A_63] : memref<16x250x80xi32, #tpu.memory_space<hbm>> -> memref<1x250x80xi32, #tpu.memory_space<hbm>>
      %dma_wait3A_65 = tpu.memref_squeeze %dma_wait3A_64 : memref<1x250x80xi32, #tpu.memory_space<hbm>> -> memref<250x80xi32, #tpu.memory_space<hbm>>
      %dma_wait3A_66 = arith.constant 0 : i32
      %dma_wait3A_67 = tpu.memref_slice %dma_wait3A_65[%mul3A_0, %dma_wait3A_66] : memref<250x80xi32, #tpu.memory_space<hbm>> -> memref<125x80xi32, #tpu.memory_space<hbm>>
      tpu.wait_dma2 semaphore(%run_scoped3A : memref<!tpu.dma_semaphore, #tpu.memory_space<semaphore_mem>>) src(%dma_wait3A_67 : memref<125x80xi32, #tpu.memory_space<hbm>>) dst(%arg5 : memref<125x80xi32, #tpu.memory_space<vmem>>)
      tpu.yield
    }) : () -> ()
    %broadcast_in_dim3A = arith.constant 1.000000e+00 : f32
    %broadcast_in_dim3A_1 = vector.broadcast %broadcast_in_dim3A : f32 to vector<16xf32>
    %swap3A = arith.constant 0 : index
    %swap3A_2 = tpu.vector_load %arg6[%swap3A] {strides = array<i32>} : memref<80xf32, #tpu.memory_space<vmem>>, vector<16xf32>,
    %swap3A_3 = vector.shape_cast %swap3A_2 : vector<16xf32> to vector<16xf32>
    %swap3A_4 = vector.shape_cast %broadcast_in_dim3A_1 : vector<16xf32> to vector<16xf32>
    tpu.vector_store %arg6[%swap3A], %swap3A_4 {strides = array<i32>} : memref<80xf32, #tpu.memory_space<vmem>>, vector<16xf32>,
    %broadcast_in_dim3A_5 = arith.constant 1.000000e+00 : f32
    %broadcast_in_dim3A_6 = vector.broadcast %broadcast_in_dim3A_5 : f32 to vector<16xf32>
    %swap3A_7 = arith.constant 16 : index
    %swap3A_8 = tpu.vector_load %arg6[%swap3A_7] {strides = array<i32>} : memref<80xf32, #tpu.memory_space<vmem>>, vector<16xf32>,
    %swap3A_9 = vector.shape_cast %swap3A_8 : vector<16xf32> to vector<16xf32>
    %swap3A_10 = vector.shape_cast %broadcast_in_dim3A_6 : vector<16xf32> to vector<16xf32>
    tpu.vector_store %arg6[%swap3A_7], %swap3A_10 {strides = array<i32>} : memref<80xf32, #tpu.memory_space<vmem>>, vector<16xf32>,
    %broadcast_in_dim3A_11 = arith.constant 1.000000e+00 : f32
    %broadcast_in_dim3A_12 = vector.broadcast %broadcast_in_dim3A_11 : f32 to vector<16xf32>
    %swap3A_13 = arith.constant 32 : index
    %swap3A_14 = tpu.vector_load %arg6[%swap3A_13] {strides = array<i32>} : memref<80xf32, #tpu.memory_space<vmem>>, vector<16xf32>,
    %swap3A_15 = vector.shape_cast %swap3A_14 : vector<16xf32> to vector<16xf32>
    %swap3A_16 = vector.shape_cast %broadcast_in_dim3A_12 : vector<16xf32> to vector<16xf32>
    tpu.vector_store %arg6[%swap3A_13], %swap3A_16 {strides = array<i32>} : memref<80xf32, #tpu.memory_space<vmem>>, vector<16xf32>,
    %broadcast_in_dim3A_17 = arith.constant 1.000000e+00 : f32
    %broadcast_in_dim3A_18 = vector.broadcast %broadcast_in_dim3A_17 : f32 to vector<16xf32>
    %swap3A_19 = arith.constant 48 : index
    %swap3A_20 = tpu.vector_load %arg6[%swap3A_19] {strides = array<i32>} : memref<80xf32, #tpu.memory_space<vmem>>, vector<16xf32>,
    %swap3A_21 = vector.shape_cast %swap3A_20 : vector<16xf32> to vector<16xf32>
    %swap3A_22 = vector.shape_cast %broadcast_in_dim3A_18 : vector<16xf32> to vector<16xf32>
    tpu.vector_store %arg6[%swap3A_19], %swap3A_22 {strides = array<i32>} : memref<80xf32, #tpu.memory_space<vmem>>, vector<16xf32>,
    %broadcast_in_dim3A_23 = arith.constant 1.000000e+00 : f32
    %broadcast_in_dim3A_24 = vector.broadcast %broadcast_in_dim3A_23 : f32 to vector<16xf32>
    %swap3A_25 = arith.constant 64 : index
    %swap3A_26 = tpu.vector_load %arg6[%swap3A_25] {strides = array<i32>} : memref<80xf32, #tpu.memory_space<vmem>>, vector<16xf32>,
    %swap3A_27 = vector.shape_cast %swap3A_26 : vector<16xf32> to vector<16xf32>
    %swap3A_28 = vector.shape_cast %broadcast_in_dim3A_24 : vector<16xf32> to vector<16xf32>
    tpu.vector_store %arg6[%swap3A_25], %swap3A_28 {strides = array<i32>} : memref<80xf32, #tpu.memory_space<vmem>>, vector<16xf32>,
    %mul3A_29 = arith.constant 624 : i32
    %mul3A_30 = arith.muli %arg1, %mul3A_29 : i32
    "tpu.region"() ({
      %run_scoped3A = tpu.sem_alloc : memref<!tpu.dma_semaphore, #tpu.memory_space<semaphore_mem>>
      %dma_start3A = arith.constant 0 : i32
      %dma_start3A_46 = tpu.memref_slice %arg3[%dma_start3A] : memref<10000xf32, #tpu.memory_space<hbm>> -> memref<624xf32, #tpu.memory_space<hbm>>
      %dma_start3A_47 = arith.constant 0 : i32
      %dma_start3A_48 = tpu.memref_slice %arg3[%dma_start3A_47] : memref<10000xf32, #tpu.memory_space<hbm>> -> memref<624xf32, #tpu.memory_space<hbm>>
      tpu.enqueue_dma source(%dma_start3A_48 : memref<624xf32, #tpu.memory_space<hbm>>) target(%arg7 : memref<624xf32, #tpu.memory_space<vmem>>) target_semaphore(%run_scoped3A : memref<!tpu.dma_semaphore, #tpu.memory_space<semaphore_mem>>)
      %dma_wait3A = arith.constant 0 : i32
      %dma_wait3A_49 = tpu.memref_slice %arg3[%dma_wait3A] : memref<10000xf32, #tpu.memory_space<hbm>> -> memref<624xf32, #tpu.memory_space<hbm>>
      %dma_wait3A_50 = arith.constant 0 : i32
      %dma_wait3A_51 = tpu.memref_slice %arg3[%dma_wait3A_50] : memref<10000xf32, #tpu.memory_space<hbm>> -> memref<624xf32, #tpu.memory_space<hbm>>
      tpu.wait_dma2 semaphore(%run_scoped3A : memref<!tpu.dma_semaphore, #tpu.memory_space<semaphore_mem>>) src(%dma_wait3A_51 : memref<624xf32, #tpu.memory_space<hbm>>) dst(%arg7 : memref<624xf32, #tpu.memory_space<vmem>>)
      tpu.yield
    }) : () -> ()
    "tpu.region"() ({
      %run_scoped3A = tpu.sem_alloc : memref<!tpu.dma_semaphore, #tpu.memory_space<semaphore_mem>>
      %dma_start3A = tpu.memref_slice %arg8[%mul3A_30] : memref<10000xf32, #tpu.memory_space<vmem_shared>> -> memref<624xf32, #tpu.memory_space<vmem_shared>>
      %dma_start3A_46 = tpu.memref_slice %arg8[%mul3A_30] : memref<10000xf32, #tpu.memory_space<vmem_shared>> -> memref<624xf32, #tpu.memory_space<vmem_shared>>
      tpu.enqueue_dma source(%arg7 : memref<624xf32, #tpu.memory_space<vmem>>) target(%dma_start3A_46 : memref<624xf32, #tpu.memory_space<vmem_shared>>) target_semaphore(%run_scoped3A : memref<!tpu.dma_semaphore, #tpu.memory_space<semaphore_mem>>)
      %dma_wait3A = tpu.memref_slice %arg8[%mul3A_30] : memref<10000xf32, #tpu.memory_space<vmem_shared>> -> memref<624xf32, #tpu.memory_space<vmem_shared>>
      %dma_wait3A_47 = tpu.memref_slice %arg8[%mul3A_30] : memref<10000xf32, #tpu.memory_space<vmem_shared>> -> memref<624xf32, #tpu.memory_space<vmem_shared>>
      tpu.wait_dma2 semaphore(%run_scoped3A : memref<!tpu.dma_semaphore, #tpu.memory_space<semaphore_mem>>) src(%arg7 : memref<624xf32, #tpu.memory_space<vmem>>) dst(%dma_wait3A_47 : memref<624xf32, #tpu.memory_space<vmem_shared>>)
      tpu.yield
    }) : () -> ()
    %eq3A = arith.constant 15 : i32
    %eq3A_31 = arith.cmpi eq, %arg1, %eq3A : i32
    %convert_element_type3A = arith.extui %eq3A_31 : i1 to i32
    %cond3A = arith.constant 0 : i32
    %cond3A_32 = arith.cmpi ne, %convert_element_type3A, %cond3A : i32
    scf.if %cond3A_32 {
      "tpu.region"() ({
        %run_scoped3A = tpu.sem_alloc : memref<!tpu.dma_semaphore, #tpu.memory_space<semaphore_mem>>
        %dma_start3A = arith.constant 0 : i32
        %dma_start3A_46 = tpu.memref_slice %arg7[%dma_start3A] : memref<624xf32, #tpu.memory_space<vmem>> -> memref<16xf32, #tpu.memory_space<vmem>>
        %dma_start3A_47 = arith.constant 9984 : i32
        %dma_start3A_48 = tpu.memref_slice %arg8[%dma_start3A_47] : memref<10000xf32, #tpu.memory_space<vmem_shared>> -> memref<16xf32, #tpu.memory_space<vmem_shared>>
        %dma_start3A_49 = arith.constant 9984 : i32
        %dma_start3A_50 = tpu.memref_slice %arg8[%dma_start3A_49] : memref<10000xf32, #tpu.memory_space<vmem_shared>> -> memref<16xf32, #tpu.memory_space<vmem_shared>>
        %dma_start3A_51 = arith.constant 0 : i32
        %dma_start3A_52 = tpu.memref_slice %arg7[%dma_start3A_51] : memref<624xf32, #tpu.memory_space<vmem>> -> memref<16xf32, #tpu.memory_space<vmem>>
        tpu.enqueue_dma source(%dma_start3A_52 : memref<16xf32, #tpu.memory_space<vmem>>) target(%dma_start3A_50 : memref<16xf32, #tpu.memory_space<vmem_shared>>) target_semaphore(%run_scoped3A : memref<!tpu.dma_semaphore, #tpu.memory_space<semaphore_mem>>)
        %dma_wait3A = arith.constant 0 : i32
        %dma_wait3A_53 = tpu.memref_slice %arg7[%dma_wait3A] : memref<624xf32, #tpu.memory_space<vmem>> -> memref<16xf32, #tpu.memory_space<vmem>>
        %dma_wait3A_54 = arith.constant 9984 : i32
        %dma_wait3A_55 = tpu.memref_slice %arg8[%dma_wait3A_54] : memref<10000xf32, #tpu.memory_space<vmem_shared>> -> memref<16xf32, #tpu.memory_space<vmem_shared>>
        %dma_wait3A_56 = arith.constant 9984 : i32
        %dma_wait3A_57 = tpu.memref_slice %arg8[%dma_wait3A_56] : memref<10000xf32, #tpu.memory_space<vmem_shared>> -> memref<16xf32, #tpu.memory_space<vmem_shared>>
        %dma_wait3A_58 = arith.constant 0 : i32
        %dma_wait3A_59 = tpu.memref_slice %arg7[%dma_wait3A_58] : memref<624xf32, #tpu.memory_space<vmem>> -> memref<16xf32, #tpu.memory_space<vmem>>
        tpu.wait_dma2 semaphore(%run_scoped3A : memref<!tpu.dma_semaphore, #tpu.memory_space<semaphore_mem>>) src(%dma_wait3A_59 : memref<16xf32, #tpu.memory_space<vmem>>) dst(%dma_wait3A_57 : memref<16xf32, #tpu.memory_space<vmem_shared>>)
        tpu.yield
      }) : () -> ()
    } else {
    }
    %barrier3A = arith.constant 0 : index
    tpu.barrier barrier_id(%barrier3A)
    %scan3A = arith.constant 0 : i32
    %scan3A_33 = arith.constant 0 : i32
    %scan3A_34 = arith.constant 125 : i32
    %scan3A_35 = arith.addi %scan3A_33, %scan3A_34 : i32
    %scan3A_36 = arith.constant 1 : i32
    scf.for %scan3A_46 = %scan3A_33 to %scan3A_35 step %scan3A_36  : i32 {
      "tpu.region"() ({
        %run_scoped3A = tpu.sem_alloc : memref<!tpu.dma_semaphore, #tpu.memory_space<semaphore_mem>>
        %dma_start3A = arith.constant 0 : i32
        %dma_start3A_47 = tpu.memref_slice %arg5[%scan3A_46, %dma_start3A] : memref<125x80xi32, #tpu.memory_space<vmem>> -> memref<1x80xi32, #tpu.memory_space<vmem>>
        %dma_start3A_48 = tpu.memref_squeeze %dma_start3A_47 : memref<1x80xi32, #tpu.memory_space<vmem>> -> memref<80xi32, #tpu.memory_space<vmem>>
        %dma_start3A_49 = arith.constant 0 : i32
        %dma_start3A_50 = tpu.memref_slice %arg8[%dma_start3A_49] : memref<10000xf32, #tpu.memory_space<vmem_shared>> -> memref<10000xf32, #tpu.memory_space<vmem_shared>>
        tpu.enqueue_indirect_dma source(%arg6 : memref<80xf32, #tpu.memory_space<vmem>>) target(%dma_start3A_50 : memref<10000xf32, #tpu.memory_space<vmem_shared>>) offsets(%dma_start3A_48 : memref<80xi32, #tpu.memory_space<vmem>>) semaphore(%run_scoped3A : memref<!tpu.dma_semaphore, #tpu.memory_space<semaphore_mem>>) {add = true}
        %dma_wait3A = arith.constant 0 : i32
        %dma_wait3A_51 = tpu.memref_slice %arg5[%scan3A_46, %dma_wait3A] : memref<125x80xi32, #tpu.memory_space<vmem>> -> memref<1x80xi32, #tpu.memory_space<vmem>>
        %dma_wait3A_52 = tpu.memref_squeeze %dma_wait3A_51 : memref<1x80xi32, #tpu.memory_space<vmem>> -> memref<80xi32, #tpu.memory_space<vmem>>
        %dma_wait3A_53 = arith.constant 0 : i32
        %dma_wait3A_54 = tpu.memref_slice %arg8[%dma_wait3A_53] : memref<10000xf32, #tpu.memory_space<vmem_shared>> -> memref<10000xf32, #tpu.memory_space<vmem_shared>>
        tpu.wait_indirect_dma semaphore(%run_scoped3A : memref<!tpu.dma_semaphore, #tpu.memory_space<semaphore_mem>>) src(%arg6 : memref<80xf32, #tpu.memory_space<vmem>>) dst(%dma_wait3A_54 : memref<10000xf32, #tpu.memory_space<vmem_shared>>)
        tpu.yield
      }) : () -> ()
    }
    %scan3A_37 = arith.constant 125 : i32
    %barrier3A_38 = arith.constant 0 : index
    tpu.barrier barrier_id(%barrier3A_38)
    "tpu.region"() ({
      %run_scoped3A = tpu.sem_alloc : memref<!tpu.dma_semaphore, #tpu.memory_space<semaphore_mem>>
      %dma_start3A = tpu.memref_slice %arg8[%mul3A_30] : memref<10000xf32, #tpu.memory_space<vmem_shared>> -> memref<624xf32, #tpu.memory_space<vmem_shared>>
      %dma_start3A_46 = tpu.memref_slice %arg8[%mul3A_30] : memref<10000xf32, #tpu.memory_space<vmem_shared>> -> memref<624xf32, #tpu.memory_space<vmem_shared>>
      tpu.enqueue_dma source(%dma_start3A_46 : memref<624xf32, #tpu.memory_space<vmem_shared>>) target(%arg7 : memref<624xf32, #tpu.memory_space<vmem>>) target_semaphore(%run_scoped3A : memref<!tpu.dma_semaphore, #tpu.memory_space<semaphore_mem>>)
      %dma_wait3A = tpu.memref_slice %arg8[%mul3A_30] : memref<10000xf32, #tpu.memory_space<vmem_shared>> -> memref<624xf32, #tpu.memory_space<vmem_shared>>
      %dma_wait3A_47 = tpu.memref_slice %arg8[%mul3A_30] : memref<10000xf32, #tpu.memory_space<vmem_shared>> -> memref<624xf32, #tpu.memory_space<vmem_shared>>
      tpu.wait_dma2 semaphore(%run_scoped3A : memref<!tpu.dma_semaphore, #tpu.memory_space<semaphore_mem>>) src(%dma_wait3A_47 : memref<624xf32, #tpu.memory_space<vmem_shared>>) dst(%arg7 : memref<624xf32, #tpu.memory_space<vmem>>)
      tpu.yield
    }) : () -> ()
    %mul3A_39 = arith.constant 10000 : i32
    %mul3A_40 = arith.muli %arg0, %mul3A_39 : i32
    %add3A = arith.addi %mul3A_40, %mul3A_30 : i32
    "tpu.region"() ({
      %run_scoped3A = tpu.sem_alloc : memref<!tpu.dma_semaphore, #tpu.memory_space<semaphore_mem>>
      %dma_start3A = tpu.memref_slice %arg4[%add3A] : memref<20000xf32, #tpu.memory_space<hbm>> -> memref<624xf32, #tpu.memory_space<hbm>>
      %dma_start3A_46 = tpu.memref_slice %arg4[%add3A] : memref<20000xf32, #tpu.memory_space<hbm>> -> memref<624xf32, #tpu.memory_space<hbm>>
      tpu.enqueue_dma source(%arg7 : memref<624xf32, #tpu.memory_space<vmem>>) target(%dma_start3A_46 : memref<624xf32, #tpu.memory_space<hbm>>) target_semaphore(%run_scoped3A : memref<!tpu.dma_semaphore, #tpu.memory_space<semaphore_mem>>)
      %dma_wait3A = tpu.memref_slice %arg4[%add3A] : memref<20000xf32, #tpu.memory_space<hbm>> -> memref<624xf32, #tpu.memory_space<hbm>>
      %dma_wait3A_47 = tpu.memref_slice %arg4[%add3A] : memref<20000xf32, #tpu.memory_space<hbm>> -> memref<624xf32, #tpu.memory_space<hbm>>
      tpu.wait_dma2 semaphore(%run_scoped3A : memref<!tpu.dma_semaphore, #tpu.memory_space<semaphore_mem>>) src(%arg7 : memref<624xf32, #tpu.memory_space<vmem>>) dst(%dma_wait3A_47 : memref<624xf32, #tpu.memory_space<hbm>>)
      tpu.yield
    }) : () -> ()
    %eq3A_41 = arith.constant 15 : i32
    %eq3A_42 = arith.cmpi eq, %arg1, %eq3A_41 : i32
    %convert_element_type3A_43 = arith.extui %eq3A_42 : i1 to i32
    %cond3A_44 = arith.constant 0 : i32
    %cond3A_45 = arith.cmpi ne, %convert_element_type3A_43, %cond3A_44 : i32
    scf.if %cond3A_45 {
      "tpu.region"() ({
        %run_scoped3A = tpu.sem_alloc : memref<!tpu.dma_semaphore, #tpu.memory_space<semaphore_mem>>
        %dma_start3A = arith.constant 0 : i32
        %dma_start3A_50 = tpu.memref_slice %arg7[%dma_start3A] : memref<624xf32, #tpu.memory_space<vmem>> -> memref<16xf32, #tpu.memory_space<vmem>>
        %dma_start3A_51 = arith.constant 9984 : i32
        %dma_start3A_52 = tpu.memref_slice %arg8[%dma_start3A_51] : memref<10000xf32, #tpu.memory_space<vmem_shared>> -> memref<16xf32, #tpu.memory_space<vmem_shared>>
        %dma_start3A_53 = arith.constant 0 : i32
        %dma_start3A_54 = tpu.memref_slice %arg7[%dma_start3A_53] : memref<624xf32, #tpu.memory_space<vmem>> -> memref<16xf32, #tpu.memory_space<vmem>>
        %dma_start3A_55 = arith.constant 9984 : i32
        %dma_start3A_56 = tpu.memref_slice %arg8[%dma_start3A_55] : memref<10000xf32, #tpu.memory_space<vmem_shared>> -> memref<16xf32, #tpu.memory_space<vmem_shared>>
        tpu.enqueue_dma source(%dma_start3A_56 : memref<16xf32, #tpu.memory_space<vmem_shared>>) target(%dma_start3A_54 : memref<16xf32, #tpu.memory_space<vmem>>) target_semaphore(%run_scoped3A : memref<!tpu.dma_semaphore, #tpu.memory_space<semaphore_mem>>)
        %dma_wait3A = arith.constant 0 : i32
        %dma_wait3A_57 = tpu.memref_slice %arg7[%dma_wait3A] : memref<624xf32, #tpu.memory_space<vmem>> -> memref<16xf32, #tpu.memory_space<vmem>>
        %dma_wait3A_58 = arith.constant 9984 : i32
        %dma_wait3A_59 = tpu.memref_slice %arg8[%dma_wait3A_58] : memref<10000xf32, #tpu.memory_space<vmem_shared>> -> memref<16xf32, #tpu.memory_space<vmem_shared>>
        %dma_wait3A_60 = arith.constant 0 : i32
        %dma_wait3A_61 = tpu.memref_slice %arg7[%dma_wait3A_60] : memref<624xf32, #tpu.memory_space<vmem>> -> memref<16xf32, #tpu.memory_space<vmem>>
        %dma_wait3A_62 = arith.constant 9984 : i32
        %dma_wait3A_63 = tpu.memref_slice %arg8[%dma_wait3A_62] : memref<10000xf32, #tpu.memory_space<vmem_shared>> -> memref<16xf32, #tpu.memory_space<vmem_shared>>
        tpu.wait_dma2 semaphore(%run_scoped3A : memref<!tpu.dma_semaphore, #tpu.memory_space<semaphore_mem>>) src(%dma_wait3A_63 : memref<16xf32, #tpu.memory_space<vmem_shared>>) dst(%dma_wait3A_61 : memref<16xf32, #tpu.memory_space<vmem>>)
        tpu.yield
      }) : () -> ()
      %mul3A_46 = arith.constant 10000 : i32
      %mul3A_47 = arith.muli %arg0, %mul3A_46 : i32
      %add3A_48 = arith.constant 9984 : i32
      %add3A_49 = arith.addi %mul3A_47, %add3A_48 : i32
      "tpu.region"() ({
        %run_scoped3A = tpu.sem_alloc : memref<!tpu.dma_semaphore, #tpu.memory_space<semaphore_mem>>
        %dma_start3A = arith.constant 0 : i32
        %dma_start3A_50 = tpu.memref_slice %arg7[%dma_start3A] : memref<624xf32, #tpu.memory_space<vmem>> -> memref<16xf32, #tpu.memory_space<vmem>>
        %dma_start3A_51 = tpu.memref_slice %arg4[%add3A_49] : memref<20000xf32, #tpu.memory_space<hbm>> -> memref<16xf32, #tpu.memory_space<hbm>>
        %dma_start3A_52 = tpu.memref_slice %arg4[%add3A_49] : memref<20000xf32, #tpu.memory_space<hbm>> -> memref<16xf32, #tpu.memory_space<hbm>>
        %dma_start3A_53 = arith.constant 0 : i32
        %dma_start3A_54 = tpu.memref_slice %arg7[%dma_start3A_53] : memref<624xf32, #tpu.memory_space<vmem>> -> memref<16xf32, #tpu.memory_space<vmem>>
        tpu.enqueue_dma source(%dma_start3A_54 : memref<16xf32, #tpu.memory_space<vmem>>) target(%dma_start3A_52 : memref<16xf32, #tpu.memory_space<hbm>>) target_semaphore(%run_scoped3A : memref<!tpu.dma_semaphore, #tpu.memory_space<semaphore_mem>>)
        %dma_wait3A = arith.constant 0 : i32
        %dma_wait3A_55 = tpu.memref_slice %arg7[%dma_wait3A] : memref<624xf32, #tpu.memory_space<vmem>> -> memref<16xf32, #tpu.memory_space<vmem>>
        %dma_wait3A_56 = tpu.memref_slice %arg4[%add3A_49] : memref<20000xf32, #tpu.memory_space<hbm>> -> memref<16xf32, #tpu.memory_space<hbm>>
        %dma_wait3A_57 = tpu.memref_slice %arg4[%add3A_49] : memref<20000xf32, #tpu.memory_space<hbm>> -> memref<16xf32, #tpu.memory_space<hbm>>
        %dma_wait3A_58 = arith.constant 0 : i32
        %dma_wait3A_59 = tpu.memref_slice %arg7[%dma_wait3A_58] : memref<624xf32, #tpu.memory_space<vmem>> -> memref<16xf32, #tpu.memory_space<vmem>>
        tpu.wait_dma2 semaphore(%run_scoped3A : memref<!tpu.dma_semaphore, #tpu.memory_space<semaphore_mem>>) src(%dma_wait3A_59 : memref<16xf32, #tpu.memory_space<vmem>>) dst(%dma_wait3A_57 : memref<16xf32, #tpu.memory_space<hbm>>)
        tpu.yield
      }) : () -> ()
    } else {
    }
    return
  }
}

#map = affine_map<(d0, d1) -> (0, 0)>
#map1 = affine_map<(d0, d1) -> (0, 0, 0, 0)>
#map2 = affine_map<(d0, d1) -> (0, 0, 0)>
module attributes {stable_mosaic.version = 14 : i64} {
  func.func @scatter_kernel(%arg0: i32, %arg1: i32, %arg2: memref<20000x64xf32, #tpu.memory_space<hbm>>, %arg3: memref<2x16x250x80xi32, #tpu.memory_space<hbm>>, %arg4: memref<16x250x80xi32, #tpu.memory_space<hbm>>, %arg5: memref<208x64xf32, #tpu.memory_space<hbm>>, %arg6: memref<2x10000x128xf32, #tpu.memory_space<hbm>>, %arg7: memref<250x80xi32, #tpu.memory_space<vmem>>, %arg8: memref<250x80xi32, #tpu.memory_space<vmem>>, %arg9: memref<480x64xf32, #tpu.memory_space<vmem>>, %arg10: memref<10000x64xf32, #tpu.memory_space<vmem_shared>>, %arg11: memref<!tpu.dma_semaphore, #tpu.memory_space<semaphore_mem>>, %arg12: memref<!tpu.dma_semaphore, #tpu.memory_space<semaphore_mem>>, %arg13: memref<!tpu.dma_semaphore, #tpu.memory_space<semaphore_mem>>, %arg14: memref<!tpu.dma_semaphore, #tpu.memory_space<semaphore_mem>>, %arg15: memref<!tpu.dma_semaphore, #tpu.memory_space<semaphore_mem>>, %arg16: memref<!tpu.dma_semaphore, #tpu.memory_space<semaphore_mem>>, %arg17: memref<!tpu.dma_semaphore, #tpu.memory_space<semaphore_mem>>, %arg18: memref<!tpu.dma_semaphore, #tpu.memory_space<semaphore_mem>>, %arg19: memref<!tpu.dma_semaphore, #tpu.memory_space<semaphore_mem>>, %arg20: memref<!tpu.dma_semaphore, #tpu.memory_space<semaphore_mem>>, %arg21: memref<!tpu.dma_semaphore, #tpu.memory_space<semaphore_mem>>, %arg22: memref<!tpu.dma_semaphore, #tpu.memory_space<semaphore_mem>>) attributes {dimension_semantics = [#tpu.dimension_semantics<core_parallel>, #tpu.dimension_semantics<subcore_parallel>], iteration_bounds = array<i64: 2, 16>, scalar_prefetch = 0 : i64, scratch_operands = 16 : i64, tpu.core_type = #tpu.core_type<sc_vector_subcore>, window_params = [{transform_indices = #map}, {transform_indices = #map1}, {transform_indices = #map2}, {transform_indices = #map}, {transform_indices = #map2}]} {
    %dma_start3A = arith.constant 0 : i32
    %dma_start3A_0 = arith.constant 0 : i32
    %dma_start3A_1 = tpu.memref_slice %arg3[%arg0, %arg1, %dma_start3A, %dma_start3A_0] : memref<2x16x250x80xi32, #tpu.memory_space<hbm>> -> memref<1x1x250x80xi32, #tpu.memory_space<hbm>>
    %dma_start3A_2 = tpu.memref_squeeze %dma_start3A_1 : memref<1x1x250x80xi32, #tpu.memory_space<hbm>> -> memref<250x80xi32, #tpu.memory_space<hbm>>
    %dma_start3A_3 = arith.constant 0 : i32
    %dma_start3A_4 = arith.constant 0 : i32
    %dma_start3A_5 = tpu.memref_slice %arg3[%arg0, %arg1, %dma_start3A_3, %dma_start3A_4] : memref<2x16x250x80xi32, #tpu.memory_space<hbm>> -> memref<1x1x250x80xi32, #tpu.memory_space<hbm>>
    %dma_start3A_6 = tpu.memref_squeeze %dma_start3A_5 : memref<1x1x250x80xi32, #tpu.memory_space<hbm>> -> memref<250x80xi32, #tpu.memory_space<hbm>>
    tpu.enqueue_dma source(%dma_start3A_6 : memref<250x80xi32, #tpu.memory_space<hbm>>) target(%arg7 : memref<250x80xi32, #tpu.memory_space<vmem>>) target_semaphore(%arg11 : memref<!tpu.dma_semaphore, #tpu.memory_space<semaphore_mem>>)
    %dma_start3A_7 = arith.constant 0 : i32
    %dma_start3A_8 = arith.constant 0 : i32
    %dma_start3A_9 = tpu.memref_slice %arg4[%arg1, %dma_start3A_7, %dma_start3A_8] : memref<16x250x80xi32, #tpu.memory_space<hbm>> -> memref<1x250x80xi32, #tpu.memory_space<hbm>>
    %dma_start3A_10 = tpu.memref_squeeze %dma_start3A_9 : memref<1x250x80xi32, #tpu.memory_space<hbm>> -> memref<250x80xi32, #tpu.memory_space<hbm>>
    %dma_start3A_11 = arith.constant 0 : i32
    %dma_start3A_12 = arith.constant 0 : i32
    %dma_start3A_13 = tpu.memref_slice %arg4[%arg1, %dma_start3A_11, %dma_start3A_12] : memref<16x250x80xi32, #tpu.memory_space<hbm>> -> memref<1x250x80xi32, #tpu.memory_space<hbm>>
    %dma_start3A_14 = tpu.memref_squeeze %dma_start3A_13 : memref<1x250x80xi32, #tpu.memory_space<hbm>> -> memref<250x80xi32, #tpu.memory_space<hbm>>
    tpu.enqueue_dma source(%dma_start3A_14 : memref<250x80xi32, #tpu.memory_space<hbm>>) target(%arg8 : memref<250x80xi32, #tpu.memory_space<vmem>>) target_semaphore(%arg12 : memref<!tpu.dma_semaphore, #tpu.memory_space<semaphore_mem>>)
    "tpu.region"() ({
      %run_scoped3A = tpu.sem_alloc : memref<!tpu.dma_semaphore, #tpu.memory_space<semaphore_mem>>
      %dma_start3A_387 = arith.constant 0 : i32
      %dma_start3A_388 = arith.constant 0 : i32
      %dma_start3A_389 = tpu.memref_slice %arg9[%dma_start3A_387, %dma_start3A_388] : memref<480x64xf32, #tpu.memory_space<vmem>> -> memref<208x64xf32, #tpu.memory_space<vmem>>
      %dma_start3A_390 = arith.constant 0 : i32
      %dma_start3A_391 = arith.constant 0 : i32
      %dma_start3A_392 = tpu.memref_slice %arg9[%dma_start3A_390, %dma_start3A_391] : memref<480x64xf32, #tpu.memory_space<vmem>> -> memref<208x64xf32, #tpu.memory_space<vmem>>
      tpu.enqueue_dma source(%arg5 : memref<208x64xf32, #tpu.memory_space<hbm>>) target(%dma_start3A_392 : memref<208x64xf32, #tpu.memory_space<vmem>>) target_semaphore(%run_scoped3A : memref<!tpu.dma_semaphore, #tpu.memory_space<semaphore_mem>>)
      %dma_wait3A_393 = arith.constant 0 : i32
      %dma_wait3A_394 = arith.constant 0 : i32
      %dma_wait3A_395 = tpu.memref_slice %arg9[%dma_wait3A_393, %dma_wait3A_394] : memref<480x64xf32, #tpu.memory_space<vmem>> -> memref<208x64xf32, #tpu.memory_space<vmem>>
      %dma_wait3A_396 = arith.constant 0 : i32
      %dma_wait3A_397 = arith.constant 0 : i32
      %dma_wait3A_398 = tpu.memref_slice %arg9[%dma_wait3A_396, %dma_wait3A_397] : memref<480x64xf32, #tpu.memory_space<vmem>> -> memref<208x64xf32, #tpu.memory_space<vmem>>
      tpu.wait_dma2 semaphore(%run_scoped3A : memref<!tpu.dma_semaphore, #tpu.memory_space<semaphore_mem>>) src(%arg5 : memref<208x64xf32, #tpu.memory_space<hbm>>) dst(%dma_wait3A_398 : memref<208x64xf32, #tpu.memory_space<vmem>>)
      tpu.yield
    }) : () -> ()
    %mul3A = arith.constant 624 : i32
    %mul3A_15 = arith.muli %arg1, %mul3A : i32
    %add3A = arith.constant 0 : i32
    %add3A_16 = arith.addi %mul3A_15, %add3A : i32
    "tpu.region"() ({
      %run_scoped3A = tpu.sem_alloc : memref<!tpu.dma_semaphore, #tpu.memory_space<semaphore_mem>>
      %dma_start3A_387 = arith.constant 0 : i32
      %dma_start3A_388 = arith.constant 0 : i32
      %dma_start3A_389 = tpu.memref_slice %arg9[%dma_start3A_387, %dma_start3A_388] : memref<480x64xf32, #tpu.memory_space<vmem>> -> memref<208x64xf32, #tpu.memory_space<vmem>>
      %dma_start3A_390 = arith.constant 0 : i32
      %dma_start3A_391 = tpu.memref_slice %arg10[%add3A_16, %dma_start3A_390] : memref<10000x64xf32, #tpu.memory_space<vmem_shared>> -> memref<208x64xf32, #tpu.memory_space<vmem_shared>>
      %dma_start3A_392 = arith.constant 0 : i32
      %dma_start3A_393 = tpu.memref_slice %arg10[%add3A_16, %dma_start3A_392] : memref<10000x64xf32, #tpu.memory_space<vmem_shared>> -> memref<208x64xf32, #tpu.memory_space<vmem_shared>>
      %dma_start3A_394 = arith.constant 0 : i32
      %dma_start3A_395 = arith.constant 0 : i32
      %dma_start3A_396 = tpu.memref_slice %arg9[%dma_start3A_394, %dma_start3A_395] : memref<480x64xf32, #tpu.memory_space<vmem>> -> memref<208x64xf32, #tpu.memory_space<vmem>>
      tpu.enqueue_dma source(%dma_start3A_396 : memref<208x64xf32, #tpu.memory_space<vmem>>) target(%dma_start3A_393 : memref<208x64xf32, #tpu.memory_space<vmem_shared>>) target_semaphore(%run_scoped3A : memref<!tpu.dma_semaphore, #tpu.memory_space<semaphore_mem>>)
      %dma_wait3A_397 = arith.constant 0 : i32
      %dma_wait3A_398 = arith.constant 0 : i32
      %dma_wait3A_399 = tpu.memref_slice %arg9[%dma_wait3A_397, %dma_wait3A_398] : memref<480x64xf32, #tpu.memory_space<vmem>> -> memref<208x64xf32, #tpu.memory_space<vmem>>
      %dma_wait3A_400 = arith.constant 0 : i32
      %dma_wait3A_401 = tpu.memref_slice %arg10[%add3A_16, %dma_wait3A_400] : memref<10000x64xf32, #tpu.memory_space<vmem_shared>> -> memref<208x64xf32, #tpu.memory_space<vmem_shared>>
      %dma_wait3A_402 = arith.constant 0 : i32
      %dma_wait3A_403 = tpu.memref_slice %arg10[%add3A_16, %dma_wait3A_402] : memref<10000x64xf32, #tpu.memory_space<vmem_shared>> -> memref<208x64xf32, #tpu.memory_space<vmem_shared>>
      %dma_wait3A_404 = arith.constant 0 : i32
      %dma_wait3A_405 = arith.constant 0 : i32
      %dma_wait3A_406 = tpu.memref_slice %arg9[%dma_wait3A_404, %dma_wait3A_405] : memref<480x64xf32, #tpu.memory_space<vmem>> -> memref<208x64xf32, #tpu.memory_space<vmem>>
      tpu.wait_dma2 semaphore(%run_scoped3A : memref<!tpu.dma_semaphore, #tpu.memory_space<semaphore_mem>>) src(%dma_wait3A_406 : memref<208x64xf32, #tpu.memory_space<vmem>>) dst(%dma_wait3A_403 : memref<208x64xf32, #tpu.memory_space<vmem_shared>>)
      tpu.yield
    }) : () -> ()
    %mul3A_17 = arith.constant 624 : i32
    %mul3A_18 = arith.muli %arg1, %mul3A_17 : i32
    %add3A_19 = arith.constant 208 : i32
    %add3A_20 = arith.addi %mul3A_18, %add3A_19 : i32
    "tpu.region"() ({
      %run_scoped3A = tpu.sem_alloc : memref<!tpu.dma_semaphore, #tpu.memory_space<semaphore_mem>>
      %dma_start3A_387 = arith.constant 0 : i32
      %dma_start3A_388 = arith.constant 0 : i32
      %dma_start3A_389 = tpu.memref_slice %arg9[%dma_start3A_387, %dma_start3A_388] : memref<480x64xf32, #tpu.memory_space<vmem>> -> memref<208x64xf32, #tpu.memory_space<vmem>>
      %dma_start3A_390 = arith.constant 0 : i32
      %dma_start3A_391 = tpu.memref_slice %arg10[%add3A_20, %dma_start3A_390] : memref<10000x64xf32, #tpu.memory_space<vmem_shared>> -> memref<208x64xf32, #tpu.memory_space<vmem_shared>>
      %dma_start3A_392 = arith.constant 0 : i32
      %dma_start3A_393 = tpu.memref_slice %arg10[%add3A_20, %dma_start3A_392] : memref<10000x64xf32, #tpu.memory_space<vmem_shared>> -> memref<208x64xf32, #tpu.memory_space<vmem_shared>>
      %dma_start3A_394 = arith.constant 0 : i32
      %dma_start3A_395 = arith.constant 0 : i32
      %dma_start3A_396 = tpu.memref_slice %arg9[%dma_start3A_394, %dma_start3A_395] : memref<480x64xf32, #tpu.memory_space<vmem>> -> memref<208x64xf32, #tpu.memory_space<vmem>>
      tpu.enqueue_dma source(%dma_start3A_396 : memref<208x64xf32, #tpu.memory_space<vmem>>) target(%dma_start3A_393 : memref<208x64xf32, #tpu.memory_space<vmem_shared>>) target_semaphore(%run_scoped3A : memref<!tpu.dma_semaphore, #tpu.memory_space<semaphore_mem>>)
      %dma_wait3A_397 = arith.constant 0 : i32
      %dma_wait3A_398 = arith.constant 0 : i32
      %dma_wait3A_399 = tpu.memref_slice %arg9[%dma_wait3A_397, %dma_wait3A_398] : memref<480x64xf32, #tpu.memory_space<vmem>> -> memref<208x64xf32, #tpu.memory_space<vmem>>
      %dma_wait3A_400 = arith.constant 0 : i32
      %dma_wait3A_401 = tpu.memref_slice %arg10[%add3A_20, %dma_wait3A_400] : memref<10000x64xf32, #tpu.memory_space<vmem_shared>> -> memref<208x64xf32, #tpu.memory_space<vmem_shared>>
      %dma_wait3A_402 = arith.constant 0 : i32
      %dma_wait3A_403 = tpu.memref_slice %arg10[%add3A_20, %dma_wait3A_402] : memref<10000x64xf32, #tpu.memory_space<vmem_shared>> -> memref<208x64xf32, #tpu.memory_space<vmem_shared>>
      %dma_wait3A_404 = arith.constant 0 : i32
      %dma_wait3A_405 = arith.constant 0 : i32
      %dma_wait3A_406 = tpu.memref_slice %arg9[%dma_wait3A_404, %dma_wait3A_405] : memref<480x64xf32, #tpu.memory_space<vmem>> -> memref<208x64xf32, #tpu.memory_space<vmem>>
      tpu.wait_dma2 semaphore(%run_scoped3A : memref<!tpu.dma_semaphore, #tpu.memory_space<semaphore_mem>>) src(%dma_wait3A_406 : memref<208x64xf32, #tpu.memory_space<vmem>>) dst(%dma_wait3A_403 : memref<208x64xf32, #tpu.memory_space<vmem_shared>>)
      tpu.yield
    }) : () -> ()
    %mul3A_21 = arith.constant 624 : i32
    %mul3A_22 = arith.muli %arg1, %mul3A_21 : i32
    %add3A_23 = arith.constant 416 : i32
    %add3A_24 = arith.addi %mul3A_22, %add3A_23 : i32
    "tpu.region"() ({
      %run_scoped3A = tpu.sem_alloc : memref<!tpu.dma_semaphore, #tpu.memory_space<semaphore_mem>>
      %dma_start3A_387 = arith.constant 0 : i32
      %dma_start3A_388 = arith.constant 0 : i32
      %dma_start3A_389 = tpu.memref_slice %arg9[%dma_start3A_387, %dma_start3A_388] : memref<480x64xf32, #tpu.memory_space<vmem>> -> memref<208x64xf32, #tpu.memory_space<vmem>>
      %dma_start3A_390 = arith.constant 0 : i32
      %dma_start3A_391 = tpu.memref_slice %arg10[%add3A_24, %dma_start3A_390] : memref<10000x64xf32, #tpu.memory_space<vmem_shared>> -> memref<208x64xf32, #tpu.memory_space<vmem_shared>>
      %dma_start3A_392 = arith.constant 0 : i32
      %dma_start3A_393 = tpu.memref_slice %arg10[%add3A_24, %dma_start3A_392] : memref<10000x64xf32, #tpu.memory_space<vmem_shared>> -> memref<208x64xf32, #tpu.memory_space<vmem_shared>>
      %dma_start3A_394 = arith.constant 0 : i32
      %dma_start3A_395 = arith.constant 0 : i32
      %dma_start3A_396 = tpu.memref_slice %arg9[%dma_start3A_394, %dma_start3A_395] : memref<480x64xf32, #tpu.memory_space<vmem>> -> memref<208x64xf32, #tpu.memory_space<vmem>>
      tpu.enqueue_dma source(%dma_start3A_396 : memref<208x64xf32, #tpu.memory_space<vmem>>) target(%dma_start3A_393 : memref<208x64xf32, #tpu.memory_space<vmem_shared>>) target_semaphore(%run_scoped3A : memref<!tpu.dma_semaphore, #tpu.memory_space<semaphore_mem>>)
      %dma_wait3A_397 = arith.constant 0 : i32
      %dma_wait3A_398 = arith.constant 0 : i32
      %dma_wait3A_399 = tpu.memref_slice %arg9[%dma_wait3A_397, %dma_wait3A_398] : memref<480x64xf32, #tpu.memory_space<vmem>> -> memref<208x64xf32, #tpu.memory_space<vmem>>
      %dma_wait3A_400 = arith.constant 0 : i32
      %dma_wait3A_401 = tpu.memref_slice %arg10[%add3A_24, %dma_wait3A_400] : memref<10000x64xf32, #tpu.memory_space<vmem_shared>> -> memref<208x64xf32, #tpu.memory_space<vmem_shared>>
      %dma_wait3A_402 = arith.constant 0 : i32
      %dma_wait3A_403 = tpu.memref_slice %arg10[%add3A_24, %dma_wait3A_402] : memref<10000x64xf32, #tpu.memory_space<vmem_shared>> -> memref<208x64xf32, #tpu.memory_space<vmem_shared>>
      %dma_wait3A_404 = arith.constant 0 : i32
      %dma_wait3A_405 = arith.constant 0 : i32
      %dma_wait3A_406 = tpu.memref_slice %arg9[%dma_wait3A_404, %dma_wait3A_405] : memref<480x64xf32, #tpu.memory_space<vmem>> -> memref<208x64xf32, #tpu.memory_space<vmem>>
      tpu.wait_dma2 semaphore(%run_scoped3A : memref<!tpu.dma_semaphore, #tpu.memory_space<semaphore_mem>>) src(%dma_wait3A_406 : memref<208x64xf32, #tpu.memory_space<vmem>>) dst(%dma_wait3A_403 : memref<208x64xf32, #tpu.memory_space<vmem_shared>>)
      tpu.yield
    }) : () -> ()
    %eq3A = arith.constant 15 : i32
    %eq3A_25 = arith.cmpi eq, %arg1, %eq3A : i32
    %convert_element_type3A = arith.extui %eq3A_25 : i1 to i32
    %cond3A = arith.constant 0 : i32
    %cond3A_26 = arith.cmpi ne, %convert_element_type3A, %cond3A : i32
    scf.if %cond3A_26 {
      "tpu.region"() ({
        %run_scoped3A = tpu.sem_alloc : memref<!tpu.dma_semaphore, #tpu.memory_space<semaphore_mem>>
        %dma_start3A_387 = arith.constant 0 : i32
        %dma_start3A_388 = arith.constant 0 : i32
        %dma_start3A_389 = tpu.memref_slice %arg9[%dma_start3A_387, %dma_start3A_388] : memref<480x64xf32, #tpu.memory_space<vmem>> -> memref<16x64xf32, #tpu.memory_space<vmem>>
        %dma_start3A_390 = arith.constant 9984 : i32
        %dma_start3A_391 = arith.constant 0 : i32
        %dma_start3A_392 = tpu.memref_slice %arg10[%dma_start3A_390, %dma_start3A_391] : memref<10000x64xf32, #tpu.memory_space<vmem_shared>> -> memref<16x64xf32, #tpu.memory_space<vmem_shared>>
        %dma_start3A_393 = arith.constant 9984 : i32
        %dma_start3A_394 = arith.constant 0 : i32
        %dma_start3A_395 = tpu.memref_slice %arg10[%dma_start3A_393, %dma_start3A_394] : memref<10000x64xf32, #tpu.memory_space<vmem_shared>> -> memref<16x64xf32, #tpu.memory_space<vmem_shared>>
        %dma_start3A_396 = arith.constant 0 : i32
        %dma_start3A_397 = arith.constant 0 : i32
        %dma_start3A_398 = tpu.memref_slice %arg9[%dma_start3A_396, %dma_start3A_397] : memref<480x64xf32, #tpu.memory_space<vmem>> -> memref<16x64xf32, #tpu.memory_space<vmem>>
        tpu.enqueue_dma source(%dma_start3A_398 : memref<16x64xf32, #tpu.memory_space<vmem>>) target(%dma_start3A_395 : memref<16x64xf32, #tpu.memory_space<vmem_shared>>) target_semaphore(%run_scoped3A : memref<!tpu.dma_semaphore, #tpu.memory_space<semaphore_mem>>)
        %dma_wait3A_399 = arith.constant 0 : i32
        %dma_wait3A_400 = arith.constant 0 : i32
        %dma_wait3A_401 = tpu.memref_slice %arg9[%dma_wait3A_399, %dma_wait3A_400] : memref<480x64xf32, #tpu.memory_space<vmem>> -> memref<16x64xf32, #tpu.memory_space<vmem>>
        %dma_wait3A_402 = arith.constant 9984 : i32
        %dma_wait3A_403 = arith.constant 0 : i32
        %dma_wait3A_404 = tpu.memref_slice %arg10[%dma_wait3A_402, %dma_wait3A_403] : memref<10000x64xf32, #tpu.memory_space<vmem_shared>> -> memref<16x64xf32, #tpu.memory_space<vmem_shared>>
        %dma_wait3A_405 = arith.constant 9984 : i32
        %dma_wait3A_406 = arith.constant 0 : i32
        %dma_wait3A_407 = tpu.memref_slice %arg10[%dma_wait3A_405, %dma_wait3A_406] : memref<10000x64xf32, #tpu.memory_space<vmem_shared>> -> memref<16x64xf32, #tpu.memory_space<vmem_shared>>
        %dma_wait3A_408 = arith.constant 0 : i32
        %dma_wait3A_409 = arith.constant 0 : i32
        %dma_wait3A_410 = tpu.memref_slice %arg9[%dma_wait3A_408, %dma_wait3A_409] : memref<480x64xf32, #tpu.memory_space<vmem>> -> memref<16x64xf32, #tpu.memory_space<vmem>>
        tpu.wait_dma2 semaphore(%run_scoped3A : memref<!tpu.dma_semaphore, #tpu.memory_space<semaphore_mem>>) src(%dma_wait3A_410 : memref<16x64xf32, #tpu.memory_space<vmem>>) dst(%dma_wait3A_407 : memref<16x64xf32, #tpu.memory_space<vmem_shared>>)
        tpu.yield
      }) : () -> ()
    } else {
    }
    %dma_wait3A = arith.constant 0 : i32
    %dma_wait3A_27 = arith.constant 0 : i32
    %dma_wait3A_28 = tpu.memref_slice %arg3[%arg0, %arg1, %dma_wait3A, %dma_wait3A_27] : memref<2x16x250x80xi32, #tpu.memory_space<hbm>> -> memref<1x1x250x80xi32, #tpu.memory_space<hbm>>
    %dma_wait3A_29 = tpu.memref_squeeze %dma_wait3A_28 : memref<1x1x250x80xi32, #tpu.memory_space<hbm>> -> memref<250x80xi32, #tpu.memory_space<hbm>>
    %dma_wait3A_30 = arith.constant 0 : i32
    %dma_wait3A_31 = arith.constant 0 : i32
    %dma_wait3A_32 = tpu.memref_slice %arg3[%arg0, %arg1, %dma_wait3A_30, %dma_wait3A_31] : memref<2x16x250x80xi32, #tpu.memory_space<hbm>> -> memref<1x1x250x80xi32, #tpu.memory_space<hbm>>
    %dma_wait3A_33 = tpu.memref_squeeze %dma_wait3A_32 : memref<1x1x250x80xi32, #tpu.memory_space<hbm>> -> memref<250x80xi32, #tpu.memory_space<hbm>>
    tpu.wait_dma2 semaphore(%arg11 : memref<!tpu.dma_semaphore, #tpu.memory_space<semaphore_mem>>) src(%dma_wait3A_33 : memref<250x80xi32, #tpu.memory_space<hbm>>) dst(%arg7 : memref<250x80xi32, #tpu.memory_space<vmem>>)
    %dma_wait3A_34 = arith.constant 0 : i32
    %dma_wait3A_35 = arith.constant 0 : i32
    %dma_wait3A_36 = tpu.memref_slice %arg4[%arg1, %dma_wait3A_34, %dma_wait3A_35] : memref<16x250x80xi32, #tpu.memory_space<hbm>> -> memref<1x250x80xi32, #tpu.memory_space<hbm>>
    %dma_wait3A_37 = tpu.memref_squeeze %dma_wait3A_36 : memref<1x250x80xi32, #tpu.memory_space<hbm>> -> memref<250x80xi32, #tpu.memory_space<hbm>>
    %dma_wait3A_38 = arith.constant 0 : i32
    %dma_wait3A_39 = arith.constant 0 : i32
    %dma_wait3A_40 = tpu.memref_slice %arg4[%arg1, %dma_wait3A_38, %dma_wait3A_39] : memref<16x250x80xi32, #tpu.memory_space<hbm>> -> memref<1x250x80xi32, #tpu.memory_space<hbm>>
    %dma_wait3A_41 = tpu.memref_squeeze %dma_wait3A_40 : memref<1x250x80xi32, #tpu.memory_space<hbm>> -> memref<250x80xi32, #tpu.memory_space<hbm>>
    tpu.wait_dma2 semaphore(%arg12 : memref<!tpu.dma_semaphore, #tpu.memory_space<semaphore_mem>>) src(%dma_wait3A_41 : memref<250x80xi32, #tpu.memory_space<hbm>>) dst(%arg8 : memref<250x80xi32, #tpu.memory_space<vmem>>)
    %barrier3A = arith.constant 0 : index
    tpu.barrier barrier_id(%barrier3A)
    %dma_start3A_42 = arith.constant 0 : i32
    %dma_start3A_43 = arith.constant 0 : i32
    %dma_start3A_44 = arith.constant 0 : i32
    %dma_start3A_45 = tpu.memref_slice %arg9[%dma_start3A_43, %dma_start3A_44] : memref<480x64xf32, #tpu.memory_space<vmem>> -> memref<80x64xf32, #tpu.memory_space<vmem>>
    %dma_start3A_46 = arith.constant 0 : i32
    %dma_start3A_47 = tpu.memref_slice %arg7[%dma_start3A_42, %dma_start3A_46] : memref<250x80xi32, #tpu.memory_space<vmem>> -> memref<1x80xi32, #tpu.memory_space<vmem>>
    %dma_start3A_48 = tpu.memref_squeeze %dma_start3A_47 : memref<1x80xi32, #tpu.memory_space<vmem>> -> memref<80xi32, #tpu.memory_space<vmem>>
    %dma_start3A_49 = arith.constant 0 : i32
    %dma_start3A_50 = arith.constant 0 : i32
    %dma_start3A_51 = tpu.memref_slice %arg2[%dma_start3A_49, %dma_start3A_50] : memref<20000x64xf32, #tpu.memory_space<hbm>> -> memref<20000x64xf32, #tpu.memory_space<hbm>>
    tpu.enqueue_indirect_dma source(%dma_start3A_51 : memref<20000x64xf32, #tpu.memory_space<hbm>>) target(%dma_start3A_45 : memref<80x64xf32, #tpu.memory_space<vmem>>) offsets(%dma_start3A_48 : memref<80xi32, #tpu.memory_space<vmem>>) semaphore(%arg11 : memref<!tpu.dma_semaphore, #tpu.memory_space<semaphore_mem>>)
    %dma_start3A_52 = arith.constant 1 : i32
    %dma_start3A_53 = arith.constant 80 : i32
    %dma_start3A_54 = arith.constant 0 : i32
    %dma_start3A_55 = tpu.memref_slice %arg9[%dma_start3A_53, %dma_start3A_54] : memref<480x64xf32, #tpu.memory_space<vmem>> -> memref<80x64xf32, #tpu.memory_space<vmem>>
    %dma_start3A_56 = arith.constant 0 : i32
    %dma_start3A_57 = tpu.memref_slice %arg7[%dma_start3A_52, %dma_start3A_56] : memref<250x80xi32, #tpu.memory_space<vmem>> -> memref<1x80xi32, #tpu.memory_space<vmem>>
    %dma_start3A_58 = tpu.memref_squeeze %dma_start3A_57 : memref<1x80xi32, #tpu.memory_space<vmem>> -> memref<80xi32, #tpu.memory_space<vmem>>
    %dma_start3A_59 = arith.constant 0 : i32
    %dma_start3A_60 = arith.constant 0 : i32
    %dma_start3A_61 = tpu.memref_slice %arg2[%dma_start3A_59, %dma_start3A_60] : memref<20000x64xf32, #tpu.memory_space<hbm>> -> memref<20000x64xf32, #tpu.memory_space<hbm>>
    tpu.enqueue_indirect_dma source(%dma_start3A_61 : memref<20000x64xf32, #tpu.memory_space<hbm>>) target(%dma_start3A_55 : memref<80x64xf32, #tpu.memory_space<vmem>>) offsets(%dma_start3A_58 : memref<80xi32, #tpu.memory_space<vmem>>) semaphore(%arg12 : memref<!tpu.dma_semaphore, #tpu.memory_space<semaphore_mem>>)
    %dma_start3A_62 = arith.constant 2 : i32
    %dma_start3A_63 = arith.constant 160 : i32
    %dma_start3A_64 = arith.constant 0 : i32
    %dma_start3A_65 = tpu.memref_slice %arg9[%dma_start3A_63, %dma_start3A_64] : memref<480x64xf32, #tpu.memory_space<vmem>> -> memref<80x64xf32, #tpu.memory_space<vmem>>
    %dma_start3A_66 = arith.constant 0 : i32
    %dma_start3A_67 = tpu.memref_slice %arg7[%dma_start3A_62, %dma_start3A_66] : memref<250x80xi32, #tpu.memory_space<vmem>> -> memref<1x80xi32, #tpu.memory_space<vmem>>
    %dma_start3A_68 = tpu.memref_squeeze %dma_start3A_67 : memref<1x80xi32, #tpu.memory_space<vmem>> -> memref<80xi32, #tpu.memory_space<vmem>>
    %dma_start3A_69 = arith.constant 0 : i32
    %dma_start3A_70 = arith.constant 0 : i32
    %dma_start3A_71 = tpu.memref_slice %arg2[%dma_start3A_69, %dma_start3A_70] : memref<20000x64xf32, #tpu.memory_space<hbm>> -> memref<20000x64xf32, #tpu.memory_space<hbm>>
    tpu.enqueue_indirect_dma source(%dma_start3A_71 : memref<20000x64xf32, #tpu.memory_space<hbm>>) target(%dma_start3A_65 : memref<80x64xf32, #tpu.memory_space<vmem>>) offsets(%dma_start3A_68 : memref<80xi32, #tpu.memory_space<vmem>>) semaphore(%arg13 : memref<!tpu.dma_semaphore, #tpu.memory_space<semaphore_mem>>)
    %scan3A = arith.constant 0 : i32
    %scan3A_72 = arith.constant 0 : i32
    %scan3A_73 = arith.constant 41 : i32
    %scan3A_74 = arith.addi %scan3A_72, %scan3A_73 : i32
    %scan3A_75 = arith.constant 1 : i32
    scf.for %scan3A_387 = %scan3A_72 to %scan3A_74 step %scan3A_75  : i32 {
      %mul3A_388 = arith.constant 6 : i32
      %mul3A_389 = arith.muli %scan3A_387, %mul3A_388 : i32
      %add3A_390 = arith.constant 0 : i32
      %add3A_391 = arith.addi %mul3A_389, %add3A_390 : i32
      %ge3A = arith.constant 3 : i32
      %ge3A_392 = arith.cmpi sge, %add3A_391, %ge3A : i32
      %convert_element_type3A_393 = arith.extui %ge3A_392 : i1 to i32
      %cond3A_394 = arith.constant 0 : i32
      %cond3A_395 = arith.cmpi ne, %convert_element_type3A_393, %cond3A_394 : i32
      scf.if %cond3A_395 {
        %sub3A = arith.constant 3 : i32
        %sub3A_590 = arith.subi %add3A_391, %sub3A : i32
        %dma_wait3A_591 = arith.constant 240 : i32
        %dma_wait3A_592 = arith.constant 0 : i32
        %dma_wait3A_593 = tpu.memref_slice %arg9[%dma_wait3A_591, %dma_wait3A_592] : memref<480x64xf32, #tpu.memory_space<vmem>> -> memref<80x64xf32, #tpu.memory_space<vmem>>
        %dma_wait3A_594 = arith.constant 0 : i32
        %dma_wait3A_595 = tpu.memref_slice %arg8[%sub3A_590, %dma_wait3A_594] : memref<250x80xi32, #tpu.memory_space<vmem>> -> memref<1x80xi32, #tpu.memory_space<vmem>>
        %dma_wait3A_596 = tpu.memref_squeeze %dma_wait3A_595 : memref<1x80xi32, #tpu.memory_space<vmem>> -> memref<80xi32, #tpu.memory_space<vmem>>
        %dma_wait3A_597 = arith.constant 0 : i32
        %dma_wait3A_598 = arith.constant 0 : i32
        %dma_wait3A_599 = tpu.memref_slice %arg10[%dma_wait3A_597, %dma_wait3A_598] : memref<10000x64xf32, #tpu.memory_space<vmem_shared>> -> memref<10000x64xf32, #tpu.memory_space<vmem_shared>>
        tpu.wait_indirect_dma semaphore(%arg20 : memref<!tpu.dma_semaphore, #tpu.memory_space<semaphore_mem>>) src(%dma_wait3A_593 : memref<80x64xf32, #tpu.memory_space<vmem>>) dst(%dma_wait3A_599 : memref<10000x64xf32, #tpu.memory_space<vmem_shared>>)
      } else {
      }
      %add3A_396 = arith.constant 3 : i32
      %add3A_397 = arith.addi %add3A_391, %add3A_396 : i32
      %lt3A = arith.constant 250 : i32
      %lt3A_398 = arith.cmpi slt, %add3A_397, %lt3A : i32
      %convert_element_type3A_399 = arith.extui %lt3A_398 : i1 to i32
      %cond3A_400 = arith.constant 0 : i32
      %cond3A_401 = arith.cmpi ne, %convert_element_type3A_399, %cond3A_400 : i32
      scf.if %cond3A_401 {
        %add3A_590 = arith.constant 3 : i32
        %add3A_591 = arith.addi %add3A_391, %add3A_590 : i32
        %dma_start3A_592 = arith.constant 240 : i32
        %dma_start3A_593 = arith.constant 0 : i32
        %dma_start3A_594 = tpu.memref_slice %arg9[%dma_start3A_592, %dma_start3A_593] : memref<480x64xf32, #tpu.memory_space<vmem>> -> memref<80x64xf32, #tpu.memory_space<vmem>>
        %dma_start3A_595 = arith.constant 0 : i32
        %dma_start3A_596 = tpu.memref_slice %arg7[%add3A_591, %dma_start3A_595] : memref<250x80xi32, #tpu.memory_space<vmem>> -> memref<1x80xi32, #tpu.memory_space<vmem>>
        %dma_start3A_597 = tpu.memref_squeeze %dma_start3A_596 : memref<1x80xi32, #tpu.memory_space<vmem>> -> memref<80xi32, #tpu.memory_space<vmem>>
        %dma_start3A_598 = arith.constant 0 : i32
        %dma_start3A_599 = arith.constant 0 : i32
        %dma_start3A_600 = tpu.memref_slice %arg2[%dma_start3A_598, %dma_start3A_599] : memref<20000x64xf32, #tpu.memory_space<hbm>> -> memref<20000x64xf32, #tpu.memory_space<hbm>>
        tpu.enqueue_indirect_dma source(%dma_start3A_600 : memref<20000x64xf32, #tpu.memory_space<hbm>>) target(%dma_start3A_594 : memref<80x64xf32, #tpu.memory_space<vmem>>) offsets(%dma_start3A_597 : memref<80xi32, #tpu.memory_space<vmem>>) semaphore(%arg14 : memref<!tpu.dma_semaphore, #tpu.memory_space<semaphore_mem>>)
      } else {
      }
      %dma_wait3A_402 = arith.constant 0 : i32
      %dma_wait3A_403 = arith.constant 0 : i32
      %dma_wait3A_404 = tpu.memref_slice %arg9[%dma_wait3A_402, %dma_wait3A_403] : memref<480x64xf32, #tpu.memory_space<vmem>> -> memref<80x64xf32, #tpu.memory_space<vmem>>
      %dma_wait3A_405 = arith.constant 0 : i32
      %dma_wait3A_406 = tpu.memref_slice %arg7[%add3A_391, %dma_wait3A_405] : memref<250x80xi32, #tpu.memory_space<vmem>> -> memref<1x80xi32, #tpu.memory_space<vmem>>
      %dma_wait3A_407 = tpu.memref_squeeze %dma_wait3A_406 : memref<1x80xi32, #tpu.memory_space<vmem>> -> memref<80xi32, #tpu.memory_space<vmem>>
      %dma_wait3A_408 = arith.constant 0 : i32
      %dma_wait3A_409 = arith.constant 0 : i32
      %dma_wait3A_410 = tpu.memref_slice %arg2[%dma_wait3A_408, %dma_wait3A_409] : memref<20000x64xf32, #tpu.memory_space<hbm>> -> memref<20000x64xf32, #tpu.memory_space<hbm>>
      tpu.wait_indirect_dma semaphore(%arg11 : memref<!tpu.dma_semaphore, #tpu.memory_space<semaphore_mem>>) src(%dma_wait3A_410 : memref<20000x64xf32, #tpu.memory_space<hbm>>) dst(%dma_wait3A_404 : memref<80x64xf32, #tpu.memory_space<vmem>>)
      %dma_start3A_411 = arith.constant 0 : i32
      %dma_start3A_412 = arith.constant 0 : i32
      %dma_start3A_413 = tpu.memref_slice %arg9[%dma_start3A_411, %dma_start3A_412] : memref<480x64xf32, #tpu.memory_space<vmem>> -> memref<80x64xf32, #tpu.memory_space<vmem>>
      %dma_start3A_414 = arith.constant 0 : i32
      %dma_start3A_415 = tpu.memref_slice %arg8[%add3A_391, %dma_start3A_414] : memref<250x80xi32, #tpu.memory_space<vmem>> -> memref<1x80xi32, #tpu.memory_space<vmem>>
      %dma_start3A_416 = tpu.memref_squeeze %dma_start3A_415 : memref<1x80xi32, #tpu.memory_space<vmem>> -> memref<80xi32, #tpu.memory_space<vmem>>
      %dma_start3A_417 = arith.constant 0 : i32
      %dma_start3A_418 = arith.constant 0 : i32
      %dma_start3A_419 = tpu.memref_slice %arg10[%dma_start3A_417, %dma_start3A_418] : memref<10000x64xf32, #tpu.memory_space<vmem_shared>> -> memref<10000x64xf32, #tpu.memory_space<vmem_shared>>
      tpu.enqueue_indirect_dma source(%dma_start3A_413 : memref<80x64xf32, #tpu.memory_space<vmem>>) target(%dma_start3A_419 : memref<10000x64xf32, #tpu.memory_space<vmem_shared>>) offsets(%dma_start3A_416 : memref<80xi32, #tpu.memory_space<vmem>>) semaphore(%arg17 : memref<!tpu.dma_semaphore, #tpu.memory_space<semaphore_mem>>) {add = true}
      %mul3A_420 = arith.constant 6 : i32
      %mul3A_421 = arith.muli %scan3A_387, %mul3A_420 : i32
      %add3A_422 = arith.constant 1 : i32
      %add3A_423 = arith.addi %mul3A_421, %add3A_422 : i32
      %ge3A_424 = arith.constant 3 : i32
      %ge3A_425 = arith.cmpi sge, %add3A_423, %ge3A_424 : i32
      %convert_element_type3A_426 = arith.extui %ge3A_425 : i1 to i32
      %cond3A_427 = arith.constant 0 : i32
      %cond3A_428 = arith.cmpi ne, %convert_element_type3A_426, %cond3A_427 : i32
      scf.if %cond3A_428 {
        %sub3A = arith.constant 3 : i32
        %sub3A_590 = arith.subi %add3A_423, %sub3A : i32
        %dma_wait3A_591 = arith.constant 320 : i32
        %dma_wait3A_592 = arith.constant 0 : i32
        %dma_wait3A_593 = tpu.memref_slice %arg9[%dma_wait3A_591, %dma_wait3A_592] : memref<480x64xf32, #tpu.memory_space<vmem>> -> memref<80x64xf32, #tpu.memory_space<vmem>>
        %dma_wait3A_594 = arith.constant 0 : i32
        %dma_wait3A_595 = tpu.memref_slice %arg8[%sub3A_590, %dma_wait3A_594] : memref<250x80xi32, #tpu.memory_space<vmem>> -> memref<1x80xi32, #tpu.memory_space<vmem>>
        %dma_wait3A_596 = tpu.memref_squeeze %dma_wait3A_595 : memref<1x80xi32, #tpu.memory_space<vmem>> -> memref<80xi32, #tpu.memory_space<vmem>>
        %dma_wait3A_597 = arith.constant 0 : i32
        %dma_wait3A_598 = arith.constant 0 : i32
        %dma_wait3A_599 = tpu.memref_slice %arg10[%dma_wait3A_597, %dma_wait3A_598] : memref<10000x64xf32, #tpu.memory_space<vmem_shared>> -> memref<10000x64xf32, #tpu.memory_space<vmem_shared>>
        tpu.wait_indirect_dma semaphore(%arg21 : memref<!tpu.dma_semaphore, #tpu.memory_space<semaphore_mem>>) src(%dma_wait3A_593 : memref<80x64xf32, #tpu.memory_space<vmem>>) dst(%dma_wait3A_599 : memref<10000x64xf32, #tpu.memory_space<vmem_shared>>)
      } else {
      }
      %add3A_429 = arith.constant 3 : i32
      %add3A_430 = arith.addi %add3A_423, %add3A_429 : i32
      %lt3A_431 = arith.constant 250 : i32
      %lt3A_432 = arith.cmpi slt, %add3A_430, %lt3A_431 : i32
      %convert_element_type3A_433 = arith.extui %lt3A_432 : i1 to i32
      %cond3A_434 = arith.constant 0 : i32
      %cond3A_435 = arith.cmpi ne, %convert_element_type3A_433, %cond3A_434 : i32
      scf.if %cond3A_435 {
        %add3A_590 = arith.constant 3 : i32
        %add3A_591 = arith.addi %add3A_423, %add3A_590 : i32
        %dma_start3A_592 = arith.constant 320 : i32
        %dma_start3A_593 = arith.constant 0 : i32
        %dma_start3A_594 = tpu.memref_slice %arg9[%dma_start3A_592, %dma_start3A_593] : memref<480x64xf32, #tpu.memory_space<vmem>> -> memref<80x64xf32, #tpu.memory_space<vmem>>
        %dma_start3A_595 = arith.constant 0 : i32
        %dma_start3A_596 = tpu.memref_slice %arg7[%add3A_591, %dma_start3A_595] : memref<250x80xi32, #tpu.memory_space<vmem>> -> memref<1x80xi32, #tpu.memory_space<vmem>>
        %dma_start3A_597 = tpu.memref_squeeze %dma_start3A_596 : memref<1x80xi32, #tpu.memory_space<vmem>> -> memref<80xi32, #tpu.memory_space<vmem>>
        %dma_start3A_598 = arith.constant 0 : i32
        %dma_start3A_599 = arith.constant 0 : i32
        %dma_start3A_600 = tpu.memref_slice %arg2[%dma_start3A_598, %dma_start3A_599] : memref<20000x64xf32, #tpu.memory_space<hbm>> -> memref<20000x64xf32, #tpu.memory_space<hbm>>
        tpu.enqueue_indirect_dma source(%dma_start3A_600 : memref<20000x64xf32, #tpu.memory_space<hbm>>) target(%dma_start3A_594 : memref<80x64xf32, #tpu.memory_space<vmem>>) offsets(%dma_start3A_597 : memref<80xi32, #tpu.memory_space<vmem>>) semaphore(%arg15 : memref<!tpu.dma_semaphore, #tpu.memory_space<semaphore_mem>>)
      } else {
      }
      %dma_wait3A_436 = arith.constant 80 : i32
      %dma_wait3A_437 = arith.constant 0 : i32
      %dma_wait3A_438 = tpu.memref_slice %arg9[%dma_wait3A_436, %dma_wait3A_437] : memref<480x64xf32, #tpu.memory_space<vmem>> -> memref<80x64xf32, #tpu.memory_space<vmem>>
      %dma_wait3A_439 = arith.constant 0 : i32
      %dma_wait3A_440 = tpu.memref_slice %arg7[%add3A_423, %dma_wait3A_439] : memref<250x80xi32, #tpu.memory_space<vmem>> -> memref<1x80xi32, #tpu.memory_space<vmem>>
      %dma_wait3A_441 = tpu.memref_squeeze %dma_wait3A_440 : memref<1x80xi32, #tpu.memory_space<vmem>> -> memref<80xi32, #tpu.memory_space<vmem>>
      %dma_wait3A_442 = arith.constant 0 : i32
      %dma_wait3A_443 = arith.constant 0 : i32
      %dma_wait3A_444 = tpu.memref_slice %arg2[%dma_wait3A_442, %dma_wait3A_443] : memref<20000x64xf32, #tpu.memory_space<hbm>> -> memref<20000x64xf32, #tpu.memory_space<hbm>>
      tpu.wait_indirect_dma semaphore(%arg12 : memref<!tpu.dma_semaphore, #tpu.memory_space<semaphore_mem>>) src(%dma_wait3A_444 : memref<20000x64xf32, #tpu.memory_space<hbm>>) dst(%dma_wait3A_438 : memref<80x64xf32, #tpu.memory_space<vmem>>)
      %dma_start3A_445 = arith.constant 80 : i32
      %dma_start3A_446 = arith.constant 0 : i32
      %dma_start3A_447 = tpu.memref_slice %arg9[%dma_start3A_445, %dma_start3A_446] : memref<480x64xf32, #tpu.memory_space<vmem>> -> memref<80x64xf32, #tpu.memory_space<vmem>>
      %dma_start3A_448 = arith.constant 0 : i32
      %dma_start3A_449 = tpu.memref_slice %arg8[%add3A_423, %dma_start3A_448] : memref<250x80xi32, #tpu.memory_space<vmem>> -> memref<1x80xi32, #tpu.memory_space<vmem>>
      %dma_start3A_450 = tpu.memref_squeeze %dma_start3A_449 : memref<1x80xi32, #tpu.memory_space<vmem>> -> memref<80xi32, #tpu.memory_space<vmem>>
      %dma_start3A_451 = arith.constant 0 : i32
      %dma_start3A_452 = arith.constant 0 : i32
      %dma_start3A_453 = tpu.memref_slice %arg10[%dma_start3A_451, %dma_start3A_452] : memref<10000x64xf32, #tpu.memory_space<vmem_shared>> -> memref<10000x64xf32, #tpu.memory_space<vmem_shared>>
      tpu.enqueue_indirect_dma source(%dma_start3A_447 : memref<80x64xf32, #tpu.memory_space<vmem>>) target(%dma_start3A_453 : memref<10000x64xf32, #tpu.memory_space<vmem_shared>>) offsets(%dma_start3A_450 : memref<80xi32, #tpu.memory_space<vmem>>) semaphore(%arg18 : memref<!tpu.dma_semaphore, #tpu.memory_space<semaphore_mem>>) {add = true}
      %mul3A_454 = arith.constant 6 : i32
      %mul3A_455 = arith.muli %scan3A_387, %mul3A_454 : i32
      %add3A_456 = arith.constant 2 : i32
      %add3A_457 = arith.addi %mul3A_455, %add3A_456 : i32
      %ge3A_458 = arith.constant 3 : i32
      %ge3A_459 = arith.cmpi sge, %add3A_457, %ge3A_458 : i32
      %convert_element_type3A_460 = arith.extui %ge3A_459 : i1 to i32
      %cond3A_461 = arith.constant 0 : i32
      %cond3A_462 = arith.cmpi ne, %convert_element_type3A_460, %cond3A_461 : i32
      scf.if %cond3A_462 {
        %sub3A = arith.constant 3 : i32
        %sub3A_590 = arith.subi %add3A_457, %sub3A : i32
        %dma_wait3A_591 = arith.constant 400 : i32
        %dma_wait3A_592 = arith.constant 0 : i32
        %dma_wait3A_593 = tpu.memref_slice %arg9[%dma_wait3A_591, %dma_wait3A_592] : memref<480x64xf32, #tpu.memory_space<vmem>> -> memref<80x64xf32, #tpu.memory_space<vmem>>
        %dma_wait3A_594 = arith.constant 0 : i32
        %dma_wait3A_595 = tpu.memref_slice %arg8[%sub3A_590, %dma_wait3A_594] : memref<250x80xi32, #tpu.memory_space<vmem>> -> memref<1x80xi32, #tpu.memory_space<vmem>>
        %dma_wait3A_596 = tpu.memref_squeeze %dma_wait3A_595 : memref<1x80xi32, #tpu.memory_space<vmem>> -> memref<80xi32, #tpu.memory_space<vmem>>
        %dma_wait3A_597 = arith.constant 0 : i32
        %dma_wait3A_598 = arith.constant 0 : i32
        %dma_wait3A_599 = tpu.memref_slice %arg10[%dma_wait3A_597, %dma_wait3A_598] : memref<10000x64xf32, #tpu.memory_space<vmem_shared>> -> memref<10000x64xf32, #tpu.memory_space<vmem_shared>>
        tpu.wait_indirect_dma semaphore(%arg22 : memref<!tpu.dma_semaphore, #tpu.memory_space<semaphore_mem>>) src(%dma_wait3A_593 : memref<80x64xf32, #tpu.memory_space<vmem>>) dst(%dma_wait3A_599 : memref<10000x64xf32, #tpu.memory_space<vmem_shared>>)
      } else {
      }
      %add3A_463 = arith.constant 3 : i32
      %add3A_464 = arith.addi %add3A_457, %add3A_463 : i32
      %lt3A_465 = arith.constant 250 : i32
      %lt3A_466 = arith.cmpi slt, %add3A_464, %lt3A_465 : i32
      %convert_element_type3A_467 = arith.extui %lt3A_466 : i1 to i32
      %cond3A_468 = arith.constant 0 : i32
      %cond3A_469 = arith.cmpi ne, %convert_element_type3A_467, %cond3A_468 : i32
      scf.if %cond3A_469 {
        %add3A_590 = arith.constant 3 : i32
        %add3A_591 = arith.addi %add3A_457, %add3A_590 : i32
        %dma_start3A_592 = arith.constant 400 : i32
        %dma_start3A_593 = arith.constant 0 : i32
        %dma_start3A_594 = tpu.memref_slice %arg9[%dma_start3A_592, %dma_start3A_593] : memref<480x64xf32, #tpu.memory_space<vmem>> -> memref<80x64xf32, #tpu.memory_space<vmem>>
        %dma_start3A_595 = arith.constant 0 : i32
        %dma_start3A_596 = tpu.memref_slice %arg7[%add3A_591, %dma_start3A_595] : memref<250x80xi32, #tpu.memory_space<vmem>> -> memref<1x80xi32, #tpu.memory_space<vmem>>
        %dma_start3A_597 = tpu.memref_squeeze %dma_start3A_596 : memref<1x80xi32, #tpu.memory_space<vmem>> -> memref<80xi32, #tpu.memory_space<vmem>>
        %dma_start3A_598 = arith.constant 0 : i32
        %dma_start3A_599 = arith.constant 0 : i32
        %dma_start3A_600 = tpu.memref_slice %arg2[%dma_start3A_598, %dma_start3A_599] : memref<20000x64xf32, #tpu.memory_space<hbm>> -> memref<20000x64xf32, #tpu.memory_space<hbm>>
        tpu.enqueue_indirect_dma source(%dma_start3A_600 : memref<20000x64xf32, #tpu.memory_space<hbm>>) target(%dma_start3A_594 : memref<80x64xf32, #tpu.memory_space<vmem>>) offsets(%dma_start3A_597 : memref<80xi32, #tpu.memory_space<vmem>>) semaphore(%arg16 : memref<!tpu.dma_semaphore, #tpu.memory_space<semaphore_mem>>)
      } else {
      }
      %dma_wait3A_470 = arith.constant 160 : i32
      %dma_wait3A_471 = arith.constant 0 : i32
      %dma_wait3A_472 = tpu.memref_slice %arg9[%dma_wait3A_470, %dma_wait3A_471] : memref<480x64xf32, #tpu.memory_space<vmem>> -> memref<80x64xf32, #tpu.memory_space<vmem>>
      %dma_wait3A_473 = arith.constant 0 : i32
      %dma_wait3A_474 = tpu.memref_slice %arg7[%add3A_457, %dma_wait3A_473] : memref<250x80xi32, #tpu.memory_space<vmem>> -> memref<1x80xi32, #tpu.memory_space<vmem>>
      %dma_wait3A_475 = tpu.memref_squeeze %dma_wait3A_474 : memref<1x80xi32, #tpu.memory_space<vmem>> -> memref<80xi32, #tpu.memory_space<vmem>>
      %dma_wait3A_476 = arith.constant 0 : i32
      %dma_wait3A_477 = arith.constant 0 : i32
      %dma_wait3A_478 = tpu.memref_slice %arg2[%dma_wait3A_476, %dma_wait3A_477] : memref<20000x64xf32, #tpu.memory_space<hbm>> -> memref<20000x64xf32, #tpu.memory_space<hbm>>
      tpu.wait_indirect_dma semaphore(%arg13 : memref<!tpu.dma_semaphore, #tpu.memory_space<semaphore_mem>>) src(%dma_wait3A_478 : memref<20000x64xf32, #tpu.memory_space<hbm>>) dst(%dma_wait3A_472 : memref<80x64xf32, #tpu.memory_space<vmem>>)
      %dma_start3A_479 = arith.constant 160 : i32
      %dma_start3A_480 = arith.constant 0 : i32
      %dma_start3A_481 = tpu.memref_slice %arg9[%dma_start3A_479, %dma_start3A_480] : memref<480x64xf32, #tpu.memory_space<vmem>> -> memref<80x64xf32, #tpu.memory_space<vmem>>
      %dma_start3A_482 = arith.constant 0 : i32
      %dma_start3A_483 = tpu.memref_slice %arg8[%add3A_457, %dma_start3A_482] : memref<250x80xi32, #tpu.memory_space<vmem>> -> memref<1x80xi32, #tpu.memory_space<vmem>>
      %dma_start3A_484 = tpu.memref_squeeze %dma_start3A_483 : memref<1x80xi32, #tpu.memory_space<vmem>> -> memref<80xi32, #tpu.memory_space<vmem>>
      %dma_start3A_485 = arith.constant 0 : i32
      %dma_start3A_486 = arith.constant 0 : i32
      %dma_start3A_487 = tpu.memref_slice %arg10[%dma_start3A_485, %dma_start3A_486] : memref<10000x64xf32, #tpu.memory_space<vmem_shared>> -> memref<10000x64xf32, #tpu.memory_space<vmem_shared>>
      tpu.enqueue_indirect_dma source(%dma_start3A_481 : memref<80x64xf32, #tpu.memory_space<vmem>>) target(%dma_start3A_487 : memref<10000x64xf32, #tpu.memory_space<vmem_shared>>) offsets(%dma_start3A_484 : memref<80xi32, #tpu.memory_space<vmem>>) semaphore(%arg19 : memref<!tpu.dma_semaphore, #tpu.memory_space<semaphore_mem>>) {add = true}
      %mul3A_488 = arith.constant 6 : i32
      %mul3A_489 = arith.muli %scan3A_387, %mul3A_488 : i32
      %add3A_490 = arith.constant 3 : i32
      %add3A_491 = arith.addi %mul3A_489, %add3A_490 : i32
      %ge3A_492 = arith.constant 3 : i32
      %ge3A_493 = arith.cmpi sge, %add3A_491, %ge3A_492 : i32
      %convert_element_type3A_494 = arith.extui %ge3A_493 : i1 to i32
      %cond3A_495 = arith.constant 0 : i32
      %cond3A_496 = arith.cmpi ne, %convert_element_type3A_494, %cond3A_495 : i32
      scf.if %cond3A_496 {
        %sub3A = arith.constant 3 : i32
        %sub3A_590 = arith.subi %add3A_491, %sub3A : i32
        %dma_wait3A_591 = arith.constant 0 : i32
        %dma_wait3A_592 = arith.constant 0 : i32
        %dma_wait3A_593 = tpu.memref_slice %arg9[%dma_wait3A_591, %dma_wait3A_592] : memref<480x64xf32, #tpu.memory_space<vmem>> -> memref<80x64xf32, #tpu.memory_space<vmem>>
        %dma_wait3A_594 = arith.constant 0 : i32
        %dma_wait3A_595 = tpu.memref_slice %arg8[%sub3A_590, %dma_wait3A_594] : memref<250x80xi32, #tpu.memory_space<vmem>> -> memref<1x80xi32, #tpu.memory_space<vmem>>
        %dma_wait3A_596 = tpu.memref_squeeze %dma_wait3A_595 : memref<1x80xi32, #tpu.memory_space<vmem>> -> memref<80xi32, #tpu.memory_space<vmem>>
        %dma_wait3A_597 = arith.constant 0 : i32
        %dma_wait3A_598 = arith.constant 0 : i32
        %dma_wait3A_599 = tpu.memref_slice %arg10[%dma_wait3A_597, %dma_wait3A_598] : memref<10000x64xf32, #tpu.memory_space<vmem_shared>> -> memref<10000x64xf32, #tpu.memory_space<vmem_shared>>
        tpu.wait_indirect_dma semaphore(%arg17 : memref<!tpu.dma_semaphore, #tpu.memory_space<semaphore_mem>>) src(%dma_wait3A_593 : memref<80x64xf32, #tpu.memory_space<vmem>>) dst(%dma_wait3A_599 : memref<10000x64xf32, #tpu.memory_space<vmem_shared>>)
      } else {
      }
      %add3A_497 = arith.constant 3 : i32
      %add3A_498 = arith.addi %add3A_491, %add3A_497 : i32
      %lt3A_499 = arith.constant 250 : i32
      %lt3A_500 = arith.cmpi slt, %add3A_498, %lt3A_499 : i32
      %convert_element_type3A_501 = arith.extui %lt3A_500 : i1 to i32
      %cond3A_502 = arith.constant 0 : i32
      %cond3A_503 = arith.cmpi ne, %convert_element_type3A_501, %cond3A_502 : i32
      scf.if %cond3A_503 {
        %add3A_590 = arith.constant 3 : i32
        %add3A_591 = arith.addi %add3A_491, %add3A_590 : i32
        %dma_start3A_592 = arith.constant 0 : i32
        %dma_start3A_593 = arith.constant 0 : i32
        %dma_start3A_594 = tpu.memref_slice %arg9[%dma_start3A_592, %dma_start3A_593] : memref<480x64xf32, #tpu.memory_space<vmem>> -> memref<80x64xf32, #tpu.memory_space<vmem>>
        %dma_start3A_595 = arith.constant 0 : i32
        %dma_start3A_596 = tpu.memref_slice %arg7[%add3A_591, %dma_start3A_595] : memref<250x80xi32, #tpu.memory_space<vmem>> -> memref<1x80xi32, #tpu.memory_space<vmem>>
        %dma_start3A_597 = tpu.memref_squeeze %dma_start3A_596 : memref<1x80xi32, #tpu.memory_space<vmem>> -> memref<80xi32, #tpu.memory_space<vmem>>
        %dma_start3A_598 = arith.constant 0 : i32
        %dma_start3A_599 = arith.constant 0 : i32
        %dma_start3A_600 = tpu.memref_slice %arg2[%dma_start3A_598, %dma_start3A_599] : memref<20000x64xf32, #tpu.memory_space<hbm>> -> memref<20000x64xf32, #tpu.memory_space<hbm>>
        tpu.enqueue_indirect_dma source(%dma_start3A_600 : memref<20000x64xf32, #tpu.memory_space<hbm>>) target(%dma_start3A_594 : memref<80x64xf32, #tpu.memory_space<vmem>>) offsets(%dma_start3A_597 : memref<80xi32, #tpu.memory_space<vmem>>) semaphore(%arg11 : memref<!tpu.dma_semaphore, #tpu.memory_space<semaphore_mem>>)
      } else {
      }
      %dma_wait3A_504 = arith.constant 240 : i32
      %dma_wait3A_505 = arith.constant 0 : i32
      %dma_wait3A_506 = tpu.memref_slice %arg9[%dma_wait3A_504, %dma_wait3A_505] : memref<480x64xf32, #tpu.memory_space<vmem>> -> memref<80x64xf32, #tpu.memory_space<vmem>>
      %dma_wait3A_507 = arith.constant 0 : i32
      %dma_wait3A_508 = tpu.memref_slice %arg7[%add3A_491, %dma_wait3A_507] : memref<250x80xi32, #tpu.memory_space<vmem>> -> memref<1x80xi32, #tpu.memory_space<vmem>>
      %dma_wait3A_509 = tpu.memref_squeeze %dma_wait3A_508 : memref<1x80xi32, #tpu.memory_space<vmem>> -> memref<80xi32, #tpu.memory_space<vmem>>
      %dma_wait3A_510 = arith.constant 0 : i32
      %dma_wait3A_511 = arith.constant 0 : i32
      %dma_wait3A_512 = tpu.memref_slice %arg2[%dma_wait3A_510, %dma_wait3A_511] : memref<20000x64xf32, #tpu.memory_space<hbm>> -> memref<20000x64xf32, #tpu.memory_space<hbm>>
      tpu.wait_indirect_dma semaphore(%arg14 : memref<!tpu.dma_semaphore, #tpu.memory_space<semaphore_mem>>) src(%dma_wait3A_512 : memref<20000x64xf32, #tpu.memory_space<hbm>>) dst(%dma_wait3A_506 : memref<80x64xf32, #tpu.memory_space<vmem>>)
      %dma_start3A_513 = arith.constant 240 : i32
      %dma_start3A_514 = arith.constant 0 : i32
      %dma_start3A_515 = tpu.memref_slice %arg9[%dma_start3A_513, %dma_start3A_514] : memref<480x64xf32, #tpu.memory_space<vmem>> -> memref<80x64xf32, #tpu.memory_space<vmem>>
      %dma_start3A_516 = arith.constant 0 : i32
      %dma_start3A_517 = tpu.memref_slice %arg8[%add3A_491, %dma_start3A_516] : memref<250x80xi32, #tpu.memory_space<vmem>> -> memref<1x80xi32, #tpu.memory_space<vmem>>
      %dma_start3A_518 = tpu.memref_squeeze %dma_start3A_517 : memref<1x80xi32, #tpu.memory_space<vmem>> -> memref<80xi32, #tpu.memory_space<vmem>>
      %dma_start3A_519 = arith.constant 0 : i32
      %dma_start3A_520 = arith.constant 0 : i32
      %dma_start3A_521 = tpu.memref_slice %arg10[%dma_start3A_519, %dma_start3A_520] : memref<10000x64xf32, #tpu.memory_space<vmem_shared>> -> memref<10000x64xf32, #tpu.memory_space<vmem_shared>>
      tpu.enqueue_indirect_dma source(%dma_start3A_515 : memref<80x64xf32, #tpu.memory_space<vmem>>) target(%dma_start3A_521 : memref<10000x64xf32, #tpu.memory_space<vmem_shared>>) offsets(%dma_start3A_518 : memref<80xi32, #tpu.memory_space<vmem>>) semaphore(%arg20 : memref<!tpu.dma_semaphore, #tpu.memory_space<semaphore_mem>>) {add = true}
      %mul3A_522 = arith.constant 6 : i32
      %mul3A_523 = arith.muli %scan3A_387, %mul3A_522 : i32
      %add3A_524 = arith.constant 4 : i32
      %add3A_525 = arith.addi %mul3A_523, %add3A_524 : i32
      %ge3A_526 = arith.constant 3 : i32
      %ge3A_527 = arith.cmpi sge, %add3A_525, %ge3A_526 : i32
      %convert_element_type3A_528 = arith.extui %ge3A_527 : i1 to i32
      %cond3A_529 = arith.constant 0 : i32
      %cond3A_530 = arith.cmpi ne, %convert_element_type3A_528, %cond3A_529 : i32
      scf.if %cond3A_530 {
        %sub3A = arith.constant 3 : i32
        %sub3A_590 = arith.subi %add3A_525, %sub3A : i32
        %dma_wait3A_591 = arith.constant 80 : i32
        %dma_wait3A_592 = arith.constant 0 : i32
        %dma_wait3A_593 = tpu.memref_slice %arg9[%dma_wait3A_591, %dma_wait3A_592] : memref<480x64xf32, #tpu.memory_space<vmem>> -> memref<80x64xf32, #tpu.memory_space<vmem>>
        %dma_wait3A_594 = arith.constant 0 : i32
        %dma_wait3A_595 = tpu.memref_slice %arg8[%sub3A_590, %dma_wait3A_594] : memref<250x80xi32, #tpu.memory_space<vmem>> -> memref<1x80xi32, #tpu.memory_space<vmem>>
        %dma_wait3A_596 = tpu.memref_squeeze %dma_wait3A_595 : memref<1x80xi32, #tpu.memory_space<vmem>> -> memref<80xi32, #tpu.memory_space<vmem>>
        %dma_wait3A_597 = arith.constant 0 : i32
        %dma_wait3A_598 = arith.constant 0 : i32
        %dma_wait3A_599 = tpu.memref_slice %arg10[%dma_wait3A_597, %dma_wait3A_598] : memref<10000x64xf32, #tpu.memory_space<vmem_shared>> -> memref<10000x64xf32, #tpu.memory_space<vmem_shared>>
        tpu.wait_indirect_dma semaphore(%arg18 : memref<!tpu.dma_semaphore, #tpu.memory_space<semaphore_mem>>) src(%dma_wait3A_593 : memref<80x64xf32, #tpu.memory_space<vmem>>) dst(%dma_wait3A_599 : memref<10000x64xf32, #tpu.memory_space<vmem_shared>>)
      } else {
      }
      %add3A_531 = arith.constant 3 : i32
      %add3A_532 = arith.addi %add3A_525, %add3A_531 : i32
      %lt3A_533 = arith.constant 250 : i32
      %lt3A_534 = arith.cmpi slt, %add3A_532, %lt3A_533 : i32
      %convert_element_type3A_535 = arith.extui %lt3A_534 : i1 to i32
      %cond3A_536 = arith.constant 0 : i32
      %cond3A_537 = arith.cmpi ne, %convert_element_type3A_535, %cond3A_536 : i32
      scf.if %cond3A_537 {
        %add3A_590 = arith.constant 3 : i32
        %add3A_591 = arith.addi %add3A_525, %add3A_590 : i32
        %dma_start3A_592 = arith.constant 80 : i32
        %dma_start3A_593 = arith.constant 0 : i32
        %dma_start3A_594 = tpu.memref_slice %arg9[%dma_start3A_592, %dma_start3A_593] : memref<480x64xf32, #tpu.memory_space<vmem>> -> memref<80x64xf32, #tpu.memory_space<vmem>>
        %dma_start3A_595 = arith.constant 0 : i32
        %dma_start3A_596 = tpu.memref_slice %arg7[%add3A_591, %dma_start3A_595] : memref<250x80xi32, #tpu.memory_space<vmem>> -> memref<1x80xi32, #tpu.memory_space<vmem>>
        %dma_start3A_597 = tpu.memref_squeeze %dma_start3A_596 : memref<1x80xi32, #tpu.memory_space<vmem>> -> memref<80xi32, #tpu.memory_space<vmem>>
        %dma_start3A_598 = arith.constant 0 : i32
        %dma_start3A_599 = arith.constant 0 : i32
        %dma_start3A_600 = tpu.memref_slice %arg2[%dma_start3A_598, %dma_start3A_599] : memref<20000x64xf32, #tpu.memory_space<hbm>> -> memref<20000x64xf32, #tpu.memory_space<hbm>>
        tpu.enqueue_indirect_dma source(%dma_start3A_600 : memref<20000x64xf32, #tpu.memory_space<hbm>>) target(%dma_start3A_594 : memref<80x64xf32, #tpu.memory_space<vmem>>) offsets(%dma_start3A_597 : memref<80xi32, #tpu.memory_space<vmem>>) semaphore(%arg12 : memref<!tpu.dma_semaphore, #tpu.memory_space<semaphore_mem>>)
      } else {
      }
      %dma_wait3A_538 = arith.constant 320 : i32
      %dma_wait3A_539 = arith.constant 0 : i32
      %dma_wait3A_540 = tpu.memref_slice %arg9[%dma_wait3A_538, %dma_wait3A_539] : memref<480x64xf32, #tpu.memory_space<vmem>> -> memref<80x64xf32, #tpu.memory_space<vmem>>
      %dma_wait3A_541 = arith.constant 0 : i32
      %dma_wait3A_542 = tpu.memref_slice %arg7[%add3A_525, %dma_wait3A_541] : memref<250x80xi32, #tpu.memory_space<vmem>> -> memref<1x80xi32, #tpu.memory_space<vmem>>
      %dma_wait3A_543 = tpu.memref_squeeze %dma_wait3A_542 : memref<1x80xi32, #tpu.memory_space<vmem>> -> memref<80xi32, #tpu.memory_space<vmem>>
      %dma_wait3A_544 = arith.constant 0 : i32
      %dma_wait3A_545 = arith.constant 0 : i32
      %dma_wait3A_546 = tpu.memref_slice %arg2[%dma_wait3A_544, %dma_wait3A_545] : memref<20000x64xf32, #tpu.memory_space<hbm>> -> memref<20000x64xf32, #tpu.memory_space<hbm>>
      tpu.wait_indirect_dma semaphore(%arg15 : memref<!tpu.dma_semaphore, #tpu.memory_space<semaphore_mem>>) src(%dma_wait3A_546 : memref<20000x64xf32, #tpu.memory_space<hbm>>) dst(%dma_wait3A_540 : memref<80x64xf32, #tpu.memory_space<vmem>>)
      %dma_start3A_547 = arith.constant 320 : i32
      %dma_start3A_548 = arith.constant 0 : i32
      %dma_start3A_549 = tpu.memref_slice %arg9[%dma_start3A_547, %dma_start3A_548] : memref<480x64xf32, #tpu.memory_space<vmem>> -> memref<80x64xf32, #tpu.memory_space<vmem>>
      %dma_start3A_550 = arith.constant 0 : i32
      %dma_start3A_551 = tpu.memref_slice %arg8[%add3A_525, %dma_start3A_550] : memref<250x80xi32, #tpu.memory_space<vmem>> -> memref<1x80xi32, #tpu.memory_space<vmem>>
      %dma_start3A_552 = tpu.memref_squeeze %dma_start3A_551 : memref<1x80xi32, #tpu.memory_space<vmem>> -> memref<80xi32, #tpu.memory_space<vmem>>
      %dma_start3A_553 = arith.constant 0 : i32
      %dma_start3A_554 = arith.constant 0 : i32
      %dma_start3A_555 = tpu.memref_slice %arg10[%dma_start3A_553, %dma_start3A_554] : memref<10000x64xf32, #tpu.memory_space<vmem_shared>> -> memref<10000x64xf32, #tpu.memory_space<vmem_shared>>
      tpu.enqueue_indirect_dma source(%dma_start3A_549 : memref<80x64xf32, #tpu.memory_space<vmem>>) target(%dma_start3A_555 : memref<10000x64xf32, #tpu.memory_space<vmem_shared>>) offsets(%dma_start3A_552 : memref<80xi32, #tpu.memory_space<vmem>>) semaphore(%arg21 : memref<!tpu.dma_semaphore, #tpu.memory_space<semaphore_mem>>) {add = true}
      %mul3A_556 = arith.constant 6 : i32
      %mul3A_557 = arith.muli %scan3A_387, %mul3A_556 : i32
      %add3A_558 = arith.constant 5 : i32
      %add3A_559 = arith.addi %mul3A_557, %add3A_558 : i32
      %ge3A_560 = arith.constant 3 : i32
      %ge3A_561 = arith.cmpi sge, %add3A_559, %ge3A_560 : i32
      %convert_element_type3A_562 = arith.extui %ge3A_561 : i1 to i32
      %cond3A_563 = arith.constant 0 : i32
      %cond3A_564 = arith.cmpi ne, %convert_element_type3A_562, %cond3A_563 : i32
      scf.if %cond3A_564 {
        %sub3A = arith.constant 3 : i32
        %sub3A_590 = arith.subi %add3A_559, %sub3A : i32
        %dma_wait3A_591 = arith.constant 160 : i32
        %dma_wait3A_592 = arith.constant 0 : i32
        %dma_wait3A_593 = tpu.memref_slice %arg9[%dma_wait3A_591, %dma_wait3A_592] : memref<480x64xf32, #tpu.memory_space<vmem>> -> memref<80x64xf32, #tpu.memory_space<vmem>>
        %dma_wait3A_594 = arith.constant 0 : i32
        %dma_wait3A_595 = tpu.memref_slice %arg8[%sub3A_590, %dma_wait3A_594] : memref<250x80xi32, #tpu.memory_space<vmem>> -> memref<1x80xi32, #tpu.memory_space<vmem>>
        %dma_wait3A_596 = tpu.memref_squeeze %dma_wait3A_595 : memref<1x80xi32, #tpu.memory_space<vmem>> -> memref<80xi32, #tpu.memory_space<vmem>>
        %dma_wait3A_597 = arith.constant 0 : i32
        %dma_wait3A_598 = arith.constant 0 : i32
        %dma_wait3A_599 = tpu.memref_slice %arg10[%dma_wait3A_597, %dma_wait3A_598] : memref<10000x64xf32, #tpu.memory_space<vmem_shared>> -> memref<10000x64xf32, #tpu.memory_space<vmem_shared>>
        tpu.wait_indirect_dma semaphore(%arg19 : memref<!tpu.dma_semaphore, #tpu.memory_space<semaphore_mem>>) src(%dma_wait3A_593 : memref<80x64xf32, #tpu.memory_space<vmem>>) dst(%dma_wait3A_599 : memref<10000x64xf32, #tpu.memory_space<vmem_shared>>)
      } else {
      }
      %add3A_565 = arith.constant 3 : i32
      %add3A_566 = arith.addi %add3A_559, %add3A_565 : i32
      %lt3A_567 = arith.constant 250 : i32
      %lt3A_568 = arith.cmpi slt, %add3A_566, %lt3A_567 : i32
      %convert_element_type3A_569 = arith.extui %lt3A_568 : i1 to i32
      %cond3A_570 = arith.constant 0 : i32
      %cond3A_571 = arith.cmpi ne, %convert_element_type3A_569, %cond3A_570 : i32
      scf.if %cond3A_571 {
        %add3A_590 = arith.constant 3 : i32
        %add3A_591 = arith.addi %add3A_559, %add3A_590 : i32
        %dma_start3A_592 = arith.constant 160 : i32
        %dma_start3A_593 = arith.constant 0 : i32
        %dma_start3A_594 = tpu.memref_slice %arg9[%dma_start3A_592, %dma_start3A_593] : memref<480x64xf32, #tpu.memory_space<vmem>> -> memref<80x64xf32, #tpu.memory_space<vmem>>
        %dma_start3A_595 = arith.constant 0 : i32
        %dma_start3A_596 = tpu.memref_slice %arg7[%add3A_591, %dma_start3A_595] : memref<250x80xi32, #tpu.memory_space<vmem>> -> memref<1x80xi32, #tpu.memory_space<vmem>>
        %dma_start3A_597 = tpu.memref_squeeze %dma_start3A_596 : memref<1x80xi32, #tpu.memory_space<vmem>> -> memref<80xi32, #tpu.memory_space<vmem>>
        %dma_start3A_598 = arith.constant 0 : i32
        %dma_start3A_599 = arith.constant 0 : i32
        %dma_start3A_600 = tpu.memref_slice %arg2[%dma_start3A_598, %dma_start3A_599] : memref<20000x64xf32, #tpu.memory_space<hbm>> -> memref<20000x64xf32, #tpu.memory_space<hbm>>
        tpu.enqueue_indirect_dma source(%dma_start3A_600 : memref<20000x64xf32, #tpu.memory_space<hbm>>) target(%dma_start3A_594 : memref<80x64xf32, #tpu.memory_space<vmem>>) offsets(%dma_start3A_597 : memref<80xi32, #tpu.memory_space<vmem>>) semaphore(%arg13 : memref<!tpu.dma_semaphore, #tpu.memory_space<semaphore_mem>>)
      } else {
      }
      %dma_wait3A_572 = arith.constant 400 : i32
      %dma_wait3A_573 = arith.constant 0 : i32
      %dma_wait3A_574 = tpu.memref_slice %arg9[%dma_wait3A_572, %dma_wait3A_573] : memref<480x64xf32, #tpu.memory_space<vmem>> -> memref<80x64xf32, #tpu.memory_space<vmem>>
      %dma_wait3A_575 = arith.constant 0 : i32
      %dma_wait3A_576 = tpu.memref_slice %arg7[%add3A_559, %dma_wait3A_575] : memref<250x80xi32, #tpu.memory_space<vmem>> -> memref<1x80xi32, #tpu.memory_space<vmem>>
      %dma_wait3A_577 = tpu.memref_squeeze %dma_wait3A_576 : memref<1x80xi32, #tpu.memory_space<vmem>> -> memref<80xi32, #tpu.memory_space<vmem>>
      %dma_wait3A_578 = arith.constant 0 : i32
      %dma_wait3A_579 = arith.constant 0 : i32
      %dma_wait3A_580 = tpu.memref_slice %arg2[%dma_wait3A_578, %dma_wait3A_579] : memref<20000x64xf32, #tpu.memory_space<hbm>> -> memref<20000x64xf32, #tpu.memory_space<hbm>>
      tpu.wait_indirect_dma semaphore(%arg16 : memref<!tpu.dma_semaphore, #tpu.memory_space<semaphore_mem>>) src(%dma_wait3A_580 : memref<20000x64xf32, #tpu.memory_space<hbm>>) dst(%dma_wait3A_574 : memref<80x64xf32, #tpu.memory_space<vmem>>)
      %dma_start3A_581 = arith.constant 400 : i32
      %dma_start3A_582 = arith.constant 0 : i32
      %dma_start3A_583 = tpu.memref_slice %arg9[%dma_start3A_581, %dma_start3A_582] : memref<480x64xf32, #tpu.memory_space<vmem>> -> memref<80x64xf32, #tpu.memory_space<vmem>>
      %dma_start3A_584 = arith.constant 0 : i32
      %dma_start3A_585 = tpu.memref_slice %arg8[%add3A_559, %dma_start3A_584] : memref<250x80xi32, #tpu.memory_space<vmem>> -> memref<1x80xi32, #tpu.memory_space<vmem>>
      %dma_start3A_586 = tpu.memref_squeeze %dma_start3A_585 : memref<1x80xi32, #tpu.memory_space<vmem>> -> memref<80xi32, #tpu.memory_space<vmem>>
      %dma_start3A_587 = arith.constant 0 : i32
      %dma_start3A_588 = arith.constant 0 : i32
      %dma_start3A_589 = tpu.memref_slice %arg10[%dma_start3A_587, %dma_start3A_588] : memref<10000x64xf32, #tpu.memory_space<vmem_shared>> -> memref<10000x64xf32, #tpu.memory_space<vmem_shared>>
      tpu.enqueue_indirect_dma source(%dma_start3A_583 : memref<80x64xf32, #tpu.memory_space<vmem>>) target(%dma_start3A_589 : memref<10000x64xf32, #tpu.memory_space<vmem_shared>>) offsets(%dma_start3A_586 : memref<80xi32, #tpu.memory_space<vmem>>) semaphore(%arg22 : memref<!tpu.dma_semaphore, #tpu.memory_space<semaphore_mem>>) {add = true}
    }
    %scan3A_76 = arith.constant 41 : i32
    %dma_wait3A_77 = arith.constant 243 : i32
    %dma_wait3A_78 = arith.constant 240 : i32
    %dma_wait3A_79 = arith.constant 0 : i32
    %dma_wait3A_80 = tpu.memref_slice %arg9[%dma_wait3A_78, %dma_wait3A_79] : memref<480x64xf32, #tpu.memory_space<vmem>> -> memref<80x64xf32, #tpu.memory_space<vmem>>
    %dma_wait3A_81 = arith.constant 0 : i32
    %dma_wait3A_82 = tpu.memref_slice %arg8[%dma_wait3A_77, %dma_wait3A_81] : memref<250x80xi32, #tpu.memory_space<vmem>> -> memref<1x80xi32, #tpu.memory_space<vmem>>
    %dma_wait3A_83 = tpu.memref_squeeze %dma_wait3A_82 : memref<1x80xi32, #tpu.memory_space<vmem>> -> memref<80xi32, #tpu.memory_space<vmem>>
    %dma_wait3A_84 = arith.constant 0 : i32
    %dma_wait3A_85 = arith.constant 0 : i32
    %dma_wait3A_86 = tpu.memref_slice %arg10[%dma_wait3A_84, %dma_wait3A_85] : memref<10000x64xf32, #tpu.memory_space<vmem_shared>> -> memref<10000x64xf32, #tpu.memory_space<vmem_shared>>
    tpu.wait_indirect_dma semaphore(%arg20 : memref<!tpu.dma_semaphore, #tpu.memory_space<semaphore_mem>>) src(%dma_wait3A_80 : memref<80x64xf32, #tpu.memory_space<vmem>>) dst(%dma_wait3A_86 : memref<10000x64xf32, #tpu.memory_space<vmem_shared>>)
    %dma_start3A_87 = arith.constant 249 : i32
    %dma_start3A_88 = arith.constant 240 : i32
    %dma_start3A_89 = arith.constant 0 : i32
    %dma_start3A_90 = tpu.memref_slice %arg9[%dma_start3A_88, %dma_start3A_89] : memref<480x64xf32, #tpu.memory_space<vmem>> -> memref<80x64xf32, #tpu.memory_space<vmem>>
    %dma_start3A_91 = arith.constant 0 : i32
    %dma_start3A_92 = tpu.memref_slice %arg7[%dma_start3A_87, %dma_start3A_91] : memref<250x80xi32, #tpu.memory_space<vmem>> -> memref<1x80xi32, #tpu.memory_space<vmem>>
    %dma_start3A_93 = tpu.memref_squeeze %dma_start3A_92 : memref<1x80xi32, #tpu.memory_space<vmem>> -> memref<80xi32, #tpu.memory_space<vmem>>
    %dma_start3A_94 = arith.constant 0 : i32
    %dma_start3A_95 = arith.constant 0 : i32
    %dma_start3A_96 = tpu.memref_slice %arg2[%dma_start3A_94, %dma_start3A_95] : memref<20000x64xf32, #tpu.memory_space<hbm>> -> memref<20000x64xf32, #tpu.memory_space<hbm>>
    tpu.enqueue_indirect_dma source(%dma_start3A_96 : memref<20000x64xf32, #tpu.memory_space<hbm>>) target(%dma_start3A_90 : memref<80x64xf32, #tpu.memory_space<vmem>>) offsets(%dma_start3A_93 : memref<80xi32, #tpu.memory_space<vmem>>) semaphore(%arg14 : memref<!tpu.dma_semaphore, #tpu.memory_space<semaphore_mem>>)
    %dma_wait3A_97 = arith.constant 246 : i32
    %dma_wait3A_98 = arith.constant 0 : i32
    %dma_wait3A_99 = arith.constant 0 : i32
    %dma_wait3A_100 = tpu.memref_slice %arg9[%dma_wait3A_98, %dma_wait3A_99] : memref<480x64xf32, #tpu.memory_space<vmem>> -> memref<80x64xf32, #tpu.memory_space<vmem>>
    %dma_wait3A_101 = arith.constant 0 : i32
    %dma_wait3A_102 = tpu.memref_slice %arg7[%dma_wait3A_97, %dma_wait3A_101] : memref<250x80xi32, #tpu.memory_space<vmem>> -> memref<1x80xi32, #tpu.memory_space<vmem>>
    %dma_wait3A_103 = tpu.memref_squeeze %dma_wait3A_102 : memref<1x80xi32, #tpu.memory_space<vmem>> -> memref<80xi32, #tpu.memory_space<vmem>>
    %dma_wait3A_104 = arith.constant 0 : i32
    %dma_wait3A_105 = arith.constant 0 : i32
    %dma_wait3A_106 = tpu.memref_slice %arg2[%dma_wait3A_104, %dma_wait3A_105] : memref<20000x64xf32, #tpu.memory_space<hbm>> -> memref<20000x64xf32, #tpu.memory_space<hbm>>
    tpu.wait_indirect_dma semaphore(%arg11 : memref<!tpu.dma_semaphore, #tpu.memory_space<semaphore_mem>>) src(%dma_wait3A_106 : memref<20000x64xf32, #tpu.memory_space<hbm>>) dst(%dma_wait3A_100 : memref<80x64xf32, #tpu.memory_space<vmem>>)
    %dma_start3A_107 = arith.constant 246 : i32
    %dma_start3A_108 = arith.constant 0 : i32
    %dma_start3A_109 = arith.constant 0 : i32
    %dma_start3A_110 = tpu.memref_slice %arg9[%dma_start3A_108, %dma_start3A_109] : memref<480x64xf32, #tpu.memory_space<vmem>> -> memref<80x64xf32, #tpu.memory_space<vmem>>
    %dma_start3A_111 = arith.constant 0 : i32
    %dma_start3A_112 = tpu.memref_slice %arg8[%dma_start3A_107, %dma_start3A_111] : memref<250x80xi32, #tpu.memory_space<vmem>> -> memref<1x80xi32, #tpu.memory_space<vmem>>
    %dma_start3A_113 = tpu.memref_squeeze %dma_start3A_112 : memref<1x80xi32, #tpu.memory_space<vmem>> -> memref<80xi32, #tpu.memory_space<vmem>>
    %dma_start3A_114 = arith.constant 0 : i32
    %dma_start3A_115 = arith.constant 0 : i32
    %dma_start3A_116 = tpu.memref_slice %arg10[%dma_start3A_114, %dma_start3A_115] : memref<10000x64xf32, #tpu.memory_space<vmem_shared>> -> memref<10000x64xf32, #tpu.memory_space<vmem_shared>>
    tpu.enqueue_indirect_dma source(%dma_start3A_110 : memref<80x64xf32, #tpu.memory_space<vmem>>) target(%dma_start3A_116 : memref<10000x64xf32, #tpu.memory_space<vmem_shared>>) offsets(%dma_start3A_113 : memref<80xi32, #tpu.memory_space<vmem>>) semaphore(%arg17 : memref<!tpu.dma_semaphore, #tpu.memory_space<semaphore_mem>>) {add = true}
    %dma_wait3A_117 = arith.constant 244 : i32
    %dma_wait3A_118 = arith.constant 320 : i32
    %dma_wait3A_119 = arith.constant 0 : i32
    %dma_wait3A_120 = tpu.memref_slice %arg9[%dma_wait3A_118, %dma_wait3A_119] : memref<480x64xf32, #tpu.memory_space<vmem>> -> memref<80x64xf32, #tpu.memory_space<vmem>>
    %dma_wait3A_121 = arith.constant 0 : i32
    %dma_wait3A_122 = tpu.memref_slice %arg8[%dma_wait3A_117, %dma_wait3A_121] : memref<250x80xi32, #tpu.memory_space<vmem>> -> memref<1x80xi32, #tpu.memory_space<vmem>>
    %dma_wait3A_123 = tpu.memref_squeeze %dma_wait3A_122 : memref<1x80xi32, #tpu.memory_space<vmem>> -> memref<80xi32, #tpu.memory_space<vmem>>
    %dma_wait3A_124 = arith.constant 0 : i32
    %dma_wait3A_125 = arith.constant 0 : i32
    %dma_wait3A_126 = tpu.memref_slice %arg10[%dma_wait3A_124, %dma_wait3A_125] : memref<10000x64xf32, #tpu.memory_space<vmem_shared>> -> memref<10000x64xf32, #tpu.memory_space<vmem_shared>>
    tpu.wait_indirect_dma semaphore(%arg21 : memref<!tpu.dma_semaphore, #tpu.memory_space<semaphore_mem>>) src(%dma_wait3A_120 : memref<80x64xf32, #tpu.memory_space<vmem>>) dst(%dma_wait3A_126 : memref<10000x64xf32, #tpu.memory_space<vmem_shared>>)
    %dma_wait3A_127 = arith.constant 247 : i32
    %dma_wait3A_128 = arith.constant 80 : i32
    %dma_wait3A_129 = arith.constant 0 : i32
    %dma_wait3A_130 = tpu.memref_slice %arg9[%dma_wait3A_128, %dma_wait3A_129] : memref<480x64xf32, #tpu.memory_space<vmem>> -> memref<80x64xf32, #tpu.memory_space<vmem>>
    %dma_wait3A_131 = arith.constant 0 : i32
    %dma_wait3A_132 = tpu.memref_slice %arg7[%dma_wait3A_127, %dma_wait3A_131] : memref<250x80xi32, #tpu.memory_space<vmem>> -> memref<1x80xi32, #tpu.memory_space<vmem>>
    %dma_wait3A_133 = tpu.memref_squeeze %dma_wait3A_132 : memref<1x80xi32, #tpu.memory_space<vmem>> -> memref<80xi32, #tpu.memory_space<vmem>>
    %dma_wait3A_134 = arith.constant 0 : i32
    %dma_wait3A_135 = arith.constant 0 : i32
    %dma_wait3A_136 = tpu.memref_slice %arg2[%dma_wait3A_134, %dma_wait3A_135] : memref<20000x64xf32, #tpu.memory_space<hbm>> -> memref<20000x64xf32, #tpu.memory_space<hbm>>
    tpu.wait_indirect_dma semaphore(%arg12 : memref<!tpu.dma_semaphore, #tpu.memory_space<semaphore_mem>>) src(%dma_wait3A_136 : memref<20000x64xf32, #tpu.memory_space<hbm>>) dst(%dma_wait3A_130 : memref<80x64xf32, #tpu.memory_space<vmem>>)
    %dma_start3A_137 = arith.constant 247 : i32
    %dma_start3A_138 = arith.constant 80 : i32
    %dma_start3A_139 = arith.constant 0 : i32
    %dma_start3A_140 = tpu.memref_slice %arg9[%dma_start3A_138, %dma_start3A_139] : memref<480x64xf32, #tpu.memory_space<vmem>> -> memref<80x64xf32, #tpu.memory_space<vmem>>
    %dma_start3A_141 = arith.constant 0 : i32
    %dma_start3A_142 = tpu.memref_slice %arg8[%dma_start3A_137, %dma_start3A_141] : memref<250x80xi32, #tpu.memory_space<vmem>> -> memref<1x80xi32, #tpu.memory_space<vmem>>
    %dma_start3A_143 = tpu.memref_squeeze %dma_start3A_142 : memref<1x80xi32, #tpu.memory_space<vmem>> -> memref<80xi32, #tpu.memory_space<vmem>>
    %dma_start3A_144 = arith.constant 0 : i32
    %dma_start3A_145 = arith.constant 0 : i32
    %dma_start3A_146 = tpu.memref_slice %arg10[%dma_start3A_144, %dma_start3A_145] : memref<10000x64xf32, #tpu.memory_space<vmem_shared>> -> memref<10000x64xf32, #tpu.memory_space<vmem_shared>>
    tpu.enqueue_indirect_dma source(%dma_start3A_140 : memref<80x64xf32, #tpu.memory_space<vmem>>) target(%dma_start3A_146 : memref<10000x64xf32, #tpu.memory_space<vmem_shared>>) offsets(%dma_start3A_143 : memref<80xi32, #tpu.memory_space<vmem>>) semaphore(%arg18 : memref<!tpu.dma_semaphore, #tpu.memory_space<semaphore_mem>>) {add = true}
    %dma_wait3A_147 = arith.constant 245 : i32
    %dma_wait3A_148 = arith.constant 400 : i32
    %dma_wait3A_149 = arith.constant 0 : i32
    %dma_wait3A_150 = tpu.memref_slice %arg9[%dma_wait3A_148, %dma_wait3A_149] : memref<480x64xf32, #tpu.memory_space<vmem>> -> memref<80x64xf32, #tpu.memory_space<vmem>>
    %dma_wait3A_151 = arith.constant 0 : i32
    %dma_wait3A_152 = tpu.memref_slice %arg8[%dma_wait3A_147, %dma_wait3A_151] : memref<250x80xi32, #tpu.memory_space<vmem>> -> memref<1x80xi32, #tpu.memory_space<vmem>>
    %dma_wait3A_153 = tpu.memref_squeeze %dma_wait3A_152 : memref<1x80xi32, #tpu.memory_space<vmem>> -> memref<80xi32, #tpu.memory_space<vmem>>
    %dma_wait3A_154 = arith.constant 0 : i32
    %dma_wait3A_155 = arith.constant 0 : i32
    %dma_wait3A_156 = tpu.memref_slice %arg10[%dma_wait3A_154, %dma_wait3A_155] : memref<10000x64xf32, #tpu.memory_space<vmem_shared>> -> memref<10000x64xf32, #tpu.memory_space<vmem_shared>>
    tpu.wait_indirect_dma semaphore(%arg22 : memref<!tpu.dma_semaphore, #tpu.memory_space<semaphore_mem>>) src(%dma_wait3A_150 : memref<80x64xf32, #tpu.memory_space<vmem>>) dst(%dma_wait3A_156 : memref<10000x64xf32, #tpu.memory_space<vmem_shared>>)
    %dma_wait3A_157 = arith.constant 248 : i32
    %dma_wait3A_158 = arith.constant 160 : i32
    %dma_wait3A_159 = arith.constant 0 : i32
    %dma_wait3A_160 = tpu.memref_slice %arg9[%dma_wait3A_158, %dma_wait3A_159] : memref<480x64xf32, #tpu.memory_space<vmem>> -> memref<80x64xf32, #tpu.memory_space<vmem>>
    %dma_wait3A_161 = arith.constant 0 : i32
    %dma_wait3A_162 = tpu.memref_slice %arg7[%dma_wait3A_157, %dma_wait3A_161] : memref<250x80xi32, #tpu.memory_space<vmem>> -> memref<1x80xi32, #tpu.memory_space<vmem>>
    %dma_wait3A_163 = tpu.memref_squeeze %dma_wait3A_162 : memref<1x80xi32, #tpu.memory_space<vmem>> -> memref<80xi32, #tpu.memory_space<vmem>>
    %dma_wait3A_164 = arith.constant 0 : i32
    %dma_wait3A_165 = arith.constant 0 : i32
    %dma_wait3A_166 = tpu.memref_slice %arg2[%dma_wait3A_164, %dma_wait3A_165] : memref<20000x64xf32, #tpu.memory_space<hbm>> -> memref<20000x64xf32, #tpu.memory_space<hbm>>
    tpu.wait_indirect_dma semaphore(%arg13 : memref<!tpu.dma_semaphore, #tpu.memory_space<semaphore_mem>>) src(%dma_wait3A_166 : memref<20000x64xf32, #tpu.memory_space<hbm>>) dst(%dma_wait3A_160 : memref<80x64xf32, #tpu.memory_space<vmem>>)
    %dma_start3A_167 = arith.constant 248 : i32
    %dma_start3A_168 = arith.constant 160 : i32
    %dma_start3A_169 = arith.constant 0 : i32
    %dma_start3A_170 = tpu.memref_slice %arg9[%dma_start3A_168, %dma_start3A_169] : memref<480x64xf32, #tpu.memory_space<vmem>> -> memref<80x64xf32, #tpu.memory_space<vmem>>
    %dma_start3A_171 = arith.constant 0 : i32
    %dma_start3A_172 = tpu.memref_slice %arg8[%dma_start3A_167, %dma_start3A_171] : memref<250x80xi32, #tpu.memory_space<vmem>> -> memref<1x80xi32, #tpu.memory_space<vmem>>
    %dma_start3A_173 = tpu.memref_squeeze %dma_start3A_172 : memref<1x80xi32, #tpu.memory_space<vmem>> -> memref<80xi32, #tpu.memory_space<vmem>>
    %dma_start3A_174 = arith.constant 0 : i32
    %dma_start3A_175 = arith.constant 0 : i32
    %dma_start3A_176 = tpu.memref_slice %arg10[%dma_start3A_174, %dma_start3A_175] : memref<10000x64xf32, #tpu.memory_space<vmem_shared>> -> memref<10000x64xf32, #tpu.memory_space<vmem_shared>>
    tpu.enqueue_indirect_dma source(%dma_start3A_170 : memref<80x64xf32, #tpu.memory_space<vmem>>) target(%dma_start3A_176 : memref<10000x64xf32, #tpu.memory_space<vmem_shared>>) offsets(%dma_start3A_173 : memref<80xi32, #tpu.memory_space<vmem>>) semaphore(%arg19 : memref<!tpu.dma_semaphore, #tpu.memory_space<semaphore_mem>>) {add = true}
    %dma_wait3A_177 = arith.constant 246 : i32
    %dma_wait3A_178 = arith.constant 0 : i32
    %dma_wait3A_179 = arith.constant 0 : i32
    %dma_wait3A_180 = tpu.memref_slice %arg9[%dma_wait3A_178, %dma_wait3A_179] : memref<480x64xf32, #tpu.memory_space<vmem>> -> memref<80x64xf32, #tpu.memory_space<vmem>>
    %dma_wait3A_181 = arith.constant 0 : i32
    %dma_wait3A_182 = tpu.memref_slice %arg8[%dma_wait3A_177, %dma_wait3A_181] : memref<250x80xi32, #tpu.memory_space<vmem>> -> memref<1x80xi32, #tpu.memory_space<vmem>>
    %dma_wait3A_183 = tpu.memref_squeeze %dma_wait3A_182 : memref<1x80xi32, #tpu.memory_space<vmem>> -> memref<80xi32, #tpu.memory_space<vmem>>
    %dma_wait3A_184 = arith.constant 0 : i32
    %dma_wait3A_185 = arith.constant 0 : i32
    %dma_wait3A_186 = tpu.memref_slice %arg10[%dma_wait3A_184, %dma_wait3A_185] : memref<10000x64xf32, #tpu.memory_space<vmem_shared>> -> memref<10000x64xf32, #tpu.memory_space<vmem_shared>>
    tpu.wait_indirect_dma semaphore(%arg17 : memref<!tpu.dma_semaphore, #tpu.memory_space<semaphore_mem>>) src(%dma_wait3A_180 : memref<80x64xf32, #tpu.memory_space<vmem>>) dst(%dma_wait3A_186 : memref<10000x64xf32, #tpu.memory_space<vmem_shared>>)
    %dma_wait3A_187 = arith.constant 249 : i32
    %dma_wait3A_188 = arith.constant 240 : i32
    %dma_wait3A_189 = arith.constant 0 : i32
    %dma_wait3A_190 = tpu.memref_slice %arg9[%dma_wait3A_188, %dma_wait3A_189] : memref<480x64xf32, #tpu.memory_space<vmem>> -> memref<80x64xf32, #tpu.memory_space<vmem>>
    %dma_wait3A_191 = arith.constant 0 : i32
    %dma_wait3A_192 = tpu.memref_slice %arg7[%dma_wait3A_187, %dma_wait3A_191] : memref<250x80xi32, #tpu.memory_space<vmem>> -> memref<1x80xi32, #tpu.memory_space<vmem>>
    %dma_wait3A_193 = tpu.memref_squeeze %dma_wait3A_192 : memref<1x80xi32, #tpu.memory_space<vmem>> -> memref<80xi32, #tpu.memory_space<vmem>>
    %dma_wait3A_194 = arith.constant 0 : i32
    %dma_wait3A_195 = arith.constant 0 : i32
    %dma_wait3A_196 = tpu.memref_slice %arg2[%dma_wait3A_194, %dma_wait3A_195] : memref<20000x64xf32, #tpu.memory_space<hbm>> -> memref<20000x64xf32, #tpu.memory_space<hbm>>
    tpu.wait_indirect_dma semaphore(%arg14 : memref<!tpu.dma_semaphore, #tpu.memory_space<semaphore_mem>>) src(%dma_wait3A_196 : memref<20000x64xf32, #tpu.memory_space<hbm>>) dst(%dma_wait3A_190 : memref<80x64xf32, #tpu.memory_space<vmem>>)
    %dma_start3A_197 = arith.constant 249 : i32
    %dma_start3A_198 = arith.constant 240 : i32
    %dma_start3A_199 = arith.constant 0 : i32
    %dma_start3A_200 = tpu.memref_slice %arg9[%dma_start3A_198, %dma_start3A_199] : memref<480x64xf32, #tpu.memory_space<vmem>> -> memref<80x64xf32, #tpu.memory_space<vmem>>
    %dma_start3A_201 = arith.constant 0 : i32
    %dma_start3A_202 = tpu.memref_slice %arg8[%dma_start3A_197, %dma_start3A_201] : memref<250x80xi32, #tpu.memory_space<vmem>> -> memref<1x80xi32, #tpu.memory_space<vmem>>
    %dma_start3A_203 = tpu.memref_squeeze %dma_start3A_202 : memref<1x80xi32, #tpu.memory_space<vmem>> -> memref<80xi32, #tpu.memory_space<vmem>>
    %dma_start3A_204 = arith.constant 0 : i32
    %dma_start3A_205 = arith.constant 0 : i32
    %dma_start3A_206 = tpu.memref_slice %arg10[%dma_start3A_204, %dma_start3A_205] : memref<10000x64xf32, #tpu.memory_space<vmem_shared>> -> memref<10000x64xf32, #tpu.memory_space<vmem_shared>>
    tpu.enqueue_indirect_dma source(%dma_start3A_200 : memref<80x64xf32, #tpu.memory_space<vmem>>) target(%dma_start3A_206 : memref<10000x64xf32, #tpu.memory_space<vmem_shared>>) offsets(%dma_start3A_203 : memref<80xi32, #tpu.memory_space<vmem>>) semaphore(%arg20 : memref<!tpu.dma_semaphore, #tpu.memory_space<semaphore_mem>>) {add = true}
    %dma_wait3A_207 = arith.constant 247 : i32
    %dma_wait3A_208 = arith.constant 80 : i32
    %dma_wait3A_209 = arith.constant 0 : i32
    %dma_wait3A_210 = tpu.memref_slice %arg9[%dma_wait3A_208, %dma_wait3A_209] : memref<480x64xf32, #tpu.memory_space<vmem>> -> memref<80x64xf32, #tpu.memory_space<vmem>>
    %dma_wait3A_211 = arith.constant 0 : i32
    %dma_wait3A_212 = tpu.memref_slice %arg8[%dma_wait3A_207, %dma_wait3A_211] : memref<250x80xi32, #tpu.memory_space<vmem>> -> memref<1x80xi32, #tpu.memory_space<vmem>>
    %dma_wait3A_213 = tpu.memref_squeeze %dma_wait3A_212 : memref<1x80xi32, #tpu.memory_space<vmem>> -> memref<80xi32, #tpu.memory_space<vmem>>
    %dma_wait3A_214 = arith.constant 0 : i32
    %dma_wait3A_215 = arith.constant 0 : i32
    %dma_wait3A_216 = tpu.memref_slice %arg10[%dma_wait3A_214, %dma_wait3A_215] : memref<10000x64xf32, #tpu.memory_space<vmem_shared>> -> memref<10000x64xf32, #tpu.memory_space<vmem_shared>>
    tpu.wait_indirect_dma semaphore(%arg18 : memref<!tpu.dma_semaphore, #tpu.memory_space<semaphore_mem>>) src(%dma_wait3A_210 : memref<80x64xf32, #tpu.memory_space<vmem>>) dst(%dma_wait3A_216 : memref<10000x64xf32, #tpu.memory_space<vmem_shared>>)
    %dma_wait3A_217 = arith.constant 248 : i32
    %dma_wait3A_218 = arith.constant 160 : i32
    %dma_wait3A_219 = arith.constant 0 : i32
    %dma_wait3A_220 = tpu.memref_slice %arg9[%dma_wait3A_218, %dma_wait3A_219] : memref<480x64xf32, #tpu.memory_space<vmem>> -> memref<80x64xf32, #tpu.memory_space<vmem>>
    %dma_wait3A_221 = arith.constant 0 : i32
    %dma_wait3A_222 = tpu.memref_slice %arg8[%dma_wait3A_217, %dma_wait3A_221] : memref<250x80xi32, #tpu.memory_space<vmem>> -> memref<1x80xi32, #tpu.memory_space<vmem>>
    %dma_wait3A_223 = tpu.memref_squeeze %dma_wait3A_222 : memref<1x80xi32, #tpu.memory_space<vmem>> -> memref<80xi32, #tpu.memory_space<vmem>>
    %dma_wait3A_224 = arith.constant 0 : i32
    %dma_wait3A_225 = arith.constant 0 : i32
    %dma_wait3A_226 = tpu.memref_slice %arg10[%dma_wait3A_224, %dma_wait3A_225] : memref<10000x64xf32, #tpu.memory_space<vmem_shared>> -> memref<10000x64xf32, #tpu.memory_space<vmem_shared>>
    tpu.wait_indirect_dma semaphore(%arg19 : memref<!tpu.dma_semaphore, #tpu.memory_space<semaphore_mem>>) src(%dma_wait3A_220 : memref<80x64xf32, #tpu.memory_space<vmem>>) dst(%dma_wait3A_226 : memref<10000x64xf32, #tpu.memory_space<vmem_shared>>)
    %dma_wait3A_227 = arith.constant 249 : i32
    %dma_wait3A_228 = arith.constant 240 : i32
    %dma_wait3A_229 = arith.constant 0 : i32
    %dma_wait3A_230 = tpu.memref_slice %arg9[%dma_wait3A_228, %dma_wait3A_229] : memref<480x64xf32, #tpu.memory_space<vmem>> -> memref<80x64xf32, #tpu.memory_space<vmem>>
    %dma_wait3A_231 = arith.constant 0 : i32
    %dma_wait3A_232 = tpu.memref_slice %arg8[%dma_wait3A_227, %dma_wait3A_231] : memref<250x80xi32, #tpu.memory_space<vmem>> -> memref<1x80xi32, #tpu.memory_space<vmem>>
    %dma_wait3A_233 = tpu.memref_squeeze %dma_wait3A_232 : memref<1x80xi32, #tpu.memory_space<vmem>> -> memref<80xi32, #tpu.memory_space<vmem>>
    %dma_wait3A_234 = arith.constant 0 : i32
    %dma_wait3A_235 = arith.constant 0 : i32
    %dma_wait3A_236 = tpu.memref_slice %arg10[%dma_wait3A_234, %dma_wait3A_235] : memref<10000x64xf32, #tpu.memory_space<vmem_shared>> -> memref<10000x64xf32, #tpu.memory_space<vmem_shared>>
    tpu.wait_indirect_dma semaphore(%arg20 : memref<!tpu.dma_semaphore, #tpu.memory_space<semaphore_mem>>) src(%dma_wait3A_230 : memref<80x64xf32, #tpu.memory_space<vmem>>) dst(%dma_wait3A_236 : memref<10000x64xf32, #tpu.memory_space<vmem_shared>>)
    %barrier3A_237 = arith.constant 0 : index
    tpu.barrier barrier_id(%barrier3A_237)
    %mul3A_238 = arith.constant 624 : i32
    %mul3A_239 = arith.muli %arg1, %mul3A_238 : i32
    %add3A_240 = arith.constant 0 : i32
    %add3A_241 = arith.addi %mul3A_239, %add3A_240 : i32
    "tpu.region"() ({
      %run_scoped3A = tpu.sem_alloc : memref<!tpu.dma_semaphore, #tpu.memory_space<semaphore_mem>>
      %dma_start3A_387 = arith.constant 0 : i32
      %dma_start3A_388 = arith.constant 0 : i32
      %dma_start3A_389 = tpu.memref_slice %arg9[%dma_start3A_387, %dma_start3A_388] : memref<480x64xf32, #tpu.memory_space<vmem>> -> memref<208x64xf32, #tpu.memory_space<vmem>>
      %dma_start3A_390 = arith.constant 0 : i32
      %dma_start3A_391 = tpu.memref_slice %arg10[%add3A_241, %dma_start3A_390] : memref<10000x64xf32, #tpu.memory_space<vmem_shared>> -> memref<208x64xf32, #tpu.memory_space<vmem_shared>>
      %dma_start3A_392 = arith.constant 0 : i32
      %dma_start3A_393 = arith.constant 0 : i32
      %dma_start3A_394 = tpu.memref_slice %arg9[%dma_start3A_392, %dma_start3A_393] : memref<480x64xf32, #tpu.memory_space<vmem>> -> memref<208x64xf32, #tpu.memory_space<vmem>>
      %dma_start3A_395 = arith.constant 0 : i32
      %dma_start3A_396 = tpu.memref_slice %arg10[%add3A_241, %dma_start3A_395] : memref<10000x64xf32, #tpu.memory_space<vmem_shared>> -> memref<208x64xf32, #tpu.memory_space<vmem_shared>>
      tpu.enqueue_dma source(%dma_start3A_396 : memref<208x64xf32, #tpu.memory_space<vmem_shared>>) target(%dma_start3A_394 : memref<208x64xf32, #tpu.memory_space<vmem>>) target_semaphore(%run_scoped3A : memref<!tpu.dma_semaphore, #tpu.memory_space<semaphore_mem>>)
      %dma_wait3A_397 = arith.constant 0 : i32
      %dma_wait3A_398 = arith.constant 0 : i32
      %dma_wait3A_399 = tpu.memref_slice %arg9[%dma_wait3A_397, %dma_wait3A_398] : memref<480x64xf32, #tpu.memory_space<vmem>> -> memref<208x64xf32, #tpu.memory_space<vmem>>
      %dma_wait3A_400 = arith.constant 0 : i32
      %dma_wait3A_401 = tpu.memref_slice %arg10[%add3A_241, %dma_wait3A_400] : memref<10000x64xf32, #tpu.memory_space<vmem_shared>> -> memref<208x64xf32, #tpu.memory_space<vmem_shared>>
      %dma_wait3A_402 = arith.constant 0 : i32
      %dma_wait3A_403 = arith.constant 0 : i32
      %dma_wait3A_404 = tpu.memref_slice %arg9[%dma_wait3A_402, %dma_wait3A_403] : memref<480x64xf32, #tpu.memory_space<vmem>> -> memref<208x64xf32, #tpu.memory_space<vmem>>
      %dma_wait3A_405 = arith.constant 0 : i32
      %dma_wait3A_406 = tpu.memref_slice %arg10[%add3A_241, %dma_wait3A_405] : memref<10000x64xf32, #tpu.memory_space<vmem_shared>> -> memref<208x64xf32, #tpu.memory_space<vmem_shared>>
      tpu.wait_dma2 semaphore(%run_scoped3A : memref<!tpu.dma_semaphore, #tpu.memory_space<semaphore_mem>>) src(%dma_wait3A_406 : memref<208x64xf32, #tpu.memory_space<vmem_shared>>) dst(%dma_wait3A_404 : memref<208x64xf32, #tpu.memory_space<vmem>>)
      tpu.yield
    }) : () -> ()
    %mul3A_242 = arith.constant 624 : i32
    %mul3A_243 = arith.muli %arg1, %mul3A_242 : i32
    %add3A_244 = arith.constant 0 : i32
    %add3A_245 = arith.addi %mul3A_243, %add3A_244 : i32
    %dma_start3A_246 = arith.constant 0 : i32
    %dma_start3A_247 = arith.constant 0 : i32
    %dma_start3A_248 = tpu.memref_slice %arg9[%dma_start3A_246, %dma_start3A_247] : memref<480x64xf32, #tpu.memory_space<vmem>> -> memref<208x64xf32, #tpu.memory_space<vmem>>
    %dma_start3A_249 = arith.constant 0 : i32
    %dma_start3A_250 = arith.constant 0 : i32
    %dma_start3A_251 = tpu.memref_slice %arg6[%arg0, %dma_start3A_249, %dma_start3A_250] : memref<2x10000x128xf32, #tpu.memory_space<hbm>> -> memref<1x10000x128xf32, #tpu.memory_space<hbm>>
    %dma_start3A_252 = tpu.memref_squeeze %dma_start3A_251 : memref<1x10000x128xf32, #tpu.memory_space<hbm>> -> memref<10000x128xf32, #tpu.memory_space<hbm>>
    %dma_start3A_253 = arith.constant 0 : i32
    %dma_start3A_254 = tpu.memref_slice %dma_start3A_252[%add3A_245, %dma_start3A_253] : memref<10000x128xf32, #tpu.memory_space<hbm>> -> memref<208x64xf32, #tpu.memory_space<hbm>>
    %dma_start3A_255 = arith.constant 0 : i32
    %dma_start3A_256 = arith.constant 0 : i32
    %dma_start3A_257 = tpu.memref_slice %arg6[%arg0, %dma_start3A_255, %dma_start3A_256] : memref<2x10000x128xf32, #tpu.memory_space<hbm>> -> memref<1x10000x128xf32, #tpu.memory_space<hbm>>
    %dma_start3A_258 = tpu.memref_squeeze %dma_start3A_257 : memref<1x10000x128xf32, #tpu.memory_space<hbm>> -> memref<10000x128xf32, #tpu.memory_space<hbm>>
    %dma_start3A_259 = arith.constant 0 : i32
    %dma_start3A_260 = tpu.memref_slice %dma_start3A_258[%add3A_245, %dma_start3A_259] : memref<10000x128xf32, #tpu.memory_space<hbm>> -> memref<208x64xf32, #tpu.memory_space<hbm>>
    %dma_start3A_261 = arith.constant 0 : i32
    %dma_start3A_262 = arith.constant 0 : i32
    %dma_start3A_263 = tpu.memref_slice %arg9[%dma_start3A_261, %dma_start3A_262] : memref<480x64xf32, #tpu.memory_space<vmem>> -> memref<208x64xf32, #tpu.memory_space<vmem>>
    tpu.enqueue_dma source(%dma_start3A_263 : memref<208x64xf32, #tpu.memory_space<vmem>>) target(%dma_start3A_260 : memref<208x64xf32, #tpu.memory_space<hbm>>) target_semaphore(%arg17 : memref<!tpu.dma_semaphore, #tpu.memory_space<semaphore_mem>>)
    %mul3A_264 = arith.constant 624 : i32
    %mul3A_265 = arith.muli %arg1, %mul3A_264 : i32
    %add3A_266 = arith.constant 208 : i32
    %add3A_267 = arith.addi %mul3A_265, %add3A_266 : i32
    "tpu.region"() ({
      %run_scoped3A = tpu.sem_alloc : memref<!tpu.dma_semaphore, #tpu.memory_space<semaphore_mem>>
      %dma_start3A_387 = arith.constant 208 : i32
      %dma_start3A_388 = arith.constant 0 : i32
      %dma_start3A_389 = tpu.memref_slice %arg9[%dma_start3A_387, %dma_start3A_388] : memref<480x64xf32, #tpu.memory_space<vmem>> -> memref<208x64xf32, #tpu.memory_space<vmem>>
      %dma_start3A_390 = arith.constant 0 : i32
      %dma_start3A_391 = tpu.memref_slice %arg10[%add3A_267, %dma_start3A_390] : memref<10000x64xf32, #tpu.memory_space<vmem_shared>> -> memref<208x64xf32, #tpu.memory_space<vmem_shared>>
      %dma_start3A_392 = arith.constant 208 : i32
      %dma_start3A_393 = arith.constant 0 : i32
      %dma_start3A_394 = tpu.memref_slice %arg9[%dma_start3A_392, %dma_start3A_393] : memref<480x64xf32, #tpu.memory_space<vmem>> -> memref<208x64xf32, #tpu.memory_space<vmem>>
      %dma_start3A_395 = arith.constant 0 : i32
      %dma_start3A_396 = tpu.memref_slice %arg10[%add3A_267, %dma_start3A_395] : memref<10000x64xf32, #tpu.memory_space<vmem_shared>> -> memref<208x64xf32, #tpu.memory_space<vmem_shared>>
      tpu.enqueue_dma source(%dma_start3A_396 : memref<208x64xf32, #tpu.memory_space<vmem_shared>>) target(%dma_start3A_394 : memref<208x64xf32, #tpu.memory_space<vmem>>) target_semaphore(%run_scoped3A : memref<!tpu.dma_semaphore, #tpu.memory_space<semaphore_mem>>)
      %dma_wait3A_397 = arith.constant 208 : i32
      %dma_wait3A_398 = arith.constant 0 : i32
      %dma_wait3A_399 = tpu.memref_slice %arg9[%dma_wait3A_397, %dma_wait3A_398] : memref<480x64xf32, #tpu.memory_space<vmem>> -> memref<208x64xf32, #tpu.memory_space<vmem>>
      %dma_wait3A_400 = arith.constant 0 : i32
      %dma_wait3A_401 = tpu.memref_slice %arg10[%add3A_267, %dma_wait3A_400] : memref<10000x64xf32, #tpu.memory_space<vmem_shared>> -> memref<208x64xf32, #tpu.memory_space<vmem_shared>>
      %dma_wait3A_402 = arith.constant 208 : i32
      %dma_wait3A_403 = arith.constant 0 : i32
      %dma_wait3A_404 = tpu.memref_slice %arg9[%dma_wait3A_402, %dma_wait3A_403] : memref<480x64xf32, #tpu.memory_space<vmem>> -> memref<208x64xf32, #tpu.memory_space<vmem>>
      %dma_wait3A_405 = arith.constant 0 : i32
      %dma_wait3A_406 = tpu.memref_slice %arg10[%add3A_267, %dma_wait3A_405] : memref<10000x64xf32, #tpu.memory_space<vmem_shared>> -> memref<208x64xf32, #tpu.memory_space<vmem_shared>>
      tpu.wait_dma2 semaphore(%run_scoped3A : memref<!tpu.dma_semaphore, #tpu.memory_space<semaphore_mem>>) src(%dma_wait3A_406 : memref<208x64xf32, #tpu.memory_space<vmem_shared>>) dst(%dma_wait3A_404 : memref<208x64xf32, #tpu.memory_space<vmem>>)
      tpu.yield
    }) : () -> ()
    %mul3A_268 = arith.constant 624 : i32
    %mul3A_269 = arith.muli %arg1, %mul3A_268 : i32
    %add3A_270 = arith.constant 208 : i32
    %add3A_271 = arith.addi %mul3A_269, %add3A_270 : i32
    %dma_start3A_272 = arith.constant 208 : i32
    %dma_start3A_273 = arith.constant 0 : i32
    %dma_start3A_274 = tpu.memref_slice %arg9[%dma_start3A_272, %dma_start3A_273] : memref<480x64xf32, #tpu.memory_space<vmem>> -> memref<208x64xf32, #tpu.memory_space<vmem>>
    %dma_start3A_275 = arith.constant 0 : i32
    %dma_start3A_276 = arith.constant 0 : i32
    %dma_start3A_277 = tpu.memref_slice %arg6[%arg0, %dma_start3A_275, %dma_start3A_276] : memref<2x10000x128xf32, #tpu.memory_space<hbm>> -> memref<1x10000x128xf32, #tpu.memory_space<hbm>>
    %dma_start3A_278 = tpu.memref_squeeze %dma_start3A_277 : memref<1x10000x128xf32, #tpu.memory_space<hbm>> -> memref<10000x128xf32, #tpu.memory_space<hbm>>
    %dma_start3A_279 = arith.constant 0 : i32
    %dma_start3A_280 = tpu.memref_slice %dma_start3A_278[%add3A_271, %dma_start3A_279] : memref<10000x128xf32, #tpu.memory_space<hbm>> -> memref<208x64xf32, #tpu.memory_space<hbm>>
    %dma_start3A_281 = arith.constant 0 : i32
    %dma_start3A_282 = arith.constant 0 : i32
    %dma_start3A_283 = tpu.memref_slice %arg6[%arg0, %dma_start3A_281, %dma_start3A_282] : memref<2x10000x128xf32, #tpu.memory_space<hbm>> -> memref<1x10000x128xf32, #tpu.memory_space<hbm>>
    %dma_start3A_284 = tpu.memref_squeeze %dma_start3A_283 : memref<1x10000x128xf32, #tpu.memory_space<hbm>> -> memref<10000x128xf32, #tpu.memory_space<hbm>>
    %dma_start3A_285 = arith.constant 0 : i32
    %dma_start3A_286 = tpu.memref_slice %dma_start3A_284[%add3A_271, %dma_start3A_285] : memref<10000x128xf32, #tpu.memory_space<hbm>> -> memref<208x64xf32, #tpu.memory_space<hbm>>
    %dma_start3A_287 = arith.constant 208 : i32
    %dma_start3A_288 = arith.constant 0 : i32
    %dma_start3A_289 = tpu.memref_slice %arg9[%dma_start3A_287, %dma_start3A_288] : memref<480x64xf32, #tpu.memory_space<vmem>> -> memref<208x64xf32, #tpu.memory_space<vmem>>
    tpu.enqueue_dma source(%dma_start3A_289 : memref<208x64xf32, #tpu.memory_space<vmem>>) target(%dma_start3A_286 : memref<208x64xf32, #tpu.memory_space<hbm>>) target_semaphore(%arg18 : memref<!tpu.dma_semaphore, #tpu.memory_space<semaphore_mem>>)
    %mul3A_290 = arith.constant 624 : i32
    %mul3A_291 = arith.muli %arg1, %mul3A_290 : i32
    %add3A_292 = arith.constant 0 : i32
    %add3A_293 = arith.addi %mul3A_291, %add3A_292 : i32
    %dma_wait3A_294 = arith.constant 0 : i32
    %dma_wait3A_295 = arith.constant 0 : i32
    %dma_wait3A_296 = tpu.memref_slice %arg9[%dma_wait3A_294, %dma_wait3A_295] : memref<480x64xf32, #tpu.memory_space<vmem>> -> memref<208x64xf32, #tpu.memory_space<vmem>>
    %dma_wait3A_297 = arith.constant 0 : i32
    %dma_wait3A_298 = arith.constant 0 : i32
    %dma_wait3A_299 = tpu.memref_slice %arg6[%arg0, %dma_wait3A_297, %dma_wait3A_298] : memref<2x10000x128xf32, #tpu.memory_space<hbm>> -> memref<1x10000x128xf32, #tpu.memory_space<hbm>>
    %dma_wait3A_300 = tpu.memref_squeeze %dma_wait3A_299 : memref<1x10000x128xf32, #tpu.memory_space<hbm>> -> memref<10000x128xf32, #tpu.memory_space<hbm>>
    %dma_wait3A_301 = arith.constant 0 : i32
    %dma_wait3A_302 = tpu.memref_slice %dma_wait3A_300[%add3A_293, %dma_wait3A_301] : memref<10000x128xf32, #tpu.memory_space<hbm>> -> memref<208x64xf32, #tpu.memory_space<hbm>>
    %dma_wait3A_303 = arith.constant 0 : i32
    %dma_wait3A_304 = arith.constant 0 : i32
    %dma_wait3A_305 = tpu.memref_slice %arg6[%arg0, %dma_wait3A_303, %dma_wait3A_304] : memref<2x10000x128xf32, #tpu.memory_space<hbm>> -> memref<1x10000x128xf32, #tpu.memory_space<hbm>>
    %dma_wait3A_306 = tpu.memref_squeeze %dma_wait3A_305 : memref<1x10000x128xf32, #tpu.memory_space<hbm>> -> memref<10000x128xf32, #tpu.memory_space<hbm>>
    %dma_wait3A_307 = arith.constant 0 : i32
    %dma_wait3A_308 = tpu.memref_slice %dma_wait3A_306[%add3A_293, %dma_wait3A_307] : memref<10000x128xf32, #tpu.memory_space<hbm>> -> memref<208x64xf32, #tpu.memory_space<hbm>>
    %dma_wait3A_309 = arith.constant 0 : i32
    %dma_wait3A_310 = arith.constant 0 : i32
    %dma_wait3A_311 = tpu.memref_slice %arg9[%dma_wait3A_309, %dma_wait3A_310] : memref<480x64xf32, #tpu.memory_space<vmem>> -> memref<208x64xf32, #tpu.memory_space<vmem>>
    tpu.wait_dma2 semaphore(%arg17 : memref<!tpu.dma_semaphore, #tpu.memory_space<semaphore_mem>>) src(%dma_wait3A_311 : memref<208x64xf32, #tpu.memory_space<vmem>>) dst(%dma_wait3A_308 : memref<208x64xf32, #tpu.memory_space<hbm>>)
    %mul3A_312 = arith.constant 624 : i32
    %mul3A_313 = arith.muli %arg1, %mul3A_312 : i32
    %add3A_314 = arith.constant 416 : i32
    %add3A_315 = arith.addi %mul3A_313, %add3A_314 : i32
    "tpu.region"() ({
      %run_scoped3A = tpu.sem_alloc : memref<!tpu.dma_semaphore, #tpu.memory_space<semaphore_mem>>
      %dma_start3A_387 = arith.constant 0 : i32
      %dma_start3A_388 = arith.constant 0 : i32
      %dma_start3A_389 = tpu.memref_slice %arg9[%dma_start3A_387, %dma_start3A_388] : memref<480x64xf32, #tpu.memory_space<vmem>> -> memref<208x64xf32, #tpu.memory_space<vmem>>
      %dma_start3A_390 = arith.constant 0 : i32
      %dma_start3A_391 = tpu.memref_slice %arg10[%add3A_315, %dma_start3A_390] : memref<10000x64xf32, #tpu.memory_space<vmem_shared>> -> memref<208x64xf32, #tpu.memory_space<vmem_shared>>
      %dma_start3A_392 = arith.constant 0 : i32
      %dma_start3A_393 = arith.constant 0 : i32
      %dma_start3A_394 = tpu.memref_slice %arg9[%dma_start3A_392, %dma_start3A_393] : memref<480x64xf32, #tpu.memory_space<vmem>> -> memref<208x64xf32, #tpu.memory_space<vmem>>
      %dma_start3A_395 = arith.constant 0 : i32
      %dma_start3A_396 = tpu.memref_slice %arg10[%add3A_315, %dma_start3A_395] : memref<10000x64xf32, #tpu.memory_space<vmem_shared>> -> memref<208x64xf32, #tpu.memory_space<vmem_shared>>
      tpu.enqueue_dma source(%dma_start3A_396 : memref<208x64xf32, #tpu.memory_space<vmem_shared>>) target(%dma_start3A_394 : memref<208x64xf32, #tpu.memory_space<vmem>>) target_semaphore(%run_scoped3A : memref<!tpu.dma_semaphore, #tpu.memory_space<semaphore_mem>>)
      %dma_wait3A_397 = arith.constant 0 : i32
      %dma_wait3A_398 = arith.constant 0 : i32
      %dma_wait3A_399 = tpu.memref_slice %arg9[%dma_wait3A_397, %dma_wait3A_398] : memref<480x64xf32, #tpu.memory_space<vmem>> -> memref<208x64xf32, #tpu.memory_space<vmem>>
      %dma_wait3A_400 = arith.constant 0 : i32
      %dma_wait3A_401 = tpu.memref_slice %arg10[%add3A_315, %dma_wait3A_400] : memref<10000x64xf32, #tpu.memory_space<vmem_shared>> -> memref<208x64xf32, #tpu.memory_space<vmem_shared>>
      %dma_wait3A_402 = arith.constant 0 : i32
      %dma_wait3A_403 = arith.constant 0 : i32
      %dma_wait3A_404 = tpu.memref_slice %arg9[%dma_wait3A_402, %dma_wait3A_403] : memref<480x64xf32, #tpu.memory_space<vmem>> -> memref<208x64xf32, #tpu.memory_space<vmem>>
      %dma_wait3A_405 = arith.constant 0 : i32
      %dma_wait3A_406 = tpu.memref_slice %arg10[%add3A_315, %dma_wait3A_405] : memref<10000x64xf32, #tpu.memory_space<vmem_shared>> -> memref<208x64xf32, #tpu.memory_space<vmem_shared>>
      tpu.wait_dma2 semaphore(%run_scoped3A : memref<!tpu.dma_semaphore, #tpu.memory_space<semaphore_mem>>) src(%dma_wait3A_406 : memref<208x64xf32, #tpu.memory_space<vmem_shared>>) dst(%dma_wait3A_404 : memref<208x64xf32, #tpu.memory_space<vmem>>)
      tpu.yield
    }) : () -> ()
    %mul3A_316 = arith.constant 624 : i32
    %mul3A_317 = arith.muli %arg1, %mul3A_316 : i32
    %add3A_318 = arith.constant 416 : i32
    %add3A_319 = arith.addi %mul3A_317, %add3A_318 : i32
    %dma_start3A_320 = arith.constant 0 : i32
    %dma_start3A_321 = arith.constant 0 : i32
    %dma_start3A_322 = tpu.memref_slice %arg9[%dma_start3A_320, %dma_start3A_321] : memref<480x64xf32, #tpu.memory_space<vmem>> -> memref<208x64xf32, #tpu.memory_space<vmem>>
    %dma_start3A_323 = arith.constant 0 : i32
    %dma_start3A_324 = arith.constant 0 : i32
    %dma_start3A_325 = tpu.memref_slice %arg6[%arg0, %dma_start3A_323, %dma_start3A_324] : memref<2x10000x128xf32, #tpu.memory_space<hbm>> -> memref<1x10000x128xf32, #tpu.memory_space<hbm>>
    %dma_start3A_326 = tpu.memref_squeeze %dma_start3A_325 : memref<1x10000x128xf32, #tpu.memory_space<hbm>> -> memref<10000x128xf32, #tpu.memory_space<hbm>>
    %dma_start3A_327 = arith.constant 0 : i32
    %dma_start3A_328 = tpu.memref_slice %dma_start3A_326[%add3A_319, %dma_start3A_327] : memref<10000x128xf32, #tpu.memory_space<hbm>> -> memref<208x64xf32, #tpu.memory_space<hbm>>
    %dma_start3A_329 = arith.constant 0 : i32
    %dma_start3A_330 = arith.constant 0 : i32
    %dma_start3A_331 = tpu.memref_slice %arg6[%arg0, %dma_start3A_329, %dma_start3A_330] : memref<2x10000x128xf32, #tpu.memory_space<hbm>> -> memref<1x10000x128xf32, #tpu.memory_space<hbm>>
    %dma_start3A_332 = tpu.memref_squeeze %dma_start3A_331 : memref<1x10000x128xf32, #tpu.memory_space<hbm>> -> memref<10000x128xf32, #tpu.memory_space<hbm>>
    %dma_start3A_333 = arith.constant 0 : i32
    %dma_start3A_334 = tpu.memref_slice %dma_start3A_332[%add3A_319, %dma_start3A_333] : memref<10000x128xf32, #tpu.memory_space<hbm>> -> memref<208x64xf32, #tpu.memory_space<hbm>>
    %dma_start3A_335 = arith.constant 0 : i32
    %dma_start3A_336 = arith.constant 0 : i32
    %dma_start3A_337 = tpu.memref_slice %arg9[%dma_start3A_335, %dma_start3A_336] : memref<480x64xf32, #tpu.memory_space<vmem>> -> memref<208x64xf32, #tpu.memory_space<vmem>>
    tpu.enqueue_dma source(%dma_start3A_337 : memref<208x64xf32, #tpu.memory_space<vmem>>) target(%dma_start3A_334 : memref<208x64xf32, #tpu.memory_space<hbm>>) target_semaphore(%arg17 : memref<!tpu.dma_semaphore, #tpu.memory_space<semaphore_mem>>)
    %mul3A_338 = arith.constant 624 : i32
    %mul3A_339 = arith.muli %arg1, %mul3A_338 : i32
    %add3A_340 = arith.constant 208 : i32
    %add3A_341 = arith.addi %mul3A_339, %add3A_340 : i32
    %dma_wait3A_342 = arith.constant 208 : i32
    %dma_wait3A_343 = arith.constant 0 : i32
    %dma_wait3A_344 = tpu.memref_slice %arg9[%dma_wait3A_342, %dma_wait3A_343] : memref<480x64xf32, #tpu.memory_space<vmem>> -> memref<208x64xf32, #tpu.memory_space<vmem>>
    %dma_wait3A_345 = arith.constant 0 : i32
    %dma_wait3A_346 = arith.constant 0 : i32
    %dma_wait3A_347 = tpu.memref_slice %arg6[%arg0, %dma_wait3A_345, %dma_wait3A_346] : memref<2x10000x128xf32, #tpu.memory_space<hbm>> -> memref<1x10000x128xf32, #tpu.memory_space<hbm>>
    %dma_wait3A_348 = tpu.memref_squeeze %dma_wait3A_347 : memref<1x10000x128xf32, #tpu.memory_space<hbm>> -> memref<10000x128xf32, #tpu.memory_space<hbm>>
    %dma_wait3A_349 = arith.constant 0 : i32
    %dma_wait3A_350 = tpu.memref_slice %dma_wait3A_348[%add3A_341, %dma_wait3A_349] : memref<10000x128xf32, #tpu.memory_space<hbm>> -> memref<208x64xf32, #tpu.memory_space<hbm>>
    %dma_wait3A_351 = arith.constant 0 : i32
    %dma_wait3A_352 = arith.constant 0 : i32
    %dma_wait3A_353 = tpu.memref_slice %arg6[%arg0, %dma_wait3A_351, %dma_wait3A_352] : memref<2x10000x128xf32, #tpu.memory_space<hbm>> -> memref<1x10000x128xf32, #tpu.memory_space<hbm>>
    %dma_wait3A_354 = tpu.memref_squeeze %dma_wait3A_353 : memref<1x10000x128xf32, #tpu.memory_space<hbm>> -> memref<10000x128xf32, #tpu.memory_space<hbm>>
    %dma_wait3A_355 = arith.constant 0 : i32
    %dma_wait3A_356 = tpu.memref_slice %dma_wait3A_354[%add3A_341, %dma_wait3A_355] : memref<10000x128xf32, #tpu.memory_space<hbm>> -> memref<208x64xf32, #tpu.memory_space<hbm>>
    %dma_wait3A_357 = arith.constant 208 : i32
    %dma_wait3A_358 = arith.constant 0 : i32
    %dma_wait3A_359 = tpu.memref_slice %arg9[%dma_wait3A_357, %dma_wait3A_358] : memref<480x64xf32, #tpu.memory_space<vmem>> -> memref<208x64xf32, #tpu.memory_space<vmem>>
    tpu.wait_dma2 semaphore(%arg18 : memref<!tpu.dma_semaphore, #tpu.memory_space<semaphore_mem>>) src(%dma_wait3A_359 : memref<208x64xf32, #tpu.memory_space<vmem>>) dst(%dma_wait3A_356 : memref<208x64xf32, #tpu.memory_space<hbm>>)
    %mul3A_360 = arith.constant 624 : i32
    %mul3A_361 = arith.muli %arg1, %mul3A_360 : i32
    %add3A_362 = arith.constant 416 : i32
    %add3A_363 = arith.addi %mul3A_361, %add3A_362 : i32
    %dma_wait3A_364 = arith.constant 0 : i32
    %dma_wait3A_365 = arith.constant 0 : i32
    %dma_wait3A_366 = tpu.memref_slice %arg9[%dma_wait3A_364, %dma_wait3A_365] : memref<480x64xf32, #tpu.memory_space<vmem>> -> memref<208x64xf32, #tpu.memory_space<vmem>>
    %dma_wait3A_367 = arith.constant 0 : i32
    %dma_wait3A_368 = arith.constant 0 : i32
    %dma_wait3A_369 = tpu.memref_slice %arg6[%arg0, %dma_wait3A_367, %dma_wait3A_368] : memref<2x10000x128xf32, #tpu.memory_space<hbm>> -> memref<1x10000x128xf32, #tpu.memory_space<hbm>>
    %dma_wait3A_370 = tpu.memref_squeeze %dma_wait3A_369 : memref<1x10000x128xf32, #tpu.memory_space<hbm>> -> memref<10000x128xf32, #tpu.memory_space<hbm>>
    %dma_wait3A_371 = arith.constant 0 : i32
    %dma_wait3A_372 = tpu.memref_slice %dma_wait3A_370[%add3A_363, %dma_wait3A_371] : memref<10000x128xf32, #tpu.memory_space<hbm>> -> memref<208x64xf32, #tpu.memory_space<hbm>>
    %dma_wait3A_373 = arith.constant 0 : i32
    %dma_wait3A_374 = arith.constant 0 : i32
    %dma_wait3A_375 = tpu.memref_slice %arg6[%arg0, %dma_wait3A_373, %dma_wait3A_374] : memref<2x10000x128xf32, #tpu.memory_space<hbm>> -> memref<1x10000x128xf32, #tpu.memory_space<hbm>>
    %dma_wait3A_376 = tpu.memref_squeeze %dma_wait3A_375 : memref<1x10000x128xf32, #tpu.memory_space<hbm>> -> memref<10000x128xf32, #tpu.memory_space<hbm>>
    %dma_wait3A_377 = arith.constant 0 : i32
    %dma_wait3A_378 = tpu.memref_slice %dma_wait3A_376[%add3A_363, %dma_wait3A_377] : memref<10000x128xf32, #tpu.memory_space<hbm>> -> memref<208x64xf32, #tpu.memory_space<hbm>>
    %dma_wait3A_379 = arith.constant 0 : i32
    %dma_wait3A_380 = arith.constant 0 : i32
    %dma_wait3A_381 = tpu.memref_slice %arg9[%dma_wait3A_379, %dma_wait3A_380] : memref<480x64xf32, #tpu.memory_space<vmem>> -> memref<208x64xf32, #tpu.memory_space<vmem>>
    tpu.wait_dma2 semaphore(%arg17 : memref<!tpu.dma_semaphore, #tpu.memory_space<semaphore_mem>>) src(%dma_wait3A_381 : memref<208x64xf32, #tpu.memory_space<vmem>>) dst(%dma_wait3A_378 : memref<208x64xf32, #tpu.memory_space<hbm>>)
    %eq3A_382 = arith.constant 15 : i32
    %eq3A_383 = arith.cmpi eq, %arg1, %eq3A_382 : i32
    %convert_element_type3A_384 = arith.extui %eq3A_383 : i1 to i32
    %cond3A_385 = arith.constant 0 : i32
    %cond3A_386 = arith.cmpi ne, %convert_element_type3A_384, %cond3A_385 : i32
    scf.if %cond3A_386 {
      "tpu.region"() ({
        %run_scoped3A = tpu.sem_alloc : memref<!tpu.dma_semaphore, #tpu.memory_space<semaphore_mem>>
        %dma_start3A_387 = arith.constant 416 : i32
        %dma_start3A_388 = arith.constant 0 : i32
        %dma_start3A_389 = tpu.memref_slice %arg9[%dma_start3A_387, %dma_start3A_388] : memref<480x64xf32, #tpu.memory_space<vmem>> -> memref<16x64xf32, #tpu.memory_space<vmem>>
        %dma_start3A_390 = arith.constant 9984 : i32
        %dma_start3A_391 = arith.constant 0 : i32
        %dma_start3A_392 = tpu.memref_slice %arg10[%dma_start3A_390, %dma_start3A_391] : memref<10000x64xf32, #tpu.memory_space<vmem_shared>> -> memref<16x64xf32, #tpu.memory_space<vmem_shared>>
        %dma_start3A_393 = arith.constant 416 : i32
        %dma_start3A_394 = arith.constant 0 : i32
        %dma_start3A_395 = tpu.memref_slice %arg9[%dma_start3A_393, %dma_start3A_394] : memref<480x64xf32, #tpu.memory_space<vmem>> -> memref<16x64xf32, #tpu.memory_space<vmem>>
        %dma_start3A_396 = arith.constant 9984 : i32
        %dma_start3A_397 = arith.constant 0 : i32
        %dma_start3A_398 = tpu.memref_slice %arg10[%dma_start3A_396, %dma_start3A_397] : memref<10000x64xf32, #tpu.memory_space<vmem_shared>> -> memref<16x64xf32, #tpu.memory_space<vmem_shared>>
        tpu.enqueue_dma source(%dma_start3A_398 : memref<16x64xf32, #tpu.memory_space<vmem_shared>>) target(%dma_start3A_395 : memref<16x64xf32, #tpu.memory_space<vmem>>) target_semaphore(%run_scoped3A : memref<!tpu.dma_semaphore, #tpu.memory_space<semaphore_mem>>)
        %dma_wait3A_399 = arith.constant 416 : i32
        %dma_wait3A_400 = arith.constant 0 : i32
        %dma_wait3A_401 = tpu.memref_slice %arg9[%dma_wait3A_399, %dma_wait3A_400] : memref<480x64xf32, #tpu.memory_space<vmem>> -> memref<16x64xf32, #tpu.memory_space<vmem>>
        %dma_wait3A_402 = arith.constant 9984 : i32
        %dma_wait3A_403 = arith.constant 0 : i32
        %dma_wait3A_404 = tpu.memref_slice %arg10[%dma_wait3A_402, %dma_wait3A_403] : memref<10000x64xf32, #tpu.memory_space<vmem_shared>> -> memref<16x64xf32, #tpu.memory_space<vmem_shared>>
        %dma_wait3A_405 = arith.constant 416 : i32
        %dma_wait3A_406 = arith.constant 0 : i32
        %dma_wait3A_407 = tpu.memref_slice %arg9[%dma_wait3A_405, %dma_wait3A_406] : memref<480x64xf32, #tpu.memory_space<vmem>> -> memref<16x64xf32, #tpu.memory_space<vmem>>
        %dma_wait3A_408 = arith.constant 9984 : i32
        %dma_wait3A_409 = arith.constant 0 : i32
        %dma_wait3A_410 = tpu.memref_slice %arg10[%dma_wait3A_408, %dma_wait3A_409] : memref<10000x64xf32, #tpu.memory_space<vmem_shared>> -> memref<16x64xf32, #tpu.memory_space<vmem_shared>>
        tpu.wait_dma2 semaphore(%run_scoped3A : memref<!tpu.dma_semaphore, #tpu.memory_space<semaphore_mem>>) src(%dma_wait3A_410 : memref<16x64xf32, #tpu.memory_space<vmem_shared>>) dst(%dma_wait3A_407 : memref<16x64xf32, #tpu.memory_space<vmem>>)
        tpu.yield
      }) : () -> ()
      "tpu.region"() ({
        %run_scoped3A = tpu.sem_alloc : memref<!tpu.dma_semaphore, #tpu.memory_space<semaphore_mem>>
        %dma_start3A_387 = arith.constant 416 : i32
        %dma_start3A_388 = arith.constant 0 : i32
        %dma_start3A_389 = tpu.memref_slice %arg9[%dma_start3A_387, %dma_start3A_388] : memref<480x64xf32, #tpu.memory_space<vmem>> -> memref<16x64xf32, #tpu.memory_space<vmem>>
        %dma_start3A_390 = arith.constant 0 : i32
        %dma_start3A_391 = arith.constant 0 : i32
        %dma_start3A_392 = tpu.memref_slice %arg6[%arg0, %dma_start3A_390, %dma_start3A_391] : memref<2x10000x128xf32, #tpu.memory_space<hbm>> -> memref<1x10000x128xf32, #tpu.memory_space<hbm>>
        %dma_start3A_393 = tpu.memref_squeeze %dma_start3A_392 : memref<1x10000x128xf32, #tpu.memory_space<hbm>> -> memref<10000x128xf32, #tpu.memory_space<hbm>>
        %dma_start3A_394 = arith.constant 9984 : i32
        %dma_start3A_395 = arith.constant 0 : i32
        %dma_start3A_396 = tpu.memref_slice %dma_start3A_393[%dma_start3A_394, %dma_start3A_395] : memref<10000x128xf32, #tpu.memory_space<hbm>> -> memref<16x64xf32, #tpu.memory_space<hbm>>
        %dma_start3A_397 = arith.constant 0 : i32
        %dma_start3A_398 = arith.constant 0 : i32
        %dma_start3A_399 = tpu.memref_slice %arg6[%arg0, %dma_start3A_397, %dma_start3A_398] : memref<2x10000x128xf32, #tpu.memory_space<hbm>> -> memref<1x10000x128xf32, #tpu.memory_space<hbm>>
        %dma_start3A_400 = tpu.memref_squeeze %dma_start3A_399 : memref<1x10000x128xf32, #tpu.memory_space<hbm>> -> memref<10000x128xf32, #tpu.memory_space<hbm>>
        %dma_start3A_401 = arith.constant 9984 : i32
        %dma_start3A_402 = arith.constant 0 : i32
        %dma_start3A_403 = tpu.memref_slice %dma_start3A_400[%dma_start3A_401, %dma_start3A_402] : memref<10000x128xf32, #tpu.memory_space<hbm>> -> memref<16x64xf32, #tpu.memory_space<hbm>>
        %dma_start3A_404 = arith.constant 416 : i32
        %dma_start3A_405 = arith.constant 0 : i32
        %dma_start3A_406 = tpu.memref_slice %arg9[%dma_start3A_404, %dma_start3A_405] : memref<480x64xf32, #tpu.memory_space<vmem>> -> memref<16x64xf32, #tpu.memory_space<vmem>>
        tpu.enqueue_dma source(%dma_start3A_406 : memref<16x64xf32, #tpu.memory_space<vmem>>) target(%dma_start3A_403 : memref<16x64xf32, #tpu.memory_space<hbm>>) target_semaphore(%run_scoped3A : memref<!tpu.dma_semaphore, #tpu.memory_space<semaphore_mem>>)
        %dma_wait3A_407 = arith.constant 416 : i32
        %dma_wait3A_408 = arith.constant 0 : i32
        %dma_wait3A_409 = tpu.memref_slice %arg9[%dma_wait3A_407, %dma_wait3A_408] : memref<480x64xf32, #tpu.memory_space<vmem>> -> memref<16x64xf32, #tpu.memory_space<vmem>>
        %dma_wait3A_410 = arith.constant 0 : i32
        %dma_wait3A_411 = arith.constant 0 : i32
        %dma_wait3A_412 = tpu.memref_slice %arg6[%arg0, %dma_wait3A_410, %dma_wait3A_411] : memref<2x10000x128xf32, #tpu.memory_space<hbm>> -> memref<1x10000x128xf32, #tpu.memory_space<hbm>>
        %dma_wait3A_413 = tpu.memref_squeeze %dma_wait3A_412 : memref<1x10000x128xf32, #tpu.memory_space<hbm>> -> memref<10000x128xf32, #tpu.memory_space<hbm>>
        %dma_wait3A_414 = arith.constant 9984 : i32
        %dma_wait3A_415 = arith.constant 0 : i32
        %dma_wait3A_416 = tpu.memref_slice %dma_wait3A_413[%dma_wait3A_414, %dma_wait3A_415] : memref<10000x128xf32, #tpu.memory_space<hbm>> -> memref<16x64xf32, #tpu.memory_space<hbm>>
        %dma_wait3A_417 = arith.constant 0 : i32
        %dma_wait3A_418 = arith.constant 0 : i32
        %dma_wait3A_419 = tpu.memref_slice %arg6[%arg0, %dma_wait3A_417, %dma_wait3A_418] : memref<2x10000x128xf32, #tpu.memory_space<hbm>> -> memref<1x10000x128xf32, #tpu.memory_space<hbm>>
        %dma_wait3A_420 = tpu.memref_squeeze %dma_wait3A_419 : memref<1x10000x128xf32, #tpu.memory_space<hbm>> -> memref<10000x128xf32, #tpu.memory_space<hbm>>
        %dma_wait3A_421 = arith.constant 9984 : i32
        %dma_wait3A_422 = arith.constant 0 : i32
        %dma_wait3A_423 = tpu.memref_slice %dma_wait3A_420[%dma_wait3A_421, %dma_wait3A_422] : memref<10000x128xf32, #tpu.memory_space<hbm>> -> memref<16x64xf32, #tpu.memory_space<hbm>>
        %dma_wait3A_424 = arith.constant 416 : i32
        %dma_wait3A_425 = arith.constant 0 : i32
        %dma_wait3A_426 = tpu.memref_slice %arg9[%dma_wait3A_424, %dma_wait3A_425] : memref<480x64xf32, #tpu.memory_space<vmem>> -> memref<16x64xf32, #tpu.memory_space<vmem>>
        tpu.wait_dma2 semaphore(%run_scoped3A : memref<!tpu.dma_semaphore, #tpu.memory_space<semaphore_mem>>) src(%dma_wait3A_426 : memref<16x64xf32, #tpu.memory_space<vmem>>) dst(%dma_wait3A_423 : memref<16x64xf32, #tpu.memory_space<hbm>>)
        tpu.yield
      }) : () -> ()
    } else {
    }
    return
  }
}

#map = affine_map<(d0, d1) -> (0, 0)>
#map1 = affine_map<(d0, d1) -> (0, 0, 0, 0)>
#map2 = affine_map<(d0, d1) -> (0, 0, 0)>
module attributes {stable_mosaic.version = 14 : i64} {
  func.func @scatter_kernel(%arg0: i32, %arg1: i32, %arg2: memref<20000x64xf32, #tpu.memory_space<hbm>>, %arg3: memref<2x16x250x80xi32, #tpu.memory_space<hbm>>, %arg4: memref<16x250x80xi32, #tpu.memory_space<hbm>>, %arg5: memref<208x64xf32, #tpu.memory_space<hbm>>, %arg6: memref<2x10000x128xf32, #tpu.memory_space<hbm>>, %arg7: memref<250x80xi32, #tpu.memory_space<vmem>>, %arg8: memref<250x80xi32, #tpu.memory_space<vmem>>, %arg9: memref<480x64xf32, #tpu.memory_space<vmem>>, %arg10: memref<10000x64xf32, #tpu.memory_space<vmem_shared>>, %arg11: memref<!tpu.dma_semaphore, #tpu.memory_space<semaphore_mem>>, %arg12: memref<!tpu.dma_semaphore, #tpu.memory_space<semaphore_mem>>, %arg13: memref<!tpu.dma_semaphore, #tpu.memory_space<semaphore_mem>>, %arg14: memref<!tpu.dma_semaphore, #tpu.memory_space<semaphore_mem>>, %arg15: memref<!tpu.dma_semaphore, #tpu.memory_space<semaphore_mem>>, %arg16: memref<!tpu.dma_semaphore, #tpu.memory_space<semaphore_mem>>, %arg17: memref<!tpu.dma_semaphore, #tpu.memory_space<semaphore_mem>>, %arg18: memref<!tpu.dma_semaphore, #tpu.memory_space<semaphore_mem>>, %arg19: memref<!tpu.dma_semaphore, #tpu.memory_space<semaphore_mem>>, %arg20: memref<!tpu.dma_semaphore, #tpu.memory_space<semaphore_mem>>, %arg21: memref<!tpu.dma_semaphore, #tpu.memory_space<semaphore_mem>>, %arg22: memref<!tpu.dma_semaphore, #tpu.memory_space<semaphore_mem>>) attributes {dimension_semantics = [#tpu.dimension_semantics<core_parallel>, #tpu.dimension_semantics<subcore_parallel>], iteration_bounds = array<i64: 2, 16>, scalar_prefetch = 0 : i64, scratch_operands = 16 : i64, tpu.core_type = #tpu.core_type<sc_vector_subcore>, window_params = [{transform_indices = #map}, {transform_indices = #map1}, {transform_indices = #map2}, {transform_indices = #map}, {transform_indices = #map2}]} {
    %dma_start3A = arith.constant 0 : i32
    %dma_start3A_0 = arith.constant 0 : i32
    %dma_start3A_1 = tpu.memref_slice %arg3[%arg0, %arg1, %dma_start3A, %dma_start3A_0] : memref<2x16x250x80xi32, #tpu.memory_space<hbm>> -> memref<1x1x250x80xi32, #tpu.memory_space<hbm>>
    %dma_start3A_2 = tpu.memref_squeeze %dma_start3A_1 : memref<1x1x250x80xi32, #tpu.memory_space<hbm>> -> memref<250x80xi32, #tpu.memory_space<hbm>>
    %dma_start3A_3 = arith.constant 0 : i32
    %dma_start3A_4 = arith.constant 0 : i32
    %dma_start3A_5 = tpu.memref_slice %arg3[%arg0, %arg1, %dma_start3A_3, %dma_start3A_4] : memref<2x16x250x80xi32, #tpu.memory_space<hbm>> -> memref<1x1x250x80xi32, #tpu.memory_space<hbm>>
    %dma_start3A_6 = tpu.memref_squeeze %dma_start3A_5 : memref<1x1x250x80xi32, #tpu.memory_space<hbm>> -> memref<250x80xi32, #tpu.memory_space<hbm>>
    tpu.enqueue_dma source(%dma_start3A_6 : memref<250x80xi32, #tpu.memory_space<hbm>>) target(%arg7 : memref<250x80xi32, #tpu.memory_space<vmem>>) target_semaphore(%arg11 : memref<!tpu.dma_semaphore, #tpu.memory_space<semaphore_mem>>)
    %dma_start3A_7 = arith.constant 0 : i32
    %dma_start3A_8 = arith.constant 0 : i32
    %dma_start3A_9 = tpu.memref_slice %arg4[%arg1, %dma_start3A_7, %dma_start3A_8] : memref<16x250x80xi32, #tpu.memory_space<hbm>> -> memref<1x250x80xi32, #tpu.memory_space<hbm>>
    %dma_start3A_10 = tpu.memref_squeeze %dma_start3A_9 : memref<1x250x80xi32, #tpu.memory_space<hbm>> -> memref<250x80xi32, #tpu.memory_space<hbm>>
    %dma_start3A_11 = arith.constant 0 : i32
    %dma_start3A_12 = arith.constant 0 : i32
    %dma_start3A_13 = tpu.memref_slice %arg4[%arg1, %dma_start3A_11, %dma_start3A_12] : memref<16x250x80xi32, #tpu.memory_space<hbm>> -> memref<1x250x80xi32, #tpu.memory_space<hbm>>
    %dma_start3A_14 = tpu.memref_squeeze %dma_start3A_13 : memref<1x250x80xi32, #tpu.memory_space<hbm>> -> memref<250x80xi32, #tpu.memory_space<hbm>>
    tpu.enqueue_dma source(%dma_start3A_14 : memref<250x80xi32, #tpu.memory_space<hbm>>) target(%arg8 : memref<250x80xi32, #tpu.memory_space<vmem>>) target_semaphore(%arg12 : memref<!tpu.dma_semaphore, #tpu.memory_space<semaphore_mem>>)
    "tpu.region"() ({
      %run_scoped3A = tpu.sem_alloc : memref<!tpu.dma_semaphore, #tpu.memory_space<semaphore_mem>>
      %dma_start3A_387 = arith.constant 0 : i32
      %dma_start3A_388 = arith.constant 0 : i32
      %dma_start3A_389 = tpu.memref_slice %arg9[%dma_start3A_387, %dma_start3A_388] : memref<480x64xf32, #tpu.memory_space<vmem>> -> memref<208x64xf32, #tpu.memory_space<vmem>>
      %dma_start3A_390 = arith.constant 0 : i32
      %dma_start3A_391 = arith.constant 0 : i32
      %dma_start3A_392 = tpu.memref_slice %arg9[%dma_start3A_390, %dma_start3A_391] : memref<480x64xf32, #tpu.memory_space<vmem>> -> memref<208x64xf32, #tpu.memory_space<vmem>>
      tpu.enqueue_dma source(%arg5 : memref<208x64xf32, #tpu.memory_space<hbm>>) target(%dma_start3A_392 : memref<208x64xf32, #tpu.memory_space<vmem>>) target_semaphore(%run_scoped3A : memref<!tpu.dma_semaphore, #tpu.memory_space<semaphore_mem>>)
      %dma_wait3A_393 = arith.constant 0 : i32
      %dma_wait3A_394 = arith.constant 0 : i32
      %dma_wait3A_395 = tpu.memref_slice %arg9[%dma_wait3A_393, %dma_wait3A_394] : memref<480x64xf32, #tpu.memory_space<vmem>> -> memref<208x64xf32, #tpu.memory_space<vmem>>
      %dma_wait3A_396 = arith.constant 0 : i32
      %dma_wait3A_397 = arith.constant 0 : i32
      %dma_wait3A_398 = tpu.memref_slice %arg9[%dma_wait3A_396, %dma_wait3A_397] : memref<480x64xf32, #tpu.memory_space<vmem>> -> memref<208x64xf32, #tpu.memory_space<vmem>>
      tpu.wait_dma2 semaphore(%run_scoped3A : memref<!tpu.dma_semaphore, #tpu.memory_space<semaphore_mem>>) src(%arg5 : memref<208x64xf32, #tpu.memory_space<hbm>>) dst(%dma_wait3A_398 : memref<208x64xf32, #tpu.memory_space<vmem>>)
      tpu.yield
    }) : () -> ()
    %mul3A = arith.constant 624 : i32
    %mul3A_15 = arith.muli %arg1, %mul3A : i32
    %add3A = arith.constant 0 : i32
    %add3A_16 = arith.addi %mul3A_15, %add3A : i32
    "tpu.region"() ({
      %run_scoped3A = tpu.sem_alloc : memref<!tpu.dma_semaphore, #tpu.memory_space<semaphore_mem>>
      %dma_start3A_387 = arith.constant 0 : i32
      %dma_start3A_388 = arith.constant 0 : i32
      %dma_start3A_389 = tpu.memref_slice %arg9[%dma_start3A_387, %dma_start3A_388] : memref<480x64xf32, #tpu.memory_space<vmem>> -> memref<208x64xf32, #tpu.memory_space<vmem>>
      %dma_start3A_390 = arith.constant 0 : i32
      %dma_start3A_391 = tpu.memref_slice %arg10[%add3A_16, %dma_start3A_390] : memref<10000x64xf32, #tpu.memory_space<vmem_shared>> -> memref<208x64xf32, #tpu.memory_space<vmem_shared>>
      %dma_start3A_392 = arith.constant 0 : i32
      %dma_start3A_393 = tpu.memref_slice %arg10[%add3A_16, %dma_start3A_392] : memref<10000x64xf32, #tpu.memory_space<vmem_shared>> -> memref<208x64xf32, #tpu.memory_space<vmem_shared>>
      %dma_start3A_394 = arith.constant 0 : i32
      %dma_start3A_395 = arith.constant 0 : i32
      %dma_start3A_396 = tpu.memref_slice %arg9[%dma_start3A_394, %dma_start3A_395] : memref<480x64xf32, #tpu.memory_space<vmem>> -> memref<208x64xf32, #tpu.memory_space<vmem>>
      tpu.enqueue_dma source(%dma_start3A_396 : memref<208x64xf32, #tpu.memory_space<vmem>>) target(%dma_start3A_393 : memref<208x64xf32, #tpu.memory_space<vmem_shared>>) target_semaphore(%run_scoped3A : memref<!tpu.dma_semaphore, #tpu.memory_space<semaphore_mem>>)
      %dma_wait3A_397 = arith.constant 0 : i32
      %dma_wait3A_398 = arith.constant 0 : i32
      %dma_wait3A_399 = tpu.memref_slice %arg9[%dma_wait3A_397, %dma_wait3A_398] : memref<480x64xf32, #tpu.memory_space<vmem>> -> memref<208x64xf32, #tpu.memory_space<vmem>>
      %dma_wait3A_400 = arith.constant 0 : i32
      %dma_wait3A_401 = tpu.memref_slice %arg10[%add3A_16, %dma_wait3A_400] : memref<10000x64xf32, #tpu.memory_space<vmem_shared>> -> memref<208x64xf32, #tpu.memory_space<vmem_shared>>
      %dma_wait3A_402 = arith.constant 0 : i32
      %dma_wait3A_403 = tpu.memref_slice %arg10[%add3A_16, %dma_wait3A_402] : memref<10000x64xf32, #tpu.memory_space<vmem_shared>> -> memref<208x64xf32, #tpu.memory_space<vmem_shared>>
      %dma_wait3A_404 = arith.constant 0 : i32
      %dma_wait3A_405 = arith.constant 0 : i32
      %dma_wait3A_406 = tpu.memref_slice %arg9[%dma_wait3A_404, %dma_wait3A_405] : memref<480x64xf32, #tpu.memory_space<vmem>> -> memref<208x64xf32, #tpu.memory_space<vmem>>
      tpu.wait_dma2 semaphore(%run_scoped3A : memref<!tpu.dma_semaphore, #tpu.memory_space<semaphore_mem>>) src(%dma_wait3A_406 : memref<208x64xf32, #tpu.memory_space<vmem>>) dst(%dma_wait3A_403 : memref<208x64xf32, #tpu.memory_space<vmem_shared>>)
      tpu.yield
    }) : () -> ()
    %mul3A_17 = arith.constant 624 : i32
    %mul3A_18 = arith.muli %arg1, %mul3A_17 : i32
    %add3A_19 = arith.constant 208 : i32
    %add3A_20 = arith.addi %mul3A_18, %add3A_19 : i32
    "tpu.region"() ({
      %run_scoped3A = tpu.sem_alloc : memref<!tpu.dma_semaphore, #tpu.memory_space<semaphore_mem>>
      %dma_start3A_387 = arith.constant 0 : i32
      %dma_start3A_388 = arith.constant 0 : i32
      %dma_start3A_389 = tpu.memref_slice %arg9[%dma_start3A_387, %dma_start3A_388] : memref<480x64xf32, #tpu.memory_space<vmem>> -> memref<208x64xf32, #tpu.memory_space<vmem>>
      %dma_start3A_390 = arith.constant 0 : i32
      %dma_start3A_391 = tpu.memref_slice %arg10[%add3A_20, %dma_start3A_390] : memref<10000x64xf32, #tpu.memory_space<vmem_shared>> -> memref<208x64xf32, #tpu.memory_space<vmem_shared>>
      %dma_start3A_392 = arith.constant 0 : i32
      %dma_start3A_393 = tpu.memref_slice %arg10[%add3A_20, %dma_start3A_392] : memref<10000x64xf32, #tpu.memory_space<vmem_shared>> -> memref<208x64xf32, #tpu.memory_space<vmem_shared>>
      %dma_start3A_394 = arith.constant 0 : i32
      %dma_start3A_395 = arith.constant 0 : i32
      %dma_start3A_396 = tpu.memref_slice %arg9[%dma_start3A_394, %dma_start3A_395] : memref<480x64xf32, #tpu.memory_space<vmem>> -> memref<208x64xf32, #tpu.memory_space<vmem>>
      tpu.enqueue_dma source(%dma_start3A_396 : memref<208x64xf32, #tpu.memory_space<vmem>>) target(%dma_start3A_393 : memref<208x64xf32, #tpu.memory_space<vmem_shared>>) target_semaphore(%run_scoped3A : memref<!tpu.dma_semaphore, #tpu.memory_space<semaphore_mem>>)
      %dma_wait3A_397 = arith.constant 0 : i32
      %dma_wait3A_398 = arith.constant 0 : i32
      %dma_wait3A_399 = tpu.memref_slice %arg9[%dma_wait3A_397, %dma_wait3A_398] : memref<480x64xf32, #tpu.memory_space<vmem>> -> memref<208x64xf32, #tpu.memory_space<vmem>>
      %dma_wait3A_400 = arith.constant 0 : i32
      %dma_wait3A_401 = tpu.memref_slice %arg10[%add3A_20, %dma_wait3A_400] : memref<10000x64xf32, #tpu.memory_space<vmem_shared>> -> memref<208x64xf32, #tpu.memory_space<vmem_shared>>
      %dma_wait3A_402 = arith.constant 0 : i32
      %dma_wait3A_403 = tpu.memref_slice %arg10[%add3A_20, %dma_wait3A_402] : memref<10000x64xf32, #tpu.memory_space<vmem_shared>> -> memref<208x64xf32, #tpu.memory_space<vmem_shared>>
      %dma_wait3A_404 = arith.constant 0 : i32
      %dma_wait3A_405 = arith.constant 0 : i32
      %dma_wait3A_406 = tpu.memref_slice %arg9[%dma_wait3A_404, %dma_wait3A_405] : memref<480x64xf32, #tpu.memory_space<vmem>> -> memref<208x64xf32, #tpu.memory_space<vmem>>
      tpu.wait_dma2 semaphore(%run_scoped3A : memref<!tpu.dma_semaphore, #tpu.memory_space<semaphore_mem>>) src(%dma_wait3A_406 : memref<208x64xf32, #tpu.memory_space<vmem>>) dst(%dma_wait3A_403 : memref<208x64xf32, #tpu.memory_space<vmem_shared>>)
      tpu.yield
    }) : () -> ()
    %mul3A_21 = arith.constant 624 : i32
    %mul3A_22 = arith.muli %arg1, %mul3A_21 : i32
    %add3A_23 = arith.constant 416 : i32
    %add3A_24 = arith.addi %mul3A_22, %add3A_23 : i32
    "tpu.region"() ({
      %run_scoped3A = tpu.sem_alloc : memref<!tpu.dma_semaphore, #tpu.memory_space<semaphore_mem>>
      %dma_start3A_387 = arith.constant 0 : i32
      %dma_start3A_388 = arith.constant 0 : i32
      %dma_start3A_389 = tpu.memref_slice %arg9[%dma_start3A_387, %dma_start3A_388] : memref<480x64xf32, #tpu.memory_space<vmem>> -> memref<208x64xf32, #tpu.memory_space<vmem>>
      %dma_start3A_390 = arith.constant 0 : i32
      %dma_start3A_391 = tpu.memref_slice %arg10[%add3A_24, %dma_start3A_390] : memref<10000x64xf32, #tpu.memory_space<vmem_shared>> -> memref<208x64xf32, #tpu.memory_space<vmem_shared>>
      %dma_start3A_392 = arith.constant 0 : i32
      %dma_start3A_393 = tpu.memref_slice %arg10[%add3A_24, %dma_start3A_392] : memref<10000x64xf32, #tpu.memory_space<vmem_shared>> -> memref<208x64xf32, #tpu.memory_space<vmem_shared>>
      %dma_start3A_394 = arith.constant 0 : i32
      %dma_start3A_395 = arith.constant 0 : i32
      %dma_start3A_396 = tpu.memref_slice %arg9[%dma_start3A_394, %dma_start3A_395] : memref<480x64xf32, #tpu.memory_space<vmem>> -> memref<208x64xf32, #tpu.memory_space<vmem>>
      tpu.enqueue_dma source(%dma_start3A_396 : memref<208x64xf32, #tpu.memory_space<vmem>>) target(%dma_start3A_393 : memref<208x64xf32, #tpu.memory_space<vmem_shared>>) target_semaphore(%run_scoped3A : memref<!tpu.dma_semaphore, #tpu.memory_space<semaphore_mem>>)
      %dma_wait3A_397 = arith.constant 0 : i32
      %dma_wait3A_398 = arith.constant 0 : i32
      %dma_wait3A_399 = tpu.memref_slice %arg9[%dma_wait3A_397, %dma_wait3A_398] : memref<480x64xf32, #tpu.memory_space<vmem>> -> memref<208x64xf32, #tpu.memory_space<vmem>>
      %dma_wait3A_400 = arith.constant 0 : i32
      %dma_wait3A_401 = tpu.memref_slice %arg10[%add3A_24, %dma_wait3A_400] : memref<10000x64xf32, #tpu.memory_space<vmem_shared>> -> memref<208x64xf32, #tpu.memory_space<vmem_shared>>
      %dma_wait3A_402 = arith.constant 0 : i32
      %dma_wait3A_403 = tpu.memref_slice %arg10[%add3A_24, %dma_wait3A_402] : memref<10000x64xf32, #tpu.memory_space<vmem_shared>> -> memref<208x64xf32, #tpu.memory_space<vmem_shared>>
      %dma_wait3A_404 = arith.constant 0 : i32
      %dma_wait3A_405 = arith.constant 0 : i32
      %dma_wait3A_406 = tpu.memref_slice %arg9[%dma_wait3A_404, %dma_wait3A_405] : memref<480x64xf32, #tpu.memory_space<vmem>> -> memref<208x64xf32, #tpu.memory_space<vmem>>
      tpu.wait_dma2 semaphore(%run_scoped3A : memref<!tpu.dma_semaphore, #tpu.memory_space<semaphore_mem>>) src(%dma_wait3A_406 : memref<208x64xf32, #tpu.memory_space<vmem>>) dst(%dma_wait3A_403 : memref<208x64xf32, #tpu.memory_space<vmem_shared>>)
      tpu.yield
    }) : () -> ()
    %eq3A = arith.constant 15 : i32
    %eq3A_25 = arith.cmpi eq, %arg1, %eq3A : i32
    %convert_element_type3A = arith.extui %eq3A_25 : i1 to i32
    %cond3A = arith.constant 0 : i32
    %cond3A_26 = arith.cmpi ne, %convert_element_type3A, %cond3A : i32
    scf.if %cond3A_26 {
      "tpu.region"() ({
        %run_scoped3A = tpu.sem_alloc : memref<!tpu.dma_semaphore, #tpu.memory_space<semaphore_mem>>
        %dma_start3A_387 = arith.constant 0 : i32
        %dma_start3A_388 = arith.constant 0 : i32
        %dma_start3A_389 = tpu.memref_slice %arg9[%dma_start3A_387, %dma_start3A_388] : memref<480x64xf32, #tpu.memory_space<vmem>> -> memref<16x64xf32, #tpu.memory_space<vmem>>
        %dma_start3A_390 = arith.constant 9984 : i32
        %dma_start3A_391 = arith.constant 0 : i32
        %dma_start3A_392 = tpu.memref_slice %arg10[%dma_start3A_390, %dma_start3A_391] : memref<10000x64xf32, #tpu.memory_space<vmem_shared>> -> memref<16x64xf32, #tpu.memory_space<vmem_shared>>
        %dma_start3A_393 = arith.constant 9984 : i32
        %dma_start3A_394 = arith.constant 0 : i32
        %dma_start3A_395 = tpu.memref_slice %arg10[%dma_start3A_393, %dma_start3A_394] : memref<10000x64xf32, #tpu.memory_space<vmem_shared>> -> memref<16x64xf32, #tpu.memory_space<vmem_shared>>
        %dma_start3A_396 = arith.constant 0 : i32
        %dma_start3A_397 = arith.constant 0 : i32
        %dma_start3A_398 = tpu.memref_slice %arg9[%dma_start3A_396, %dma_start3A_397] : memref<480x64xf32, #tpu.memory_space<vmem>> -> memref<16x64xf32, #tpu.memory_space<vmem>>
        tpu.enqueue_dma source(%dma_start3A_398 : memref<16x64xf32, #tpu.memory_space<vmem>>) target(%dma_start3A_395 : memref<16x64xf32, #tpu.memory_space<vmem_shared>>) target_semaphore(%run_scoped3A : memref<!tpu.dma_semaphore, #tpu.memory_space<semaphore_mem>>)
        %dma_wait3A_399 = arith.constant 0 : i32
        %dma_wait3A_400 = arith.constant 0 : i32
        %dma_wait3A_401 = tpu.memref_slice %arg9[%dma_wait3A_399, %dma_wait3A_400] : memref<480x64xf32, #tpu.memory_space<vmem>> -> memref<16x64xf32, #tpu.memory_space<vmem>>
        %dma_wait3A_402 = arith.constant 9984 : i32
        %dma_wait3A_403 = arith.constant 0 : i32
        %dma_wait3A_404 = tpu.memref_slice %arg10[%dma_wait3A_402, %dma_wait3A_403] : memref<10000x64xf32, #tpu.memory_space<vmem_shared>> -> memref<16x64xf32, #tpu.memory_space<vmem_shared>>
        %dma_wait3A_405 = arith.constant 9984 : i32
        %dma_wait3A_406 = arith.constant 0 : i32
        %dma_wait3A_407 = tpu.memref_slice %arg10[%dma_wait3A_405, %dma_wait3A_406] : memref<10000x64xf32, #tpu.memory_space<vmem_shared>> -> memref<16x64xf32, #tpu.memory_space<vmem_shared>>
        %dma_wait3A_408 = arith.constant 0 : i32
        %dma_wait3A_409 = arith.constant 0 : i32
        %dma_wait3A_410 = tpu.memref_slice %arg9[%dma_wait3A_408, %dma_wait3A_409] : memref<480x64xf32, #tpu.memory_space<vmem>> -> memref<16x64xf32, #tpu.memory_space<vmem>>
        tpu.wait_dma2 semaphore(%run_scoped3A : memref<!tpu.dma_semaphore, #tpu.memory_space<semaphore_mem>>) src(%dma_wait3A_410 : memref<16x64xf32, #tpu.memory_space<vmem>>) dst(%dma_wait3A_407 : memref<16x64xf32, #tpu.memory_space<vmem_shared>>)
        tpu.yield
      }) : () -> ()
    } else {
    }
    %dma_wait3A = arith.constant 0 : i32
    %dma_wait3A_27 = arith.constant 0 : i32
    %dma_wait3A_28 = tpu.memref_slice %arg3[%arg0, %arg1, %dma_wait3A, %dma_wait3A_27] : memref<2x16x250x80xi32, #tpu.memory_space<hbm>> -> memref<1x1x250x80xi32, #tpu.memory_space<hbm>>
    %dma_wait3A_29 = tpu.memref_squeeze %dma_wait3A_28 : memref<1x1x250x80xi32, #tpu.memory_space<hbm>> -> memref<250x80xi32, #tpu.memory_space<hbm>>
    %dma_wait3A_30 = arith.constant 0 : i32
    %dma_wait3A_31 = arith.constant 0 : i32
    %dma_wait3A_32 = tpu.memref_slice %arg3[%arg0, %arg1, %dma_wait3A_30, %dma_wait3A_31] : memref<2x16x250x80xi32, #tpu.memory_space<hbm>> -> memref<1x1x250x80xi32, #tpu.memory_space<hbm>>
    %dma_wait3A_33 = tpu.memref_squeeze %dma_wait3A_32 : memref<1x1x250x80xi32, #tpu.memory_space<hbm>> -> memref<250x80xi32, #tpu.memory_space<hbm>>
    tpu.wait_dma2 semaphore(%arg11 : memref<!tpu.dma_semaphore, #tpu.memory_space<semaphore_mem>>) src(%dma_wait3A_33 : memref<250x80xi32, #tpu.memory_space<hbm>>) dst(%arg7 : memref<250x80xi32, #tpu.memory_space<vmem>>)
    %dma_wait3A_34 = arith.constant 0 : i32
    %dma_wait3A_35 = arith.constant 0 : i32
    %dma_wait3A_36 = tpu.memref_slice %arg4[%arg1, %dma_wait3A_34, %dma_wait3A_35] : memref<16x250x80xi32, #tpu.memory_space<hbm>> -> memref<1x250x80xi32, #tpu.memory_space<hbm>>
    %dma_wait3A_37 = tpu.memref_squeeze %dma_wait3A_36 : memref<1x250x80xi32, #tpu.memory_space<hbm>> -> memref<250x80xi32, #tpu.memory_space<hbm>>
    %dma_wait3A_38 = arith.constant 0 : i32
    %dma_wait3A_39 = arith.constant 0 : i32
    %dma_wait3A_40 = tpu.memref_slice %arg4[%arg1, %dma_wait3A_38, %dma_wait3A_39] : memref<16x250x80xi32, #tpu.memory_space<hbm>> -> memref<1x250x80xi32, #tpu.memory_space<hbm>>
    %dma_wait3A_41 = tpu.memref_squeeze %dma_wait3A_40 : memref<1x250x80xi32, #tpu.memory_space<hbm>> -> memref<250x80xi32, #tpu.memory_space<hbm>>
    tpu.wait_dma2 semaphore(%arg12 : memref<!tpu.dma_semaphore, #tpu.memory_space<semaphore_mem>>) src(%dma_wait3A_41 : memref<250x80xi32, #tpu.memory_space<hbm>>) dst(%arg8 : memref<250x80xi32, #tpu.memory_space<vmem>>)
    %barrier3A = arith.constant 0 : index
    tpu.barrier barrier_id(%barrier3A)
    %dma_start3A_42 = arith.constant 0 : i32
    %dma_start3A_43 = arith.constant 0 : i32
    %dma_start3A_44 = arith.constant 0 : i32
    %dma_start3A_45 = tpu.memref_slice %arg9[%dma_start3A_43, %dma_start3A_44] : memref<480x64xf32, #tpu.memory_space<vmem>> -> memref<80x64xf32, #tpu.memory_space<vmem>>
    %dma_start3A_46 = arith.constant 0 : i32
    %dma_start3A_47 = tpu.memref_slice %arg7[%dma_start3A_42, %dma_start3A_46] : memref<250x80xi32, #tpu.memory_space<vmem>> -> memref<1x80xi32, #tpu.memory_space<vmem>>
    %dma_start3A_48 = tpu.memref_squeeze %dma_start3A_47 : memref<1x80xi32, #tpu.memory_space<vmem>> -> memref<80xi32, #tpu.memory_space<vmem>>
    %dma_start3A_49 = arith.constant 0 : i32
    %dma_start3A_50 = arith.constant 0 : i32
    %dma_start3A_51 = tpu.memref_slice %arg2[%dma_start3A_49, %dma_start3A_50] : memref<20000x64xf32, #tpu.memory_space<hbm>> -> memref<20000x64xf32, #tpu.memory_space<hbm>>
    tpu.enqueue_indirect_dma source(%dma_start3A_51 : memref<20000x64xf32, #tpu.memory_space<hbm>>) target(%dma_start3A_45 : memref<80x64xf32, #tpu.memory_space<vmem>>) offsets(%dma_start3A_48 : memref<80xi32, #tpu.memory_space<vmem>>) semaphore(%arg11 : memref<!tpu.dma_semaphore, #tpu.memory_space<semaphore_mem>>)
    %dma_start3A_52 = arith.constant 1 : i32
    %dma_start3A_53 = arith.constant 80 : i32
    %dma_start3A_54 = arith.constant 0 : i32
    %dma_start3A_55 = tpu.memref_slice %arg9[%dma_start3A_53, %dma_start3A_54] : memref<480x64xf32, #tpu.memory_space<vmem>> -> memref<80x64xf32, #tpu.memory_space<vmem>>
    %dma_start3A_56 = arith.constant 0 : i32
    %dma_start3A_57 = tpu.memref_slice %arg7[%dma_start3A_52, %dma_start3A_56] : memref<250x80xi32, #tpu.memory_space<vmem>> -> memref<1x80xi32, #tpu.memory_space<vmem>>
    %dma_start3A_58 = tpu.memref_squeeze %dma_start3A_57 : memref<1x80xi32, #tpu.memory_space<vmem>> -> memref<80xi32, #tpu.memory_space<vmem>>
    %dma_start3A_59 = arith.constant 0 : i32
    %dma_start3A_60 = arith.constant 0 : i32
    %dma_start3A_61 = tpu.memref_slice %arg2[%dma_start3A_59, %dma_start3A_60] : memref<20000x64xf32, #tpu.memory_space<hbm>> -> memref<20000x64xf32, #tpu.memory_space<hbm>>
    tpu.enqueue_indirect_dma source(%dma_start3A_61 : memref<20000x64xf32, #tpu.memory_space<hbm>>) target(%dma_start3A_55 : memref<80x64xf32, #tpu.memory_space<vmem>>) offsets(%dma_start3A_58 : memref<80xi32, #tpu.memory_space<vmem>>) semaphore(%arg12 : memref<!tpu.dma_semaphore, #tpu.memory_space<semaphore_mem>>)
    %dma_start3A_62 = arith.constant 2 : i32
    %dma_start3A_63 = arith.constant 160 : i32
    %dma_start3A_64 = arith.constant 0 : i32
    %dma_start3A_65 = tpu.memref_slice %arg9[%dma_start3A_63, %dma_start3A_64] : memref<480x64xf32, #tpu.memory_space<vmem>> -> memref<80x64xf32, #tpu.memory_space<vmem>>
    %dma_start3A_66 = arith.constant 0 : i32
    %dma_start3A_67 = tpu.memref_slice %arg7[%dma_start3A_62, %dma_start3A_66] : memref<250x80xi32, #tpu.memory_space<vmem>> -> memref<1x80xi32, #tpu.memory_space<vmem>>
    %dma_start3A_68 = tpu.memref_squeeze %dma_start3A_67 : memref<1x80xi32, #tpu.memory_space<vmem>> -> memref<80xi32, #tpu.memory_space<vmem>>
    %dma_start3A_69 = arith.constant 0 : i32
    %dma_start3A_70 = arith.constant 0 : i32
    %dma_start3A_71 = tpu.memref_slice %arg2[%dma_start3A_69, %dma_start3A_70] : memref<20000x64xf32, #tpu.memory_space<hbm>> -> memref<20000x64xf32, #tpu.memory_space<hbm>>
    tpu.enqueue_indirect_dma source(%dma_start3A_71 : memref<20000x64xf32, #tpu.memory_space<hbm>>) target(%dma_start3A_65 : memref<80x64xf32, #tpu.memory_space<vmem>>) offsets(%dma_start3A_68 : memref<80xi32, #tpu.memory_space<vmem>>) semaphore(%arg13 : memref<!tpu.dma_semaphore, #tpu.memory_space<semaphore_mem>>)
    %scan3A = arith.constant 0 : i32
    %scan3A_72 = arith.constant 0 : i32
    %scan3A_73 = arith.constant 41 : i32
    %scan3A_74 = arith.addi %scan3A_72, %scan3A_73 : i32
    %scan3A_75 = arith.constant 1 : i32
    scf.for %scan3A_387 = %scan3A_72 to %scan3A_74 step %scan3A_75  : i32 {
      %mul3A_388 = arith.constant 6 : i32
      %mul3A_389 = arith.muli %scan3A_387, %mul3A_388 : i32
      %add3A_390 = arith.constant 0 : i32
      %add3A_391 = arith.addi %mul3A_389, %add3A_390 : i32
      %ge3A = arith.constant 3 : i32
      %ge3A_392 = arith.cmpi sge, %add3A_391, %ge3A : i32
      %convert_element_type3A_393 = arith.extui %ge3A_392 : i1 to i32
      %cond3A_394 = arith.constant 0 : i32
      %cond3A_395 = arith.cmpi ne, %convert_element_type3A_393, %cond3A_394 : i32
      scf.if %cond3A_395 {
        %sub3A = arith.constant 3 : i32
        %sub3A_590 = arith.subi %add3A_391, %sub3A : i32
        %dma_wait3A_591 = arith.constant 240 : i32
        %dma_wait3A_592 = arith.constant 0 : i32
        %dma_wait3A_593 = tpu.memref_slice %arg9[%dma_wait3A_591, %dma_wait3A_592] : memref<480x64xf32, #tpu.memory_space<vmem>> -> memref<80x64xf32, #tpu.memory_space<vmem>>
        %dma_wait3A_594 = arith.constant 0 : i32
        %dma_wait3A_595 = tpu.memref_slice %arg8[%sub3A_590, %dma_wait3A_594] : memref<250x80xi32, #tpu.memory_space<vmem>> -> memref<1x80xi32, #tpu.memory_space<vmem>>
        %dma_wait3A_596 = tpu.memref_squeeze %dma_wait3A_595 : memref<1x80xi32, #tpu.memory_space<vmem>> -> memref<80xi32, #tpu.memory_space<vmem>>
        %dma_wait3A_597 = arith.constant 0 : i32
        %dma_wait3A_598 = arith.constant 0 : i32
        %dma_wait3A_599 = tpu.memref_slice %arg10[%dma_wait3A_597, %dma_wait3A_598] : memref<10000x64xf32, #tpu.memory_space<vmem_shared>> -> memref<10000x64xf32, #tpu.memory_space<vmem_shared>>
        tpu.wait_indirect_dma semaphore(%arg20 : memref<!tpu.dma_semaphore, #tpu.memory_space<semaphore_mem>>) src(%dma_wait3A_593 : memref<80x64xf32, #tpu.memory_space<vmem>>) dst(%dma_wait3A_599 : memref<10000x64xf32, #tpu.memory_space<vmem_shared>>)
      } else {
      }
      %add3A_396 = arith.constant 3 : i32
      %add3A_397 = arith.addi %add3A_391, %add3A_396 : i32
      %lt3A = arith.constant 250 : i32
      %lt3A_398 = arith.cmpi slt, %add3A_397, %lt3A : i32
      %convert_element_type3A_399 = arith.extui %lt3A_398 : i1 to i32
      %cond3A_400 = arith.constant 0 : i32
      %cond3A_401 = arith.cmpi ne, %convert_element_type3A_399, %cond3A_400 : i32
      scf.if %cond3A_401 {
        %add3A_590 = arith.constant 3 : i32
        %add3A_591 = arith.addi %add3A_391, %add3A_590 : i32
        %dma_start3A_592 = arith.constant 240 : i32
        %dma_start3A_593 = arith.constant 0 : i32
        %dma_start3A_594 = tpu.memref_slice %arg9[%dma_start3A_592, %dma_start3A_593] : memref<480x64xf32, #tpu.memory_space<vmem>> -> memref<80x64xf32, #tpu.memory_space<vmem>>
        %dma_start3A_595 = arith.constant 0 : i32
        %dma_start3A_596 = tpu.memref_slice %arg7[%add3A_591, %dma_start3A_595] : memref<250x80xi32, #tpu.memory_space<vmem>> -> memref<1x80xi32, #tpu.memory_space<vmem>>
        %dma_start3A_597 = tpu.memref_squeeze %dma_start3A_596 : memref<1x80xi32, #tpu.memory_space<vmem>> -> memref<80xi32, #tpu.memory_space<vmem>>
        %dma_start3A_598 = arith.constant 0 : i32
        %dma_start3A_599 = arith.constant 0 : i32
        %dma_start3A_600 = tpu.memref_slice %arg2[%dma_start3A_598, %dma_start3A_599] : memref<20000x64xf32, #tpu.memory_space<hbm>> -> memref<20000x64xf32, #tpu.memory_space<hbm>>
        tpu.enqueue_indirect_dma source(%dma_start3A_600 : memref<20000x64xf32, #tpu.memory_space<hbm>>) target(%dma_start3A_594 : memref<80x64xf32, #tpu.memory_space<vmem>>) offsets(%dma_start3A_597 : memref<80xi32, #tpu.memory_space<vmem>>) semaphore(%arg14 : memref<!tpu.dma_semaphore, #tpu.memory_space<semaphore_mem>>)
      } else {
      }
      %dma_wait3A_402 = arith.constant 0 : i32
      %dma_wait3A_403 = arith.constant 0 : i32
      %dma_wait3A_404 = tpu.memref_slice %arg9[%dma_wait3A_402, %dma_wait3A_403] : memref<480x64xf32, #tpu.memory_space<vmem>> -> memref<80x64xf32, #tpu.memory_space<vmem>>
      %dma_wait3A_405 = arith.constant 0 : i32
      %dma_wait3A_406 = tpu.memref_slice %arg7[%add3A_391, %dma_wait3A_405] : memref<250x80xi32, #tpu.memory_space<vmem>> -> memref<1x80xi32, #tpu.memory_space<vmem>>
      %dma_wait3A_407 = tpu.memref_squeeze %dma_wait3A_406 : memref<1x80xi32, #tpu.memory_space<vmem>> -> memref<80xi32, #tpu.memory_space<vmem>>
      %dma_wait3A_408 = arith.constant 0 : i32
      %dma_wait3A_409 = arith.constant 0 : i32
      %dma_wait3A_410 = tpu.memref_slice %arg2[%dma_wait3A_408, %dma_wait3A_409] : memref<20000x64xf32, #tpu.memory_space<hbm>> -> memref<20000x64xf32, #tpu.memory_space<hbm>>
      tpu.wait_indirect_dma semaphore(%arg11 : memref<!tpu.dma_semaphore, #tpu.memory_space<semaphore_mem>>) src(%dma_wait3A_410 : memref<20000x64xf32, #tpu.memory_space<hbm>>) dst(%dma_wait3A_404 : memref<80x64xf32, #tpu.memory_space<vmem>>)
      %dma_start3A_411 = arith.constant 0 : i32
      %dma_start3A_412 = arith.constant 0 : i32
      %dma_start3A_413 = tpu.memref_slice %arg9[%dma_start3A_411, %dma_start3A_412] : memref<480x64xf32, #tpu.memory_space<vmem>> -> memref<80x64xf32, #tpu.memory_space<vmem>>
      %dma_start3A_414 = arith.constant 0 : i32
      %dma_start3A_415 = tpu.memref_slice %arg8[%add3A_391, %dma_start3A_414] : memref<250x80xi32, #tpu.memory_space<vmem>> -> memref<1x80xi32, #tpu.memory_space<vmem>>
      %dma_start3A_416 = tpu.memref_squeeze %dma_start3A_415 : memref<1x80xi32, #tpu.memory_space<vmem>> -> memref<80xi32, #tpu.memory_space<vmem>>
      %dma_start3A_417 = arith.constant 0 : i32
      %dma_start3A_418 = arith.constant 0 : i32
      %dma_start3A_419 = tpu.memref_slice %arg10[%dma_start3A_417, %dma_start3A_418] : memref<10000x64xf32, #tpu.memory_space<vmem_shared>> -> memref<10000x64xf32, #tpu.memory_space<vmem_shared>>
      tpu.enqueue_indirect_dma source(%dma_start3A_413 : memref<80x64xf32, #tpu.memory_space<vmem>>) target(%dma_start3A_419 : memref<10000x64xf32, #tpu.memory_space<vmem_shared>>) offsets(%dma_start3A_416 : memref<80xi32, #tpu.memory_space<vmem>>) semaphore(%arg17 : memref<!tpu.dma_semaphore, #tpu.memory_space<semaphore_mem>>) {add = true}
      %mul3A_420 = arith.constant 6 : i32
      %mul3A_421 = arith.muli %scan3A_387, %mul3A_420 : i32
      %add3A_422 = arith.constant 1 : i32
      %add3A_423 = arith.addi %mul3A_421, %add3A_422 : i32
      %ge3A_424 = arith.constant 3 : i32
      %ge3A_425 = arith.cmpi sge, %add3A_423, %ge3A_424 : i32
      %convert_element_type3A_426 = arith.extui %ge3A_425 : i1 to i32
      %cond3A_427 = arith.constant 0 : i32
      %cond3A_428 = arith.cmpi ne, %convert_element_type3A_426, %cond3A_427 : i32
      scf.if %cond3A_428 {
        %sub3A = arith.constant 3 : i32
        %sub3A_590 = arith.subi %add3A_423, %sub3A : i32
        %dma_wait3A_591 = arith.constant 320 : i32
        %dma_wait3A_592 = arith.constant 0 : i32
        %dma_wait3A_593 = tpu.memref_slice %arg9[%dma_wait3A_591, %dma_wait3A_592] : memref<480x64xf32, #tpu.memory_space<vmem>> -> memref<80x64xf32, #tpu.memory_space<vmem>>
        %dma_wait3A_594 = arith.constant 0 : i32
        %dma_wait3A_595 = tpu.memref_slice %arg8[%sub3A_590, %dma_wait3A_594] : memref<250x80xi32, #tpu.memory_space<vmem>> -> memref<1x80xi32, #tpu.memory_space<vmem>>
        %dma_wait3A_596 = tpu.memref_squeeze %dma_wait3A_595 : memref<1x80xi32, #tpu.memory_space<vmem>> -> memref<80xi32, #tpu.memory_space<vmem>>
        %dma_wait3A_597 = arith.constant 0 : i32
        %dma_wait3A_598 = arith.constant 0 : i32
        %dma_wait3A_599 = tpu.memref_slice %arg10[%dma_wait3A_597, %dma_wait3A_598] : memref<10000x64xf32, #tpu.memory_space<vmem_shared>> -> memref<10000x64xf32, #tpu.memory_space<vmem_shared>>
        tpu.wait_indirect_dma semaphore(%arg21 : memref<!tpu.dma_semaphore, #tpu.memory_space<semaphore_mem>>) src(%dma_wait3A_593 : memref<80x64xf32, #tpu.memory_space<vmem>>) dst(%dma_wait3A_599 : memref<10000x64xf32, #tpu.memory_space<vmem_shared>>)
      } else {
      }
      %add3A_429 = arith.constant 3 : i32
      %add3A_430 = arith.addi %add3A_423, %add3A_429 : i32
      %lt3A_431 = arith.constant 250 : i32
      %lt3A_432 = arith.cmpi slt, %add3A_430, %lt3A_431 : i32
      %convert_element_type3A_433 = arith.extui %lt3A_432 : i1 to i32
      %cond3A_434 = arith.constant 0 : i32
      %cond3A_435 = arith.cmpi ne, %convert_element_type3A_433, %cond3A_434 : i32
      scf.if %cond3A_435 {
        %add3A_590 = arith.constant 3 : i32
        %add3A_591 = arith.addi %add3A_423, %add3A_590 : i32
        %dma_start3A_592 = arith.constant 320 : i32
        %dma_start3A_593 = arith.constant 0 : i32
        %dma_start3A_594 = tpu.memref_slice %arg9[%dma_start3A_592, %dma_start3A_593] : memref<480x64xf32, #tpu.memory_space<vmem>> -> memref<80x64xf32, #tpu.memory_space<vmem>>
        %dma_start3A_595 = arith.constant 0 : i32
        %dma_start3A_596 = tpu.memref_slice %arg7[%add3A_591, %dma_start3A_595] : memref<250x80xi32, #tpu.memory_space<vmem>> -> memref<1x80xi32, #tpu.memory_space<vmem>>
        %dma_start3A_597 = tpu.memref_squeeze %dma_start3A_596 : memref<1x80xi32, #tpu.memory_space<vmem>> -> memref<80xi32, #tpu.memory_space<vmem>>
        %dma_start3A_598 = arith.constant 0 : i32
        %dma_start3A_599 = arith.constant 0 : i32
        %dma_start3A_600 = tpu.memref_slice %arg2[%dma_start3A_598, %dma_start3A_599] : memref<20000x64xf32, #tpu.memory_space<hbm>> -> memref<20000x64xf32, #tpu.memory_space<hbm>>
        tpu.enqueue_indirect_dma source(%dma_start3A_600 : memref<20000x64xf32, #tpu.memory_space<hbm>>) target(%dma_start3A_594 : memref<80x64xf32, #tpu.memory_space<vmem>>) offsets(%dma_start3A_597 : memref<80xi32, #tpu.memory_space<vmem>>) semaphore(%arg15 : memref<!tpu.dma_semaphore, #tpu.memory_space<semaphore_mem>>)
      } else {
      }
      %dma_wait3A_436 = arith.constant 80 : i32
      %dma_wait3A_437 = arith.constant 0 : i32
      %dma_wait3A_438 = tpu.memref_slice %arg9[%dma_wait3A_436, %dma_wait3A_437] : memref<480x64xf32, #tpu.memory_space<vmem>> -> memref<80x64xf32, #tpu.memory_space<vmem>>
      %dma_wait3A_439 = arith.constant 0 : i32
      %dma_wait3A_440 = tpu.memref_slice %arg7[%add3A_423, %dma_wait3A_439] : memref<250x80xi32, #tpu.memory_space<vmem>> -> memref<1x80xi32, #tpu.memory_space<vmem>>
      %dma_wait3A_441 = tpu.memref_squeeze %dma_wait3A_440 : memref<1x80xi32, #tpu.memory_space<vmem>> -> memref<80xi32, #tpu.memory_space<vmem>>
      %dma_wait3A_442 = arith.constant 0 : i32
      %dma_wait3A_443 = arith.constant 0 : i32
      %dma_wait3A_444 = tpu.memref_slice %arg2[%dma_wait3A_442, %dma_wait3A_443] : memref<20000x64xf32, #tpu.memory_space<hbm>> -> memref<20000x64xf32, #tpu.memory_space<hbm>>
      tpu.wait_indirect_dma semaphore(%arg12 : memref<!tpu.dma_semaphore, #tpu.memory_space<semaphore_mem>>) src(%dma_wait3A_444 : memref<20000x64xf32, #tpu.memory_space<hbm>>) dst(%dma_wait3A_438 : memref<80x64xf32, #tpu.memory_space<vmem>>)
      %dma_start3A_445 = arith.constant 80 : i32
      %dma_start3A_446 = arith.constant 0 : i32
      %dma_start3A_447 = tpu.memref_slice %arg9[%dma_start3A_445, %dma_start3A_446] : memref<480x64xf32, #tpu.memory_space<vmem>> -> memref<80x64xf32, #tpu.memory_space<vmem>>
      %dma_start3A_448 = arith.constant 0 : i32
      %dma_start3A_449 = tpu.memref_slice %arg8[%add3A_423, %dma_start3A_448] : memref<250x80xi32, #tpu.memory_space<vmem>> -> memref<1x80xi32, #tpu.memory_space<vmem>>
      %dma_start3A_450 = tpu.memref_squeeze %dma_start3A_449 : memref<1x80xi32, #tpu.memory_space<vmem>> -> memref<80xi32, #tpu.memory_space<vmem>>
      %dma_start3A_451 = arith.constant 0 : i32
      %dma_start3A_452 = arith.constant 0 : i32
      %dma_start3A_453 = tpu.memref_slice %arg10[%dma_start3A_451, %dma_start3A_452] : memref<10000x64xf32, #tpu.memory_space<vmem_shared>> -> memref<10000x64xf32, #tpu.memory_space<vmem_shared>>
      tpu.enqueue_indirect_dma source(%dma_start3A_447 : memref<80x64xf32, #tpu.memory_space<vmem>>) target(%dma_start3A_453 : memref<10000x64xf32, #tpu.memory_space<vmem_shared>>) offsets(%dma_start3A_450 : memref<80xi32, #tpu.memory_space<vmem>>) semaphore(%arg18 : memref<!tpu.dma_semaphore, #tpu.memory_space<semaphore_mem>>) {add = true}
      %mul3A_454 = arith.constant 6 : i32
      %mul3A_455 = arith.muli %scan3A_387, %mul3A_454 : i32
      %add3A_456 = arith.constant 2 : i32
      %add3A_457 = arith.addi %mul3A_455, %add3A_456 : i32
      %ge3A_458 = arith.constant 3 : i32
      %ge3A_459 = arith.cmpi sge, %add3A_457, %ge3A_458 : i32
      %convert_element_type3A_460 = arith.extui %ge3A_459 : i1 to i32
      %cond3A_461 = arith.constant 0 : i32
      %cond3A_462 = arith.cmpi ne, %convert_element_type3A_460, %cond3A_461 : i32
      scf.if %cond3A_462 {
        %sub3A = arith.constant 3 : i32
        %sub3A_590 = arith.subi %add3A_457, %sub3A : i32
        %dma_wait3A_591 = arith.constant 400 : i32
        %dma_wait3A_592 = arith.constant 0 : i32
        %dma_wait3A_593 = tpu.memref_slice %arg9[%dma_wait3A_591, %dma_wait3A_592] : memref<480x64xf32, #tpu.memory_space<vmem>> -> memref<80x64xf32, #tpu.memory_space<vmem>>
        %dma_wait3A_594 = arith.constant 0 : i32
        %dma_wait3A_595 = tpu.memref_slice %arg8[%sub3A_590, %dma_wait3A_594] : memref<250x80xi32, #tpu.memory_space<vmem>> -> memref<1x80xi32, #tpu.memory_space<vmem>>
        %dma_wait3A_596 = tpu.memref_squeeze %dma_wait3A_595 : memref<1x80xi32, #tpu.memory_space<vmem>> -> memref<80xi32, #tpu.memory_space<vmem>>
        %dma_wait3A_597 = arith.constant 0 : i32
        %dma_wait3A_598 = arith.constant 0 : i32
        %dma_wait3A_599 = tpu.memref_slice %arg10[%dma_wait3A_597, %dma_wait3A_598] : memref<10000x64xf32, #tpu.memory_space<vmem_shared>> -> memref<10000x64xf32, #tpu.memory_space<vmem_shared>>
        tpu.wait_indirect_dma semaphore(%arg22 : memref<!tpu.dma_semaphore, #tpu.memory_space<semaphore_mem>>) src(%dma_wait3A_593 : memref<80x64xf32, #tpu.memory_space<vmem>>) dst(%dma_wait3A_599 : memref<10000x64xf32, #tpu.memory_space<vmem_shared>>)
      } else {
      }
      %add3A_463 = arith.constant 3 : i32
      %add3A_464 = arith.addi %add3A_457, %add3A_463 : i32
      %lt3A_465 = arith.constant 250 : i32
      %lt3A_466 = arith.cmpi slt, %add3A_464, %lt3A_465 : i32
      %convert_element_type3A_467 = arith.extui %lt3A_466 : i1 to i32
      %cond3A_468 = arith.constant 0 : i32
      %cond3A_469 = arith.cmpi ne, %convert_element_type3A_467, %cond3A_468 : i32
      scf.if %cond3A_469 {
        %add3A_590 = arith.constant 3 : i32
        %add3A_591 = arith.addi %add3A_457, %add3A_590 : i32
        %dma_start3A_592 = arith.constant 400 : i32
        %dma_start3A_593 = arith.constant 0 : i32
        %dma_start3A_594 = tpu.memref_slice %arg9[%dma_start3A_592, %dma_start3A_593] : memref<480x64xf32, #tpu.memory_space<vmem>> -> memref<80x64xf32, #tpu.memory_space<vmem>>
        %dma_start3A_595 = arith.constant 0 : i32
        %dma_start3A_596 = tpu.memref_slice %arg7[%add3A_591, %dma_start3A_595] : memref<250x80xi32, #tpu.memory_space<vmem>> -> memref<1x80xi32, #tpu.memory_space<vmem>>
        %dma_start3A_597 = tpu.memref_squeeze %dma_start3A_596 : memref<1x80xi32, #tpu.memory_space<vmem>> -> memref<80xi32, #tpu.memory_space<vmem>>
        %dma_start3A_598 = arith.constant 0 : i32
        %dma_start3A_599 = arith.constant 0 : i32
        %dma_start3A_600 = tpu.memref_slice %arg2[%dma_start3A_598, %dma_start3A_599] : memref<20000x64xf32, #tpu.memory_space<hbm>> -> memref<20000x64xf32, #tpu.memory_space<hbm>>
        tpu.enqueue_indirect_dma source(%dma_start3A_600 : memref<20000x64xf32, #tpu.memory_space<hbm>>) target(%dma_start3A_594 : memref<80x64xf32, #tpu.memory_space<vmem>>) offsets(%dma_start3A_597 : memref<80xi32, #tpu.memory_space<vmem>>) semaphore(%arg16 : memref<!tpu.dma_semaphore, #tpu.memory_space<semaphore_mem>>)
      } else {
      }
      %dma_wait3A_470 = arith.constant 160 : i32
      %dma_wait3A_471 = arith.constant 0 : i32
      %dma_wait3A_472 = tpu.memref_slice %arg9[%dma_wait3A_470, %dma_wait3A_471] : memref<480x64xf32, #tpu.memory_space<vmem>> -> memref<80x64xf32, #tpu.memory_space<vmem>>
      %dma_wait3A_473 = arith.constant 0 : i32
      %dma_wait3A_474 = tpu.memref_slice %arg7[%add3A_457, %dma_wait3A_473] : memref<250x80xi32, #tpu.memory_space<vmem>> -> memref<1x80xi32, #tpu.memory_space<vmem>>
      %dma_wait3A_475 = tpu.memref_squeeze %dma_wait3A_474 : memref<1x80xi32, #tpu.memory_space<vmem>> -> memref<80xi32, #tpu.memory_space<vmem>>
      %dma_wait3A_476 = arith.constant 0 : i32
      %dma_wait3A_477 = arith.constant 0 : i32
      %dma_wait3A_478 = tpu.memref_slice %arg2[%dma_wait3A_476, %dma_wait3A_477] : memref<20000x64xf32, #tpu.memory_space<hbm>> -> memref<20000x64xf32, #tpu.memory_space<hbm>>
      tpu.wait_indirect_dma semaphore(%arg13 : memref<!tpu.dma_semaphore, #tpu.memory_space<semaphore_mem>>) src(%dma_wait3A_478 : memref<20000x64xf32, #tpu.memory_space<hbm>>) dst(%dma_wait3A_472 : memref<80x64xf32, #tpu.memory_space<vmem>>)
      %dma_start3A_479 = arith.constant 160 : i32
      %dma_start3A_480 = arith.constant 0 : i32
      %dma_start3A_481 = tpu.memref_slice %arg9[%dma_start3A_479, %dma_start3A_480] : memref<480x64xf32, #tpu.memory_space<vmem>> -> memref<80x64xf32, #tpu.memory_space<vmem>>
      %dma_start3A_482 = arith.constant 0 : i32
      %dma_start3A_483 = tpu.memref_slice %arg8[%add3A_457, %dma_start3A_482] : memref<250x80xi32, #tpu.memory_space<vmem>> -> memref<1x80xi32, #tpu.memory_space<vmem>>
      %dma_start3A_484 = tpu.memref_squeeze %dma_start3A_483 : memref<1x80xi32, #tpu.memory_space<vmem>> -> memref<80xi32, #tpu.memory_space<vmem>>
      %dma_start3A_485 = arith.constant 0 : i32
      %dma_start3A_486 = arith.constant 0 : i32
      %dma_start3A_487 = tpu.memref_slice %arg10[%dma_start3A_485, %dma_start3A_486] : memref<10000x64xf32, #tpu.memory_space<vmem_shared>> -> memref<10000x64xf32, #tpu.memory_space<vmem_shared>>
      tpu.enqueue_indirect_dma source(%dma_start3A_481 : memref<80x64xf32, #tpu.memory_space<vmem>>) target(%dma_start3A_487 : memref<10000x64xf32, #tpu.memory_space<vmem_shared>>) offsets(%dma_start3A_484 : memref<80xi32, #tpu.memory_space<vmem>>) semaphore(%arg19 : memref<!tpu.dma_semaphore, #tpu.memory_space<semaphore_mem>>) {add = true}
      %mul3A_488 = arith.constant 6 : i32
      %mul3A_489 = arith.muli %scan3A_387, %mul3A_488 : i32
      %add3A_490 = arith.constant 3 : i32
      %add3A_491 = arith.addi %mul3A_489, %add3A_490 : i32
      %ge3A_492 = arith.constant 3 : i32
      %ge3A_493 = arith.cmpi sge, %add3A_491, %ge3A_492 : i32
      %convert_element_type3A_494 = arith.extui %ge3A_493 : i1 to i32
      %cond3A_495 = arith.constant 0 : i32
      %cond3A_496 = arith.cmpi ne, %convert_element_type3A_494, %cond3A_495 : i32
      scf.if %cond3A_496 {
        %sub3A = arith.constant 3 : i32
        %sub3A_590 = arith.subi %add3A_491, %sub3A : i32
        %dma_wait3A_591 = arith.constant 0 : i32
        %dma_wait3A_592 = arith.constant 0 : i32
        %dma_wait3A_593 = tpu.memref_slice %arg9[%dma_wait3A_591, %dma_wait3A_592] : memref<480x64xf32, #tpu.memory_space<vmem>> -> memref<80x64xf32, #tpu.memory_space<vmem>>
        %dma_wait3A_594 = arith.constant 0 : i32
        %dma_wait3A_595 = tpu.memref_slice %arg8[%sub3A_590, %dma_wait3A_594] : memref<250x80xi32, #tpu.memory_space<vmem>> -> memref<1x80xi32, #tpu.memory_space<vmem>>
        %dma_wait3A_596 = tpu.memref_squeeze %dma_wait3A_595 : memref<1x80xi32, #tpu.memory_space<vmem>> -> memref<80xi32, #tpu.memory_space<vmem>>
        %dma_wait3A_597 = arith.constant 0 : i32
        %dma_wait3A_598 = arith.constant 0 : i32
        %dma_wait3A_599 = tpu.memref_slice %arg10[%dma_wait3A_597, %dma_wait3A_598] : memref<10000x64xf32, #tpu.memory_space<vmem_shared>> -> memref<10000x64xf32, #tpu.memory_space<vmem_shared>>
        tpu.wait_indirect_dma semaphore(%arg17 : memref<!tpu.dma_semaphore, #tpu.memory_space<semaphore_mem>>) src(%dma_wait3A_593 : memref<80x64xf32, #tpu.memory_space<vmem>>) dst(%dma_wait3A_599 : memref<10000x64xf32, #tpu.memory_space<vmem_shared>>)
      } else {
      }
      %add3A_497 = arith.constant 3 : i32
      %add3A_498 = arith.addi %add3A_491, %add3A_497 : i32
      %lt3A_499 = arith.constant 250 : i32
      %lt3A_500 = arith.cmpi slt, %add3A_498, %lt3A_499 : i32
      %convert_element_type3A_501 = arith.extui %lt3A_500 : i1 to i32
      %cond3A_502 = arith.constant 0 : i32
      %cond3A_503 = arith.cmpi ne, %convert_element_type3A_501, %cond3A_502 : i32
      scf.if %cond3A_503 {
        %add3A_590 = arith.constant 3 : i32
        %add3A_591 = arith.addi %add3A_491, %add3A_590 : i32
        %dma_start3A_592 = arith.constant 0 : i32
        %dma_start3A_593 = arith.constant 0 : i32
        %dma_start3A_594 = tpu.memref_slice %arg9[%dma_start3A_592, %dma_start3A_593] : memref<480x64xf32, #tpu.memory_space<vmem>> -> memref<80x64xf32, #tpu.memory_space<vmem>>
        %dma_start3A_595 = arith.constant 0 : i32
        %dma_start3A_596 = tpu.memref_slice %arg7[%add3A_591, %dma_start3A_595] : memref<250x80xi32, #tpu.memory_space<vmem>> -> memref<1x80xi32, #tpu.memory_space<vmem>>
        %dma_start3A_597 = tpu.memref_squeeze %dma_start3A_596 : memref<1x80xi32, #tpu.memory_space<vmem>> -> memref<80xi32, #tpu.memory_space<vmem>>
        %dma_start3A_598 = arith.constant 0 : i32
        %dma_start3A_599 = arith.constant 0 : i32
        %dma_start3A_600 = tpu.memref_slice %arg2[%dma_start3A_598, %dma_start3A_599] : memref<20000x64xf32, #tpu.memory_space<hbm>> -> memref<20000x64xf32, #tpu.memory_space<hbm>>
        tpu.enqueue_indirect_dma source(%dma_start3A_600 : memref<20000x64xf32, #tpu.memory_space<hbm>>) target(%dma_start3A_594 : memref<80x64xf32, #tpu.memory_space<vmem>>) offsets(%dma_start3A_597 : memref<80xi32, #tpu.memory_space<vmem>>) semaphore(%arg11 : memref<!tpu.dma_semaphore, #tpu.memory_space<semaphore_mem>>)
      } else {
      }
      %dma_wait3A_504 = arith.constant 240 : i32
      %dma_wait3A_505 = arith.constant 0 : i32
      %dma_wait3A_506 = tpu.memref_slice %arg9[%dma_wait3A_504, %dma_wait3A_505] : memref<480x64xf32, #tpu.memory_space<vmem>> -> memref<80x64xf32, #tpu.memory_space<vmem>>
      %dma_wait3A_507 = arith.constant 0 : i32
      %dma_wait3A_508 = tpu.memref_slice %arg7[%add3A_491, %dma_wait3A_507] : memref<250x80xi32, #tpu.memory_space<vmem>> -> memref<1x80xi32, #tpu.memory_space<vmem>>
      %dma_wait3A_509 = tpu.memref_squeeze %dma_wait3A_508 : memref<1x80xi32, #tpu.memory_space<vmem>> -> memref<80xi32, #tpu.memory_space<vmem>>
      %dma_wait3A_510 = arith.constant 0 : i32
      %dma_wait3A_511 = arith.constant 0 : i32
      %dma_wait3A_512 = tpu.memref_slice %arg2[%dma_wait3A_510, %dma_wait3A_511] : memref<20000x64xf32, #tpu.memory_space<hbm>> -> memref<20000x64xf32, #tpu.memory_space<hbm>>
      tpu.wait_indirect_dma semaphore(%arg14 : memref<!tpu.dma_semaphore, #tpu.memory_space<semaphore_mem>>) src(%dma_wait3A_512 : memref<20000x64xf32, #tpu.memory_space<hbm>>) dst(%dma_wait3A_506 : memref<80x64xf32, #tpu.memory_space<vmem>>)
      %dma_start3A_513 = arith.constant 240 : i32
      %dma_start3A_514 = arith.constant 0 : i32
      %dma_start3A_515 = tpu.memref_slice %arg9[%dma_start3A_513, %dma_start3A_514] : memref<480x64xf32, #tpu.memory_space<vmem>> -> memref<80x64xf32, #tpu.memory_space<vmem>>
      %dma_start3A_516 = arith.constant 0 : i32
      %dma_start3A_517 = tpu.memref_slice %arg8[%add3A_491, %dma_start3A_516] : memref<250x80xi32, #tpu.memory_space<vmem>> -> memref<1x80xi32, #tpu.memory_space<vmem>>
      %dma_start3A_518 = tpu.memref_squeeze %dma_start3A_517 : memref<1x80xi32, #tpu.memory_space<vmem>> -> memref<80xi32, #tpu.memory_space<vmem>>
      %dma_start3A_519 = arith.constant 0 : i32
      %dma_start3A_520 = arith.constant 0 : i32
      %dma_start3A_521 = tpu.memref_slice %arg10[%dma_start3A_519, %dma_start3A_520] : memref<10000x64xf32, #tpu.memory_space<vmem_shared>> -> memref<10000x64xf32, #tpu.memory_space<vmem_shared>>
      tpu.enqueue_indirect_dma source(%dma_start3A_515 : memref<80x64xf32, #tpu.memory_space<vmem>>) target(%dma_start3A_521 : memref<10000x64xf32, #tpu.memory_space<vmem_shared>>) offsets(%dma_start3A_518 : memref<80xi32, #tpu.memory_space<vmem>>) semaphore(%arg20 : memref<!tpu.dma_semaphore, #tpu.memory_space<semaphore_mem>>) {add = true}
      %mul3A_522 = arith.constant 6 : i32
      %mul3A_523 = arith.muli %scan3A_387, %mul3A_522 : i32
      %add3A_524 = arith.constant 4 : i32
      %add3A_525 = arith.addi %mul3A_523, %add3A_524 : i32
      %ge3A_526 = arith.constant 3 : i32
      %ge3A_527 = arith.cmpi sge, %add3A_525, %ge3A_526 : i32
      %convert_element_type3A_528 = arith.extui %ge3A_527 : i1 to i32
      %cond3A_529 = arith.constant 0 : i32
      %cond3A_530 = arith.cmpi ne, %convert_element_type3A_528, %cond3A_529 : i32
      scf.if %cond3A_530 {
        %sub3A = arith.constant 3 : i32
        %sub3A_590 = arith.subi %add3A_525, %sub3A : i32
        %dma_wait3A_591 = arith.constant 80 : i32
        %dma_wait3A_592 = arith.constant 0 : i32
        %dma_wait3A_593 = tpu.memref_slice %arg9[%dma_wait3A_591, %dma_wait3A_592] : memref<480x64xf32, #tpu.memory_space<vmem>> -> memref<80x64xf32, #tpu.memory_space<vmem>>
        %dma_wait3A_594 = arith.constant 0 : i32
        %dma_wait3A_595 = tpu.memref_slice %arg8[%sub3A_590, %dma_wait3A_594] : memref<250x80xi32, #tpu.memory_space<vmem>> -> memref<1x80xi32, #tpu.memory_space<vmem>>
        %dma_wait3A_596 = tpu.memref_squeeze %dma_wait3A_595 : memref<1x80xi32, #tpu.memory_space<vmem>> -> memref<80xi32, #tpu.memory_space<vmem>>
        %dma_wait3A_597 = arith.constant 0 : i32
        %dma_wait3A_598 = arith.constant 0 : i32
        %dma_wait3A_599 = tpu.memref_slice %arg10[%dma_wait3A_597, %dma_wait3A_598] : memref<10000x64xf32, #tpu.memory_space<vmem_shared>> -> memref<10000x64xf32, #tpu.memory_space<vmem_shared>>
        tpu.wait_indirect_dma semaphore(%arg18 : memref<!tpu.dma_semaphore, #tpu.memory_space<semaphore_mem>>) src(%dma_wait3A_593 : memref<80x64xf32, #tpu.memory_space<vmem>>) dst(%dma_wait3A_599 : memref<10000x64xf32, #tpu.memory_space<vmem_shared>>)
      } else {
      }
      %add3A_531 = arith.constant 3 : i32
      %add3A_532 = arith.addi %add3A_525, %add3A_531 : i32
      %lt3A_533 = arith.constant 250 : i32
      %lt3A_534 = arith.cmpi slt, %add3A_532, %lt3A_533 : i32
      %convert_element_type3A_535 = arith.extui %lt3A_534 : i1 to i32
      %cond3A_536 = arith.constant 0 : i32
      %cond3A_537 = arith.cmpi ne, %convert_element_type3A_535, %cond3A_536 : i32
      scf.if %cond3A_537 {
        %add3A_590 = arith.constant 3 : i32
        %add3A_591 = arith.addi %add3A_525, %add3A_590 : i32
        %dma_start3A_592 = arith.constant 80 : i32
        %dma_start3A_593 = arith.constant 0 : i32
        %dma_start3A_594 = tpu.memref_slice %arg9[%dma_start3A_592, %dma_start3A_593] : memref<480x64xf32, #tpu.memory_space<vmem>> -> memref<80x64xf32, #tpu.memory_space<vmem>>
        %dma_start3A_595 = arith.constant 0 : i32
        %dma_start3A_596 = tpu.memref_slice %arg7[%add3A_591, %dma_start3A_595] : memref<250x80xi32, #tpu.memory_space<vmem>> -> memref<1x80xi32, #tpu.memory_space<vmem>>
        %dma_start3A_597 = tpu.memref_squeeze %dma_start3A_596 : memref<1x80xi32, #tpu.memory_space<vmem>> -> memref<80xi32, #tpu.memory_space<vmem>>
        %dma_start3A_598 = arith.constant 0 : i32
        %dma_start3A_599 = arith.constant 0 : i32
        %dma_start3A_600 = tpu.memref_slice %arg2[%dma_start3A_598, %dma_start3A_599] : memref<20000x64xf32, #tpu.memory_space<hbm>> -> memref<20000x64xf32, #tpu.memory_space<hbm>>
        tpu.enqueue_indirect_dma source(%dma_start3A_600 : memref<20000x64xf32, #tpu.memory_space<hbm>>) target(%dma_start3A_594 : memref<80x64xf32, #tpu.memory_space<vmem>>) offsets(%dma_start3A_597 : memref<80xi32, #tpu.memory_space<vmem>>) semaphore(%arg12 : memref<!tpu.dma_semaphore, #tpu.memory_space<semaphore_mem>>)
      } else {
      }
      %dma_wait3A_538 = arith.constant 320 : i32
      %dma_wait3A_539 = arith.constant 0 : i32
      %dma_wait3A_540 = tpu.memref_slice %arg9[%dma_wait3A_538, %dma_wait3A_539] : memref<480x64xf32, #tpu.memory_space<vmem>> -> memref<80x64xf32, #tpu.memory_space<vmem>>
      %dma_wait3A_541 = arith.constant 0 : i32
      %dma_wait3A_542 = tpu.memref_slice %arg7[%add3A_525, %dma_wait3A_541] : memref<250x80xi32, #tpu.memory_space<vmem>> -> memref<1x80xi32, #tpu.memory_space<vmem>>
      %dma_wait3A_543 = tpu.memref_squeeze %dma_wait3A_542 : memref<1x80xi32, #tpu.memory_space<vmem>> -> memref<80xi32, #tpu.memory_space<vmem>>
      %dma_wait3A_544 = arith.constant 0 : i32
      %dma_wait3A_545 = arith.constant 0 : i32
      %dma_wait3A_546 = tpu.memref_slice %arg2[%dma_wait3A_544, %dma_wait3A_545] : memref<20000x64xf32, #tpu.memory_space<hbm>> -> memref<20000x64xf32, #tpu.memory_space<hbm>>
      tpu.wait_indirect_dma semaphore(%arg15 : memref<!tpu.dma_semaphore, #tpu.memory_space<semaphore_mem>>) src(%dma_wait3A_546 : memref<20000x64xf32, #tpu.memory_space<hbm>>) dst(%dma_wait3A_540 : memref<80x64xf32, #tpu.memory_space<vmem>>)
      %dma_start3A_547 = arith.constant 320 : i32
      %dma_start3A_548 = arith.constant 0 : i32
      %dma_start3A_549 = tpu.memref_slice %arg9[%dma_start3A_547, %dma_start3A_548] : memref<480x64xf32, #tpu.memory_space<vmem>> -> memref<80x64xf32, #tpu.memory_space<vmem>>
      %dma_start3A_550 = arith.constant 0 : i32
      %dma_start3A_551 = tpu.memref_slice %arg8[%add3A_525, %dma_start3A_550] : memref<250x80xi32, #tpu.memory_space<vmem>> -> memref<1x80xi32, #tpu.memory_space<vmem>>
      %dma_start3A_552 = tpu.memref_squeeze %dma_start3A_551 : memref<1x80xi32, #tpu.memory_space<vmem>> -> memref<80xi32, #tpu.memory_space<vmem>>
      %dma_start3A_553 = arith.constant 0 : i32
      %dma_start3A_554 = arith.constant 0 : i32
      %dma_start3A_555 = tpu.memref_slice %arg10[%dma_start3A_553, %dma_start3A_554] : memref<10000x64xf32, #tpu.memory_space<vmem_shared>> -> memref<10000x64xf32, #tpu.memory_space<vmem_shared>>
      tpu.enqueue_indirect_dma source(%dma_start3A_549 : memref<80x64xf32, #tpu.memory_space<vmem>>) target(%dma_start3A_555 : memref<10000x64xf32, #tpu.memory_space<vmem_shared>>) offsets(%dma_start3A_552 : memref<80xi32, #tpu.memory_space<vmem>>) semaphore(%arg21 : memref<!tpu.dma_semaphore, #tpu.memory_space<semaphore_mem>>) {add = true}
      %mul3A_556 = arith.constant 6 : i32
      %mul3A_557 = arith.muli %scan3A_387, %mul3A_556 : i32
      %add3A_558 = arith.constant 5 : i32
      %add3A_559 = arith.addi %mul3A_557, %add3A_558 : i32
      %ge3A_560 = arith.constant 3 : i32
      %ge3A_561 = arith.cmpi sge, %add3A_559, %ge3A_560 : i32
      %convert_element_type3A_562 = arith.extui %ge3A_561 : i1 to i32
      %cond3A_563 = arith.constant 0 : i32
      %cond3A_564 = arith.cmpi ne, %convert_element_type3A_562, %cond3A_563 : i32
      scf.if %cond3A_564 {
        %sub3A = arith.constant 3 : i32
        %sub3A_590 = arith.subi %add3A_559, %sub3A : i32
        %dma_wait3A_591 = arith.constant 160 : i32
        %dma_wait3A_592 = arith.constant 0 : i32
        %dma_wait3A_593 = tpu.memref_slice %arg9[%dma_wait3A_591, %dma_wait3A_592] : memref<480x64xf32, #tpu.memory_space<vmem>> -> memref<80x64xf32, #tpu.memory_space<vmem>>
        %dma_wait3A_594 = arith.constant 0 : i32
        %dma_wait3A_595 = tpu.memref_slice %arg8[%sub3A_590, %dma_wait3A_594] : memref<250x80xi32, #tpu.memory_space<vmem>> -> memref<1x80xi32, #tpu.memory_space<vmem>>
        %dma_wait3A_596 = tpu.memref_squeeze %dma_wait3A_595 : memref<1x80xi32, #tpu.memory_space<vmem>> -> memref<80xi32, #tpu.memory_space<vmem>>
        %dma_wait3A_597 = arith.constant 0 : i32
        %dma_wait3A_598 = arith.constant 0 : i32
        %dma_wait3A_599 = tpu.memref_slice %arg10[%dma_wait3A_597, %dma_wait3A_598] : memref<10000x64xf32, #tpu.memory_space<vmem_shared>> -> memref<10000x64xf32, #tpu.memory_space<vmem_shared>>
        tpu.wait_indirect_dma semaphore(%arg19 : memref<!tpu.dma_semaphore, #tpu.memory_space<semaphore_mem>>) src(%dma_wait3A_593 : memref<80x64xf32, #tpu.memory_space<vmem>>) dst(%dma_wait3A_599 : memref<10000x64xf32, #tpu.memory_space<vmem_shared>>)
      } else {
      }
      %add3A_565 = arith.constant 3 : i32
      %add3A_566 = arith.addi %add3A_559, %add3A_565 : i32
      %lt3A_567 = arith.constant 250 : i32
      %lt3A_568 = arith.cmpi slt, %add3A_566, %lt3A_567 : i32
      %convert_element_type3A_569 = arith.extui %lt3A_568 : i1 to i32
      %cond3A_570 = arith.constant 0 : i32
      %cond3A_571 = arith.cmpi ne, %convert_element_type3A_569, %cond3A_570 : i32
      scf.if %cond3A_571 {
        %add3A_590 = arith.constant 3 : i32
        %add3A_591 = arith.addi %add3A_559, %add3A_590 : i32
        %dma_start3A_592 = arith.constant 160 : i32
        %dma_start3A_593 = arith.constant 0 : i32
        %dma_start3A_594 = tpu.memref_slice %arg9[%dma_start3A_592, %dma_start3A_593] : memref<480x64xf32, #tpu.memory_space<vmem>> -> memref<80x64xf32, #tpu.memory_space<vmem>>
        %dma_start3A_595 = arith.constant 0 : i32
        %dma_start3A_596 = tpu.memref_slice %arg7[%add3A_591, %dma_start3A_595] : memref<250x80xi32, #tpu.memory_space<vmem>> -> memref<1x80xi32, #tpu.memory_space<vmem>>
        %dma_start3A_597 = tpu.memref_squeeze %dma_start3A_596 : memref<1x80xi32, #tpu.memory_space<vmem>> -> memref<80xi32, #tpu.memory_space<vmem>>
        %dma_start3A_598 = arith.constant 0 : i32
        %dma_start3A_599 = arith.constant 0 : i32
        %dma_start3A_600 = tpu.memref_slice %arg2[%dma_start3A_598, %dma_start3A_599] : memref<20000x64xf32, #tpu.memory_space<hbm>> -> memref<20000x64xf32, #tpu.memory_space<hbm>>
        tpu.enqueue_indirect_dma source(%dma_start3A_600 : memref<20000x64xf32, #tpu.memory_space<hbm>>) target(%dma_start3A_594 : memref<80x64xf32, #tpu.memory_space<vmem>>) offsets(%dma_start3A_597 : memref<80xi32, #tpu.memory_space<vmem>>) semaphore(%arg13 : memref<!tpu.dma_semaphore, #tpu.memory_space<semaphore_mem>>)
      } else {
      }
      %dma_wait3A_572 = arith.constant 400 : i32
      %dma_wait3A_573 = arith.constant 0 : i32
      %dma_wait3A_574 = tpu.memref_slice %arg9[%dma_wait3A_572, %dma_wait3A_573] : memref<480x64xf32, #tpu.memory_space<vmem>> -> memref<80x64xf32, #tpu.memory_space<vmem>>
      %dma_wait3A_575 = arith.constant 0 : i32
      %dma_wait3A_576 = tpu.memref_slice %arg7[%add3A_559, %dma_wait3A_575] : memref<250x80xi32, #tpu.memory_space<vmem>> -> memref<1x80xi32, #tpu.memory_space<vmem>>
      %dma_wait3A_577 = tpu.memref_squeeze %dma_wait3A_576 : memref<1x80xi32, #tpu.memory_space<vmem>> -> memref<80xi32, #tpu.memory_space<vmem>>
      %dma_wait3A_578 = arith.constant 0 : i32
      %dma_wait3A_579 = arith.constant 0 : i32
      %dma_wait3A_580 = tpu.memref_slice %arg2[%dma_wait3A_578, %dma_wait3A_579] : memref<20000x64xf32, #tpu.memory_space<hbm>> -> memref<20000x64xf32, #tpu.memory_space<hbm>>
      tpu.wait_indirect_dma semaphore(%arg16 : memref<!tpu.dma_semaphore, #tpu.memory_space<semaphore_mem>>) src(%dma_wait3A_580 : memref<20000x64xf32, #tpu.memory_space<hbm>>) dst(%dma_wait3A_574 : memref<80x64xf32, #tpu.memory_space<vmem>>)
      %dma_start3A_581 = arith.constant 400 : i32
      %dma_start3A_582 = arith.constant 0 : i32
      %dma_start3A_583 = tpu.memref_slice %arg9[%dma_start3A_581, %dma_start3A_582] : memref<480x64xf32, #tpu.memory_space<vmem>> -> memref<80x64xf32, #tpu.memory_space<vmem>>
      %dma_start3A_584 = arith.constant 0 : i32
      %dma_start3A_585 = tpu.memref_slice %arg8[%add3A_559, %dma_start3A_584] : memref<250x80xi32, #tpu.memory_space<vmem>> -> memref<1x80xi32, #tpu.memory_space<vmem>>
      %dma_start3A_586 = tpu.memref_squeeze %dma_start3A_585 : memref<1x80xi32, #tpu.memory_space<vmem>> -> memref<80xi32, #tpu.memory_space<vmem>>
      %dma_start3A_587 = arith.constant 0 : i32
      %dma_start3A_588 = arith.constant 0 : i32
      %dma_start3A_589 = tpu.memref_slice %arg10[%dma_start3A_587, %dma_start3A_588] : memref<10000x64xf32, #tpu.memory_space<vmem_shared>> -> memref<10000x64xf32, #tpu.memory_space<vmem_shared>>
      tpu.enqueue_indirect_dma source(%dma_start3A_583 : memref<80x64xf32, #tpu.memory_space<vmem>>) target(%dma_start3A_589 : memref<10000x64xf32, #tpu.memory_space<vmem_shared>>) offsets(%dma_start3A_586 : memref<80xi32, #tpu.memory_space<vmem>>) semaphore(%arg22 : memref<!tpu.dma_semaphore, #tpu.memory_space<semaphore_mem>>) {add = true}
    }
    %scan3A_76 = arith.constant 41 : i32
    %dma_wait3A_77 = arith.constant 243 : i32
    %dma_wait3A_78 = arith.constant 240 : i32
    %dma_wait3A_79 = arith.constant 0 : i32
    %dma_wait3A_80 = tpu.memref_slice %arg9[%dma_wait3A_78, %dma_wait3A_79] : memref<480x64xf32, #tpu.memory_space<vmem>> -> memref<80x64xf32, #tpu.memory_space<vmem>>
    %dma_wait3A_81 = arith.constant 0 : i32
    %dma_wait3A_82 = tpu.memref_slice %arg8[%dma_wait3A_77, %dma_wait3A_81] : memref<250x80xi32, #tpu.memory_space<vmem>> -> memref<1x80xi32, #tpu.memory_space<vmem>>
    %dma_wait3A_83 = tpu.memref_squeeze %dma_wait3A_82 : memref<1x80xi32, #tpu.memory_space<vmem>> -> memref<80xi32, #tpu.memory_space<vmem>>
    %dma_wait3A_84 = arith.constant 0 : i32
    %dma_wait3A_85 = arith.constant 0 : i32
    %dma_wait3A_86 = tpu.memref_slice %arg10[%dma_wait3A_84, %dma_wait3A_85] : memref<10000x64xf32, #tpu.memory_space<vmem_shared>> -> memref<10000x64xf32, #tpu.memory_space<vmem_shared>>
    tpu.wait_indirect_dma semaphore(%arg20 : memref<!tpu.dma_semaphore, #tpu.memory_space<semaphore_mem>>) src(%dma_wait3A_80 : memref<80x64xf32, #tpu.memory_space<vmem>>) dst(%dma_wait3A_86 : memref<10000x64xf32, #tpu.memory_space<vmem_shared>>)
    %dma_start3A_87 = arith.constant 249 : i32
    %dma_start3A_88 = arith.constant 240 : i32
    %dma_start3A_89 = arith.constant 0 : i32
    %dma_start3A_90 = tpu.memref_slice %arg9[%dma_start3A_88, %dma_start3A_89] : memref<480x64xf32, #tpu.memory_space<vmem>> -> memref<80x64xf32, #tpu.memory_space<vmem>>
    %dma_start3A_91 = arith.constant 0 : i32
    %dma_start3A_92 = tpu.memref_slice %arg7[%dma_start3A_87, %dma_start3A_91] : memref<250x80xi32, #tpu.memory_space<vmem>> -> memref<1x80xi32, #tpu.memory_space<vmem>>
    %dma_start3A_93 = tpu.memref_squeeze %dma_start3A_92 : memref<1x80xi32, #tpu.memory_space<vmem>> -> memref<80xi32, #tpu.memory_space<vmem>>
    %dma_start3A_94 = arith.constant 0 : i32
    %dma_start3A_95 = arith.constant 0 : i32
    %dma_start3A_96 = tpu.memref_slice %arg2[%dma_start3A_94, %dma_start3A_95] : memref<20000x64xf32, #tpu.memory_space<hbm>> -> memref<20000x64xf32, #tpu.memory_space<hbm>>
    tpu.enqueue_indirect_dma source(%dma_start3A_96 : memref<20000x64xf32, #tpu.memory_space<hbm>>) target(%dma_start3A_90 : memref<80x64xf32, #tpu.memory_space<vmem>>) offsets(%dma_start3A_93 : memref<80xi32, #tpu.memory_space<vmem>>) semaphore(%arg14 : memref<!tpu.dma_semaphore, #tpu.memory_space<semaphore_mem>>)
    %dma_wait3A_97 = arith.constant 246 : i32
    %dma_wait3A_98 = arith.constant 0 : i32
    %dma_wait3A_99 = arith.constant 0 : i32
    %dma_wait3A_100 = tpu.memref_slice %arg9[%dma_wait3A_98, %dma_wait3A_99] : memref<480x64xf32, #tpu.memory_space<vmem>> -> memref<80x64xf32, #tpu.memory_space<vmem>>
    %dma_wait3A_101 = arith.constant 0 : i32
    %dma_wait3A_102 = tpu.memref_slice %arg7[%dma_wait3A_97, %dma_wait3A_101] : memref<250x80xi32, #tpu.memory_space<vmem>> -> memref<1x80xi32, #tpu.memory_space<vmem>>
    %dma_wait3A_103 = tpu.memref_squeeze %dma_wait3A_102 : memref<1x80xi32, #tpu.memory_space<vmem>> -> memref<80xi32, #tpu.memory_space<vmem>>
    %dma_wait3A_104 = arith.constant 0 : i32
    %dma_wait3A_105 = arith.constant 0 : i32
    %dma_wait3A_106 = tpu.memref_slice %arg2[%dma_wait3A_104, %dma_wait3A_105] : memref<20000x64xf32, #tpu.memory_space<hbm>> -> memref<20000x64xf32, #tpu.memory_space<hbm>>
    tpu.wait_indirect_dma semaphore(%arg11 : memref<!tpu.dma_semaphore, #tpu.memory_space<semaphore_mem>>) src(%dma_wait3A_106 : memref<20000x64xf32, #tpu.memory_space<hbm>>) dst(%dma_wait3A_100 : memref<80x64xf32, #tpu.memory_space<vmem>>)
    %dma_start3A_107 = arith.constant 246 : i32
    %dma_start3A_108 = arith.constant 0 : i32
    %dma_start3A_109 = arith.constant 0 : i32
    %dma_start3A_110 = tpu.memref_slice %arg9[%dma_start3A_108, %dma_start3A_109] : memref<480x64xf32, #tpu.memory_space<vmem>> -> memref<80x64xf32, #tpu.memory_space<vmem>>
    %dma_start3A_111 = arith.constant 0 : i32
    %dma_start3A_112 = tpu.memref_slice %arg8[%dma_start3A_107, %dma_start3A_111] : memref<250x80xi32, #tpu.memory_space<vmem>> -> memref<1x80xi32, #tpu.memory_space<vmem>>
    %dma_start3A_113 = tpu.memref_squeeze %dma_start3A_112 : memref<1x80xi32, #tpu.memory_space<vmem>> -> memref<80xi32, #tpu.memory_space<vmem>>
    %dma_start3A_114 = arith.constant 0 : i32
    %dma_start3A_115 = arith.constant 0 : i32
    %dma_start3A_116 = tpu.memref_slice %arg10[%dma_start3A_114, %dma_start3A_115] : memref<10000x64xf32, #tpu.memory_space<vmem_shared>> -> memref<10000x64xf32, #tpu.memory_space<vmem_shared>>
    tpu.enqueue_indirect_dma source(%dma_start3A_110 : memref<80x64xf32, #tpu.memory_space<vmem>>) target(%dma_start3A_116 : memref<10000x64xf32, #tpu.memory_space<vmem_shared>>) offsets(%dma_start3A_113 : memref<80xi32, #tpu.memory_space<vmem>>) semaphore(%arg17 : memref<!tpu.dma_semaphore, #tpu.memory_space<semaphore_mem>>) {add = true}
    %dma_wait3A_117 = arith.constant 244 : i32
    %dma_wait3A_118 = arith.constant 320 : i32
    %dma_wait3A_119 = arith.constant 0 : i32
    %dma_wait3A_120 = tpu.memref_slice %arg9[%dma_wait3A_118, %dma_wait3A_119] : memref<480x64xf32, #tpu.memory_space<vmem>> -> memref<80x64xf32, #tpu.memory_space<vmem>>
    %dma_wait3A_121 = arith.constant 0 : i32
    %dma_wait3A_122 = tpu.memref_slice %arg8[%dma_wait3A_117, %dma_wait3A_121] : memref<250x80xi32, #tpu.memory_space<vmem>> -> memref<1x80xi32, #tpu.memory_space<vmem>>
    %dma_wait3A_123 = tpu.memref_squeeze %dma_wait3A_122 : memref<1x80xi32, #tpu.memory_space<vmem>> -> memref<80xi32, #tpu.memory_space<vmem>>
    %dma_wait3A_124 = arith.constant 0 : i32
    %dma_wait3A_125 = arith.constant 0 : i32
    %dma_wait3A_126 = tpu.memref_slice %arg10[%dma_wait3A_124, %dma_wait3A_125] : memref<10000x64xf32, #tpu.memory_space<vmem_shared>> -> memref<10000x64xf32, #tpu.memory_space<vmem_shared>>
    tpu.wait_indirect_dma semaphore(%arg21 : memref<!tpu.dma_semaphore, #tpu.memory_space<semaphore_mem>>) src(%dma_wait3A_120 : memref<80x64xf32, #tpu.memory_space<vmem>>) dst(%dma_wait3A_126 : memref<10000x64xf32, #tpu.memory_space<vmem_shared>>)
    %dma_wait3A_127 = arith.constant 247 : i32
    %dma_wait3A_128 = arith.constant 80 : i32
    %dma_wait3A_129 = arith.constant 0 : i32
    %dma_wait3A_130 = tpu.memref_slice %arg9[%dma_wait3A_128, %dma_wait3A_129] : memref<480x64xf32, #tpu.memory_space<vmem>> -> memref<80x64xf32, #tpu.memory_space<vmem>>
    %dma_wait3A_131 = arith.constant 0 : i32
    %dma_wait3A_132 = tpu.memref_slice %arg7[%dma_wait3A_127, %dma_wait3A_131] : memref<250x80xi32, #tpu.memory_space<vmem>> -> memref<1x80xi32, #tpu.memory_space<vmem>>
    %dma_wait3A_133 = tpu.memref_squeeze %dma_wait3A_132 : memref<1x80xi32, #tpu.memory_space<vmem>> -> memref<80xi32, #tpu.memory_space<vmem>>
    %dma_wait3A_134 = arith.constant 0 : i32
    %dma_wait3A_135 = arith.constant 0 : i32
    %dma_wait3A_136 = tpu.memref_slice %arg2[%dma_wait3A_134, %dma_wait3A_135] : memref<20000x64xf32, #tpu.memory_space<hbm>> -> memref<20000x64xf32, #tpu.memory_space<hbm>>
    tpu.wait_indirect_dma semaphore(%arg12 : memref<!tpu.dma_semaphore, #tpu.memory_space<semaphore_mem>>) src(%dma_wait3A_136 : memref<20000x64xf32, #tpu.memory_space<hbm>>) dst(%dma_wait3A_130 : memref<80x64xf32, #tpu.memory_space<vmem>>)
    %dma_start3A_137 = arith.constant 247 : i32
    %dma_start3A_138 = arith.constant 80 : i32
    %dma_start3A_139 = arith.constant 0 : i32
    %dma_start3A_140 = tpu.memref_slice %arg9[%dma_start3A_138, %dma_start3A_139] : memref<480x64xf32, #tpu.memory_space<vmem>> -> memref<80x64xf32, #tpu.memory_space<vmem>>
    %dma_start3A_141 = arith.constant 0 : i32
    %dma_start3A_142 = tpu.memref_slice %arg8[%dma_start3A_137, %dma_start3A_141] : memref<250x80xi32, #tpu.memory_space<vmem>> -> memref<1x80xi32, #tpu.memory_space<vmem>>
    %dma_start3A_143 = tpu.memref_squeeze %dma_start3A_142 : memref<1x80xi32, #tpu.memory_space<vmem>> -> memref<80xi32, #tpu.memory_space<vmem>>
    %dma_start3A_144 = arith.constant 0 : i32
    %dma_start3A_145 = arith.constant 0 : i32
    %dma_start3A_146 = tpu.memref_slice %arg10[%dma_start3A_144, %dma_start3A_145] : memref<10000x64xf32, #tpu.memory_space<vmem_shared>> -> memref<10000x64xf32, #tpu.memory_space<vmem_shared>>
    tpu.enqueue_indirect_dma source(%dma_start3A_140 : memref<80x64xf32, #tpu.memory_space<vmem>>) target(%dma_start3A_146 : memref<10000x64xf32, #tpu.memory_space<vmem_shared>>) offsets(%dma_start3A_143 : memref<80xi32, #tpu.memory_space<vmem>>) semaphore(%arg18 : memref<!tpu.dma_semaphore, #tpu.memory_space<semaphore_mem>>) {add = true}
    %dma_wait3A_147 = arith.constant 245 : i32
    %dma_wait3A_148 = arith.constant 400 : i32
    %dma_wait3A_149 = arith.constant 0 : i32
    %dma_wait3A_150 = tpu.memref_slice %arg9[%dma_wait3A_148, %dma_wait3A_149] : memref<480x64xf32, #tpu.memory_space<vmem>> -> memref<80x64xf32, #tpu.memory_space<vmem>>
    %dma_wait3A_151 = arith.constant 0 : i32
    %dma_wait3A_152 = tpu.memref_slice %arg8[%dma_wait3A_147, %dma_wait3A_151] : memref<250x80xi32, #tpu.memory_space<vmem>> -> memref<1x80xi32, #tpu.memory_space<vmem>>
    %dma_wait3A_153 = tpu.memref_squeeze %dma_wait3A_152 : memref<1x80xi32, #tpu.memory_space<vmem>> -> memref<80xi32, #tpu.memory_space<vmem>>
    %dma_wait3A_154 = arith.constant 0 : i32
    %dma_wait3A_155 = arith.constant 0 : i32
    %dma_wait3A_156 = tpu.memref_slice %arg10[%dma_wait3A_154, %dma_wait3A_155] : memref<10000x64xf32, #tpu.memory_space<vmem_shared>> -> memref<10000x64xf32, #tpu.memory_space<vmem_shared>>
    tpu.wait_indirect_dma semaphore(%arg22 : memref<!tpu.dma_semaphore, #tpu.memory_space<semaphore_mem>>) src(%dma_wait3A_150 : memref<80x64xf32, #tpu.memory_space<vmem>>) dst(%dma_wait3A_156 : memref<10000x64xf32, #tpu.memory_space<vmem_shared>>)
    %dma_wait3A_157 = arith.constant 248 : i32
    %dma_wait3A_158 = arith.constant 160 : i32
    %dma_wait3A_159 = arith.constant 0 : i32
    %dma_wait3A_160 = tpu.memref_slice %arg9[%dma_wait3A_158, %dma_wait3A_159] : memref<480x64xf32, #tpu.memory_space<vmem>> -> memref<80x64xf32, #tpu.memory_space<vmem>>
    %dma_wait3A_161 = arith.constant 0 : i32
    %dma_wait3A_162 = tpu.memref_slice %arg7[%dma_wait3A_157, %dma_wait3A_161] : memref<250x80xi32, #tpu.memory_space<vmem>> -> memref<1x80xi32, #tpu.memory_space<vmem>>
    %dma_wait3A_163 = tpu.memref_squeeze %dma_wait3A_162 : memref<1x80xi32, #tpu.memory_space<vmem>> -> memref<80xi32, #tpu.memory_space<vmem>>
    %dma_wait3A_164 = arith.constant 0 : i32
    %dma_wait3A_165 = arith.constant 0 : i32
    %dma_wait3A_166 = tpu.memref_slice %arg2[%dma_wait3A_164, %dma_wait3A_165] : memref<20000x64xf32, #tpu.memory_space<hbm>> -> memref<20000x64xf32, #tpu.memory_space<hbm>>
    tpu.wait_indirect_dma semaphore(%arg13 : memref<!tpu.dma_semaphore, #tpu.memory_space<semaphore_mem>>) src(%dma_wait3A_166 : memref<20000x64xf32, #tpu.memory_space<hbm>>) dst(%dma_wait3A_160 : memref<80x64xf32, #tpu.memory_space<vmem>>)
    %dma_start3A_167 = arith.constant 248 : i32
    %dma_start3A_168 = arith.constant 160 : i32
    %dma_start3A_169 = arith.constant 0 : i32
    %dma_start3A_170 = tpu.memref_slice %arg9[%dma_start3A_168, %dma_start3A_169] : memref<480x64xf32, #tpu.memory_space<vmem>> -> memref<80x64xf32, #tpu.memory_space<vmem>>
    %dma_start3A_171 = arith.constant 0 : i32
    %dma_start3A_172 = tpu.memref_slice %arg8[%dma_start3A_167, %dma_start3A_171] : memref<250x80xi32, #tpu.memory_space<vmem>> -> memref<1x80xi32, #tpu.memory_space<vmem>>
    %dma_start3A_173 = tpu.memref_squeeze %dma_start3A_172 : memref<1x80xi32, #tpu.memory_space<vmem>> -> memref<80xi32, #tpu.memory_space<vmem>>
    %dma_start3A_174 = arith.constant 0 : i32
    %dma_start3A_175 = arith.constant 0 : i32
    %dma_start3A_176 = tpu.memref_slice %arg10[%dma_start3A_174, %dma_start3A_175] : memref<10000x64xf32, #tpu.memory_space<vmem_shared>> -> memref<10000x64xf32, #tpu.memory_space<vmem_shared>>
    tpu.enqueue_indirect_dma source(%dma_start3A_170 : memref<80x64xf32, #tpu.memory_space<vmem>>) target(%dma_start3A_176 : memref<10000x64xf32, #tpu.memory_space<vmem_shared>>) offsets(%dma_start3A_173 : memref<80xi32, #tpu.memory_space<vmem>>) semaphore(%arg19 : memref<!tpu.dma_semaphore, #tpu.memory_space<semaphore_mem>>) {add = true}
    %dma_wait3A_177 = arith.constant 246 : i32
    %dma_wait3A_178 = arith.constant 0 : i32
    %dma_wait3A_179 = arith.constant 0 : i32
    %dma_wait3A_180 = tpu.memref_slice %arg9[%dma_wait3A_178, %dma_wait3A_179] : memref<480x64xf32, #tpu.memory_space<vmem>> -> memref<80x64xf32, #tpu.memory_space<vmem>>
    %dma_wait3A_181 = arith.constant 0 : i32
    %dma_wait3A_182 = tpu.memref_slice %arg8[%dma_wait3A_177, %dma_wait3A_181] : memref<250x80xi32, #tpu.memory_space<vmem>> -> memref<1x80xi32, #tpu.memory_space<vmem>>
    %dma_wait3A_183 = tpu.memref_squeeze %dma_wait3A_182 : memref<1x80xi32, #tpu.memory_space<vmem>> -> memref<80xi32, #tpu.memory_space<vmem>>
    %dma_wait3A_184 = arith.constant 0 : i32
    %dma_wait3A_185 = arith.constant 0 : i32
    %dma_wait3A_186 = tpu.memref_slice %arg10[%dma_wait3A_184, %dma_wait3A_185] : memref<10000x64xf32, #tpu.memory_space<vmem_shared>> -> memref<10000x64xf32, #tpu.memory_space<vmem_shared>>
    tpu.wait_indirect_dma semaphore(%arg17 : memref<!tpu.dma_semaphore, #tpu.memory_space<semaphore_mem>>) src(%dma_wait3A_180 : memref<80x64xf32, #tpu.memory_space<vmem>>) dst(%dma_wait3A_186 : memref<10000x64xf32, #tpu.memory_space<vmem_shared>>)
    %dma_wait3A_187 = arith.constant 249 : i32
    %dma_wait3A_188 = arith.constant 240 : i32
    %dma_wait3A_189 = arith.constant 0 : i32
    %dma_wait3A_190 = tpu.memref_slice %arg9[%dma_wait3A_188, %dma_wait3A_189] : memref<480x64xf32, #tpu.memory_space<vmem>> -> memref<80x64xf32, #tpu.memory_space<vmem>>
    %dma_wait3A_191 = arith.constant 0 : i32
    %dma_wait3A_192 = tpu.memref_slice %arg7[%dma_wait3A_187, %dma_wait3A_191] : memref<250x80xi32, #tpu.memory_space<vmem>> -> memref<1x80xi32, #tpu.memory_space<vmem>>
    %dma_wait3A_193 = tpu.memref_squeeze %dma_wait3A_192 : memref<1x80xi32, #tpu.memory_space<vmem>> -> memref<80xi32, #tpu.memory_space<vmem>>
    %dma_wait3A_194 = arith.constant 0 : i32
    %dma_wait3A_195 = arith.constant 0 : i32
    %dma_wait3A_196 = tpu.memref_slice %arg2[%dma_wait3A_194, %dma_wait3A_195] : memref<20000x64xf32, #tpu.memory_space<hbm>> -> memref<20000x64xf32, #tpu.memory_space<hbm>>
    tpu.wait_indirect_dma semaphore(%arg14 : memref<!tpu.dma_semaphore, #tpu.memory_space<semaphore_mem>>) src(%dma_wait3A_196 : memref<20000x64xf32, #tpu.memory_space<hbm>>) dst(%dma_wait3A_190 : memref<80x64xf32, #tpu.memory_space<vmem>>)
    %dma_start3A_197 = arith.constant 249 : i32
    %dma_start3A_198 = arith.constant 240 : i32
    %dma_start3A_199 = arith.constant 0 : i32
    %dma_start3A_200 = tpu.memref_slice %arg9[%dma_start3A_198, %dma_start3A_199] : memref<480x64xf32, #tpu.memory_space<vmem>> -> memref<80x64xf32, #tpu.memory_space<vmem>>
    %dma_start3A_201 = arith.constant 0 : i32
    %dma_start3A_202 = tpu.memref_slice %arg8[%dma_start3A_197, %dma_start3A_201] : memref<250x80xi32, #tpu.memory_space<vmem>> -> memref<1x80xi32, #tpu.memory_space<vmem>>
    %dma_start3A_203 = tpu.memref_squeeze %dma_start3A_202 : memref<1x80xi32, #tpu.memory_space<vmem>> -> memref<80xi32, #tpu.memory_space<vmem>>
    %dma_start3A_204 = arith.constant 0 : i32
    %dma_start3A_205 = arith.constant 0 : i32
    %dma_start3A_206 = tpu.memref_slice %arg10[%dma_start3A_204, %dma_start3A_205] : memref<10000x64xf32, #tpu.memory_space<vmem_shared>> -> memref<10000x64xf32, #tpu.memory_space<vmem_shared>>
    tpu.enqueue_indirect_dma source(%dma_start3A_200 : memref<80x64xf32, #tpu.memory_space<vmem>>) target(%dma_start3A_206 : memref<10000x64xf32, #tpu.memory_space<vmem_shared>>) offsets(%dma_start3A_203 : memref<80xi32, #tpu.memory_space<vmem>>) semaphore(%arg20 : memref<!tpu.dma_semaphore, #tpu.memory_space<semaphore_mem>>) {add = true}
    %dma_wait3A_207 = arith.constant 247 : i32
    %dma_wait3A_208 = arith.constant 80 : i32
    %dma_wait3A_209 = arith.constant 0 : i32
    %dma_wait3A_210 = tpu.memref_slice %arg9[%dma_wait3A_208, %dma_wait3A_209] : memref<480x64xf32, #tpu.memory_space<vmem>> -> memref<80x64xf32, #tpu.memory_space<vmem>>
    %dma_wait3A_211 = arith.constant 0 : i32
    %dma_wait3A_212 = tpu.memref_slice %arg8[%dma_wait3A_207, %dma_wait3A_211] : memref<250x80xi32, #tpu.memory_space<vmem>> -> memref<1x80xi32, #tpu.memory_space<vmem>>
    %dma_wait3A_213 = tpu.memref_squeeze %dma_wait3A_212 : memref<1x80xi32, #tpu.memory_space<vmem>> -> memref<80xi32, #tpu.memory_space<vmem>>
    %dma_wait3A_214 = arith.constant 0 : i32
    %dma_wait3A_215 = arith.constant 0 : i32
    %dma_wait3A_216 = tpu.memref_slice %arg10[%dma_wait3A_214, %dma_wait3A_215] : memref<10000x64xf32, #tpu.memory_space<vmem_shared>> -> memref<10000x64xf32, #tpu.memory_space<vmem_shared>>
    tpu.wait_indirect_dma semaphore(%arg18 : memref<!tpu.dma_semaphore, #tpu.memory_space<semaphore_mem>>) src(%dma_wait3A_210 : memref<80x64xf32, #tpu.memory_space<vmem>>) dst(%dma_wait3A_216 : memref<10000x64xf32, #tpu.memory_space<vmem_shared>>)
    %dma_wait3A_217 = arith.constant 248 : i32
    %dma_wait3A_218 = arith.constant 160 : i32
    %dma_wait3A_219 = arith.constant 0 : i32
    %dma_wait3A_220 = tpu.memref_slice %arg9[%dma_wait3A_218, %dma_wait3A_219] : memref<480x64xf32, #tpu.memory_space<vmem>> -> memref<80x64xf32, #tpu.memory_space<vmem>>
    %dma_wait3A_221 = arith.constant 0 : i32
    %dma_wait3A_222 = tpu.memref_slice %arg8[%dma_wait3A_217, %dma_wait3A_221] : memref<250x80xi32, #tpu.memory_space<vmem>> -> memref<1x80xi32, #tpu.memory_space<vmem>>
    %dma_wait3A_223 = tpu.memref_squeeze %dma_wait3A_222 : memref<1x80xi32, #tpu.memory_space<vmem>> -> memref<80xi32, #tpu.memory_space<vmem>>
    %dma_wait3A_224 = arith.constant 0 : i32
    %dma_wait3A_225 = arith.constant 0 : i32
    %dma_wait3A_226 = tpu.memref_slice %arg10[%dma_wait3A_224, %dma_wait3A_225] : memref<10000x64xf32, #tpu.memory_space<vmem_shared>> -> memref<10000x64xf32, #tpu.memory_space<vmem_shared>>
    tpu.wait_indirect_dma semaphore(%arg19 : memref<!tpu.dma_semaphore, #tpu.memory_space<semaphore_mem>>) src(%dma_wait3A_220 : memref<80x64xf32, #tpu.memory_space<vmem>>) dst(%dma_wait3A_226 : memref<10000x64xf32, #tpu.memory_space<vmem_shared>>)
    %dma_wait3A_227 = arith.constant 249 : i32
    %dma_wait3A_228 = arith.constant 240 : i32
    %dma_wait3A_229 = arith.constant 0 : i32
    %dma_wait3A_230 = tpu.memref_slice %arg9[%dma_wait3A_228, %dma_wait3A_229] : memref<480x64xf32, #tpu.memory_space<vmem>> -> memref<80x64xf32, #tpu.memory_space<vmem>>
    %dma_wait3A_231 = arith.constant 0 : i32
    %dma_wait3A_232 = tpu.memref_slice %arg8[%dma_wait3A_227, %dma_wait3A_231] : memref<250x80xi32, #tpu.memory_space<vmem>> -> memref<1x80xi32, #tpu.memory_space<vmem>>
    %dma_wait3A_233 = tpu.memref_squeeze %dma_wait3A_232 : memref<1x80xi32, #tpu.memory_space<vmem>> -> memref<80xi32, #tpu.memory_space<vmem>>
    %dma_wait3A_234 = arith.constant 0 : i32
    %dma_wait3A_235 = arith.constant 0 : i32
    %dma_wait3A_236 = tpu.memref_slice %arg10[%dma_wait3A_234, %dma_wait3A_235] : memref<10000x64xf32, #tpu.memory_space<vmem_shared>> -> memref<10000x64xf32, #tpu.memory_space<vmem_shared>>
    tpu.wait_indirect_dma semaphore(%arg20 : memref<!tpu.dma_semaphore, #tpu.memory_space<semaphore_mem>>) src(%dma_wait3A_230 : memref<80x64xf32, #tpu.memory_space<vmem>>) dst(%dma_wait3A_236 : memref<10000x64xf32, #tpu.memory_space<vmem_shared>>)
    %barrier3A_237 = arith.constant 0 : index
    tpu.barrier barrier_id(%barrier3A_237)
    %mul3A_238 = arith.constant 624 : i32
    %mul3A_239 = arith.muli %arg1, %mul3A_238 : i32
    %add3A_240 = arith.constant 0 : i32
    %add3A_241 = arith.addi %mul3A_239, %add3A_240 : i32
    "tpu.region"() ({
      %run_scoped3A = tpu.sem_alloc : memref<!tpu.dma_semaphore, #tpu.memory_space<semaphore_mem>>
      %dma_start3A_387 = arith.constant 0 : i32
      %dma_start3A_388 = arith.constant 0 : i32
      %dma_start3A_389 = tpu.memref_slice %arg9[%dma_start3A_387, %dma_start3A_388] : memref<480x64xf32, #tpu.memory_space<vmem>> -> memref<208x64xf32, #tpu.memory_space<vmem>>
      %dma_start3A_390 = arith.constant 0 : i32
      %dma_start3A_391 = tpu.memref_slice %arg10[%add3A_241, %dma_start3A_390] : memref<10000x64xf32, #tpu.memory_space<vmem_shared>> -> memref<208x64xf32, #tpu.memory_space<vmem_shared>>
      %dma_start3A_392 = arith.constant 0 : i32
      %dma_start3A_393 = arith.constant 0 : i32
      %dma_start3A_394 = tpu.memref_slice %arg9[%dma_start3A_392, %dma_start3A_393] : memref<480x64xf32, #tpu.memory_space<vmem>> -> memref<208x64xf32, #tpu.memory_space<vmem>>
      %dma_start3A_395 = arith.constant 0 : i32
      %dma_start3A_396 = tpu.memref_slice %arg10[%add3A_241, %dma_start3A_395] : memref<10000x64xf32, #tpu.memory_space<vmem_shared>> -> memref<208x64xf32, #tpu.memory_space<vmem_shared>>
      tpu.enqueue_dma source(%dma_start3A_396 : memref<208x64xf32, #tpu.memory_space<vmem_shared>>) target(%dma_start3A_394 : memref<208x64xf32, #tpu.memory_space<vmem>>) target_semaphore(%run_scoped3A : memref<!tpu.dma_semaphore, #tpu.memory_space<semaphore_mem>>)
      %dma_wait3A_397 = arith.constant 0 : i32
      %dma_wait3A_398 = arith.constant 0 : i32
      %dma_wait3A_399 = tpu.memref_slice %arg9[%dma_wait3A_397, %dma_wait3A_398] : memref<480x64xf32, #tpu.memory_space<vmem>> -> memref<208x64xf32, #tpu.memory_space<vmem>>
      %dma_wait3A_400 = arith.constant 0 : i32
      %dma_wait3A_401 = tpu.memref_slice %arg10[%add3A_241, %dma_wait3A_400] : memref<10000x64xf32, #tpu.memory_space<vmem_shared>> -> memref<208x64xf32, #tpu.memory_space<vmem_shared>>
      %dma_wait3A_402 = arith.constant 0 : i32
      %dma_wait3A_403 = arith.constant 0 : i32
      %dma_wait3A_404 = tpu.memref_slice %arg9[%dma_wait3A_402, %dma_wait3A_403] : memref<480x64xf32, #tpu.memory_space<vmem>> -> memref<208x64xf32, #tpu.memory_space<vmem>>
      %dma_wait3A_405 = arith.constant 0 : i32
      %dma_wait3A_406 = tpu.memref_slice %arg10[%add3A_241, %dma_wait3A_405] : memref<10000x64xf32, #tpu.memory_space<vmem_shared>> -> memref<208x64xf32, #tpu.memory_space<vmem_shared>>
      tpu.wait_dma2 semaphore(%run_scoped3A : memref<!tpu.dma_semaphore, #tpu.memory_space<semaphore_mem>>) src(%dma_wait3A_406 : memref<208x64xf32, #tpu.memory_space<vmem_shared>>) dst(%dma_wait3A_404 : memref<208x64xf32, #tpu.memory_space<vmem>>)
      tpu.yield
    }) : () -> ()
    %mul3A_242 = arith.constant 624 : i32
    %mul3A_243 = arith.muli %arg1, %mul3A_242 : i32
    %add3A_244 = arith.constant 0 : i32
    %add3A_245 = arith.addi %mul3A_243, %add3A_244 : i32
    %dma_start3A_246 = arith.constant 0 : i32
    %dma_start3A_247 = arith.constant 0 : i32
    %dma_start3A_248 = tpu.memref_slice %arg9[%dma_start3A_246, %dma_start3A_247] : memref<480x64xf32, #tpu.memory_space<vmem>> -> memref<208x64xf32, #tpu.memory_space<vmem>>
    %dma_start3A_249 = arith.constant 0 : i32
    %dma_start3A_250 = arith.constant 0 : i32
    %dma_start3A_251 = tpu.memref_slice %arg6[%arg0, %dma_start3A_249, %dma_start3A_250] : memref<2x10000x128xf32, #tpu.memory_space<hbm>> -> memref<1x10000x128xf32, #tpu.memory_space<hbm>>
    %dma_start3A_252 = tpu.memref_squeeze %dma_start3A_251 : memref<1x10000x128xf32, #tpu.memory_space<hbm>> -> memref<10000x128xf32, #tpu.memory_space<hbm>>
    %dma_start3A_253 = arith.constant 0 : i32
    %dma_start3A_254 = tpu.memref_slice %dma_start3A_252[%add3A_245, %dma_start3A_253] : memref<10000x128xf32, #tpu.memory_space<hbm>> -> memref<208x64xf32, #tpu.memory_space<hbm>>
    %dma_start3A_255 = arith.constant 0 : i32
    %dma_start3A_256 = arith.constant 0 : i32
    %dma_start3A_257 = tpu.memref_slice %arg6[%arg0, %dma_start3A_255, %dma_start3A_256] : memref<2x10000x128xf32, #tpu.memory_space<hbm>> -> memref<1x10000x128xf32, #tpu.memory_space<hbm>>
    %dma_start3A_258 = tpu.memref_squeeze %dma_start3A_257 : memref<1x10000x128xf32, #tpu.memory_space<hbm>> -> memref<10000x128xf32, #tpu.memory_space<hbm>>
    %dma_start3A_259 = arith.constant 0 : i32
    %dma_start3A_260 = tpu.memref_slice %dma_start3A_258[%add3A_245, %dma_start3A_259] : memref<10000x128xf32, #tpu.memory_space<hbm>> -> memref<208x64xf32, #tpu.memory_space<hbm>>
    %dma_start3A_261 = arith.constant 0 : i32
    %dma_start3A_262 = arith.constant 0 : i32
    %dma_start3A_263 = tpu.memref_slice %arg9[%dma_start3A_261, %dma_start3A_262] : memref<480x64xf32, #tpu.memory_space<vmem>> -> memref<208x64xf32, #tpu.memory_space<vmem>>
    tpu.enqueue_dma source(%dma_start3A_263 : memref<208x64xf32, #tpu.memory_space<vmem>>) target(%dma_start3A_260 : memref<208x64xf32, #tpu.memory_space<hbm>>) target_semaphore(%arg17 : memref<!tpu.dma_semaphore, #tpu.memory_space<semaphore_mem>>)
    %mul3A_264 = arith.constant 624 : i32
    %mul3A_265 = arith.muli %arg1, %mul3A_264 : i32
    %add3A_266 = arith.constant 208 : i32
    %add3A_267 = arith.addi %mul3A_265, %add3A_266 : i32
    "tpu.region"() ({
      %run_scoped3A = tpu.sem_alloc : memref<!tpu.dma_semaphore, #tpu.memory_space<semaphore_mem>>
      %dma_start3A_387 = arith.constant 208 : i32
      %dma_start3A_388 = arith.constant 0 : i32
      %dma_start3A_389 = tpu.memref_slice %arg9[%dma_start3A_387, %dma_start3A_388] : memref<480x64xf32, #tpu.memory_space<vmem>> -> memref<208x64xf32, #tpu.memory_space<vmem>>
      %dma_start3A_390 = arith.constant 0 : i32
      %dma_start3A_391 = tpu.memref_slice %arg10[%add3A_267, %dma_start3A_390] : memref<10000x64xf32, #tpu.memory_space<vmem_shared>> -> memref<208x64xf32, #tpu.memory_space<vmem_shared>>
      %dma_start3A_392 = arith.constant 208 : i32
      %dma_start3A_393 = arith.constant 0 : i32
      %dma_start3A_394 = tpu.memref_slice %arg9[%dma_start3A_392, %dma_start3A_393] : memref<480x64xf32, #tpu.memory_space<vmem>> -> memref<208x64xf32, #tpu.memory_space<vmem>>
      %dma_start3A_395 = arith.constant 0 : i32
      %dma_start3A_396 = tpu.memref_slice %arg10[%add3A_267, %dma_start3A_395] : memref<10000x64xf32, #tpu.memory_space<vmem_shared>> -> memref<208x64xf32, #tpu.memory_space<vmem_shared>>
      tpu.enqueue_dma source(%dma_start3A_396 : memref<208x64xf32, #tpu.memory_space<vmem_shared>>) target(%dma_start3A_394 : memref<208x64xf32, #tpu.memory_space<vmem>>) target_semaphore(%run_scoped3A : memref<!tpu.dma_semaphore, #tpu.memory_space<semaphore_mem>>)
      %dma_wait3A_397 = arith.constant 208 : i32
      %dma_wait3A_398 = arith.constant 0 : i32
      %dma_wait3A_399 = tpu.memref_slice %arg9[%dma_wait3A_397, %dma_wait3A_398] : memref<480x64xf32, #tpu.memory_space<vmem>> -> memref<208x64xf32, #tpu.memory_space<vmem>>
      %dma_wait3A_400 = arith.constant 0 : i32
      %dma_wait3A_401 = tpu.memref_slice %arg10[%add3A_267, %dma_wait3A_400] : memref<10000x64xf32, #tpu.memory_space<vmem_shared>> -> memref<208x64xf32, #tpu.memory_space<vmem_shared>>
      %dma_wait3A_402 = arith.constant 208 : i32
      %dma_wait3A_403 = arith.constant 0 : i32
      %dma_wait3A_404 = tpu.memref_slice %arg9[%dma_wait3A_402, %dma_wait3A_403] : memref<480x64xf32, #tpu.memory_space<vmem>> -> memref<208x64xf32, #tpu.memory_space<vmem>>
      %dma_wait3A_405 = arith.constant 0 : i32
      %dma_wait3A_406 = tpu.memref_slice %arg10[%add3A_267, %dma_wait3A_405] : memref<10000x64xf32, #tpu.memory_space<vmem_shared>> -> memref<208x64xf32, #tpu.memory_space<vmem_shared>>
      tpu.wait_dma2 semaphore(%run_scoped3A : memref<!tpu.dma_semaphore, #tpu.memory_space<semaphore_mem>>) src(%dma_wait3A_406 : memref<208x64xf32, #tpu.memory_space<vmem_shared>>) dst(%dma_wait3A_404 : memref<208x64xf32, #tpu.memory_space<vmem>>)
      tpu.yield
    }) : () -> ()
    %mul3A_268 = arith.constant 624 : i32
    %mul3A_269 = arith.muli %arg1, %mul3A_268 : i32
    %add3A_270 = arith.constant 208 : i32
    %add3A_271 = arith.addi %mul3A_269, %add3A_270 : i32
    %dma_start3A_272 = arith.constant 208 : i32
    %dma_start3A_273 = arith.constant 0 : i32
    %dma_start3A_274 = tpu.memref_slice %arg9[%dma_start3A_272, %dma_start3A_273] : memref<480x64xf32, #tpu.memory_space<vmem>> -> memref<208x64xf32, #tpu.memory_space<vmem>>
    %dma_start3A_275 = arith.constant 0 : i32
    %dma_start3A_276 = arith.constant 0 : i32
    %dma_start3A_277 = tpu.memref_slice %arg6[%arg0, %dma_start3A_275, %dma_start3A_276] : memref<2x10000x128xf32, #tpu.memory_space<hbm>> -> memref<1x10000x128xf32, #tpu.memory_space<hbm>>
    %dma_start3A_278 = tpu.memref_squeeze %dma_start3A_277 : memref<1x10000x128xf32, #tpu.memory_space<hbm>> -> memref<10000x128xf32, #tpu.memory_space<hbm>>
    %dma_start3A_279 = arith.constant 0 : i32
    %dma_start3A_280 = tpu.memref_slice %dma_start3A_278[%add3A_271, %dma_start3A_279] : memref<10000x128xf32, #tpu.memory_space<hbm>> -> memref<208x64xf32, #tpu.memory_space<hbm>>
    %dma_start3A_281 = arith.constant 0 : i32
    %dma_start3A_282 = arith.constant 0 : i32
    %dma_start3A_283 = tpu.memref_slice %arg6[%arg0, %dma_start3A_281, %dma_start3A_282] : memref<2x10000x128xf32, #tpu.memory_space<hbm>> -> memref<1x10000x128xf32, #tpu.memory_space<hbm>>
    %dma_start3A_284 = tpu.memref_squeeze %dma_start3A_283 : memref<1x10000x128xf32, #tpu.memory_space<hbm>> -> memref<10000x128xf32, #tpu.memory_space<hbm>>
    %dma_start3A_285 = arith.constant 0 : i32
    %dma_start3A_286 = tpu.memref_slice %dma_start3A_284[%add3A_271, %dma_start3A_285] : memref<10000x128xf32, #tpu.memory_space<hbm>> -> memref<208x64xf32, #tpu.memory_space<hbm>>
    %dma_start3A_287 = arith.constant 208 : i32
    %dma_start3A_288 = arith.constant 0 : i32
    %dma_start3A_289 = tpu.memref_slice %arg9[%dma_start3A_287, %dma_start3A_288] : memref<480x64xf32, #tpu.memory_space<vmem>> -> memref<208x64xf32, #tpu.memory_space<vmem>>
    tpu.enqueue_dma source(%dma_start3A_289 : memref<208x64xf32, #tpu.memory_space<vmem>>) target(%dma_start3A_286 : memref<208x64xf32, #tpu.memory_space<hbm>>) target_semaphore(%arg18 : memref<!tpu.dma_semaphore, #tpu.memory_space<semaphore_mem>>)
    %mul3A_290 = arith.constant 624 : i32
    %mul3A_291 = arith.muli %arg1, %mul3A_290 : i32
    %add3A_292 = arith.constant 0 : i32
    %add3A_293 = arith.addi %mul3A_291, %add3A_292 : i32
    %dma_wait3A_294 = arith.constant 0 : i32
    %dma_wait3A_295 = arith.constant 0 : i32
    %dma_wait3A_296 = tpu.memref_slice %arg9[%dma_wait3A_294, %dma_wait3A_295] : memref<480x64xf32, #tpu.memory_space<vmem>> -> memref<208x64xf32, #tpu.memory_space<vmem>>
    %dma_wait3A_297 = arith.constant 0 : i32
    %dma_wait3A_298 = arith.constant 0 : i32
    %dma_wait3A_299 = tpu.memref_slice %arg6[%arg0, %dma_wait3A_297, %dma_wait3A_298] : memref<2x10000x128xf32, #tpu.memory_space<hbm>> -> memref<1x10000x128xf32, #tpu.memory_space<hbm>>
    %dma_wait3A_300 = tpu.memref_squeeze %dma_wait3A_299 : memref<1x10000x128xf32, #tpu.memory_space<hbm>> -> memref<10000x128xf32, #tpu.memory_space<hbm>>
    %dma_wait3A_301 = arith.constant 0 : i32
    %dma_wait3A_302 = tpu.memref_slice %dma_wait3A_300[%add3A_293, %dma_wait3A_301] : memref<10000x128xf32, #tpu.memory_space<hbm>> -> memref<208x64xf32, #tpu.memory_space<hbm>>
    %dma_wait3A_303 = arith.constant 0 : i32
    %dma_wait3A_304 = arith.constant 0 : i32
    %dma_wait3A_305 = tpu.memref_slice %arg6[%arg0, %dma_wait3A_303, %dma_wait3A_304] : memref<2x10000x128xf32, #tpu.memory_space<hbm>> -> memref<1x10000x128xf32, #tpu.memory_space<hbm>>
    %dma_wait3A_306 = tpu.memref_squeeze %dma_wait3A_305 : memref<1x10000x128xf32, #tpu.memory_space<hbm>> -> memref<10000x128xf32, #tpu.memory_space<hbm>>
    %dma_wait3A_307 = arith.constant 0 : i32
    %dma_wait3A_308 = tpu.memref_slice %dma_wait3A_306[%add3A_293, %dma_wait3A_307] : memref<10000x128xf32, #tpu.memory_space<hbm>> -> memref<208x64xf32, #tpu.memory_space<hbm>>
    %dma_wait3A_309 = arith.constant 0 : i32
    %dma_wait3A_310 = arith.constant 0 : i32
    %dma_wait3A_311 = tpu.memref_slice %arg9[%dma_wait3A_309, %dma_wait3A_310] : memref<480x64xf32, #tpu.memory_space<vmem>> -> memref<208x64xf32, #tpu.memory_space<vmem>>
    tpu.wait_dma2 semaphore(%arg17 : memref<!tpu.dma_semaphore, #tpu.memory_space<semaphore_mem>>) src(%dma_wait3A_311 : memref<208x64xf32, #tpu.memory_space<vmem>>) dst(%dma_wait3A_308 : memref<208x64xf32, #tpu.memory_space<hbm>>)
    %mul3A_312 = arith.constant 624 : i32
    %mul3A_313 = arith.muli %arg1, %mul3A_312 : i32
    %add3A_314 = arith.constant 416 : i32
    %add3A_315 = arith.addi %mul3A_313, %add3A_314 : i32
    "tpu.region"() ({
      %run_scoped3A = tpu.sem_alloc : memref<!tpu.dma_semaphore, #tpu.memory_space<semaphore_mem>>
      %dma_start3A_387 = arith.constant 0 : i32
      %dma_start3A_388 = arith.constant 0 : i32
      %dma_start3A_389 = tpu.memref_slice %arg9[%dma_start3A_387, %dma_start3A_388] : memref<480x64xf32, #tpu.memory_space<vmem>> -> memref<208x64xf32, #tpu.memory_space<vmem>>
      %dma_start3A_390 = arith.constant 0 : i32
      %dma_start3A_391 = tpu.memref_slice %arg10[%add3A_315, %dma_start3A_390] : memref<10000x64xf32, #tpu.memory_space<vmem_shared>> -> memref<208x64xf32, #tpu.memory_space<vmem_shared>>
      %dma_start3A_392 = arith.constant 0 : i32
      %dma_start3A_393 = arith.constant 0 : i32
      %dma_start3A_394 = tpu.memref_slice %arg9[%dma_start3A_392, %dma_start3A_393] : memref<480x64xf32, #tpu.memory_space<vmem>> -> memref<208x64xf32, #tpu.memory_space<vmem>>
      %dma_start3A_395 = arith.constant 0 : i32
      %dma_start3A_396 = tpu.memref_slice %arg10[%add3A_315, %dma_start3A_395] : memref<10000x64xf32, #tpu.memory_space<vmem_shared>> -> memref<208x64xf32, #tpu.memory_space<vmem_shared>>
      tpu.enqueue_dma source(%dma_start3A_396 : memref<208x64xf32, #tpu.memory_space<vmem_shared>>) target(%dma_start3A_394 : memref<208x64xf32, #tpu.memory_space<vmem>>) target_semaphore(%run_scoped3A : memref<!tpu.dma_semaphore, #tpu.memory_space<semaphore_mem>>)
      %dma_wait3A_397 = arith.constant 0 : i32
      %dma_wait3A_398 = arith.constant 0 : i32
      %dma_wait3A_399 = tpu.memref_slice %arg9[%dma_wait3A_397, %dma_wait3A_398] : memref<480x64xf32, #tpu.memory_space<vmem>> -> memref<208x64xf32, #tpu.memory_space<vmem>>
      %dma_wait3A_400 = arith.constant 0 : i32
      %dma_wait3A_401 = tpu.memref_slice %arg10[%add3A_315, %dma_wait3A_400] : memref<10000x64xf32, #tpu.memory_space<vmem_shared>> -> memref<208x64xf32, #tpu.memory_space<vmem_shared>>
      %dma_wait3A_402 = arith.constant 0 : i32
      %dma_wait3A_403 = arith.constant 0 : i32
      %dma_wait3A_404 = tpu.memref_slice %arg9[%dma_wait3A_402, %dma_wait3A_403] : memref<480x64xf32, #tpu.memory_space<vmem>> -> memref<208x64xf32, #tpu.memory_space<vmem>>
      %dma_wait3A_405 = arith.constant 0 : i32
      %dma_wait3A_406 = tpu.memref_slice %arg10[%add3A_315, %dma_wait3A_405] : memref<10000x64xf32, #tpu.memory_space<vmem_shared>> -> memref<208x64xf32, #tpu.memory_space<vmem_shared>>
      tpu.wait_dma2 semaphore(%run_scoped3A : memref<!tpu.dma_semaphore, #tpu.memory_space<semaphore_mem>>) src(%dma_wait3A_406 : memref<208x64xf32, #tpu.memory_space<vmem_shared>>) dst(%dma_wait3A_404 : memref<208x64xf32, #tpu.memory_space<vmem>>)
      tpu.yield
    }) : () -> ()
    %mul3A_316 = arith.constant 624 : i32
    %mul3A_317 = arith.muli %arg1, %mul3A_316 : i32
    %add3A_318 = arith.constant 416 : i32
    %add3A_319 = arith.addi %mul3A_317, %add3A_318 : i32
    %dma_start3A_320 = arith.constant 0 : i32
    %dma_start3A_321 = arith.constant 0 : i32
    %dma_start3A_322 = tpu.memref_slice %arg9[%dma_start3A_320, %dma_start3A_321] : memref<480x64xf32, #tpu.memory_space<vmem>> -> memref<208x64xf32, #tpu.memory_space<vmem>>
    %dma_start3A_323 = arith.constant 0 : i32
    %dma_start3A_324 = arith.constant 0 : i32
    %dma_start3A_325 = tpu.memref_slice %arg6[%arg0, %dma_start3A_323, %dma_start3A_324] : memref<2x10000x128xf32, #tpu.memory_space<hbm>> -> memref<1x10000x128xf32, #tpu.memory_space<hbm>>
    %dma_start3A_326 = tpu.memref_squeeze %dma_start3A_325 : memref<1x10000x128xf32, #tpu.memory_space<hbm>> -> memref<10000x128xf32, #tpu.memory_space<hbm>>
    %dma_start3A_327 = arith.constant 0 : i32
    %dma_start3A_328 = tpu.memref_slice %dma_start3A_326[%add3A_319, %dma_start3A_327] : memref<10000x128xf32, #tpu.memory_space<hbm>> -> memref<208x64xf32, #tpu.memory_space<hbm>>
    %dma_start3A_329 = arith.constant 0 : i32
    %dma_start3A_330 = arith.constant 0 : i32
    %dma_start3A_331 = tpu.memref_slice %arg6[%arg0, %dma_start3A_329, %dma_start3A_330] : memref<2x10000x128xf32, #tpu.memory_space<hbm>> -> memref<1x10000x128xf32, #tpu.memory_space<hbm>>
    %dma_start3A_332 = tpu.memref_squeeze %dma_start3A_331 : memref<1x10000x128xf32, #tpu.memory_space<hbm>> -> memref<10000x128xf32, #tpu.memory_space<hbm>>
    %dma_start3A_333 = arith.constant 0 : i32
    %dma_start3A_334 = tpu.memref_slice %dma_start3A_332[%add3A_319, %dma_start3A_333] : memref<10000x128xf32, #tpu.memory_space<hbm>> -> memref<208x64xf32, #tpu.memory_space<hbm>>
    %dma_start3A_335 = arith.constant 0 : i32
    %dma_start3A_336 = arith.constant 0 : i32
    %dma_start3A_337 = tpu.memref_slice %arg9[%dma_start3A_335, %dma_start3A_336] : memref<480x64xf32, #tpu.memory_space<vmem>> -> memref<208x64xf32, #tpu.memory_space<vmem>>
    tpu.enqueue_dma source(%dma_start3A_337 : memref<208x64xf32, #tpu.memory_space<vmem>>) target(%dma_start3A_334 : memref<208x64xf32, #tpu.memory_space<hbm>>) target_semaphore(%arg17 : memref<!tpu.dma_semaphore, #tpu.memory_space<semaphore_mem>>)
    %mul3A_338 = arith.constant 624 : i32
    %mul3A_339 = arith.muli %arg1, %mul3A_338 : i32
    %add3A_340 = arith.constant 208 : i32
    %add3A_341 = arith.addi %mul3A_339, %add3A_340 : i32
    %dma_wait3A_342 = arith.constant 208 : i32
    %dma_wait3A_343 = arith.constant 0 : i32
    %dma_wait3A_344 = tpu.memref_slice %arg9[%dma_wait3A_342, %dma_wait3A_343] : memref<480x64xf32, #tpu.memory_space<vmem>> -> memref<208x64xf32, #tpu.memory_space<vmem>>
    %dma_wait3A_345 = arith.constant 0 : i32
    %dma_wait3A_346 = arith.constant 0 : i32
    %dma_wait3A_347 = tpu.memref_slice %arg6[%arg0, %dma_wait3A_345, %dma_wait3A_346] : memref<2x10000x128xf32, #tpu.memory_space<hbm>> -> memref<1x10000x128xf32, #tpu.memory_space<hbm>>
    %dma_wait3A_348 = tpu.memref_squeeze %dma_wait3A_347 : memref<1x10000x128xf32, #tpu.memory_space<hbm>> -> memref<10000x128xf32, #tpu.memory_space<hbm>>
    %dma_wait3A_349 = arith.constant 0 : i32
    %dma_wait3A_350 = tpu.memref_slice %dma_wait3A_348[%add3A_341, %dma_wait3A_349] : memref<10000x128xf32, #tpu.memory_space<hbm>> -> memref<208x64xf32, #tpu.memory_space<hbm>>
    %dma_wait3A_351 = arith.constant 0 : i32
    %dma_wait3A_352 = arith.constant 0 : i32
    %dma_wait3A_353 = tpu.memref_slice %arg6[%arg0, %dma_wait3A_351, %dma_wait3A_352] : memref<2x10000x128xf32, #tpu.memory_space<hbm>> -> memref<1x10000x128xf32, #tpu.memory_space<hbm>>
    %dma_wait3A_354 = tpu.memref_squeeze %dma_wait3A_353 : memref<1x10000x128xf32, #tpu.memory_space<hbm>> -> memref<10000x128xf32, #tpu.memory_space<hbm>>
    %dma_wait3A_355 = arith.constant 0 : i32
    %dma_wait3A_356 = tpu.memref_slice %dma_wait3A_354[%add3A_341, %dma_wait3A_355] : memref<10000x128xf32, #tpu.memory_space<hbm>> -> memref<208x64xf32, #tpu.memory_space<hbm>>
    %dma_wait3A_357 = arith.constant 208 : i32
    %dma_wait3A_358 = arith.constant 0 : i32
    %dma_wait3A_359 = tpu.memref_slice %arg9[%dma_wait3A_357, %dma_wait3A_358] : memref<480x64xf32, #tpu.memory_space<vmem>> -> memref<208x64xf32, #tpu.memory_space<vmem>>
    tpu.wait_dma2 semaphore(%arg18 : memref<!tpu.dma_semaphore, #tpu.memory_space<semaphore_mem>>) src(%dma_wait3A_359 : memref<208x64xf32, #tpu.memory_space<vmem>>) dst(%dma_wait3A_356 : memref<208x64xf32, #tpu.memory_space<hbm>>)
    %mul3A_360 = arith.constant 624 : i32
    %mul3A_361 = arith.muli %arg1, %mul3A_360 : i32
    %add3A_362 = arith.constant 416 : i32
    %add3A_363 = arith.addi %mul3A_361, %add3A_362 : i32
    %dma_wait3A_364 = arith.constant 0 : i32
    %dma_wait3A_365 = arith.constant 0 : i32
    %dma_wait3A_366 = tpu.memref_slice %arg9[%dma_wait3A_364, %dma_wait3A_365] : memref<480x64xf32, #tpu.memory_space<vmem>> -> memref<208x64xf32, #tpu.memory_space<vmem>>
    %dma_wait3A_367 = arith.constant 0 : i32
    %dma_wait3A_368 = arith.constant 0 : i32
    %dma_wait3A_369 = tpu.memref_slice %arg6[%arg0, %dma_wait3A_367, %dma_wait3A_368] : memref<2x10000x128xf32, #tpu.memory_space<hbm>> -> memref<1x10000x128xf32, #tpu.memory_space<hbm>>
    %dma_wait3A_370 = tpu.memref_squeeze %dma_wait3A_369 : memref<1x10000x128xf32, #tpu.memory_space<hbm>> -> memref<10000x128xf32, #tpu.memory_space<hbm>>
    %dma_wait3A_371 = arith.constant 0 : i32
    %dma_wait3A_372 = tpu.memref_slice %dma_wait3A_370[%add3A_363, %dma_wait3A_371] : memref<10000x128xf32, #tpu.memory_space<hbm>> -> memref<208x64xf32, #tpu.memory_space<hbm>>
    %dma_wait3A_373 = arith.constant 0 : i32
    %dma_wait3A_374 = arith.constant 0 : i32
    %dma_wait3A_375 = tpu.memref_slice %arg6[%arg0, %dma_wait3A_373, %dma_wait3A_374] : memref<2x10000x128xf32, #tpu.memory_space<hbm>> -> memref<1x10000x128xf32, #tpu.memory_space<hbm>>
    %dma_wait3A_376 = tpu.memref_squeeze %dma_wait3A_375 : memref<1x10000x128xf32, #tpu.memory_space<hbm>> -> memref<10000x128xf32, #tpu.memory_space<hbm>>
    %dma_wait3A_377 = arith.constant 0 : i32
    %dma_wait3A_378 = tpu.memref_slice %dma_wait3A_376[%add3A_363, %dma_wait3A_377] : memref<10000x128xf32, #tpu.memory_space<hbm>> -> memref<208x64xf32, #tpu.memory_space<hbm>>
    %dma_wait3A_379 = arith.constant 0 : i32
    %dma_wait3A_380 = arith.constant 0 : i32
    %dma_wait3A_381 = tpu.memref_slice %arg9[%dma_wait3A_379, %dma_wait3A_380] : memref<480x64xf32, #tpu.memory_space<vmem>> -> memref<208x64xf32, #tpu.memory_space<vmem>>
    tpu.wait_dma2 semaphore(%arg17 : memref<!tpu.dma_semaphore, #tpu.memory_space<semaphore_mem>>) src(%dma_wait3A_381 : memref<208x64xf32, #tpu.memory_space<vmem>>) dst(%dma_wait3A_378 : memref<208x64xf32, #tpu.memory_space<hbm>>)
    %eq3A_382 = arith.constant 15 : i32
    %eq3A_383 = arith.cmpi eq, %arg1, %eq3A_382 : i32
    %convert_element_type3A_384 = arith.extui %eq3A_383 : i1 to i32
    %cond3A_385 = arith.constant 0 : i32
    %cond3A_386 = arith.cmpi ne, %convert_element_type3A_384, %cond3A_385 : i32
    scf.if %cond3A_386 {
      "tpu.region"() ({
        %run_scoped3A = tpu.sem_alloc : memref<!tpu.dma_semaphore, #tpu.memory_space<semaphore_mem>>
        %dma_start3A_387 = arith.constant 416 : i32
        %dma_start3A_388 = arith.constant 0 : i32
        %dma_start3A_389 = tpu.memref_slice %arg9[%dma_start3A_387, %dma_start3A_388] : memref<480x64xf32, #tpu.memory_space<vmem>> -> memref<16x64xf32, #tpu.memory_space<vmem>>
        %dma_start3A_390 = arith.constant 9984 : i32
        %dma_start3A_391 = arith.constant 0 : i32
        %dma_start3A_392 = tpu.memref_slice %arg10[%dma_start3A_390, %dma_start3A_391] : memref<10000x64xf32, #tpu.memory_space<vmem_shared>> -> memref<16x64xf32, #tpu.memory_space<vmem_shared>>
        %dma_start3A_393 = arith.constant 416 : i32
        %dma_start3A_394 = arith.constant 0 : i32
        %dma_start3A_395 = tpu.memref_slice %arg9[%dma_start3A_393, %dma_start3A_394] : memref<480x64xf32, #tpu.memory_space<vmem>> -> memref<16x64xf32, #tpu.memory_space<vmem>>
        %dma_start3A_396 = arith.constant 9984 : i32
        %dma_start3A_397 = arith.constant 0 : i32
        %dma_start3A_398 = tpu.memref_slice %arg10[%dma_start3A_396, %dma_start3A_397] : memref<10000x64xf32, #tpu.memory_space<vmem_shared>> -> memref<16x64xf32, #tpu.memory_space<vmem_shared>>
        tpu.enqueue_dma source(%dma_start3A_398 : memref<16x64xf32, #tpu.memory_space<vmem_shared>>) target(%dma_start3A_395 : memref<16x64xf32, #tpu.memory_space<vmem>>) target_semaphore(%run_scoped3A : memref<!tpu.dma_semaphore, #tpu.memory_space<semaphore_mem>>)
        %dma_wait3A_399 = arith.constant 416 : i32
        %dma_wait3A_400 = arith.constant 0 : i32
        %dma_wait3A_401 = tpu.memref_slice %arg9[%dma_wait3A_399, %dma_wait3A_400] : memref<480x64xf32, #tpu.memory_space<vmem>> -> memref<16x64xf32, #tpu.memory_space<vmem>>
        %dma_wait3A_402 = arith.constant 9984 : i32
        %dma_wait3A_403 = arith.constant 0 : i32
        %dma_wait3A_404 = tpu.memref_slice %arg10[%dma_wait3A_402, %dma_wait3A_403] : memref<10000x64xf32, #tpu.memory_space<vmem_shared>> -> memref<16x64xf32, #tpu.memory_space<vmem_shared>>
        %dma_wait3A_405 = arith.constant 416 : i32
        %dma_wait3A_406 = arith.constant 0 : i32
        %dma_wait3A_407 = tpu.memref_slice %arg9[%dma_wait3A_405, %dma_wait3A_406] : memref<480x64xf32, #tpu.memory_space<vmem>> -> memref<16x64xf32, #tpu.memory_space<vmem>>
        %dma_wait3A_408 = arith.constant 9984 : i32
        %dma_wait3A_409 = arith.constant 0 : i32
        %dma_wait3A_410 = tpu.memref_slice %arg10[%dma_wait3A_408, %dma_wait3A_409] : memref<10000x64xf32, #tpu.memory_space<vmem_shared>> -> memref<16x64xf32, #tpu.memory_space<vmem_shared>>
        tpu.wait_dma2 semaphore(%run_scoped3A : memref<!tpu.dma_semaphore, #tpu.memory_space<semaphore_mem>>) src(%dma_wait3A_410 : memref<16x64xf32, #tpu.memory_space<vmem_shared>>) dst(%dma_wait3A_407 : memref<16x64xf32, #tpu.memory_space<vmem>>)
        tpu.yield
      }) : () -> ()
      "tpu.region"() ({
        %run_scoped3A = tpu.sem_alloc : memref<!tpu.dma_semaphore, #tpu.memory_space<semaphore_mem>>
        %dma_start3A_387 = arith.constant 416 : i32
        %dma_start3A_388 = arith.constant 0 : i32
        %dma_start3A_389 = tpu.memref_slice %arg9[%dma_start3A_387, %dma_start3A_388] : memref<480x64xf32, #tpu.memory_space<vmem>> -> memref<16x64xf32, #tpu.memory_space<vmem>>
        %dma_start3A_390 = arith.constant 0 : i32
        %dma_start3A_391 = arith.constant 0 : i32
        %dma_start3A_392 = tpu.memref_slice %arg6[%arg0, %dma_start3A_390, %dma_start3A_391] : memref<2x10000x128xf32, #tpu.memory_space<hbm>> -> memref<1x10000x128xf32, #tpu.memory_space<hbm>>
        %dma_start3A_393 = tpu.memref_squeeze %dma_start3A_392 : memref<1x10000x128xf32, #tpu.memory_space<hbm>> -> memref<10000x128xf32, #tpu.memory_space<hbm>>
        %dma_start3A_394 = arith.constant 9984 : i32
        %dma_start3A_395 = arith.constant 0 : i32
        %dma_start3A_396 = tpu.memref_slice %dma_start3A_393[%dma_start3A_394, %dma_start3A_395] : memref<10000x128xf32, #tpu.memory_space<hbm>> -> memref<16x64xf32, #tpu.memory_space<hbm>>
        %dma_start3A_397 = arith.constant 0 : i32
        %dma_start3A_398 = arith.constant 0 : i32
        %dma_start3A_399 = tpu.memref_slice %arg6[%arg0, %dma_start3A_397, %dma_start3A_398] : memref<2x10000x128xf32, #tpu.memory_space<hbm>> -> memref<1x10000x128xf32, #tpu.memory_space<hbm>>
        %dma_start3A_400 = tpu.memref_squeeze %dma_start3A_399 : memref<1x10000x128xf32, #tpu.memory_space<hbm>> -> memref<10000x128xf32, #tpu.memory_space<hbm>>
        %dma_start3A_401 = arith.constant 9984 : i32
        %dma_start3A_402 = arith.constant 0 : i32
        %dma_start3A_403 = tpu.memref_slice %dma_start3A_400[%dma_start3A_401, %dma_start3A_402] : memref<10000x128xf32, #tpu.memory_space<hbm>> -> memref<16x64xf32, #tpu.memory_space<hbm>>
        %dma_start3A_404 = arith.constant 416 : i32
        %dma_start3A_405 = arith.constant 0 : i32
        %dma_start3A_406 = tpu.memref_slice %arg9[%dma_start3A_404, %dma_start3A_405] : memref<480x64xf32, #tpu.memory_space<vmem>> -> memref<16x64xf32, #tpu.memory_space<vmem>>
        tpu.enqueue_dma source(%dma_start3A_406 : memref<16x64xf32, #tpu.memory_space<vmem>>) target(%dma_start3A_403 : memref<16x64xf32, #tpu.memory_space<hbm>>) target_semaphore(%run_scoped3A : memref<!tpu.dma_semaphore, #tpu.memory_space<semaphore_mem>>)
        %dma_wait3A_407 = arith.constant 416 : i32
        %dma_wait3A_408 = arith.constant 0 : i32
        %dma_wait3A_409 = tpu.memref_slice %arg9[%dma_wait3A_407, %dma_wait3A_408] : memref<480x64xf32, #tpu.memory_space<vmem>> -> memref<16x64xf32, #tpu.memory_space<vmem>>
        %dma_wait3A_410 = arith.constant 0 : i32
        %dma_wait3A_411 = arith.constant 0 : i32
        %dma_wait3A_412 = tpu.memref_slice %arg6[%arg0, %dma_wait3A_410, %dma_wait3A_411] : memref<2x10000x128xf32, #tpu.memory_space<hbm>> -> memref<1x10000x128xf32, #tpu.memory_space<hbm>>
        %dma_wait3A_413 = tpu.memref_squeeze %dma_wait3A_412 : memref<1x10000x128xf32, #tpu.memory_space<hbm>> -> memref<10000x128xf32, #tpu.memory_space<hbm>>
        %dma_wait3A_414 = arith.constant 9984 : i32
        %dma_wait3A_415 = arith.constant 0 : i32
        %dma_wait3A_416 = tpu.memref_slice %dma_wait3A_413[%dma_wait3A_414, %dma_wait3A_415] : memref<10000x128xf32, #tpu.memory_space<hbm>> -> memref<16x64xf32, #tpu.memory_space<hbm>>
        %dma_wait3A_417 = arith.constant 0 : i32
        %dma_wait3A_418 = arith.constant 0 : i32
        %dma_wait3A_419 = tpu.memref_slice %arg6[%arg0, %dma_wait3A_417, %dma_wait3A_418] : memref<2x10000x128xf32, #tpu.memory_space<hbm>> -> memref<1x10000x128xf32, #tpu.memory_space<hbm>>
        %dma_wait3A_420 = tpu.memref_squeeze %dma_wait3A_419 : memref<1x10000x128xf32, #tpu.memory_space<hbm>> -> memref<10000x128xf32, #tpu.memory_space<hbm>>
        %dma_wait3A_421 = arith.constant 9984 : i32
        %dma_wait3A_422 = arith.constant 0 : i32
        %dma_wait3A_423 = tpu.memref_slice %dma_wait3A_420[%dma_wait3A_421, %dma_wait3A_422] : memref<10000x128xf32, #tpu.memory_space<hbm>> -> memref<16x64xf32, #tpu.memory_space<hbm>>
        %dma_wait3A_424 = arith.constant 416 : i32
        %dma_wait3A_425 = arith.constant 0 : i32
        %dma_wait3A_426 = tpu.memref_slice %arg9[%dma_wait3A_424, %dma_wait3A_425] : memref<480x64xf32, #tpu.memory_space<vmem>> -> memref<16x64xf32, #tpu.memory_space<vmem>>
        tpu.wait_dma2 semaphore(%run_scoped3A : memref<!tpu.dma_semaphore, #tpu.memory_space<semaphore_mem>>) src(%dma_wait3A_426 : memref<16x64xf32, #tpu.memory_space<vmem>>) dst(%dma_wait3A_423 : memref<16x64xf32, #tpu.memory_space<hbm>>)
        tpu.yield
      }) : () -> ()
    } else {
    }
    return
  }
}

#map = affine_map<(d0, d1) -> (0, 0)>
#map1 = affine_map<(d0, d1) -> (0, 0, 0, 0)>
#map2 = affine_map<(d0, d1) -> (0, 0, 0)>
module attributes {stable_mosaic.version = 14 : i64} {
  func.func @scatter_kernel(%arg0: i32, %arg1: i32, %arg2: memref<20000x64xf32, #tpu.memory_space<hbm>>, %arg3: memref<2x16x250x80xi32, #tpu.memory_space<hbm>>, %arg4: memref<16x250x80xi32, #tpu.memory_space<hbm>>, %arg5: memref<208x64xf32, #tpu.memory_space<hbm>>, %arg6: memref<2x10000x128xf32, #tpu.memory_space<hbm>>, %arg7: memref<250x80xi32, #tpu.memory_space<vmem>>, %arg8: memref<250x80xi32, #tpu.memory_space<vmem>>, %arg9: memref<480x64xf32, #tpu.memory_space<vmem>>, %arg10: memref<10000x64xf32, #tpu.memory_space<vmem_shared>>, %arg11: memref<!tpu.dma_semaphore, #tpu.memory_space<semaphore_mem>>, %arg12: memref<!tpu.dma_semaphore, #tpu.memory_space<semaphore_mem>>, %arg13: memref<!tpu.dma_semaphore, #tpu.memory_space<semaphore_mem>>, %arg14: memref<!tpu.dma_semaphore, #tpu.memory_space<semaphore_mem>>, %arg15: memref<!tpu.dma_semaphore, #tpu.memory_space<semaphore_mem>>, %arg16: memref<!tpu.dma_semaphore, #tpu.memory_space<semaphore_mem>>, %arg17: memref<!tpu.dma_semaphore, #tpu.memory_space<semaphore_mem>>, %arg18: memref<!tpu.dma_semaphore, #tpu.memory_space<semaphore_mem>>, %arg19: memref<!tpu.dma_semaphore, #tpu.memory_space<semaphore_mem>>, %arg20: memref<!tpu.dma_semaphore, #tpu.memory_space<semaphore_mem>>, %arg21: memref<!tpu.dma_semaphore, #tpu.memory_space<semaphore_mem>>, %arg22: memref<!tpu.dma_semaphore, #tpu.memory_space<semaphore_mem>>) attributes {dimension_semantics = [#tpu.dimension_semantics<core_parallel>, #tpu.dimension_semantics<subcore_parallel>], iteration_bounds = array<i64: 2, 16>, scalar_prefetch = 0 : i64, scratch_operands = 16 : i64, tpu.core_type = #tpu.core_type<sc_vector_subcore>, window_params = [{transform_indices = #map}, {transform_indices = #map1}, {transform_indices = #map2}, {transform_indices = #map}, {transform_indices = #map2}]} {
    %dma_start3A = arith.constant 0 : i32
    %dma_start3A_0 = arith.constant 0 : i32
    %dma_start3A_1 = tpu.memref_slice %arg3[%arg0, %arg1, %dma_start3A, %dma_start3A_0] : memref<2x16x250x80xi32, #tpu.memory_space<hbm>> -> memref<1x1x250x80xi32, #tpu.memory_space<hbm>>
    %dma_start3A_2 = tpu.memref_squeeze %dma_start3A_1 : memref<1x1x250x80xi32, #tpu.memory_space<hbm>> -> memref<250x80xi32, #tpu.memory_space<hbm>>
    %dma_start3A_3 = arith.constant 0 : i32
    %dma_start3A_4 = arith.constant 0 : i32
    %dma_start3A_5 = tpu.memref_slice %arg3[%arg0, %arg1, %dma_start3A_3, %dma_start3A_4] : memref<2x16x250x80xi32, #tpu.memory_space<hbm>> -> memref<1x1x250x80xi32, #tpu.memory_space<hbm>>
    %dma_start3A_6 = tpu.memref_squeeze %dma_start3A_5 : memref<1x1x250x80xi32, #tpu.memory_space<hbm>> -> memref<250x80xi32, #tpu.memory_space<hbm>>
    tpu.enqueue_dma source(%dma_start3A_6 : memref<250x80xi32, #tpu.memory_space<hbm>>) target(%arg7 : memref<250x80xi32, #tpu.memory_space<vmem>>) target_semaphore(%arg11 : memref<!tpu.dma_semaphore, #tpu.memory_space<semaphore_mem>>)
    %dma_start3A_7 = arith.constant 0 : i32
    %dma_start3A_8 = arith.constant 0 : i32
    %dma_start3A_9 = tpu.memref_slice %arg4[%arg1, %dma_start3A_7, %dma_start3A_8] : memref<16x250x80xi32, #tpu.memory_space<hbm>> -> memref<1x250x80xi32, #tpu.memory_space<hbm>>
    %dma_start3A_10 = tpu.memref_squeeze %dma_start3A_9 : memref<1x250x80xi32, #tpu.memory_space<hbm>> -> memref<250x80xi32, #tpu.memory_space<hbm>>
    %dma_start3A_11 = arith.constant 0 : i32
    %dma_start3A_12 = arith.constant 0 : i32
    %dma_start3A_13 = tpu.memref_slice %arg4[%arg1, %dma_start3A_11, %dma_start3A_12] : memref<16x250x80xi32, #tpu.memory_space<hbm>> -> memref<1x250x80xi32, #tpu.memory_space<hbm>>
    %dma_start3A_14 = tpu.memref_squeeze %dma_start3A_13 : memref<1x250x80xi32, #tpu.memory_space<hbm>> -> memref<250x80xi32, #tpu.memory_space<hbm>>
    tpu.enqueue_dma source(%dma_start3A_14 : memref<250x80xi32, #tpu.memory_space<hbm>>) target(%arg8 : memref<250x80xi32, #tpu.memory_space<vmem>>) target_semaphore(%arg12 : memref<!tpu.dma_semaphore, #tpu.memory_space<semaphore_mem>>)
    "tpu.region"() ({
      %run_scoped3A = tpu.sem_alloc : memref<!tpu.dma_semaphore, #tpu.memory_space<semaphore_mem>>
      %dma_start3A_387 = arith.constant 0 : i32
      %dma_start3A_388 = arith.constant 0 : i32
      %dma_start3A_389 = tpu.memref_slice %arg9[%dma_start3A_387, %dma_start3A_388] : memref<480x64xf32, #tpu.memory_space<vmem>> -> memref<208x64xf32, #tpu.memory_space<vmem>>
      %dma_start3A_390 = arith.constant 0 : i32
      %dma_start3A_391 = arith.constant 0 : i32
      %dma_start3A_392 = tpu.memref_slice %arg9[%dma_start3A_390, %dma_start3A_391] : memref<480x64xf32, #tpu.memory_space<vmem>> -> memref<208x64xf32, #tpu.memory_space<vmem>>
      tpu.enqueue_dma source(%arg5 : memref<208x64xf32, #tpu.memory_space<hbm>>) target(%dma_start3A_392 : memref<208x64xf32, #tpu.memory_space<vmem>>) target_semaphore(%run_scoped3A : memref<!tpu.dma_semaphore, #tpu.memory_space<semaphore_mem>>)
      %dma_wait3A_393 = arith.constant 0 : i32
      %dma_wait3A_394 = arith.constant 0 : i32
      %dma_wait3A_395 = tpu.memref_slice %arg9[%dma_wait3A_393, %dma_wait3A_394] : memref<480x64xf32, #tpu.memory_space<vmem>> -> memref<208x64xf32, #tpu.memory_space<vmem>>
      %dma_wait3A_396 = arith.constant 0 : i32
      %dma_wait3A_397 = arith.constant 0 : i32
      %dma_wait3A_398 = tpu.memref_slice %arg9[%dma_wait3A_396, %dma_wait3A_397] : memref<480x64xf32, #tpu.memory_space<vmem>> -> memref<208x64xf32, #tpu.memory_space<vmem>>
      tpu.wait_dma2 semaphore(%run_scoped3A : memref<!tpu.dma_semaphore, #tpu.memory_space<semaphore_mem>>) src(%arg5 : memref<208x64xf32, #tpu.memory_space<hbm>>) dst(%dma_wait3A_398 : memref<208x64xf32, #tpu.memory_space<vmem>>)
      tpu.yield
    }) : () -> ()
    %mul3A = arith.constant 624 : i32
    %mul3A_15 = arith.muli %arg1, %mul3A : i32
    %add3A = arith.constant 0 : i32
    %add3A_16 = arith.addi %mul3A_15, %add3A : i32
    "tpu.region"() ({
      %run_scoped3A = tpu.sem_alloc : memref<!tpu.dma_semaphore, #tpu.memory_space<semaphore_mem>>
      %dma_start3A_387 = arith.constant 0 : i32
      %dma_start3A_388 = arith.constant 0 : i32
      %dma_start3A_389 = tpu.memref_slice %arg9[%dma_start3A_387, %dma_start3A_388] : memref<480x64xf32, #tpu.memory_space<vmem>> -> memref<208x64xf32, #tpu.memory_space<vmem>>
      %dma_start3A_390 = arith.constant 0 : i32
      %dma_start3A_391 = tpu.memref_slice %arg10[%add3A_16, %dma_start3A_390] : memref<10000x64xf32, #tpu.memory_space<vmem_shared>> -> memref<208x64xf32, #tpu.memory_space<vmem_shared>>
      %dma_start3A_392 = arith.constant 0 : i32
      %dma_start3A_393 = tpu.memref_slice %arg10[%add3A_16, %dma_start3A_392] : memref<10000x64xf32, #tpu.memory_space<vmem_shared>> -> memref<208x64xf32, #tpu.memory_space<vmem_shared>>
      %dma_start3A_394 = arith.constant 0 : i32
      %dma_start3A_395 = arith.constant 0 : i32
      %dma_start3A_396 = tpu.memref_slice %arg9[%dma_start3A_394, %dma_start3A_395] : memref<480x64xf32, #tpu.memory_space<vmem>> -> memref<208x64xf32, #tpu.memory_space<vmem>>
      tpu.enqueue_dma source(%dma_start3A_396 : memref<208x64xf32, #tpu.memory_space<vmem>>) target(%dma_start3A_393 : memref<208x64xf32, #tpu.memory_space<vmem_shared>>) target_semaphore(%run_scoped3A : memref<!tpu.dma_semaphore, #tpu.memory_space<semaphore_mem>>)
      %dma_wait3A_397 = arith.constant 0 : i32
      %dma_wait3A_398 = arith.constant 0 : i32
      %dma_wait3A_399 = tpu.memref_slice %arg9[%dma_wait3A_397, %dma_wait3A_398] : memref<480x64xf32, #tpu.memory_space<vmem>> -> memref<208x64xf32, #tpu.memory_space<vmem>>
      %dma_wait3A_400 = arith.constant 0 : i32
      %dma_wait3A_401 = tpu.memref_slice %arg10[%add3A_16, %dma_wait3A_400] : memref<10000x64xf32, #tpu.memory_space<vmem_shared>> -> memref<208x64xf32, #tpu.memory_space<vmem_shared>>
      %dma_wait3A_402 = arith.constant 0 : i32
      %dma_wait3A_403 = tpu.memref_slice %arg10[%add3A_16, %dma_wait3A_402] : memref<10000x64xf32, #tpu.memory_space<vmem_shared>> -> memref<208x64xf32, #tpu.memory_space<vmem_shared>>
      %dma_wait3A_404 = arith.constant 0 : i32
      %dma_wait3A_405 = arith.constant 0 : i32
      %dma_wait3A_406 = tpu.memref_slice %arg9[%dma_wait3A_404, %dma_wait3A_405] : memref<480x64xf32, #tpu.memory_space<vmem>> -> memref<208x64xf32, #tpu.memory_space<vmem>>
      tpu.wait_dma2 semaphore(%run_scoped3A : memref<!tpu.dma_semaphore, #tpu.memory_space<semaphore_mem>>) src(%dma_wait3A_406 : memref<208x64xf32, #tpu.memory_space<vmem>>) dst(%dma_wait3A_403 : memref<208x64xf32, #tpu.memory_space<vmem_shared>>)
      tpu.yield
    }) : () -> ()
    %mul3A_17 = arith.constant 624 : i32
    %mul3A_18 = arith.muli %arg1, %mul3A_17 : i32
    %add3A_19 = arith.constant 208 : i32
    %add3A_20 = arith.addi %mul3A_18, %add3A_19 : i32
    "tpu.region"() ({
      %run_scoped3A = tpu.sem_alloc : memref<!tpu.dma_semaphore, #tpu.memory_space<semaphore_mem>>
      %dma_start3A_387 = arith.constant 0 : i32
      %dma_start3A_388 = arith.constant 0 : i32
      %dma_start3A_389 = tpu.memref_slice %arg9[%dma_start3A_387, %dma_start3A_388] : memref<480x64xf32, #tpu.memory_space<vmem>> -> memref<208x64xf32, #tpu.memory_space<vmem>>
      %dma_start3A_390 = arith.constant 0 : i32
      %dma_start3A_391 = tpu.memref_slice %arg10[%add3A_20, %dma_start3A_390] : memref<10000x64xf32, #tpu.memory_space<vmem_shared>> -> memref<208x64xf32, #tpu.memory_space<vmem_shared>>
      %dma_start3A_392 = arith.constant 0 : i32
      %dma_start3A_393 = tpu.memref_slice %arg10[%add3A_20, %dma_start3A_392] : memref<10000x64xf32, #tpu.memory_space<vmem_shared>> -> memref<208x64xf32, #tpu.memory_space<vmem_shared>>
      %dma_start3A_394 = arith.constant 0 : i32
      %dma_start3A_395 = arith.constant 0 : i32
      %dma_start3A_396 = tpu.memref_slice %arg9[%dma_start3A_394, %dma_start3A_395] : memref<480x64xf32, #tpu.memory_space<vmem>> -> memref<208x64xf32, #tpu.memory_space<vmem>>
      tpu.enqueue_dma source(%dma_start3A_396 : memref<208x64xf32, #tpu.memory_space<vmem>>) target(%dma_start3A_393 : memref<208x64xf32, #tpu.memory_space<vmem_shared>>) target_semaphore(%run_scoped3A : memref<!tpu.dma_semaphore, #tpu.memory_space<semaphore_mem>>)
      %dma_wait3A_397 = arith.constant 0 : i32
      %dma_wait3A_398 = arith.constant 0 : i32
      %dma_wait3A_399 = tpu.memref_slice %arg9[%dma_wait3A_397, %dma_wait3A_398] : memref<480x64xf32, #tpu.memory_space<vmem>> -> memref<208x64xf32, #tpu.memory_space<vmem>>
      %dma_wait3A_400 = arith.constant 0 : i32
      %dma_wait3A_401 = tpu.memref_slice %arg10[%add3A_20, %dma_wait3A_400] : memref<10000x64xf32, #tpu.memory_space<vmem_shared>> -> memref<208x64xf32, #tpu.memory_space<vmem_shared>>
      %dma_wait3A_402 = arith.constant 0 : i32
      %dma_wait3A_403 = tpu.memref_slice %arg10[%add3A_20, %dma_wait3A_402] : memref<10000x64xf32, #tpu.memory_space<vmem_shared>> -> memref<208x64xf32, #tpu.memory_space<vmem_shared>>
      %dma_wait3A_404 = arith.constant 0 : i32
      %dma_wait3A_405 = arith.constant 0 : i32
      %dma_wait3A_406 = tpu.memref_slice %arg9[%dma_wait3A_404, %dma_wait3A_405] : memref<480x64xf32, #tpu.memory_space<vmem>> -> memref<208x64xf32, #tpu.memory_space<vmem>>
      tpu.wait_dma2 semaphore(%run_scoped3A : memref<!tpu.dma_semaphore, #tpu.memory_space<semaphore_mem>>) src(%dma_wait3A_406 : memref<208x64xf32, #tpu.memory_space<vmem>>) dst(%dma_wait3A_403 : memref<208x64xf32, #tpu.memory_space<vmem_shared>>)
      tpu.yield
    }) : () -> ()
    %mul3A_21 = arith.constant 624 : i32
    %mul3A_22 = arith.muli %arg1, %mul3A_21 : i32
    %add3A_23 = arith.constant 416 : i32
    %add3A_24 = arith.addi %mul3A_22, %add3A_23 : i32
    "tpu.region"() ({
      %run_scoped3A = tpu.sem_alloc : memref<!tpu.dma_semaphore, #tpu.memory_space<semaphore_mem>>
      %dma_start3A_387 = arith.constant 0 : i32
      %dma_start3A_388 = arith.constant 0 : i32
      %dma_start3A_389 = tpu.memref_slice %arg9[%dma_start3A_387, %dma_start3A_388] : memref<480x64xf32, #tpu.memory_space<vmem>> -> memref<208x64xf32, #tpu.memory_space<vmem>>
      %dma_start3A_390 = arith.constant 0 : i32
      %dma_start3A_391 = tpu.memref_slice %arg10[%add3A_24, %dma_start3A_390] : memref<10000x64xf32, #tpu.memory_space<vmem_shared>> -> memref<208x64xf32, #tpu.memory_space<vmem_shared>>
      %dma_start3A_392 = arith.constant 0 : i32
      %dma_start3A_393 = tpu.memref_slice %arg10[%add3A_24, %dma_start3A_392] : memref<10000x64xf32, #tpu.memory_space<vmem_shared>> -> memref<208x64xf32, #tpu.memory_space<vmem_shared>>
      %dma_start3A_394 = arith.constant 0 : i32
      %dma_start3A_395 = arith.constant 0 : i32
      %dma_start3A_396 = tpu.memref_slice %arg9[%dma_start3A_394, %dma_start3A_395] : memref<480x64xf32, #tpu.memory_space<vmem>> -> memref<208x64xf32, #tpu.memory_space<vmem>>
      tpu.enqueue_dma source(%dma_start3A_396 : memref<208x64xf32, #tpu.memory_space<vmem>>) target(%dma_start3A_393 : memref<208x64xf32, #tpu.memory_space<vmem_shared>>) target_semaphore(%run_scoped3A : memref<!tpu.dma_semaphore, #tpu.memory_space<semaphore_mem>>)
      %dma_wait3A_397 = arith.constant 0 : i32
      %dma_wait3A_398 = arith.constant 0 : i32
      %dma_wait3A_399 = tpu.memref_slice %arg9[%dma_wait3A_397, %dma_wait3A_398] : memref<480x64xf32, #tpu.memory_space<vmem>> -> memref<208x64xf32, #tpu.memory_space<vmem>>
      %dma_wait3A_400 = arith.constant 0 : i32
      %dma_wait3A_401 = tpu.memref_slice %arg10[%add3A_24, %dma_wait3A_400] : memref<10000x64xf32, #tpu.memory_space<vmem_shared>> -> memref<208x64xf32, #tpu.memory_space<vmem_shared>>
      %dma_wait3A_402 = arith.constant 0 : i32
      %dma_wait3A_403 = tpu.memref_slice %arg10[%add3A_24, %dma_wait3A_402] : memref<10000x64xf32, #tpu.memory_space<vmem_shared>> -> memref<208x64xf32, #tpu.memory_space<vmem_shared>>
      %dma_wait3A_404 = arith.constant 0 : i32
      %dma_wait3A_405 = arith.constant 0 : i32
      %dma_wait3A_406 = tpu.memref_slice %arg9[%dma_wait3A_404, %dma_wait3A_405] : memref<480x64xf32, #tpu.memory_space<vmem>> -> memref<208x64xf32, #tpu.memory_space<vmem>>
      tpu.wait_dma2 semaphore(%run_scoped3A : memref<!tpu.dma_semaphore, #tpu.memory_space<semaphore_mem>>) src(%dma_wait3A_406 : memref<208x64xf32, #tpu.memory_space<vmem>>) dst(%dma_wait3A_403 : memref<208x64xf32, #tpu.memory_space<vmem_shared>>)
      tpu.yield
    }) : () -> ()
    %eq3A = arith.constant 15 : i32
    %eq3A_25 = arith.cmpi eq, %arg1, %eq3A : i32
    %convert_element_type3A = arith.extui %eq3A_25 : i1 to i32
    %cond3A = arith.constant 0 : i32
    %cond3A_26 = arith.cmpi ne, %convert_element_type3A, %cond3A : i32
    scf.if %cond3A_26 {
      "tpu.region"() ({
        %run_scoped3A = tpu.sem_alloc : memref<!tpu.dma_semaphore, #tpu.memory_space<semaphore_mem>>
        %dma_start3A_387 = arith.constant 0 : i32
        %dma_start3A_388 = arith.constant 0 : i32
        %dma_start3A_389 = tpu.memref_slice %arg9[%dma_start3A_387, %dma_start3A_388] : memref<480x64xf32, #tpu.memory_space<vmem>> -> memref<16x64xf32, #tpu.memory_space<vmem>>
        %dma_start3A_390 = arith.constant 9984 : i32
        %dma_start3A_391 = arith.constant 0 : i32
        %dma_start3A_392 = tpu.memref_slice %arg10[%dma_start3A_390, %dma_start3A_391] : memref<10000x64xf32, #tpu.memory_space<vmem_shared>> -> memref<16x64xf32, #tpu.memory_space<vmem_shared>>
        %dma_start3A_393 = arith.constant 9984 : i32
        %dma_start3A_394 = arith.constant 0 : i32
        %dma_start3A_395 = tpu.memref_slice %arg10[%dma_start3A_393, %dma_start3A_394] : memref<10000x64xf32, #tpu.memory_space<vmem_shared>> -> memref<16x64xf32, #tpu.memory_space<vmem_shared>>
        %dma_start3A_396 = arith.constant 0 : i32
        %dma_start3A_397 = arith.constant 0 : i32
        %dma_start3A_398 = tpu.memref_slice %arg9[%dma_start3A_396, %dma_start3A_397] : memref<480x64xf32, #tpu.memory_space<vmem>> -> memref<16x64xf32, #tpu.memory_space<vmem>>
        tpu.enqueue_dma source(%dma_start3A_398 : memref<16x64xf32, #tpu.memory_space<vmem>>) target(%dma_start3A_395 : memref<16x64xf32, #tpu.memory_space<vmem_shared>>) target_semaphore(%run_scoped3A : memref<!tpu.dma_semaphore, #tpu.memory_space<semaphore_mem>>)
        %dma_wait3A_399 = arith.constant 0 : i32
        %dma_wait3A_400 = arith.constant 0 : i32
        %dma_wait3A_401 = tpu.memref_slice %arg9[%dma_wait3A_399, %dma_wait3A_400] : memref<480x64xf32, #tpu.memory_space<vmem>> -> memref<16x64xf32, #tpu.memory_space<vmem>>
        %dma_wait3A_402 = arith.constant 9984 : i32
        %dma_wait3A_403 = arith.constant 0 : i32
        %dma_wait3A_404 = tpu.memref_slice %arg10[%dma_wait3A_402, %dma_wait3A_403] : memref<10000x64xf32, #tpu.memory_space<vmem_shared>> -> memref<16x64xf32, #tpu.memory_space<vmem_shared>>
        %dma_wait3A_405 = arith.constant 9984 : i32
        %dma_wait3A_406 = arith.constant 0 : i32
        %dma_wait3A_407 = tpu.memref_slice %arg10[%dma_wait3A_405, %dma_wait3A_406] : memref<10000x64xf32, #tpu.memory_space<vmem_shared>> -> memref<16x64xf32, #tpu.memory_space<vmem_shared>>
        %dma_wait3A_408 = arith.constant 0 : i32
        %dma_wait3A_409 = arith.constant 0 : i32
        %dma_wait3A_410 = tpu.memref_slice %arg9[%dma_wait3A_408, %dma_wait3A_409] : memref<480x64xf32, #tpu.memory_space<vmem>> -> memref<16x64xf32, #tpu.memory_space<vmem>>
        tpu.wait_dma2 semaphore(%run_scoped3A : memref<!tpu.dma_semaphore, #tpu.memory_space<semaphore_mem>>) src(%dma_wait3A_410 : memref<16x64xf32, #tpu.memory_space<vmem>>) dst(%dma_wait3A_407 : memref<16x64xf32, #tpu.memory_space<vmem_shared>>)
        tpu.yield
      }) : () -> ()
    } else {
    }
    %dma_wait3A = arith.constant 0 : i32
    %dma_wait3A_27 = arith.constant 0 : i32
    %dma_wait3A_28 = tpu.memref_slice %arg3[%arg0, %arg1, %dma_wait3A, %dma_wait3A_27] : memref<2x16x250x80xi32, #tpu.memory_space<hbm>> -> memref<1x1x250x80xi32, #tpu.memory_space<hbm>>
    %dma_wait3A_29 = tpu.memref_squeeze %dma_wait3A_28 : memref<1x1x250x80xi32, #tpu.memory_space<hbm>> -> memref<250x80xi32, #tpu.memory_space<hbm>>
    %dma_wait3A_30 = arith.constant 0 : i32
    %dma_wait3A_31 = arith.constant 0 : i32
    %dma_wait3A_32 = tpu.memref_slice %arg3[%arg0, %arg1, %dma_wait3A_30, %dma_wait3A_31] : memref<2x16x250x80xi32, #tpu.memory_space<hbm>> -> memref<1x1x250x80xi32, #tpu.memory_space<hbm>>
    %dma_wait3A_33 = tpu.memref_squeeze %dma_wait3A_32 : memref<1x1x250x80xi32, #tpu.memory_space<hbm>> -> memref<250x80xi32, #tpu.memory_space<hbm>>
    tpu.wait_dma2 semaphore(%arg11 : memref<!tpu.dma_semaphore, #tpu.memory_space<semaphore_mem>>) src(%dma_wait3A_33 : memref<250x80xi32, #tpu.memory_space<hbm>>) dst(%arg7 : memref<250x80xi32, #tpu.memory_space<vmem>>)
    %dma_wait3A_34 = arith.constant 0 : i32
    %dma_wait3A_35 = arith.constant 0 : i32
    %dma_wait3A_36 = tpu.memref_slice %arg4[%arg1, %dma_wait3A_34, %dma_wait3A_35] : memref<16x250x80xi32, #tpu.memory_space<hbm>> -> memref<1x250x80xi32, #tpu.memory_space<hbm>>
    %dma_wait3A_37 = tpu.memref_squeeze %dma_wait3A_36 : memref<1x250x80xi32, #tpu.memory_space<hbm>> -> memref<250x80xi32, #tpu.memory_space<hbm>>
    %dma_wait3A_38 = arith.constant 0 : i32
    %dma_wait3A_39 = arith.constant 0 : i32
    %dma_wait3A_40 = tpu.memref_slice %arg4[%arg1, %dma_wait3A_38, %dma_wait3A_39] : memref<16x250x80xi32, #tpu.memory_space<hbm>> -> memref<1x250x80xi32, #tpu.memory_space<hbm>>
    %dma_wait3A_41 = tpu.memref_squeeze %dma_wait3A_40 : memref<1x250x80xi32, #tpu.memory_space<hbm>> -> memref<250x80xi32, #tpu.memory_space<hbm>>
    tpu.wait_dma2 semaphore(%arg12 : memref<!tpu.dma_semaphore, #tpu.memory_space<semaphore_mem>>) src(%dma_wait3A_41 : memref<250x80xi32, #tpu.memory_space<hbm>>) dst(%arg8 : memref<250x80xi32, #tpu.memory_space<vmem>>)
    %barrier3A = arith.constant 0 : index
    tpu.barrier barrier_id(%barrier3A)
    %dma_start3A_42 = arith.constant 0 : i32
    %dma_start3A_43 = arith.constant 0 : i32
    %dma_start3A_44 = arith.constant 0 : i32
    %dma_start3A_45 = tpu.memref_slice %arg9[%dma_start3A_43, %dma_start3A_44] : memref<480x64xf32, #tpu.memory_space<vmem>> -> memref<80x64xf32, #tpu.memory_space<vmem>>
    %dma_start3A_46 = arith.constant 0 : i32
    %dma_start3A_47 = tpu.memref_slice %arg7[%dma_start3A_42, %dma_start3A_46] : memref<250x80xi32, #tpu.memory_space<vmem>> -> memref<1x80xi32, #tpu.memory_space<vmem>>
    %dma_start3A_48 = tpu.memref_squeeze %dma_start3A_47 : memref<1x80xi32, #tpu.memory_space<vmem>> -> memref<80xi32, #tpu.memory_space<vmem>>
    %dma_start3A_49 = arith.constant 0 : i32
    %dma_start3A_50 = arith.constant 0 : i32
    %dma_start3A_51 = tpu.memref_slice %arg2[%dma_start3A_49, %dma_start3A_50] : memref<20000x64xf32, #tpu.memory_space<hbm>> -> memref<20000x64xf32, #tpu.memory_space<hbm>>
    tpu.enqueue_indirect_dma source(%dma_start3A_51 : memref<20000x64xf32, #tpu.memory_space<hbm>>) target(%dma_start3A_45 : memref<80x64xf32, #tpu.memory_space<vmem>>) offsets(%dma_start3A_48 : memref<80xi32, #tpu.memory_space<vmem>>) semaphore(%arg11 : memref<!tpu.dma_semaphore, #tpu.memory_space<semaphore_mem>>)
    %dma_start3A_52 = arith.constant 1 : i32
    %dma_start3A_53 = arith.constant 80 : i32
    %dma_start3A_54 = arith.constant 0 : i32
    %dma_start3A_55 = tpu.memref_slice %arg9[%dma_start3A_53, %dma_start3A_54] : memref<480x64xf32, #tpu.memory_space<vmem>> -> memref<80x64xf32, #tpu.memory_space<vmem>>
    %dma_start3A_56 = arith.constant 0 : i32
    %dma_start3A_57 = tpu.memref_slice %arg7[%dma_start3A_52, %dma_start3A_56] : memref<250x80xi32, #tpu.memory_space<vmem>> -> memref<1x80xi32, #tpu.memory_space<vmem>>
    %dma_start3A_58 = tpu.memref_squeeze %dma_start3A_57 : memref<1x80xi32, #tpu.memory_space<vmem>> -> memref<80xi32, #tpu.memory_space<vmem>>
    %dma_start3A_59 = arith.constant 0 : i32
    %dma_start3A_60 = arith.constant 0 : i32
    %dma_start3A_61 = tpu.memref_slice %arg2[%dma_start3A_59, %dma_start3A_60] : memref<20000x64xf32, #tpu.memory_space<hbm>> -> memref<20000x64xf32, #tpu.memory_space<hbm>>
    tpu.enqueue_indirect_dma source(%dma_start3A_61 : memref<20000x64xf32, #tpu.memory_space<hbm>>) target(%dma_start3A_55 : memref<80x64xf32, #tpu.memory_space<vmem>>) offsets(%dma_start3A_58 : memref<80xi32, #tpu.memory_space<vmem>>) semaphore(%arg12 : memref<!tpu.dma_semaphore, #tpu.memory_space<semaphore_mem>>)
    %dma_start3A_62 = arith.constant 2 : i32
    %dma_start3A_63 = arith.constant 160 : i32
    %dma_start3A_64 = arith.constant 0 : i32
    %dma_start3A_65 = tpu.memref_slice %arg9[%dma_start3A_63, %dma_start3A_64] : memref<480x64xf32, #tpu.memory_space<vmem>> -> memref<80x64xf32, #tpu.memory_space<vmem>>
    %dma_start3A_66 = arith.constant 0 : i32
    %dma_start3A_67 = tpu.memref_slice %arg7[%dma_start3A_62, %dma_start3A_66] : memref<250x80xi32, #tpu.memory_space<vmem>> -> memref<1x80xi32, #tpu.memory_space<vmem>>
    %dma_start3A_68 = tpu.memref_squeeze %dma_start3A_67 : memref<1x80xi32, #tpu.memory_space<vmem>> -> memref<80xi32, #tpu.memory_space<vmem>>
    %dma_start3A_69 = arith.constant 0 : i32
    %dma_start3A_70 = arith.constant 0 : i32
    %dma_start3A_71 = tpu.memref_slice %arg2[%dma_start3A_69, %dma_start3A_70] : memref<20000x64xf32, #tpu.memory_space<hbm>> -> memref<20000x64xf32, #tpu.memory_space<hbm>>
    tpu.enqueue_indirect_dma source(%dma_start3A_71 : memref<20000x64xf32, #tpu.memory_space<hbm>>) target(%dma_start3A_65 : memref<80x64xf32, #tpu.memory_space<vmem>>) offsets(%dma_start3A_68 : memref<80xi32, #tpu.memory_space<vmem>>) semaphore(%arg13 : memref<!tpu.dma_semaphore, #tpu.memory_space<semaphore_mem>>)
    %scan3A = arith.constant 0 : i32
    %scan3A_72 = arith.constant 0 : i32
    %scan3A_73 = arith.constant 41 : i32
    %scan3A_74 = arith.addi %scan3A_72, %scan3A_73 : i32
    %scan3A_75 = arith.constant 1 : i32
    scf.for %scan3A_387 = %scan3A_72 to %scan3A_74 step %scan3A_75  : i32 {
      %mul3A_388 = arith.constant 6 : i32
      %mul3A_389 = arith.muli %scan3A_387, %mul3A_388 : i32
      %add3A_390 = arith.constant 0 : i32
      %add3A_391 = arith.addi %mul3A_389, %add3A_390 : i32
      %ge3A = arith.constant 3 : i32
      %ge3A_392 = arith.cmpi sge, %add3A_391, %ge3A : i32
      %convert_element_type3A_393 = arith.extui %ge3A_392 : i1 to i32
      %cond3A_394 = arith.constant 0 : i32
      %cond3A_395 = arith.cmpi ne, %convert_element_type3A_393, %cond3A_394 : i32
      scf.if %cond3A_395 {
        %sub3A = arith.constant 3 : i32
        %sub3A_590 = arith.subi %add3A_391, %sub3A : i32
        %dma_wait3A_591 = arith.constant 240 : i32
        %dma_wait3A_592 = arith.constant 0 : i32
        %dma_wait3A_593 = tpu.memref_slice %arg9[%dma_wait3A_591, %dma_wait3A_592] : memref<480x64xf32, #tpu.memory_space<vmem>> -> memref<80x64xf32, #tpu.memory_space<vmem>>
        %dma_wait3A_594 = arith.constant 0 : i32
        %dma_wait3A_595 = tpu.memref_slice %arg8[%sub3A_590, %dma_wait3A_594] : memref<250x80xi32, #tpu.memory_space<vmem>> -> memref<1x80xi32, #tpu.memory_space<vmem>>
        %dma_wait3A_596 = tpu.memref_squeeze %dma_wait3A_595 : memref<1x80xi32, #tpu.memory_space<vmem>> -> memref<80xi32, #tpu.memory_space<vmem>>
        %dma_wait3A_597 = arith.constant 0 : i32
        %dma_wait3A_598 = arith.constant 0 : i32
        %dma_wait3A_599 = tpu.memref_slice %arg10[%dma_wait3A_597, %dma_wait3A_598] : memref<10000x64xf32, #tpu.memory_space<vmem_shared>> -> memref<10000x64xf32, #tpu.memory_space<vmem_shared>>
        tpu.wait_indirect_dma semaphore(%arg20 : memref<!tpu.dma_semaphore, #tpu.memory_space<semaphore_mem>>) src(%dma_wait3A_593 : memref<80x64xf32, #tpu.memory_space<vmem>>) dst(%dma_wait3A_599 : memref<10000x64xf32, #tpu.memory_space<vmem_shared>>)
      } else {
      }
      %add3A_396 = arith.constant 3 : i32
      %add3A_397 = arith.addi %add3A_391, %add3A_396 : i32
      %lt3A = arith.constant 250 : i32
      %lt3A_398 = arith.cmpi slt, %add3A_397, %lt3A : i32
      %convert_element_type3A_399 = arith.extui %lt3A_398 : i1 to i32
      %cond3A_400 = arith.constant 0 : i32
      %cond3A_401 = arith.cmpi ne, %convert_element_type3A_399, %cond3A_400 : i32
      scf.if %cond3A_401 {
        %add3A_590 = arith.constant 3 : i32
        %add3A_591 = arith.addi %add3A_391, %add3A_590 : i32
        %dma_start3A_592 = arith.constant 240 : i32
        %dma_start3A_593 = arith.constant 0 : i32
        %dma_start3A_594 = tpu.memref_slice %arg9[%dma_start3A_592, %dma_start3A_593] : memref<480x64xf32, #tpu.memory_space<vmem>> -> memref<80x64xf32, #tpu.memory_space<vmem>>
        %dma_start3A_595 = arith.constant 0 : i32
        %dma_start3A_596 = tpu.memref_slice %arg7[%add3A_591, %dma_start3A_595] : memref<250x80xi32, #tpu.memory_space<vmem>> -> memref<1x80xi32, #tpu.memory_space<vmem>>
        %dma_start3A_597 = tpu.memref_squeeze %dma_start3A_596 : memref<1x80xi32, #tpu.memory_space<vmem>> -> memref<80xi32, #tpu.memory_space<vmem>>
        %dma_start3A_598 = arith.constant 0 : i32
        %dma_start3A_599 = arith.constant 0 : i32
        %dma_start3A_600 = tpu.memref_slice %arg2[%dma_start3A_598, %dma_start3A_599] : memref<20000x64xf32, #tpu.memory_space<hbm>> -> memref<20000x64xf32, #tpu.memory_space<hbm>>
        tpu.enqueue_indirect_dma source(%dma_start3A_600 : memref<20000x64xf32, #tpu.memory_space<hbm>>) target(%dma_start3A_594 : memref<80x64xf32, #tpu.memory_space<vmem>>) offsets(%dma_start3A_597 : memref<80xi32, #tpu.memory_space<vmem>>) semaphore(%arg14 : memref<!tpu.dma_semaphore, #tpu.memory_space<semaphore_mem>>)
      } else {
      }
      %dma_wait3A_402 = arith.constant 0 : i32
      %dma_wait3A_403 = arith.constant 0 : i32
      %dma_wait3A_404 = tpu.memref_slice %arg9[%dma_wait3A_402, %dma_wait3A_403] : memref<480x64xf32, #tpu.memory_space<vmem>> -> memref<80x64xf32, #tpu.memory_space<vmem>>
      %dma_wait3A_405 = arith.constant 0 : i32
      %dma_wait3A_406 = tpu.memref_slice %arg7[%add3A_391, %dma_wait3A_405] : memref<250x80xi32, #tpu.memory_space<vmem>> -> memref<1x80xi32, #tpu.memory_space<vmem>>
      %dma_wait3A_407 = tpu.memref_squeeze %dma_wait3A_406 : memref<1x80xi32, #tpu.memory_space<vmem>> -> memref<80xi32, #tpu.memory_space<vmem>>
      %dma_wait3A_408 = arith.constant 0 : i32
      %dma_wait3A_409 = arith.constant 0 : i32
      %dma_wait3A_410 = tpu.memref_slice %arg2[%dma_wait3A_408, %dma_wait3A_409] : memref<20000x64xf32, #tpu.memory_space<hbm>> -> memref<20000x64xf32, #tpu.memory_space<hbm>>
      tpu.wait_indirect_dma semaphore(%arg11 : memref<!tpu.dma_semaphore, #tpu.memory_space<semaphore_mem>>) src(%dma_wait3A_410 : memref<20000x64xf32, #tpu.memory_space<hbm>>) dst(%dma_wait3A_404 : memref<80x64xf32, #tpu.memory_space<vmem>>)
      %dma_start3A_411 = arith.constant 0 : i32
      %dma_start3A_412 = arith.constant 0 : i32
      %dma_start3A_413 = tpu.memref_slice %arg9[%dma_start3A_411, %dma_start3A_412] : memref<480x64xf32, #tpu.memory_space<vmem>> -> memref<80x64xf32, #tpu.memory_space<vmem>>
      %dma_start3A_414 = arith.constant 0 : i32
      %dma_start3A_415 = tpu.memref_slice %arg8[%add3A_391, %dma_start3A_414] : memref<250x80xi32, #tpu.memory_space<vmem>> -> memref<1x80xi32, #tpu.memory_space<vmem>>
      %dma_start3A_416 = tpu.memref_squeeze %dma_start3A_415 : memref<1x80xi32, #tpu.memory_space<vmem>> -> memref<80xi32, #tpu.memory_space<vmem>>
      %dma_start3A_417 = arith.constant 0 : i32
      %dma_start3A_418 = arith.constant 0 : i32
      %dma_start3A_419 = tpu.memref_slice %arg10[%dma_start3A_417, %dma_start3A_418] : memref<10000x64xf32, #tpu.memory_space<vmem_shared>> -> memref<10000x64xf32, #tpu.memory_space<vmem_shared>>
      tpu.enqueue_indirect_dma source(%dma_start3A_413 : memref<80x64xf32, #tpu.memory_space<vmem>>) target(%dma_start3A_419 : memref<10000x64xf32, #tpu.memory_space<vmem_shared>>) offsets(%dma_start3A_416 : memref<80xi32, #tpu.memory_space<vmem>>) semaphore(%arg17 : memref<!tpu.dma_semaphore, #tpu.memory_space<semaphore_mem>>) {add = true}
      %mul3A_420 = arith.constant 6 : i32
      %mul3A_421 = arith.muli %scan3A_387, %mul3A_420 : i32
      %add3A_422 = arith.constant 1 : i32
      %add3A_423 = arith.addi %mul3A_421, %add3A_422 : i32
      %ge3A_424 = arith.constant 3 : i32
      %ge3A_425 = arith.cmpi sge, %add3A_423, %ge3A_424 : i32
      %convert_element_type3A_426 = arith.extui %ge3A_425 : i1 to i32
      %cond3A_427 = arith.constant 0 : i32
      %cond3A_428 = arith.cmpi ne, %convert_element_type3A_426, %cond3A_427 : i32
      scf.if %cond3A_428 {
        %sub3A = arith.constant 3 : i32
        %sub3A_590 = arith.subi %add3A_423, %sub3A : i32
        %dma_wait3A_591 = arith.constant 320 : i32
        %dma_wait3A_592 = arith.constant 0 : i32
        %dma_wait3A_593 = tpu.memref_slice %arg9[%dma_wait3A_591, %dma_wait3A_592] : memref<480x64xf32, #tpu.memory_space<vmem>> -> memref<80x64xf32, #tpu.memory_space<vmem>>
        %dma_wait3A_594 = arith.constant 0 : i32
        %dma_wait3A_595 = tpu.memref_slice %arg8[%sub3A_590, %dma_wait3A_594] : memref<250x80xi32, #tpu.memory_space<vmem>> -> memref<1x80xi32, #tpu.memory_space<vmem>>
        %dma_wait3A_596 = tpu.memref_squeeze %dma_wait3A_595 : memref<1x80xi32, #tpu.memory_space<vmem>> -> memref<80xi32, #tpu.memory_space<vmem>>
        %dma_wait3A_597 = arith.constant 0 : i32
        %dma_wait3A_598 = arith.constant 0 : i32
        %dma_wait3A_599 = tpu.memref_slice %arg10[%dma_wait3A_597, %dma_wait3A_598] : memref<10000x64xf32, #tpu.memory_space<vmem_shared>> -> memref<10000x64xf32, #tpu.memory_space<vmem_shared>>
        tpu.wait_indirect_dma semaphore(%arg21 : memref<!tpu.dma_semaphore, #tpu.memory_space<semaphore_mem>>) src(%dma_wait3A_593 : memref<80x64xf32, #tpu.memory_space<vmem>>) dst(%dma_wait3A_599 : memref<10000x64xf32, #tpu.memory_space<vmem_shared>>)
      } else {
      }
      %add3A_429 = arith.constant 3 : i32
      %add3A_430 = arith.addi %add3A_423, %add3A_429 : i32
      %lt3A_431 = arith.constant 250 : i32
      %lt3A_432 = arith.cmpi slt, %add3A_430, %lt3A_431 : i32
      %convert_element_type3A_433 = arith.extui %lt3A_432 : i1 to i32
      %cond3A_434 = arith.constant 0 : i32
      %cond3A_435 = arith.cmpi ne, %convert_element_type3A_433, %cond3A_434 : i32
      scf.if %cond3A_435 {
        %add3A_590 = arith.constant 3 : i32
        %add3A_591 = arith.addi %add3A_423, %add3A_590 : i32
        %dma_start3A_592 = arith.constant 320 : i32
        %dma_start3A_593 = arith.constant 0 : i32
        %dma_start3A_594 = tpu.memref_slice %arg9[%dma_start3A_592, %dma_start3A_593] : memref<480x64xf32, #tpu.memory_space<vmem>> -> memref<80x64xf32, #tpu.memory_space<vmem>>
        %dma_start3A_595 = arith.constant 0 : i32
        %dma_start3A_596 = tpu.memref_slice %arg7[%add3A_591, %dma_start3A_595] : memref<250x80xi32, #tpu.memory_space<vmem>> -> memref<1x80xi32, #tpu.memory_space<vmem>>
        %dma_start3A_597 = tpu.memref_squeeze %dma_start3A_596 : memref<1x80xi32, #tpu.memory_space<vmem>> -> memref<80xi32, #tpu.memory_space<vmem>>
        %dma_start3A_598 = arith.constant 0 : i32
        %dma_start3A_599 = arith.constant 0 : i32
        %dma_start3A_600 = tpu.memref_slice %arg2[%dma_start3A_598, %dma_start3A_599] : memref<20000x64xf32, #tpu.memory_space<hbm>> -> memref<20000x64xf32, #tpu.memory_space<hbm>>
        tpu.enqueue_indirect_dma source(%dma_start3A_600 : memref<20000x64xf32, #tpu.memory_space<hbm>>) target(%dma_start3A_594 : memref<80x64xf32, #tpu.memory_space<vmem>>) offsets(%dma_start3A_597 : memref<80xi32, #tpu.memory_space<vmem>>) semaphore(%arg15 : memref<!tpu.dma_semaphore, #tpu.memory_space<semaphore_mem>>)
      } else {
      }
      %dma_wait3A_436 = arith.constant 80 : i32
      %dma_wait3A_437 = arith.constant 0 : i32
      %dma_wait3A_438 = tpu.memref_slice %arg9[%dma_wait3A_436, %dma_wait3A_437] : memref<480x64xf32, #tpu.memory_space<vmem>> -> memref<80x64xf32, #tpu.memory_space<vmem>>
      %dma_wait3A_439 = arith.constant 0 : i32
      %dma_wait3A_440 = tpu.memref_slice %arg7[%add3A_423, %dma_wait3A_439] : memref<250x80xi32, #tpu.memory_space<vmem>> -> memref<1x80xi32, #tpu.memory_space<vmem>>
      %dma_wait3A_441 = tpu.memref_squeeze %dma_wait3A_440 : memref<1x80xi32, #tpu.memory_space<vmem>> -> memref<80xi32, #tpu.memory_space<vmem>>
      %dma_wait3A_442 = arith.constant 0 : i32
      %dma_wait3A_443 = arith.constant 0 : i32
      %dma_wait3A_444 = tpu.memref_slice %arg2[%dma_wait3A_442, %dma_wait3A_443] : memref<20000x64xf32, #tpu.memory_space<hbm>> -> memref<20000x64xf32, #tpu.memory_space<hbm>>
      tpu.wait_indirect_dma semaphore(%arg12 : memref<!tpu.dma_semaphore, #tpu.memory_space<semaphore_mem>>) src(%dma_wait3A_444 : memref<20000x64xf32, #tpu.memory_space<hbm>>) dst(%dma_wait3A_438 : memref<80x64xf32, #tpu.memory_space<vmem>>)
      %dma_start3A_445 = arith.constant 80 : i32
      %dma_start3A_446 = arith.constant 0 : i32
      %dma_start3A_447 = tpu.memref_slice %arg9[%dma_start3A_445, %dma_start3A_446] : memref<480x64xf32, #tpu.memory_space<vmem>> -> memref<80x64xf32, #tpu.memory_space<vmem>>
      %dma_start3A_448 = arith.constant 0 : i32
      %dma_start3A_449 = tpu.memref_slice %arg8[%add3A_423, %dma_start3A_448] : memref<250x80xi32, #tpu.memory_space<vmem>> -> memref<1x80xi32, #tpu.memory_space<vmem>>
      %dma_start3A_450 = tpu.memref_squeeze %dma_start3A_449 : memref<1x80xi32, #tpu.memory_space<vmem>> -> memref<80xi32, #tpu.memory_space<vmem>>
      %dma_start3A_451 = arith.constant 0 : i32
      %dma_start3A_452 = arith.constant 0 : i32
      %dma_start3A_453 = tpu.memref_slice %arg10[%dma_start3A_451, %dma_start3A_452] : memref<10000x64xf32, #tpu.memory_space<vmem_shared>> -> memref<10000x64xf32, #tpu.memory_space<vmem_shared>>
      tpu.enqueue_indirect_dma source(%dma_start3A_447 : memref<80x64xf32, #tpu.memory_space<vmem>>) target(%dma_start3A_453 : memref<10000x64xf32, #tpu.memory_space<vmem_shared>>) offsets(%dma_start3A_450 : memref<80xi32, #tpu.memory_space<vmem>>) semaphore(%arg18 : memref<!tpu.dma_semaphore, #tpu.memory_space<semaphore_mem>>) {add = true}
      %mul3A_454 = arith.constant 6 : i32
      %mul3A_455 = arith.muli %scan3A_387, %mul3A_454 : i32
      %add3A_456 = arith.constant 2 : i32
      %add3A_457 = arith.addi %mul3A_455, %add3A_456 : i32
      %ge3A_458 = arith.constant 3 : i32
      %ge3A_459 = arith.cmpi sge, %add3A_457, %ge3A_458 : i32
      %convert_element_type3A_460 = arith.extui %ge3A_459 : i1 to i32
      %cond3A_461 = arith.constant 0 : i32
      %cond3A_462 = arith.cmpi ne, %convert_element_type3A_460, %cond3A_461 : i32
      scf.if %cond3A_462 {
        %sub3A = arith.constant 3 : i32
        %sub3A_590 = arith.subi %add3A_457, %sub3A : i32
        %dma_wait3A_591 = arith.constant 400 : i32
        %dma_wait3A_592 = arith.constant 0 : i32
        %dma_wait3A_593 = tpu.memref_slice %arg9[%dma_wait3A_591, %dma_wait3A_592] : memref<480x64xf32, #tpu.memory_space<vmem>> -> memref<80x64xf32, #tpu.memory_space<vmem>>
        %dma_wait3A_594 = arith.constant 0 : i32
        %dma_wait3A_595 = tpu.memref_slice %arg8[%sub3A_590, %dma_wait3A_594] : memref<250x80xi32, #tpu.memory_space<vmem>> -> memref<1x80xi32, #tpu.memory_space<vmem>>
        %dma_wait3A_596 = tpu.memref_squeeze %dma_wait3A_595 : memref<1x80xi32, #tpu.memory_space<vmem>> -> memref<80xi32, #tpu.memory_space<vmem>>
        %dma_wait3A_597 = arith.constant 0 : i32
        %dma_wait3A_598 = arith.constant 0 : i32
        %dma_wait3A_599 = tpu.memref_slice %arg10[%dma_wait3A_597, %dma_wait3A_598] : memref<10000x64xf32, #tpu.memory_space<vmem_shared>> -> memref<10000x64xf32, #tpu.memory_space<vmem_shared>>
        tpu.wait_indirect_dma semaphore(%arg22 : memref<!tpu.dma_semaphore, #tpu.memory_space<semaphore_mem>>) src(%dma_wait3A_593 : memref<80x64xf32, #tpu.memory_space<vmem>>) dst(%dma_wait3A_599 : memref<10000x64xf32, #tpu.memory_space<vmem_shared>>)
      } else {
      }
      %add3A_463 = arith.constant 3 : i32
      %add3A_464 = arith.addi %add3A_457, %add3A_463 : i32
      %lt3A_465 = arith.constant 250 : i32
      %lt3A_466 = arith.cmpi slt, %add3A_464, %lt3A_465 : i32
      %convert_element_type3A_467 = arith.extui %lt3A_466 : i1 to i32
      %cond3A_468 = arith.constant 0 : i32
      %cond3A_469 = arith.cmpi ne, %convert_element_type3A_467, %cond3A_468 : i32
      scf.if %cond3A_469 {
        %add3A_590 = arith.constant 3 : i32
        %add3A_591 = arith.addi %add3A_457, %add3A_590 : i32
        %dma_start3A_592 = arith.constant 400 : i32
        %dma_start3A_593 = arith.constant 0 : i32
        %dma_start3A_594 = tpu.memref_slice %arg9[%dma_start3A_592, %dma_start3A_593] : memref<480x64xf32, #tpu.memory_space<vmem>> -> memref<80x64xf32, #tpu.memory_space<vmem>>
        %dma_start3A_595 = arith.constant 0 : i32
        %dma_start3A_596 = tpu.memref_slice %arg7[%add3A_591, %dma_start3A_595] : memref<250x80xi32, #tpu.memory_space<vmem>> -> memref<1x80xi32, #tpu.memory_space<vmem>>
        %dma_start3A_597 = tpu.memref_squeeze %dma_start3A_596 : memref<1x80xi32, #tpu.memory_space<vmem>> -> memref<80xi32, #tpu.memory_space<vmem>>
        %dma_start3A_598 = arith.constant 0 : i32
        %dma_start3A_599 = arith.constant 0 : i32
        %dma_start3A_600 = tpu.memref_slice %arg2[%dma_start3A_598, %dma_start3A_599] : memref<20000x64xf32, #tpu.memory_space<hbm>> -> memref<20000x64xf32, #tpu.memory_space<hbm>>
        tpu.enqueue_indirect_dma source(%dma_start3A_600 : memref<20000x64xf32, #tpu.memory_space<hbm>>) target(%dma_start3A_594 : memref<80x64xf32, #tpu.memory_space<vmem>>) offsets(%dma_start3A_597 : memref<80xi32, #tpu.memory_space<vmem>>) semaphore(%arg16 : memref<!tpu.dma_semaphore, #tpu.memory_space<semaphore_mem>>)
      } else {
      }
      %dma_wait3A_470 = arith.constant 160 : i32
      %dma_wait3A_471 = arith.constant 0 : i32
      %dma_wait3A_472 = tpu.memref_slice %arg9[%dma_wait3A_470, %dma_wait3A_471] : memref<480x64xf32, #tpu.memory_space<vmem>> -> memref<80x64xf32, #tpu.memory_space<vmem>>
      %dma_wait3A_473 = arith.constant 0 : i32
      %dma_wait3A_474 = tpu.memref_slice %arg7[%add3A_457, %dma_wait3A_473] : memref<250x80xi32, #tpu.memory_space<vmem>> -> memref<1x80xi32, #tpu.memory_space<vmem>>
      %dma_wait3A_475 = tpu.memref_squeeze %dma_wait3A_474 : memref<1x80xi32, #tpu.memory_space<vmem>> -> memref<80xi32, #tpu.memory_space<vmem>>
      %dma_wait3A_476 = arith.constant 0 : i32
      %dma_wait3A_477 = arith.constant 0 : i32
      %dma_wait3A_478 = tpu.memref_slice %arg2[%dma_wait3A_476, %dma_wait3A_477] : memref<20000x64xf32, #tpu.memory_space<hbm>> -> memref<20000x64xf32, #tpu.memory_space<hbm>>
      tpu.wait_indirect_dma semaphore(%arg13 : memref<!tpu.dma_semaphore, #tpu.memory_space<semaphore_mem>>) src(%dma_wait3A_478 : memref<20000x64xf32, #tpu.memory_space<hbm>>) dst(%dma_wait3A_472 : memref<80x64xf32, #tpu.memory_space<vmem>>)
      %dma_start3A_479 = arith.constant 160 : i32
      %dma_start3A_480 = arith.constant 0 : i32
      %dma_start3A_481 = tpu.memref_slice %arg9[%dma_start3A_479, %dma_start3A_480] : memref<480x64xf32, #tpu.memory_space<vmem>> -> memref<80x64xf32, #tpu.memory_space<vmem>>
      %dma_start3A_482 = arith.constant 0 : i32
      %dma_start3A_483 = tpu.memref_slice %arg8[%add3A_457, %dma_start3A_482] : memref<250x80xi32, #tpu.memory_space<vmem>> -> memref<1x80xi32, #tpu.memory_space<vmem>>
      %dma_start3A_484 = tpu.memref_squeeze %dma_start3A_483 : memref<1x80xi32, #tpu.memory_space<vmem>> -> memref<80xi32, #tpu.memory_space<vmem>>
      %dma_start3A_485 = arith.constant 0 : i32
      %dma_start3A_486 = arith.constant 0 : i32
      %dma_start3A_487 = tpu.memref_slice %arg10[%dma_start3A_485, %dma_start3A_486] : memref<10000x64xf32, #tpu.memory_space<vmem_shared>> -> memref<10000x64xf32, #tpu.memory_space<vmem_shared>>
      tpu.enqueue_indirect_dma source(%dma_start3A_481 : memref<80x64xf32, #tpu.memory_space<vmem>>) target(%dma_start3A_487 : memref<10000x64xf32, #tpu.memory_space<vmem_shared>>) offsets(%dma_start3A_484 : memref<80xi32, #tpu.memory_space<vmem>>) semaphore(%arg19 : memref<!tpu.dma_semaphore, #tpu.memory_space<semaphore_mem>>) {add = true}
      %mul3A_488 = arith.constant 6 : i32
      %mul3A_489 = arith.muli %scan3A_387, %mul3A_488 : i32
      %add3A_490 = arith.constant 3 : i32
      %add3A_491 = arith.addi %mul3A_489, %add3A_490 : i32
      %ge3A_492 = arith.constant 3 : i32
      %ge3A_493 = arith.cmpi sge, %add3A_491, %ge3A_492 : i32
      %convert_element_type3A_494 = arith.extui %ge3A_493 : i1 to i32
      %cond3A_495 = arith.constant 0 : i32
      %cond3A_496 = arith.cmpi ne, %convert_element_type3A_494, %cond3A_495 : i32
      scf.if %cond3A_496 {
        %sub3A = arith.constant 3 : i32
        %sub3A_590 = arith.subi %add3A_491, %sub3A : i32
        %dma_wait3A_591 = arith.constant 0 : i32
        %dma_wait3A_592 = arith.constant 0 : i32
        %dma_wait3A_593 = tpu.memref_slice %arg9[%dma_wait3A_591, %dma_wait3A_592] : memref<480x64xf32, #tpu.memory_space<vmem>> -> memref<80x64xf32, #tpu.memory_space<vmem>>
        %dma_wait3A_594 = arith.constant 0 : i32
        %dma_wait3A_595 = tpu.memref_slice %arg8[%sub3A_590, %dma_wait3A_594] : memref<250x80xi32, #tpu.memory_space<vmem>> -> memref<1x80xi32, #tpu.memory_space<vmem>>
        %dma_wait3A_596 = tpu.memref_squeeze %dma_wait3A_595 : memref<1x80xi32, #tpu.memory_space<vmem>> -> memref<80xi32, #tpu.memory_space<vmem>>
        %dma_wait3A_597 = arith.constant 0 : i32
        %dma_wait3A_598 = arith.constant 0 : i32
        %dma_wait3A_599 = tpu.memref_slice %arg10[%dma_wait3A_597, %dma_wait3A_598] : memref<10000x64xf32, #tpu.memory_space<vmem_shared>> -> memref<10000x64xf32, #tpu.memory_space<vmem_shared>>
        tpu.wait_indirect_dma semaphore(%arg17 : memref<!tpu.dma_semaphore, #tpu.memory_space<semaphore_mem>>) src(%dma_wait3A_593 : memref<80x64xf32, #tpu.memory_space<vmem>>) dst(%dma_wait3A_599 : memref<10000x64xf32, #tpu.memory_space<vmem_shared>>)
      } else {
      }
      %add3A_497 = arith.constant 3 : i32
      %add3A_498 = arith.addi %add3A_491, %add3A_497 : i32
      %lt3A_499 = arith.constant 250 : i32
      %lt3A_500 = arith.cmpi slt, %add3A_498, %lt3A_499 : i32
      %convert_element_type3A_501 = arith.extui %lt3A_500 : i1 to i32
      %cond3A_502 = arith.constant 0 : i32
      %cond3A_503 = arith.cmpi ne, %convert_element_type3A_501, %cond3A_502 : i32
      scf.if %cond3A_503 {
        %add3A_590 = arith.constant 3 : i32
        %add3A_591 = arith.addi %add3A_491, %add3A_590 : i32
        %dma_start3A_592 = arith.constant 0 : i32
        %dma_start3A_593 = arith.constant 0 : i32
        %dma_start3A_594 = tpu.memref_slice %arg9[%dma_start3A_592, %dma_start3A_593] : memref<480x64xf32, #tpu.memory_space<vmem>> -> memref<80x64xf32, #tpu.memory_space<vmem>>
        %dma_start3A_595 = arith.constant 0 : i32
        %dma_start3A_596 = tpu.memref_slice %arg7[%add3A_591, %dma_start3A_595] : memref<250x80xi32, #tpu.memory_space<vmem>> -> memref<1x80xi32, #tpu.memory_space<vmem>>
        %dma_start3A_597 = tpu.memref_squeeze %dma_start3A_596 : memref<1x80xi32, #tpu.memory_space<vmem>> -> memref<80xi32, #tpu.memory_space<vmem>>
        %dma_start3A_598 = arith.constant 0 : i32
        %dma_start3A_599 = arith.constant 0 : i32
        %dma_start3A_600 = tpu.memref_slice %arg2[%dma_start3A_598, %dma_start3A_599] : memref<20000x64xf32, #tpu.memory_space<hbm>> -> memref<20000x64xf32, #tpu.memory_space<hbm>>
        tpu.enqueue_indirect_dma source(%dma_start3A_600 : memref<20000x64xf32, #tpu.memory_space<hbm>>) target(%dma_start3A_594 : memref<80x64xf32, #tpu.memory_space<vmem>>) offsets(%dma_start3A_597 : memref<80xi32, #tpu.memory_space<vmem>>) semaphore(%arg11 : memref<!tpu.dma_semaphore, #tpu.memory_space<semaphore_mem>>)
      } else {
      }
      %dma_wait3A_504 = arith.constant 240 : i32
      %dma_wait3A_505 = arith.constant 0 : i32
      %dma_wait3A_506 = tpu.memref_slice %arg9[%dma_wait3A_504, %dma_wait3A_505] : memref<480x64xf32, #tpu.memory_space<vmem>> -> memref<80x64xf32, #tpu.memory_space<vmem>>
      %dma_wait3A_507 = arith.constant 0 : i32
      %dma_wait3A_508 = tpu.memref_slice %arg7[%add3A_491, %dma_wait3A_507] : memref<250x80xi32, #tpu.memory_space<vmem>> -> memref<1x80xi32, #tpu.memory_space<vmem>>
      %dma_wait3A_509 = tpu.memref_squeeze %dma_wait3A_508 : memref<1x80xi32, #tpu.memory_space<vmem>> -> memref<80xi32, #tpu.memory_space<vmem>>
      %dma_wait3A_510 = arith.constant 0 : i32
      %dma_wait3A_511 = arith.constant 0 : i32
      %dma_wait3A_512 = tpu.memref_slice %arg2[%dma_wait3A_510, %dma_wait3A_511] : memref<20000x64xf32, #tpu.memory_space<hbm>> -> memref<20000x64xf32, #tpu.memory_space<hbm>>
      tpu.wait_indirect_dma semaphore(%arg14 : memref<!tpu.dma_semaphore, #tpu.memory_space<semaphore_mem>>) src(%dma_wait3A_512 : memref<20000x64xf32, #tpu.memory_space<hbm>>) dst(%dma_wait3A_506 : memref<80x64xf32, #tpu.memory_space<vmem>>)
      %dma_start3A_513 = arith.constant 240 : i32
      %dma_start3A_514 = arith.constant 0 : i32
      %dma_start3A_515 = tpu.memref_slice %arg9[%dma_start3A_513, %dma_start3A_514] : memref<480x64xf32, #tpu.memory_space<vmem>> -> memref<80x64xf32, #tpu.memory_space<vmem>>
      %dma_start3A_516 = arith.constant 0 : i32
      %dma_start3A_517 = tpu.memref_slice %arg8[%add3A_491, %dma_start3A_516] : memref<250x80xi32, #tpu.memory_space<vmem>> -> memref<1x80xi32, #tpu.memory_space<vmem>>
      %dma_start3A_518 = tpu.memref_squeeze %dma_start3A_517 : memref<1x80xi32, #tpu.memory_space<vmem>> -> memref<80xi32, #tpu.memory_space<vmem>>
      %dma_start3A_519 = arith.constant 0 : i32
      %dma_start3A_520 = arith.constant 0 : i32
      %dma_start3A_521 = tpu.memref_slice %arg10[%dma_start3A_519, %dma_start3A_520] : memref<10000x64xf32, #tpu.memory_space<vmem_shared>> -> memref<10000x64xf32, #tpu.memory_space<vmem_shared>>
      tpu.enqueue_indirect_dma source(%dma_start3A_515 : memref<80x64xf32, #tpu.memory_space<vmem>>) target(%dma_start3A_521 : memref<10000x64xf32, #tpu.memory_space<vmem_shared>>) offsets(%dma_start3A_518 : memref<80xi32, #tpu.memory_space<vmem>>) semaphore(%arg20 : memref<!tpu.dma_semaphore, #tpu.memory_space<semaphore_mem>>) {add = true}
      %mul3A_522 = arith.constant 6 : i32
      %mul3A_523 = arith.muli %scan3A_387, %mul3A_522 : i32
      %add3A_524 = arith.constant 4 : i32
      %add3A_525 = arith.addi %mul3A_523, %add3A_524 : i32
      %ge3A_526 = arith.constant 3 : i32
      %ge3A_527 = arith.cmpi sge, %add3A_525, %ge3A_526 : i32
      %convert_element_type3A_528 = arith.extui %ge3A_527 : i1 to i32
      %cond3A_529 = arith.constant 0 : i32
      %cond3A_530 = arith.cmpi ne, %convert_element_type3A_528, %cond3A_529 : i32
      scf.if %cond3A_530 {
        %sub3A = arith.constant 3 : i32
        %sub3A_590 = arith.subi %add3A_525, %sub3A : i32
        %dma_wait3A_591 = arith.constant 80 : i32
        %dma_wait3A_592 = arith.constant 0 : i32
        %dma_wait3A_593 = tpu.memref_slice %arg9[%dma_wait3A_591, %dma_wait3A_592] : memref<480x64xf32, #tpu.memory_space<vmem>> -> memref<80x64xf32, #tpu.memory_space<vmem>>
        %dma_wait3A_594 = arith.constant 0 : i32
        %dma_wait3A_595 = tpu.memref_slice %arg8[%sub3A_590, %dma_wait3A_594] : memref<250x80xi32, #tpu.memory_space<vmem>> -> memref<1x80xi32, #tpu.memory_space<vmem>>
        %dma_wait3A_596 = tpu.memref_squeeze %dma_wait3A_595 : memref<1x80xi32, #tpu.memory_space<vmem>> -> memref<80xi32, #tpu.memory_space<vmem>>
        %dma_wait3A_597 = arith.constant 0 : i32
        %dma_wait3A_598 = arith.constant 0 : i32
        %dma_wait3A_599 = tpu.memref_slice %arg10[%dma_wait3A_597, %dma_wait3A_598] : memref<10000x64xf32, #tpu.memory_space<vmem_shared>> -> memref<10000x64xf32, #tpu.memory_space<vmem_shared>>
        tpu.wait_indirect_dma semaphore(%arg18 : memref<!tpu.dma_semaphore, #tpu.memory_space<semaphore_mem>>) src(%dma_wait3A_593 : memref<80x64xf32, #tpu.memory_space<vmem>>) dst(%dma_wait3A_599 : memref<10000x64xf32, #tpu.memory_space<vmem_shared>>)
      } else {
      }
      %add3A_531 = arith.constant 3 : i32
      %add3A_532 = arith.addi %add3A_525, %add3A_531 : i32
      %lt3A_533 = arith.constant 250 : i32
      %lt3A_534 = arith.cmpi slt, %add3A_532, %lt3A_533 : i32
      %convert_element_type3A_535 = arith.extui %lt3A_534 : i1 to i32
      %cond3A_536 = arith.constant 0 : i32
      %cond3A_537 = arith.cmpi ne, %convert_element_type3A_535, %cond3A_536 : i32
      scf.if %cond3A_537 {
        %add3A_590 = arith.constant 3 : i32
        %add3A_591 = arith.addi %add3A_525, %add3A_590 : i32
        %dma_start3A_592 = arith.constant 80 : i32
        %dma_start3A_593 = arith.constant 0 : i32
        %dma_start3A_594 = tpu.memref_slice %arg9[%dma_start3A_592, %dma_start3A_593] : memref<480x64xf32, #tpu.memory_space<vmem>> -> memref<80x64xf32, #tpu.memory_space<vmem>>
        %dma_start3A_595 = arith.constant 0 : i32
        %dma_start3A_596 = tpu.memref_slice %arg7[%add3A_591, %dma_start3A_595] : memref<250x80xi32, #tpu.memory_space<vmem>> -> memref<1x80xi32, #tpu.memory_space<vmem>>
        %dma_start3A_597 = tpu.memref_squeeze %dma_start3A_596 : memref<1x80xi32, #tpu.memory_space<vmem>> -> memref<80xi32, #tpu.memory_space<vmem>>
        %dma_start3A_598 = arith.constant 0 : i32
        %dma_start3A_599 = arith.constant 0 : i32
        %dma_start3A_600 = tpu.memref_slice %arg2[%dma_start3A_598, %dma_start3A_599] : memref<20000x64xf32, #tpu.memory_space<hbm>> -> memref<20000x64xf32, #tpu.memory_space<hbm>>
        tpu.enqueue_indirect_dma source(%dma_start3A_600 : memref<20000x64xf32, #tpu.memory_space<hbm>>) target(%dma_start3A_594 : memref<80x64xf32, #tpu.memory_space<vmem>>) offsets(%dma_start3A_597 : memref<80xi32, #tpu.memory_space<vmem>>) semaphore(%arg12 : memref<!tpu.dma_semaphore, #tpu.memory_space<semaphore_mem>>)
      } else {
      }
      %dma_wait3A_538 = arith.constant 320 : i32
      %dma_wait3A_539 = arith.constant 0 : i32
      %dma_wait3A_540 = tpu.memref_slice %arg9[%dma_wait3A_538, %dma_wait3A_539] : memref<480x64xf32, #tpu.memory_space<vmem>> -> memref<80x64xf32, #tpu.memory_space<vmem>>
      %dma_wait3A_541 = arith.constant 0 : i32
      %dma_wait3A_542 = tpu.memref_slice %arg7[%add3A_525, %dma_wait3A_541] : memref<250x80xi32, #tpu.memory_space<vmem>> -> memref<1x80xi32, #tpu.memory_space<vmem>>
      %dma_wait3A_543 = tpu.memref_squeeze %dma_wait3A_542 : memref<1x80xi32, #tpu.memory_space<vmem>> -> memref<80xi32, #tpu.memory_space<vmem>>
      %dma_wait3A_544 = arith.constant 0 : i32
      %dma_wait3A_545 = arith.constant 0 : i32
      %dma_wait3A_546 = tpu.memref_slice %arg2[%dma_wait3A_544, %dma_wait3A_545] : memref<20000x64xf32, #tpu.memory_space<hbm>> -> memref<20000x64xf32, #tpu.memory_space<hbm>>
      tpu.wait_indirect_dma semaphore(%arg15 : memref<!tpu.dma_semaphore, #tpu.memory_space<semaphore_mem>>) src(%dma_wait3A_546 : memref<20000x64xf32, #tpu.memory_space<hbm>>) dst(%dma_wait3A_540 : memref<80x64xf32, #tpu.memory_space<vmem>>)
      %dma_start3A_547 = arith.constant 320 : i32
      %dma_start3A_548 = arith.constant 0 : i32
      %dma_start3A_549 = tpu.memref_slice %arg9[%dma_start3A_547, %dma_start3A_548] : memref<480x64xf32, #tpu.memory_space<vmem>> -> memref<80x64xf32, #tpu.memory_space<vmem>>
      %dma_start3A_550 = arith.constant 0 : i32
      %dma_start3A_551 = tpu.memref_slice %arg8[%add3A_525, %dma_start3A_550] : memref<250x80xi32, #tpu.memory_space<vmem>> -> memref<1x80xi32, #tpu.memory_space<vmem>>
      %dma_start3A_552 = tpu.memref_squeeze %dma_start3A_551 : memref<1x80xi32, #tpu.memory_space<vmem>> -> memref<80xi32, #tpu.memory_space<vmem>>
      %dma_start3A_553 = arith.constant 0 : i32
      %dma_start3A_554 = arith.constant 0 : i32
      %dma_start3A_555 = tpu.memref_slice %arg10[%dma_start3A_553, %dma_start3A_554] : memref<10000x64xf32, #tpu.memory_space<vmem_shared>> -> memref<10000x64xf32, #tpu.memory_space<vmem_shared>>
      tpu.enqueue_indirect_dma source(%dma_start3A_549 : memref<80x64xf32, #tpu.memory_space<vmem>>) target(%dma_start3A_555 : memref<10000x64xf32, #tpu.memory_space<vmem_shared>>) offsets(%dma_start3A_552 : memref<80xi32, #tpu.memory_space<vmem>>) semaphore(%arg21 : memref<!tpu.dma_semaphore, #tpu.memory_space<semaphore_mem>>) {add = true}
      %mul3A_556 = arith.constant 6 : i32
      %mul3A_557 = arith.muli %scan3A_387, %mul3A_556 : i32
      %add3A_558 = arith.constant 5 : i32
      %add3A_559 = arith.addi %mul3A_557, %add3A_558 : i32
      %ge3A_560 = arith.constant 3 : i32
      %ge3A_561 = arith.cmpi sge, %add3A_559, %ge3A_560 : i32
      %convert_element_type3A_562 = arith.extui %ge3A_561 : i1 to i32
      %cond3A_563 = arith.constant 0 : i32
      %cond3A_564 = arith.cmpi ne, %convert_element_type3A_562, %cond3A_563 : i32
      scf.if %cond3A_564 {
        %sub3A = arith.constant 3 : i32
        %sub3A_590 = arith.subi %add3A_559, %sub3A : i32
        %dma_wait3A_591 = arith.constant 160 : i32
        %dma_wait3A_592 = arith.constant 0 : i32
        %dma_wait3A_593 = tpu.memref_slice %arg9[%dma_wait3A_591, %dma_wait3A_592] : memref<480x64xf32, #tpu.memory_space<vmem>> -> memref<80x64xf32, #tpu.memory_space<vmem>>
        %dma_wait3A_594 = arith.constant 0 : i32
        %dma_wait3A_595 = tpu.memref_slice %arg8[%sub3A_590, %dma_wait3A_594] : memref<250x80xi32, #tpu.memory_space<vmem>> -> memref<1x80xi32, #tpu.memory_space<vmem>>
        %dma_wait3A_596 = tpu.memref_squeeze %dma_wait3A_595 : memref<1x80xi32, #tpu.memory_space<vmem>> -> memref<80xi32, #tpu.memory_space<vmem>>
        %dma_wait3A_597 = arith.constant 0 : i32
        %dma_wait3A_598 = arith.constant 0 : i32
        %dma_wait3A_599 = tpu.memref_slice %arg10[%dma_wait3A_597, %dma_wait3A_598] : memref<10000x64xf32, #tpu.memory_space<vmem_shared>> -> memref<10000x64xf32, #tpu.memory_space<vmem_shared>>
        tpu.wait_indirect_dma semaphore(%arg19 : memref<!tpu.dma_semaphore, #tpu.memory_space<semaphore_mem>>) src(%dma_wait3A_593 : memref<80x64xf32, #tpu.memory_space<vmem>>) dst(%dma_wait3A_599 : memref<10000x64xf32, #tpu.memory_space<vmem_shared>>)
      } else {
      }
      %add3A_565 = arith.constant 3 : i32
      %add3A_566 = arith.addi %add3A_559, %add3A_565 : i32
      %lt3A_567 = arith.constant 250 : i32
      %lt3A_568 = arith.cmpi slt, %add3A_566, %lt3A_567 : i32
      %convert_element_type3A_569 = arith.extui %lt3A_568 : i1 to i32
      %cond3A_570 = arith.constant 0 : i32
      %cond3A_571 = arith.cmpi ne, %convert_element_type3A_569, %cond3A_570 : i32
      scf.if %cond3A_571 {
        %add3A_590 = arith.constant 3 : i32
        %add3A_591 = arith.addi %add3A_559, %add3A_590 : i32
        %dma_start3A_592 = arith.constant 160 : i32
        %dma_start3A_593 = arith.constant 0 : i32
        %dma_start3A_594 = tpu.memref_slice %arg9[%dma_start3A_592, %dma_start3A_593] : memref<480x64xf32, #tpu.memory_space<vmem>> -> memref<80x64xf32, #tpu.memory_space<vmem>>
        %dma_start3A_595 = arith.constant 0 : i32
        %dma_start3A_596 = tpu.memref_slice %arg7[%add3A_591, %dma_start3A_595] : memref<250x80xi32, #tpu.memory_space<vmem>> -> memref<1x80xi32, #tpu.memory_space<vmem>>
        %dma_start3A_597 = tpu.memref_squeeze %dma_start3A_596 : memref<1x80xi32, #tpu.memory_space<vmem>> -> memref<80xi32, #tpu.memory_space<vmem>>
        %dma_start3A_598 = arith.constant 0 : i32
        %dma_start3A_599 = arith.constant 0 : i32
        %dma_start3A_600 = tpu.memref_slice %arg2[%dma_start3A_598, %dma_start3A_599] : memref<20000x64xf32, #tpu.memory_space<hbm>> -> memref<20000x64xf32, #tpu.memory_space<hbm>>
        tpu.enqueue_indirect_dma source(%dma_start3A_600 : memref<20000x64xf32, #tpu.memory_space<hbm>>) target(%dma_start3A_594 : memref<80x64xf32, #tpu.memory_space<vmem>>) offsets(%dma_start3A_597 : memref<80xi32, #tpu.memory_space<vmem>>) semaphore(%arg13 : memref<!tpu.dma_semaphore, #tpu.memory_space<semaphore_mem>>)
      } else {
      }
      %dma_wait3A_572 = arith.constant 400 : i32
      %dma_wait3A_573 = arith.constant 0 : i32
      %dma_wait3A_574 = tpu.memref_slice %arg9[%dma_wait3A_572, %dma_wait3A_573] : memref<480x64xf32, #tpu.memory_space<vmem>> -> memref<80x64xf32, #tpu.memory_space<vmem>>
      %dma_wait3A_575 = arith.constant 0 : i32
      %dma_wait3A_576 = tpu.memref_slice %arg7[%add3A_559, %dma_wait3A_575] : memref<250x80xi32, #tpu.memory_space<vmem>> -> memref<1x80xi32, #tpu.memory_space<vmem>>
      %dma_wait3A_577 = tpu.memref_squeeze %dma_wait3A_576 : memref<1x80xi32, #tpu.memory_space<vmem>> -> memref<80xi32, #tpu.memory_space<vmem>>
      %dma_wait3A_578 = arith.constant 0 : i32
      %dma_wait3A_579 = arith.constant 0 : i32
      %dma_wait3A_580 = tpu.memref_slice %arg2[%dma_wait3A_578, %dma_wait3A_579] : memref<20000x64xf32, #tpu.memory_space<hbm>> -> memref<20000x64xf32, #tpu.memory_space<hbm>>
      tpu.wait_indirect_dma semaphore(%arg16 : memref<!tpu.dma_semaphore, #tpu.memory_space<semaphore_mem>>) src(%dma_wait3A_580 : memref<20000x64xf32, #tpu.memory_space<hbm>>) dst(%dma_wait3A_574 : memref<80x64xf32, #tpu.memory_space<vmem>>)
      %dma_start3A_581 = arith.constant 400 : i32
      %dma_start3A_582 = arith.constant 0 : i32
      %dma_start3A_583 = tpu.memref_slice %arg9[%dma_start3A_581, %dma_start3A_582] : memref<480x64xf32, #tpu.memory_space<vmem>> -> memref<80x64xf32, #tpu.memory_space<vmem>>
      %dma_start3A_584 = arith.constant 0 : i32
      %dma_start3A_585 = tpu.memref_slice %arg8[%add3A_559, %dma_start3A_584] : memref<250x80xi32, #tpu.memory_space<vmem>> -> memref<1x80xi32, #tpu.memory_space<vmem>>
      %dma_start3A_586 = tpu.memref_squeeze %dma_start3A_585 : memref<1x80xi32, #tpu.memory_space<vmem>> -> memref<80xi32, #tpu.memory_space<vmem>>
      %dma_start3A_587 = arith.constant 0 : i32
      %dma_start3A_588 = arith.constant 0 : i32
      %dma_start3A_589 = tpu.memref_slice %arg10[%dma_start3A_587, %dma_start3A_588] : memref<10000x64xf32, #tpu.memory_space<vmem_shared>> -> memref<10000x64xf32, #tpu.memory_space<vmem_shared>>
      tpu.enqueue_indirect_dma source(%dma_start3A_583 : memref<80x64xf32, #tpu.memory_space<vmem>>) target(%dma_start3A_589 : memref<10000x64xf32, #tpu.memory_space<vmem_shared>>) offsets(%dma_start3A_586 : memref<80xi32, #tpu.memory_space<vmem>>) semaphore(%arg22 : memref<!tpu.dma_semaphore, #tpu.memory_space<semaphore_mem>>) {add = true}
    }
    %scan3A_76 = arith.constant 41 : i32
    %dma_wait3A_77 = arith.constant 243 : i32
    %dma_wait3A_78 = arith.constant 240 : i32
    %dma_wait3A_79 = arith.constant 0 : i32
    %dma_wait3A_80 = tpu.memref_slice %arg9[%dma_wait3A_78, %dma_wait3A_79] : memref<480x64xf32, #tpu.memory_space<vmem>> -> memref<80x64xf32, #tpu.memory_space<vmem>>
    %dma_wait3A_81 = arith.constant 0 : i32
    %dma_wait3A_82 = tpu.memref_slice %arg8[%dma_wait3A_77, %dma_wait3A_81] : memref<250x80xi32, #tpu.memory_space<vmem>> -> memref<1x80xi32, #tpu.memory_space<vmem>>
    %dma_wait3A_83 = tpu.memref_squeeze %dma_wait3A_82 : memref<1x80xi32, #tpu.memory_space<vmem>> -> memref<80xi32, #tpu.memory_space<vmem>>
    %dma_wait3A_84 = arith.constant 0 : i32
    %dma_wait3A_85 = arith.constant 0 : i32
    %dma_wait3A_86 = tpu.memref_slice %arg10[%dma_wait3A_84, %dma_wait3A_85] : memref<10000x64xf32, #tpu.memory_space<vmem_shared>> -> memref<10000x64xf32, #tpu.memory_space<vmem_shared>>
    tpu.wait_indirect_dma semaphore(%arg20 : memref<!tpu.dma_semaphore, #tpu.memory_space<semaphore_mem>>) src(%dma_wait3A_80 : memref<80x64xf32, #tpu.memory_space<vmem>>) dst(%dma_wait3A_86 : memref<10000x64xf32, #tpu.memory_space<vmem_shared>>)
    %dma_start3A_87 = arith.constant 249 : i32
    %dma_start3A_88 = arith.constant 240 : i32
    %dma_start3A_89 = arith.constant 0 : i32
    %dma_start3A_90 = tpu.memref_slice %arg9[%dma_start3A_88, %dma_start3A_89] : memref<480x64xf32, #tpu.memory_space<vmem>> -> memref<80x64xf32, #tpu.memory_space<vmem>>
    %dma_start3A_91 = arith.constant 0 : i32
    %dma_start3A_92 = tpu.memref_slice %arg7[%dma_start3A_87, %dma_start3A_91] : memref<250x80xi32, #tpu.memory_space<vmem>> -> memref<1x80xi32, #tpu.memory_space<vmem>>
    %dma_start3A_93 = tpu.memref_squeeze %dma_start3A_92 : memref<1x80xi32, #tpu.memory_space<vmem>> -> memref<80xi32, #tpu.memory_space<vmem>>
    %dma_start3A_94 = arith.constant 0 : i32
    %dma_start3A_95 = arith.constant 0 : i32
    %dma_start3A_96 = tpu.memref_slice %arg2[%dma_start3A_94, %dma_start3A_95] : memref<20000x64xf32, #tpu.memory_space<hbm>> -> memref<20000x64xf32, #tpu.memory_space<hbm>>
    tpu.enqueue_indirect_dma source(%dma_start3A_96 : memref<20000x64xf32, #tpu.memory_space<hbm>>) target(%dma_start3A_90 : memref<80x64xf32, #tpu.memory_space<vmem>>) offsets(%dma_start3A_93 : memref<80xi32, #tpu.memory_space<vmem>>) semaphore(%arg14 : memref<!tpu.dma_semaphore, #tpu.memory_space<semaphore_mem>>)
    %dma_wait3A_97 = arith.constant 246 : i32
    %dma_wait3A_98 = arith.constant 0 : i32
    %dma_wait3A_99 = arith.constant 0 : i32
    %dma_wait3A_100 = tpu.memref_slice %arg9[%dma_wait3A_98, %dma_wait3A_99] : memref<480x64xf32, #tpu.memory_space<vmem>> -> memref<80x64xf32, #tpu.memory_space<vmem>>
    %dma_wait3A_101 = arith.constant 0 : i32
    %dma_wait3A_102 = tpu.memref_slice %arg7[%dma_wait3A_97, %dma_wait3A_101] : memref<250x80xi32, #tpu.memory_space<vmem>> -> memref<1x80xi32, #tpu.memory_space<vmem>>
    %dma_wait3A_103 = tpu.memref_squeeze %dma_wait3A_102 : memref<1x80xi32, #tpu.memory_space<vmem>> -> memref<80xi32, #tpu.memory_space<vmem>>
    %dma_wait3A_104 = arith.constant 0 : i32
    %dma_wait3A_105 = arith.constant 0 : i32
    %dma_wait3A_106 = tpu.memref_slice %arg2[%dma_wait3A_104, %dma_wait3A_105] : memref<20000x64xf32, #tpu.memory_space<hbm>> -> memref<20000x64xf32, #tpu.memory_space<hbm>>
    tpu.wait_indirect_dma semaphore(%arg11 : memref<!tpu.dma_semaphore, #tpu.memory_space<semaphore_mem>>) src(%dma_wait3A_106 : memref<20000x64xf32, #tpu.memory_space<hbm>>) dst(%dma_wait3A_100 : memref<80x64xf32, #tpu.memory_space<vmem>>)
    %dma_start3A_107 = arith.constant 246 : i32
    %dma_start3A_108 = arith.constant 0 : i32
    %dma_start3A_109 = arith.constant 0 : i32
    %dma_start3A_110 = tpu.memref_slice %arg9[%dma_start3A_108, %dma_start3A_109] : memref<480x64xf32, #tpu.memory_space<vmem>> -> memref<80x64xf32, #tpu.memory_space<vmem>>
    %dma_start3A_111 = arith.constant 0 : i32
    %dma_start3A_112 = tpu.memref_slice %arg8[%dma_start3A_107, %dma_start3A_111] : memref<250x80xi32, #tpu.memory_space<vmem>> -> memref<1x80xi32, #tpu.memory_space<vmem>>
    %dma_start3A_113 = tpu.memref_squeeze %dma_start3A_112 : memref<1x80xi32, #tpu.memory_space<vmem>> -> memref<80xi32, #tpu.memory_space<vmem>>
    %dma_start3A_114 = arith.constant 0 : i32
    %dma_start3A_115 = arith.constant 0 : i32
    %dma_start3A_116 = tpu.memref_slice %arg10[%dma_start3A_114, %dma_start3A_115] : memref<10000x64xf32, #tpu.memory_space<vmem_shared>> -> memref<10000x64xf32, #tpu.memory_space<vmem_shared>>
    tpu.enqueue_indirect_dma source(%dma_start3A_110 : memref<80x64xf32, #tpu.memory_space<vmem>>) target(%dma_start3A_116 : memref<10000x64xf32, #tpu.memory_space<vmem_shared>>) offsets(%dma_start3A_113 : memref<80xi32, #tpu.memory_space<vmem>>) semaphore(%arg17 : memref<!tpu.dma_semaphore, #tpu.memory_space<semaphore_mem>>) {add = true}
    %dma_wait3A_117 = arith.constant 244 : i32
    %dma_wait3A_118 = arith.constant 320 : i32
    %dma_wait3A_119 = arith.constant 0 : i32
    %dma_wait3A_120 = tpu.memref_slice %arg9[%dma_wait3A_118, %dma_wait3A_119] : memref<480x64xf32, #tpu.memory_space<vmem>> -> memref<80x64xf32, #tpu.memory_space<vmem>>
    %dma_wait3A_121 = arith.constant 0 : i32
    %dma_wait3A_122 = tpu.memref_slice %arg8[%dma_wait3A_117, %dma_wait3A_121] : memref<250x80xi32, #tpu.memory_space<vmem>> -> memref<1x80xi32, #tpu.memory_space<vmem>>
    %dma_wait3A_123 = tpu.memref_squeeze %dma_wait3A_122 : memref<1x80xi32, #tpu.memory_space<vmem>> -> memref<80xi32, #tpu.memory_space<vmem>>
    %dma_wait3A_124 = arith.constant 0 : i32
    %dma_wait3A_125 = arith.constant 0 : i32
    %dma_wait3A_126 = tpu.memref_slice %arg10[%dma_wait3A_124, %dma_wait3A_125] : memref<10000x64xf32, #tpu.memory_space<vmem_shared>> -> memref<10000x64xf32, #tpu.memory_space<vmem_shared>>
    tpu.wait_indirect_dma semaphore(%arg21 : memref<!tpu.dma_semaphore, #tpu.memory_space<semaphore_mem>>) src(%dma_wait3A_120 : memref<80x64xf32, #tpu.memory_space<vmem>>) dst(%dma_wait3A_126 : memref<10000x64xf32, #tpu.memory_space<vmem_shared>>)
    %dma_wait3A_127 = arith.constant 247 : i32
    %dma_wait3A_128 = arith.constant 80 : i32
    %dma_wait3A_129 = arith.constant 0 : i32
    %dma_wait3A_130 = tpu.memref_slice %arg9[%dma_wait3A_128, %dma_wait3A_129] : memref<480x64xf32, #tpu.memory_space<vmem>> -> memref<80x64xf32, #tpu.memory_space<vmem>>
    %dma_wait3A_131 = arith.constant 0 : i32
    %dma_wait3A_132 = tpu.memref_slice %arg7[%dma_wait3A_127, %dma_wait3A_131] : memref<250x80xi32, #tpu.memory_space<vmem>> -> memref<1x80xi32, #tpu.memory_space<vmem>>
    %dma_wait3A_133 = tpu.memref_squeeze %dma_wait3A_132 : memref<1x80xi32, #tpu.memory_space<vmem>> -> memref<80xi32, #tpu.memory_space<vmem>>
    %dma_wait3A_134 = arith.constant 0 : i32
    %dma_wait3A_135 = arith.constant 0 : i32
    %dma_wait3A_136 = tpu.memref_slice %arg2[%dma_wait3A_134, %dma_wait3A_135] : memref<20000x64xf32, #tpu.memory_space<hbm>> -> memref<20000x64xf32, #tpu.memory_space<hbm>>
    tpu.wait_indirect_dma semaphore(%arg12 : memref<!tpu.dma_semaphore, #tpu.memory_space<semaphore_mem>>) src(%dma_wait3A_136 : memref<20000x64xf32, #tpu.memory_space<hbm>>) dst(%dma_wait3A_130 : memref<80x64xf32, #tpu.memory_space<vmem>>)
    %dma_start3A_137 = arith.constant 247 : i32
    %dma_start3A_138 = arith.constant 80 : i32
    %dma_start3A_139 = arith.constant 0 : i32
    %dma_start3A_140 = tpu.memref_slice %arg9[%dma_start3A_138, %dma_start3A_139] : memref<480x64xf32, #tpu.memory_space<vmem>> -> memref<80x64xf32, #tpu.memory_space<vmem>>
    %dma_start3A_141 = arith.constant 0 : i32
    %dma_start3A_142 = tpu.memref_slice %arg8[%dma_start3A_137, %dma_start3A_141] : memref<250x80xi32, #tpu.memory_space<vmem>> -> memref<1x80xi32, #tpu.memory_space<vmem>>
    %dma_start3A_143 = tpu.memref_squeeze %dma_start3A_142 : memref<1x80xi32, #tpu.memory_space<vmem>> -> memref<80xi32, #tpu.memory_space<vmem>>
    %dma_start3A_144 = arith.constant 0 : i32
    %dma_start3A_145 = arith.constant 0 : i32
    %dma_start3A_146 = tpu.memref_slice %arg10[%dma_start3A_144, %dma_start3A_145] : memref<10000x64xf32, #tpu.memory_space<vmem_shared>> -> memref<10000x64xf32, #tpu.memory_space<vmem_shared>>
    tpu.enqueue_indirect_dma source(%dma_start3A_140 : memref<80x64xf32, #tpu.memory_space<vmem>>) target(%dma_start3A_146 : memref<10000x64xf32, #tpu.memory_space<vmem_shared>>) offsets(%dma_start3A_143 : memref<80xi32, #tpu.memory_space<vmem>>) semaphore(%arg18 : memref<!tpu.dma_semaphore, #tpu.memory_space<semaphore_mem>>) {add = true}
    %dma_wait3A_147 = arith.constant 245 : i32
    %dma_wait3A_148 = arith.constant 400 : i32
    %dma_wait3A_149 = arith.constant 0 : i32
    %dma_wait3A_150 = tpu.memref_slice %arg9[%dma_wait3A_148, %dma_wait3A_149] : memref<480x64xf32, #tpu.memory_space<vmem>> -> memref<80x64xf32, #tpu.memory_space<vmem>>
    %dma_wait3A_151 = arith.constant 0 : i32
    %dma_wait3A_152 = tpu.memref_slice %arg8[%dma_wait3A_147, %dma_wait3A_151] : memref<250x80xi32, #tpu.memory_space<vmem>> -> memref<1x80xi32, #tpu.memory_space<vmem>>
    %dma_wait3A_153 = tpu.memref_squeeze %dma_wait3A_152 : memref<1x80xi32, #tpu.memory_space<vmem>> -> memref<80xi32, #tpu.memory_space<vmem>>
    %dma_wait3A_154 = arith.constant 0 : i32
    %dma_wait3A_155 = arith.constant 0 : i32
    %dma_wait3A_156 = tpu.memref_slice %arg10[%dma_wait3A_154, %dma_wait3A_155] : memref<10000x64xf32, #tpu.memory_space<vmem_shared>> -> memref<10000x64xf32, #tpu.memory_space<vmem_shared>>
    tpu.wait_indirect_dma semaphore(%arg22 : memref<!tpu.dma_semaphore, #tpu.memory_space<semaphore_mem>>) src(%dma_wait3A_150 : memref<80x64xf32, #tpu.memory_space<vmem>>) dst(%dma_wait3A_156 : memref<10000x64xf32, #tpu.memory_space<vmem_shared>>)
    %dma_wait3A_157 = arith.constant 248 : i32
    %dma_wait3A_158 = arith.constant 160 : i32
    %dma_wait3A_159 = arith.constant 0 : i32
    %dma_wait3A_160 = tpu.memref_slice %arg9[%dma_wait3A_158, %dma_wait3A_159] : memref<480x64xf32, #tpu.memory_space<vmem>> -> memref<80x64xf32, #tpu.memory_space<vmem>>
    %dma_wait3A_161 = arith.constant 0 : i32
    %dma_wait3A_162 = tpu.memref_slice %arg7[%dma_wait3A_157, %dma_wait3A_161] : memref<250x80xi32, #tpu.memory_space<vmem>> -> memref<1x80xi32, #tpu.memory_space<vmem>>
    %dma_wait3A_163 = tpu.memref_squeeze %dma_wait3A_162 : memref<1x80xi32, #tpu.memory_space<vmem>> -> memref<80xi32, #tpu.memory_space<vmem>>
    %dma_wait3A_164 = arith.constant 0 : i32
    %dma_wait3A_165 = arith.constant 0 : i32
    %dma_wait3A_166 = tpu.memref_slice %arg2[%dma_wait3A_164, %dma_wait3A_165] : memref<20000x64xf32, #tpu.memory_space<hbm>> -> memref<20000x64xf32, #tpu.memory_space<hbm>>
    tpu.wait_indirect_dma semaphore(%arg13 : memref<!tpu.dma_semaphore, #tpu.memory_space<semaphore_mem>>) src(%dma_wait3A_166 : memref<20000x64xf32, #tpu.memory_space<hbm>>) dst(%dma_wait3A_160 : memref<80x64xf32, #tpu.memory_space<vmem>>)
    %dma_start3A_167 = arith.constant 248 : i32
    %dma_start3A_168 = arith.constant 160 : i32
    %dma_start3A_169 = arith.constant 0 : i32
    %dma_start3A_170 = tpu.memref_slice %arg9[%dma_start3A_168, %dma_start3A_169] : memref<480x64xf32, #tpu.memory_space<vmem>> -> memref<80x64xf32, #tpu.memory_space<vmem>>
    %dma_start3A_171 = arith.constant 0 : i32
    %dma_start3A_172 = tpu.memref_slice %arg8[%dma_start3A_167, %dma_start3A_171] : memref<250x80xi32, #tpu.memory_space<vmem>> -> memref<1x80xi32, #tpu.memory_space<vmem>>
    %dma_start3A_173 = tpu.memref_squeeze %dma_start3A_172 : memref<1x80xi32, #tpu.memory_space<vmem>> -> memref<80xi32, #tpu.memory_space<vmem>>
    %dma_start3A_174 = arith.constant 0 : i32
    %dma_start3A_175 = arith.constant 0 : i32
    %dma_start3A_176 = tpu.memref_slice %arg10[%dma_start3A_174, %dma_start3A_175] : memref<10000x64xf32, #tpu.memory_space<vmem_shared>> -> memref<10000x64xf32, #tpu.memory_space<vmem_shared>>
    tpu.enqueue_indirect_dma source(%dma_start3A_170 : memref<80x64xf32, #tpu.memory_space<vmem>>) target(%dma_start3A_176 : memref<10000x64xf32, #tpu.memory_space<vmem_shared>>) offsets(%dma_start3A_173 : memref<80xi32, #tpu.memory_space<vmem>>) semaphore(%arg19 : memref<!tpu.dma_semaphore, #tpu.memory_space<semaphore_mem>>) {add = true}
    %dma_wait3A_177 = arith.constant 246 : i32
    %dma_wait3A_178 = arith.constant 0 : i32
    %dma_wait3A_179 = arith.constant 0 : i32
    %dma_wait3A_180 = tpu.memref_slice %arg9[%dma_wait3A_178, %dma_wait3A_179] : memref<480x64xf32, #tpu.memory_space<vmem>> -> memref<80x64xf32, #tpu.memory_space<vmem>>
    %dma_wait3A_181 = arith.constant 0 : i32
    %dma_wait3A_182 = tpu.memref_slice %arg8[%dma_wait3A_177, %dma_wait3A_181] : memref<250x80xi32, #tpu.memory_space<vmem>> -> memref<1x80xi32, #tpu.memory_space<vmem>>
    %dma_wait3A_183 = tpu.memref_squeeze %dma_wait3A_182 : memref<1x80xi32, #tpu.memory_space<vmem>> -> memref<80xi32, #tpu.memory_space<vmem>>
    %dma_wait3A_184 = arith.constant 0 : i32
    %dma_wait3A_185 = arith.constant 0 : i32
    %dma_wait3A_186 = tpu.memref_slice %arg10[%dma_wait3A_184, %dma_wait3A_185] : memref<10000x64xf32, #tpu.memory_space<vmem_shared>> -> memref<10000x64xf32, #tpu.memory_space<vmem_shared>>
    tpu.wait_indirect_dma semaphore(%arg17 : memref<!tpu.dma_semaphore, #tpu.memory_space<semaphore_mem>>) src(%dma_wait3A_180 : memref<80x64xf32, #tpu.memory_space<vmem>>) dst(%dma_wait3A_186 : memref<10000x64xf32, #tpu.memory_space<vmem_shared>>)
    %dma_wait3A_187 = arith.constant 249 : i32
    %dma_wait3A_188 = arith.constant 240 : i32
    %dma_wait3A_189 = arith.constant 0 : i32
    %dma_wait3A_190 = tpu.memref_slice %arg9[%dma_wait3A_188, %dma_wait3A_189] : memref<480x64xf32, #tpu.memory_space<vmem>> -> memref<80x64xf32, #tpu.memory_space<vmem>>
    %dma_wait3A_191 = arith.constant 0 : i32
    %dma_wait3A_192 = tpu.memref_slice %arg7[%dma_wait3A_187, %dma_wait3A_191] : memref<250x80xi32, #tpu.memory_space<vmem>> -> memref<1x80xi32, #tpu.memory_space<vmem>>
    %dma_wait3A_193 = tpu.memref_squeeze %dma_wait3A_192 : memref<1x80xi32, #tpu.memory_space<vmem>> -> memref<80xi32, #tpu.memory_space<vmem>>
    %dma_wait3A_194 = arith.constant 0 : i32
    %dma_wait3A_195 = arith.constant 0 : i32
    %dma_wait3A_196 = tpu.memref_slice %arg2[%dma_wait3A_194, %dma_wait3A_195] : memref<20000x64xf32, #tpu.memory_space<hbm>> -> memref<20000x64xf32, #tpu.memory_space<hbm>>
    tpu.wait_indirect_dma semaphore(%arg14 : memref<!tpu.dma_semaphore, #tpu.memory_space<semaphore_mem>>) src(%dma_wait3A_196 : memref<20000x64xf32, #tpu.memory_space<hbm>>) dst(%dma_wait3A_190 : memref<80x64xf32, #tpu.memory_space<vmem>>)
    %dma_start3A_197 = arith.constant 249 : i32
    %dma_start3A_198 = arith.constant 240 : i32
    %dma_start3A_199 = arith.constant 0 : i32
    %dma_start3A_200 = tpu.memref_slice %arg9[%dma_start3A_198, %dma_start3A_199] : memref<480x64xf32, #tpu.memory_space<vmem>> -> memref<80x64xf32, #tpu.memory_space<vmem>>
    %dma_start3A_201 = arith.constant 0 : i32
    %dma_start3A_202 = tpu.memref_slice %arg8[%dma_start3A_197, %dma_start3A_201] : memref<250x80xi32, #tpu.memory_space<vmem>> -> memref<1x80xi32, #tpu.memory_space<vmem>>
    %dma_start3A_203 = tpu.memref_squeeze %dma_start3A_202 : memref<1x80xi32, #tpu.memory_space<vmem>> -> memref<80xi32, #tpu.memory_space<vmem>>
    %dma_start3A_204 = arith.constant 0 : i32
    %dma_start3A_205 = arith.constant 0 : i32
    %dma_start3A_206 = tpu.memref_slice %arg10[%dma_start3A_204, %dma_start3A_205] : memref<10000x64xf32, #tpu.memory_space<vmem_shared>> -> memref<10000x64xf32, #tpu.memory_space<vmem_shared>>
    tpu.enqueue_indirect_dma source(%dma_start3A_200 : memref<80x64xf32, #tpu.memory_space<vmem>>) target(%dma_start3A_206 : memref<10000x64xf32, #tpu.memory_space<vmem_shared>>) offsets(%dma_start3A_203 : memref<80xi32, #tpu.memory_space<vmem>>) semaphore(%arg20 : memref<!tpu.dma_semaphore, #tpu.memory_space<semaphore_mem>>) {add = true}
    %dma_wait3A_207 = arith.constant 247 : i32
    %dma_wait3A_208 = arith.constant 80 : i32
    %dma_wait3A_209 = arith.constant 0 : i32
    %dma_wait3A_210 = tpu.memref_slice %arg9[%dma_wait3A_208, %dma_wait3A_209] : memref<480x64xf32, #tpu.memory_space<vmem>> -> memref<80x64xf32, #tpu.memory_space<vmem>>
    %dma_wait3A_211 = arith.constant 0 : i32
    %dma_wait3A_212 = tpu.memref_slice %arg8[%dma_wait3A_207, %dma_wait3A_211] : memref<250x80xi32, #tpu.memory_space<vmem>> -> memref<1x80xi32, #tpu.memory_space<vmem>>
    %dma_wait3A_213 = tpu.memref_squeeze %dma_wait3A_212 : memref<1x80xi32, #tpu.memory_space<vmem>> -> memref<80xi32, #tpu.memory_space<vmem>>
    %dma_wait3A_214 = arith.constant 0 : i32
    %dma_wait3A_215 = arith.constant 0 : i32
    %dma_wait3A_216 = tpu.memref_slice %arg10[%dma_wait3A_214, %dma_wait3A_215] : memref<10000x64xf32, #tpu.memory_space<vmem_shared>> -> memref<10000x64xf32, #tpu.memory_space<vmem_shared>>
    tpu.wait_indirect_dma semaphore(%arg18 : memref<!tpu.dma_semaphore, #tpu.memory_space<semaphore_mem>>) src(%dma_wait3A_210 : memref<80x64xf32, #tpu.memory_space<vmem>>) dst(%dma_wait3A_216 : memref<10000x64xf32, #tpu.memory_space<vmem_shared>>)
    %dma_wait3A_217 = arith.constant 248 : i32
    %dma_wait3A_218 = arith.constant 160 : i32
    %dma_wait3A_219 = arith.constant 0 : i32
    %dma_wait3A_220 = tpu.memref_slice %arg9[%dma_wait3A_218, %dma_wait3A_219] : memref<480x64xf32, #tpu.memory_space<vmem>> -> memref<80x64xf32, #tpu.memory_space<vmem>>
    %dma_wait3A_221 = arith.constant 0 : i32
    %dma_wait3A_222 = tpu.memref_slice %arg8[%dma_wait3A_217, %dma_wait3A_221] : memref<250x80xi32, #tpu.memory_space<vmem>> -> memref<1x80xi32, #tpu.memory_space<vmem>>
    %dma_wait3A_223 = tpu.memref_squeeze %dma_wait3A_222 : memref<1x80xi32, #tpu.memory_space<vmem>> -> memref<80xi32, #tpu.memory_space<vmem>>
    %dma_wait3A_224 = arith.constant 0 : i32
    %dma_wait3A_225 = arith.constant 0 : i32
    %dma_wait3A_226 = tpu.memref_slice %arg10[%dma_wait3A_224, %dma_wait3A_225] : memref<10000x64xf32, #tpu.memory_space<vmem_shared>> -> memref<10000x64xf32, #tpu.memory_space<vmem_shared>>
    tpu.wait_indirect_dma semaphore(%arg19 : memref<!tpu.dma_semaphore, #tpu.memory_space<semaphore_mem>>) src(%dma_wait3A_220 : memref<80x64xf32, #tpu.memory_space<vmem>>) dst(%dma_wait3A_226 : memref<10000x64xf32, #tpu.memory_space<vmem_shared>>)
    %dma_wait3A_227 = arith.constant 249 : i32
    %dma_wait3A_228 = arith.constant 240 : i32
    %dma_wait3A_229 = arith.constant 0 : i32
    %dma_wait3A_230 = tpu.memref_slice %arg9[%dma_wait3A_228, %dma_wait3A_229] : memref<480x64xf32, #tpu.memory_space<vmem>> -> memref<80x64xf32, #tpu.memory_space<vmem>>
    %dma_wait3A_231 = arith.constant 0 : i32
    %dma_wait3A_232 = tpu.memref_slice %arg8[%dma_wait3A_227, %dma_wait3A_231] : memref<250x80xi32, #tpu.memory_space<vmem>> -> memref<1x80xi32, #tpu.memory_space<vmem>>
    %dma_wait3A_233 = tpu.memref_squeeze %dma_wait3A_232 : memref<1x80xi32, #tpu.memory_space<vmem>> -> memref<80xi32, #tpu.memory_space<vmem>>
    %dma_wait3A_234 = arith.constant 0 : i32
    %dma_wait3A_235 = arith.constant 0 : i32
    %dma_wait3A_236 = tpu.memref_slice %arg10[%dma_wait3A_234, %dma_wait3A_235] : memref<10000x64xf32, #tpu.memory_space<vmem_shared>> -> memref<10000x64xf32, #tpu.memory_space<vmem_shared>>
    tpu.wait_indirect_dma semaphore(%arg20 : memref<!tpu.dma_semaphore, #tpu.memory_space<semaphore_mem>>) src(%dma_wait3A_230 : memref<80x64xf32, #tpu.memory_space<vmem>>) dst(%dma_wait3A_236 : memref<10000x64xf32, #tpu.memory_space<vmem_shared>>)
    %barrier3A_237 = arith.constant 0 : index
    tpu.barrier barrier_id(%barrier3A_237)
    %mul3A_238 = arith.constant 624 : i32
    %mul3A_239 = arith.muli %arg1, %mul3A_238 : i32
    %add3A_240 = arith.constant 0 : i32
    %add3A_241 = arith.addi %mul3A_239, %add3A_240 : i32
    "tpu.region"() ({
      %run_scoped3A = tpu.sem_alloc : memref<!tpu.dma_semaphore, #tpu.memory_space<semaphore_mem>>
      %dma_start3A_387 = arith.constant 0 : i32
      %dma_start3A_388 = arith.constant 0 : i32
      %dma_start3A_389 = tpu.memref_slice %arg9[%dma_start3A_387, %dma_start3A_388] : memref<480x64xf32, #tpu.memory_space<vmem>> -> memref<208x64xf32, #tpu.memory_space<vmem>>
      %dma_start3A_390 = arith.constant 0 : i32
      %dma_start3A_391 = tpu.memref_slice %arg10[%add3A_241, %dma_start3A_390] : memref<10000x64xf32, #tpu.memory_space<vmem_shared>> -> memref<208x64xf32, #tpu.memory_space<vmem_shared>>
      %dma_start3A_392 = arith.constant 0 : i32
      %dma_start3A_393 = arith.constant 0 : i32
      %dma_start3A_394 = tpu.memref_slice %arg9[%dma_start3A_392, %dma_start3A_393] : memref<480x64xf32, #tpu.memory_space<vmem>> -> memref<208x64xf32, #tpu.memory_space<vmem>>
      %dma_start3A_395 = arith.constant 0 : i32
      %dma_start3A_396 = tpu.memref_slice %arg10[%add3A_241, %dma_start3A_395] : memref<10000x64xf32, #tpu.memory_space<vmem_shared>> -> memref<208x64xf32, #tpu.memory_space<vmem_shared>>
      tpu.enqueue_dma source(%dma_start3A_396 : memref<208x64xf32, #tpu.memory_space<vmem_shared>>) target(%dma_start3A_394 : memref<208x64xf32, #tpu.memory_space<vmem>>) target_semaphore(%run_scoped3A : memref<!tpu.dma_semaphore, #tpu.memory_space<semaphore_mem>>)
      %dma_wait3A_397 = arith.constant 0 : i32
      %dma_wait3A_398 = arith.constant 0 : i32
      %dma_wait3A_399 = tpu.memref_slice %arg9[%dma_wait3A_397, %dma_wait3A_398] : memref<480x64xf32, #tpu.memory_space<vmem>> -> memref<208x64xf32, #tpu.memory_space<vmem>>
      %dma_wait3A_400 = arith.constant 0 : i32
      %dma_wait3A_401 = tpu.memref_slice %arg10[%add3A_241, %dma_wait3A_400] : memref<10000x64xf32, #tpu.memory_space<vmem_shared>> -> memref<208x64xf32, #tpu.memory_space<vmem_shared>>
      %dma_wait3A_402 = arith.constant 0 : i32
      %dma_wait3A_403 = arith.constant 0 : i32
      %dma_wait3A_404 = tpu.memref_slice %arg9[%dma_wait3A_402, %dma_wait3A_403] : memref<480x64xf32, #tpu.memory_space<vmem>> -> memref<208x64xf32, #tpu.memory_space<vmem>>
      %dma_wait3A_405 = arith.constant 0 : i32
      %dma_wait3A_406 = tpu.memref_slice %arg10[%add3A_241, %dma_wait3A_405] : memref<10000x64xf32, #tpu.memory_space<vmem_shared>> -> memref<208x64xf32, #tpu.memory_space<vmem_shared>>
      tpu.wait_dma2 semaphore(%run_scoped3A : memref<!tpu.dma_semaphore, #tpu.memory_space<semaphore_mem>>) src(%dma_wait3A_406 : memref<208x64xf32, #tpu.memory_space<vmem_shared>>) dst(%dma_wait3A_404 : memref<208x64xf32, #tpu.memory_space<vmem>>)
      tpu.yield
    }) : () -> ()
    %mul3A_242 = arith.constant 624 : i32
    %mul3A_243 = arith.muli %arg1, %mul3A_242 : i32
    %add3A_244 = arith.constant 0 : i32
    %add3A_245 = arith.addi %mul3A_243, %add3A_244 : i32
    %dma_start3A_246 = arith.constant 0 : i32
    %dma_start3A_247 = arith.constant 0 : i32
    %dma_start3A_248 = tpu.memref_slice %arg9[%dma_start3A_246, %dma_start3A_247] : memref<480x64xf32, #tpu.memory_space<vmem>> -> memref<208x64xf32, #tpu.memory_space<vmem>>
    %dma_start3A_249 = arith.constant 0 : i32
    %dma_start3A_250 = arith.constant 0 : i32
    %dma_start3A_251 = tpu.memref_slice %arg6[%arg0, %dma_start3A_249, %dma_start3A_250] : memref<2x10000x128xf32, #tpu.memory_space<hbm>> -> memref<1x10000x128xf32, #tpu.memory_space<hbm>>
    %dma_start3A_252 = tpu.memref_squeeze %dma_start3A_251 : memref<1x10000x128xf32, #tpu.memory_space<hbm>> -> memref<10000x128xf32, #tpu.memory_space<hbm>>
    %dma_start3A_253 = arith.constant 0 : i32
    %dma_start3A_254 = tpu.memref_slice %dma_start3A_252[%add3A_245, %dma_start3A_253] : memref<10000x128xf32, #tpu.memory_space<hbm>> -> memref<208x64xf32, #tpu.memory_space<hbm>>
    %dma_start3A_255 = arith.constant 0 : i32
    %dma_start3A_256 = arith.constant 0 : i32
    %dma_start3A_257 = tpu.memref_slice %arg6[%arg0, %dma_start3A_255, %dma_start3A_256] : memref<2x10000x128xf32, #tpu.memory_space<hbm>> -> memref<1x10000x128xf32, #tpu.memory_space<hbm>>
    %dma_start3A_258 = tpu.memref_squeeze %dma_start3A_257 : memref<1x10000x128xf32, #tpu.memory_space<hbm>> -> memref<10000x128xf32, #tpu.memory_space<hbm>>
    %dma_start3A_259 = arith.constant 0 : i32
    %dma_start3A_260 = tpu.memref_slice %dma_start3A_258[%add3A_245, %dma_start3A_259] : memref<10000x128xf32, #tpu.memory_space<hbm>> -> memref<208x64xf32, #tpu.memory_space<hbm>>
    %dma_start3A_261 = arith.constant 0 : i32
    %dma_start3A_262 = arith.constant 0 : i32
    %dma_start3A_263 = tpu.memref_slice %arg9[%dma_start3A_261, %dma_start3A_262] : memref<480x64xf32, #tpu.memory_space<vmem>> -> memref<208x64xf32, #tpu.memory_space<vmem>>
    tpu.enqueue_dma source(%dma_start3A_263 : memref<208x64xf32, #tpu.memory_space<vmem>>) target(%dma_start3A_260 : memref<208x64xf32, #tpu.memory_space<hbm>>) target_semaphore(%arg17 : memref<!tpu.dma_semaphore, #tpu.memory_space<semaphore_mem>>)
    %mul3A_264 = arith.constant 624 : i32
    %mul3A_265 = arith.muli %arg1, %mul3A_264 : i32
    %add3A_266 = arith.constant 208 : i32
    %add3A_267 = arith.addi %mul3A_265, %add3A_266 : i32
    "tpu.region"() ({
      %run_scoped3A = tpu.sem_alloc : memref<!tpu.dma_semaphore, #tpu.memory_space<semaphore_mem>>
      %dma_start3A_387 = arith.constant 208 : i32
      %dma_start3A_388 = arith.constant 0 : i32
      %dma_start3A_389 = tpu.memref_slice %arg9[%dma_start3A_387, %dma_start3A_388] : memref<480x64xf32, #tpu.memory_space<vmem>> -> memref<208x64xf32, #tpu.memory_space<vmem>>
      %dma_start3A_390 = arith.constant 0 : i32
      %dma_start3A_391 = tpu.memref_slice %arg10[%add3A_267, %dma_start3A_390] : memref<10000x64xf32, #tpu.memory_space<vmem_shared>> -> memref<208x64xf32, #tpu.memory_space<vmem_shared>>
      %dma_start3A_392 = arith.constant 208 : i32
      %dma_start3A_393 = arith.constant 0 : i32
      %dma_start3A_394 = tpu.memref_slice %arg9[%dma_start3A_392, %dma_start3A_393] : memref<480x64xf32, #tpu.memory_space<vmem>> -> memref<208x64xf32, #tpu.memory_space<vmem>>
      %dma_start3A_395 = arith.constant 0 : i32
      %dma_start3A_396 = tpu.memref_slice %arg10[%add3A_267, %dma_start3A_395] : memref<10000x64xf32, #tpu.memory_space<vmem_shared>> -> memref<208x64xf32, #tpu.memory_space<vmem_shared>>
      tpu.enqueue_dma source(%dma_start3A_396 : memref<208x64xf32, #tpu.memory_space<vmem_shared>>) target(%dma_start3A_394 : memref<208x64xf32, #tpu.memory_space<vmem>>) target_semaphore(%run_scoped3A : memref<!tpu.dma_semaphore, #tpu.memory_space<semaphore_mem>>)
      %dma_wait3A_397 = arith.constant 208 : i32
      %dma_wait3A_398 = arith.constant 0 : i32
      %dma_wait3A_399 = tpu.memref_slice %arg9[%dma_wait3A_397, %dma_wait3A_398] : memref<480x64xf32, #tpu.memory_space<vmem>> -> memref<208x64xf32, #tpu.memory_space<vmem>>
      %dma_wait3A_400 = arith.constant 0 : i32
      %dma_wait3A_401 = tpu.memref_slice %arg10[%add3A_267, %dma_wait3A_400] : memref<10000x64xf32, #tpu.memory_space<vmem_shared>> -> memref<208x64xf32, #tpu.memory_space<vmem_shared>>
      %dma_wait3A_402 = arith.constant 208 : i32
      %dma_wait3A_403 = arith.constant 0 : i32
      %dma_wait3A_404 = tpu.memref_slice %arg9[%dma_wait3A_402, %dma_wait3A_403] : memref<480x64xf32, #tpu.memory_space<vmem>> -> memref<208x64xf32, #tpu.memory_space<vmem>>
      %dma_wait3A_405 = arith.constant 0 : i32
      %dma_wait3A_406 = tpu.memref_slice %arg10[%add3A_267, %dma_wait3A_405] : memref<10000x64xf32, #tpu.memory_space<vmem_shared>> -> memref<208x64xf32, #tpu.memory_space<vmem_shared>>
      tpu.wait_dma2 semaphore(%run_scoped3A : memref<!tpu.dma_semaphore, #tpu.memory_space<semaphore_mem>>) src(%dma_wait3A_406 : memref<208x64xf32, #tpu.memory_space<vmem_shared>>) dst(%dma_wait3A_404 : memref<208x64xf32, #tpu.memory_space<vmem>>)
      tpu.yield
    }) : () -> ()
    %mul3A_268 = arith.constant 624 : i32
    %mul3A_269 = arith.muli %arg1, %mul3A_268 : i32
    %add3A_270 = arith.constant 208 : i32
    %add3A_271 = arith.addi %mul3A_269, %add3A_270 : i32
    %dma_start3A_272 = arith.constant 208 : i32
    %dma_start3A_273 = arith.constant 0 : i32
    %dma_start3A_274 = tpu.memref_slice %arg9[%dma_start3A_272, %dma_start3A_273] : memref<480x64xf32, #tpu.memory_space<vmem>> -> memref<208x64xf32, #tpu.memory_space<vmem>>
    %dma_start3A_275 = arith.constant 0 : i32
    %dma_start3A_276 = arith.constant 0 : i32
    %dma_start3A_277 = tpu.memref_slice %arg6[%arg0, %dma_start3A_275, %dma_start3A_276] : memref<2x10000x128xf32, #tpu.memory_space<hbm>> -> memref<1x10000x128xf32, #tpu.memory_space<hbm>>
    %dma_start3A_278 = tpu.memref_squeeze %dma_start3A_277 : memref<1x10000x128xf32, #tpu.memory_space<hbm>> -> memref<10000x128xf32, #tpu.memory_space<hbm>>
    %dma_start3A_279 = arith.constant 0 : i32
    %dma_start3A_280 = tpu.memref_slice %dma_start3A_278[%add3A_271, %dma_start3A_279] : memref<10000x128xf32, #tpu.memory_space<hbm>> -> memref<208x64xf32, #tpu.memory_space<hbm>>
    %dma_start3A_281 = arith.constant 0 : i32
    %dma_start3A_282 = arith.constant 0 : i32
    %dma_start3A_283 = tpu.memref_slice %arg6[%arg0, %dma_start3A_281, %dma_start3A_282] : memref<2x10000x128xf32, #tpu.memory_space<hbm>> -> memref<1x10000x128xf32, #tpu.memory_space<hbm>>
    %dma_start3A_284 = tpu.memref_squeeze %dma_start3A_283 : memref<1x10000x128xf32, #tpu.memory_space<hbm>> -> memref<10000x128xf32, #tpu.memory_space<hbm>>
    %dma_start3A_285 = arith.constant 0 : i32
    %dma_start3A_286 = tpu.memref_slice %dma_start3A_284[%add3A_271, %dma_start3A_285] : memref<10000x128xf32, #tpu.memory_space<hbm>> -> memref<208x64xf32, #tpu.memory_space<hbm>>
    %dma_start3A_287 = arith.constant 208 : i32
    %dma_start3A_288 = arith.constant 0 : i32
    %dma_start3A_289 = tpu.memref_slice %arg9[%dma_start3A_287, %dma_start3A_288] : memref<480x64xf32, #tpu.memory_space<vmem>> -> memref<208x64xf32, #tpu.memory_space<vmem>>
    tpu.enqueue_dma source(%dma_start3A_289 : memref<208x64xf32, #tpu.memory_space<vmem>>) target(%dma_start3A_286 : memref<208x64xf32, #tpu.memory_space<hbm>>) target_semaphore(%arg18 : memref<!tpu.dma_semaphore, #tpu.memory_space<semaphore_mem>>)
    %mul3A_290 = arith.constant 624 : i32
    %mul3A_291 = arith.muli %arg1, %mul3A_290 : i32
    %add3A_292 = arith.constant 0 : i32
    %add3A_293 = arith.addi %mul3A_291, %add3A_292 : i32
    %dma_wait3A_294 = arith.constant 0 : i32
    %dma_wait3A_295 = arith.constant 0 : i32
    %dma_wait3A_296 = tpu.memref_slice %arg9[%dma_wait3A_294, %dma_wait3A_295] : memref<480x64xf32, #tpu.memory_space<vmem>> -> memref<208x64xf32, #tpu.memory_space<vmem>>
    %dma_wait3A_297 = arith.constant 0 : i32
    %dma_wait3A_298 = arith.constant 0 : i32
    %dma_wait3A_299 = tpu.memref_slice %arg6[%arg0, %dma_wait3A_297, %dma_wait3A_298] : memref<2x10000x128xf32, #tpu.memory_space<hbm>> -> memref<1x10000x128xf32, #tpu.memory_space<hbm>>
    %dma_wait3A_300 = tpu.memref_squeeze %dma_wait3A_299 : memref<1x10000x128xf32, #tpu.memory_space<hbm>> -> memref<10000x128xf32, #tpu.memory_space<hbm>>
    %dma_wait3A_301 = arith.constant 0 : i32
    %dma_wait3A_302 = tpu.memref_slice %dma_wait3A_300[%add3A_293, %dma_wait3A_301] : memref<10000x128xf32, #tpu.memory_space<hbm>> -> memref<208x64xf32, #tpu.memory_space<hbm>>
    %dma_wait3A_303 = arith.constant 0 : i32
    %dma_wait3A_304 = arith.constant 0 : i32
    %dma_wait3A_305 = tpu.memref_slice %arg6[%arg0, %dma_wait3A_303, %dma_wait3A_304] : memref<2x10000x128xf32, #tpu.memory_space<hbm>> -> memref<1x10000x128xf32, #tpu.memory_space<hbm>>
    %dma_wait3A_306 = tpu.memref_squeeze %dma_wait3A_305 : memref<1x10000x128xf32, #tpu.memory_space<hbm>> -> memref<10000x128xf32, #tpu.memory_space<hbm>>
    %dma_wait3A_307 = arith.constant 0 : i32
    %dma_wait3A_308 = tpu.memref_slice %dma_wait3A_306[%add3A_293, %dma_wait3A_307] : memref<10000x128xf32, #tpu.memory_space<hbm>> -> memref<208x64xf32, #tpu.memory_space<hbm>>
    %dma_wait3A_309 = arith.constant 0 : i32
    %dma_wait3A_310 = arith.constant 0 : i32
    %dma_wait3A_311 = tpu.memref_slice %arg9[%dma_wait3A_309, %dma_wait3A_310] : memref<480x64xf32, #tpu.memory_space<vmem>> -> memref<208x64xf32, #tpu.memory_space<vmem>>
    tpu.wait_dma2 semaphore(%arg17 : memref<!tpu.dma_semaphore, #tpu.memory_space<semaphore_mem>>) src(%dma_wait3A_311 : memref<208x64xf32, #tpu.memory_space<vmem>>) dst(%dma_wait3A_308 : memref<208x64xf32, #tpu.memory_space<hbm>>)
    %mul3A_312 = arith.constant 624 : i32
    %mul3A_313 = arith.muli %arg1, %mul3A_312 : i32
    %add3A_314 = arith.constant 416 : i32
    %add3A_315 = arith.addi %mul3A_313, %add3A_314 : i32
    "tpu.region"() ({
      %run_scoped3A = tpu.sem_alloc : memref<!tpu.dma_semaphore, #tpu.memory_space<semaphore_mem>>
      %dma_start3A_387 = arith.constant 0 : i32
      %dma_start3A_388 = arith.constant 0 : i32
      %dma_start3A_389 = tpu.memref_slice %arg9[%dma_start3A_387, %dma_start3A_388] : memref<480x64xf32, #tpu.memory_space<vmem>> -> memref<208x64xf32, #tpu.memory_space<vmem>>
      %dma_start3A_390 = arith.constant 0 : i32
      %dma_start3A_391 = tpu.memref_slice %arg10[%add3A_315, %dma_start3A_390] : memref<10000x64xf32, #tpu.memory_space<vmem_shared>> -> memref<208x64xf32, #tpu.memory_space<vmem_shared>>
      %dma_start3A_392 = arith.constant 0 : i32
      %dma_start3A_393 = arith.constant 0 : i32
      %dma_start3A_394 = tpu.memref_slice %arg9[%dma_start3A_392, %dma_start3A_393] : memref<480x64xf32, #tpu.memory_space<vmem>> -> memref<208x64xf32, #tpu.memory_space<vmem>>
      %dma_start3A_395 = arith.constant 0 : i32
      %dma_start3A_396 = tpu.memref_slice %arg10[%add3A_315, %dma_start3A_395] : memref<10000x64xf32, #tpu.memory_space<vmem_shared>> -> memref<208x64xf32, #tpu.memory_space<vmem_shared>>
      tpu.enqueue_dma source(%dma_start3A_396 : memref<208x64xf32, #tpu.memory_space<vmem_shared>>) target(%dma_start3A_394 : memref<208x64xf32, #tpu.memory_space<vmem>>) target_semaphore(%run_scoped3A : memref<!tpu.dma_semaphore, #tpu.memory_space<semaphore_mem>>)
      %dma_wait3A_397 = arith.constant 0 : i32
      %dma_wait3A_398 = arith.constant 0 : i32
      %dma_wait3A_399 = tpu.memref_slice %arg9[%dma_wait3A_397, %dma_wait3A_398] : memref<480x64xf32, #tpu.memory_space<vmem>> -> memref<208x64xf32, #tpu.memory_space<vmem>>
      %dma_wait3A_400 = arith.constant 0 : i32
      %dma_wait3A_401 = tpu.memref_slice %arg10[%add3A_315, %dma_wait3A_400] : memref<10000x64xf32, #tpu.memory_space<vmem_shared>> -> memref<208x64xf32, #tpu.memory_space<vmem_shared>>
      %dma_wait3A_402 = arith.constant 0 : i32
      %dma_wait3A_403 = arith.constant 0 : i32
      %dma_wait3A_404 = tpu.memref_slice %arg9[%dma_wait3A_402, %dma_wait3A_403] : memref<480x64xf32, #tpu.memory_space<vmem>> -> memref<208x64xf32, #tpu.memory_space<vmem>>
      %dma_wait3A_405 = arith.constant 0 : i32
      %dma_wait3A_406 = tpu.memref_slice %arg10[%add3A_315, %dma_wait3A_405] : memref<10000x64xf32, #tpu.memory_space<vmem_shared>> -> memref<208x64xf32, #tpu.memory_space<vmem_shared>>
      tpu.wait_dma2 semaphore(%run_scoped3A : memref<!tpu.dma_semaphore, #tpu.memory_space<semaphore_mem>>) src(%dma_wait3A_406 : memref<208x64xf32, #tpu.memory_space<vmem_shared>>) dst(%dma_wait3A_404 : memref<208x64xf32, #tpu.memory_space<vmem>>)
      tpu.yield
    }) : () -> ()
    %mul3A_316 = arith.constant 624 : i32
    %mul3A_317 = arith.muli %arg1, %mul3A_316 : i32
    %add3A_318 = arith.constant 416 : i32
    %add3A_319 = arith.addi %mul3A_317, %add3A_318 : i32
    %dma_start3A_320 = arith.constant 0 : i32
    %dma_start3A_321 = arith.constant 0 : i32
    %dma_start3A_322 = tpu.memref_slice %arg9[%dma_start3A_320, %dma_start3A_321] : memref<480x64xf32, #tpu.memory_space<vmem>> -> memref<208x64xf32, #tpu.memory_space<vmem>>
    %dma_start3A_323 = arith.constant 0 : i32
    %dma_start3A_324 = arith.constant 0 : i32
    %dma_start3A_325 = tpu.memref_slice %arg6[%arg0, %dma_start3A_323, %dma_start3A_324] : memref<2x10000x128xf32, #tpu.memory_space<hbm>> -> memref<1x10000x128xf32, #tpu.memory_space<hbm>>
    %dma_start3A_326 = tpu.memref_squeeze %dma_start3A_325 : memref<1x10000x128xf32, #tpu.memory_space<hbm>> -> memref<10000x128xf32, #tpu.memory_space<hbm>>
    %dma_start3A_327 = arith.constant 0 : i32
    %dma_start3A_328 = tpu.memref_slice %dma_start3A_326[%add3A_319, %dma_start3A_327] : memref<10000x128xf32, #tpu.memory_space<hbm>> -> memref<208x64xf32, #tpu.memory_space<hbm>>
    %dma_start3A_329 = arith.constant 0 : i32
    %dma_start3A_330 = arith.constant 0 : i32
    %dma_start3A_331 = tpu.memref_slice %arg6[%arg0, %dma_start3A_329, %dma_start3A_330] : memref<2x10000x128xf32, #tpu.memory_space<hbm>> -> memref<1x10000x128xf32, #tpu.memory_space<hbm>>
    %dma_start3A_332 = tpu.memref_squeeze %dma_start3A_331 : memref<1x10000x128xf32, #tpu.memory_space<hbm>> -> memref<10000x128xf32, #tpu.memory_space<hbm>>
    %dma_start3A_333 = arith.constant 0 : i32
    %dma_start3A_334 = tpu.memref_slice %dma_start3A_332[%add3A_319, %dma_start3A_333] : memref<10000x128xf32, #tpu.memory_space<hbm>> -> memref<208x64xf32, #tpu.memory_space<hbm>>
    %dma_start3A_335 = arith.constant 0 : i32
    %dma_start3A_336 = arith.constant 0 : i32
    %dma_start3A_337 = tpu.memref_slice %arg9[%dma_start3A_335, %dma_start3A_336] : memref<480x64xf32, #tpu.memory_space<vmem>> -> memref<208x64xf32, #tpu.memory_space<vmem>>
    tpu.enqueue_dma source(%dma_start3A_337 : memref<208x64xf32, #tpu.memory_space<vmem>>) target(%dma_start3A_334 : memref<208x64xf32, #tpu.memory_space<hbm>>) target_semaphore(%arg17 : memref<!tpu.dma_semaphore, #tpu.memory_space<semaphore_mem>>)
    %mul3A_338 = arith.constant 624 : i32
    %mul3A_339 = arith.muli %arg1, %mul3A_338 : i32
    %add3A_340 = arith.constant 208 : i32
    %add3A_341 = arith.addi %mul3A_339, %add3A_340 : i32
    %dma_wait3A_342 = arith.constant 208 : i32
    %dma_wait3A_343 = arith.constant 0 : i32
    %dma_wait3A_344 = tpu.memref_slice %arg9[%dma_wait3A_342, %dma_wait3A_343] : memref<480x64xf32, #tpu.memory_space<vmem>> -> memref<208x64xf32, #tpu.memory_space<vmem>>
    %dma_wait3A_345 = arith.constant 0 : i32
    %dma_wait3A_346 = arith.constant 0 : i32
    %dma_wait3A_347 = tpu.memref_slice %arg6[%arg0, %dma_wait3A_345, %dma_wait3A_346] : memref<2x10000x128xf32, #tpu.memory_space<hbm>> -> memref<1x10000x128xf32, #tpu.memory_space<hbm>>
    %dma_wait3A_348 = tpu.memref_squeeze %dma_wait3A_347 : memref<1x10000x128xf32, #tpu.memory_space<hbm>> -> memref<10000x128xf32, #tpu.memory_space<hbm>>
    %dma_wait3A_349 = arith.constant 0 : i32
    %dma_wait3A_350 = tpu.memref_slice %dma_wait3A_348[%add3A_341, %dma_wait3A_349] : memref<10000x128xf32, #tpu.memory_space<hbm>> -> memref<208x64xf32, #tpu.memory_space<hbm>>
    %dma_wait3A_351 = arith.constant 0 : i32
    %dma_wait3A_352 = arith.constant 0 : i32
    %dma_wait3A_353 = tpu.memref_slice %arg6[%arg0, %dma_wait3A_351, %dma_wait3A_352] : memref<2x10000x128xf32, #tpu.memory_space<hbm>> -> memref<1x10000x128xf32, #tpu.memory_space<hbm>>
    %dma_wait3A_354 = tpu.memref_squeeze %dma_wait3A_353 : memref<1x10000x128xf32, #tpu.memory_space<hbm>> -> memref<10000x128xf32, #tpu.memory_space<hbm>>
    %dma_wait3A_355 = arith.constant 0 : i32
    %dma_wait3A_356 = tpu.memref_slice %dma_wait3A_354[%add3A_341, %dma_wait3A_355] : memref<10000x128xf32, #tpu.memory_space<hbm>> -> memref<208x64xf32, #tpu.memory_space<hbm>>
    %dma_wait3A_357 = arith.constant 208 : i32
    %dma_wait3A_358 = arith.constant 0 : i32
    %dma_wait3A_359 = tpu.memref_slice %arg9[%dma_wait3A_357, %dma_wait3A_358] : memref<480x64xf32, #tpu.memory_space<vmem>> -> memref<208x64xf32, #tpu.memory_space<vmem>>
    tpu.wait_dma2 semaphore(%arg18 : memref<!tpu.dma_semaphore, #tpu.memory_space<semaphore_mem>>) src(%dma_wait3A_359 : memref<208x64xf32, #tpu.memory_space<vmem>>) dst(%dma_wait3A_356 : memref<208x64xf32, #tpu.memory_space<hbm>>)
    %mul3A_360 = arith.constant 624 : i32
    %mul3A_361 = arith.muli %arg1, %mul3A_360 : i32
    %add3A_362 = arith.constant 416 : i32
    %add3A_363 = arith.addi %mul3A_361, %add3A_362 : i32
    %dma_wait3A_364 = arith.constant 0 : i32
    %dma_wait3A_365 = arith.constant 0 : i32
    %dma_wait3A_366 = tpu.memref_slice %arg9[%dma_wait3A_364, %dma_wait3A_365] : memref<480x64xf32, #tpu.memory_space<vmem>> -> memref<208x64xf32, #tpu.memory_space<vmem>>
    %dma_wait3A_367 = arith.constant 0 : i32
    %dma_wait3A_368 = arith.constant 0 : i32
    %dma_wait3A_369 = tpu.memref_slice %arg6[%arg0, %dma_wait3A_367, %dma_wait3A_368] : memref<2x10000x128xf32, #tpu.memory_space<hbm>> -> memref<1x10000x128xf32, #tpu.memory_space<hbm>>
    %dma_wait3A_370 = tpu.memref_squeeze %dma_wait3A_369 : memref<1x10000x128xf32, #tpu.memory_space<hbm>> -> memref<10000x128xf32, #tpu.memory_space<hbm>>
    %dma_wait3A_371 = arith.constant 0 : i32
    %dma_wait3A_372 = tpu.memref_slice %dma_wait3A_370[%add3A_363, %dma_wait3A_371] : memref<10000x128xf32, #tpu.memory_space<hbm>> -> memref<208x64xf32, #tpu.memory_space<hbm>>
    %dma_wait3A_373 = arith.constant 0 : i32
    %dma_wait3A_374 = arith.constant 0 : i32
    %dma_wait3A_375 = tpu.memref_slice %arg6[%arg0, %dma_wait3A_373, %dma_wait3A_374] : memref<2x10000x128xf32, #tpu.memory_space<hbm>> -> memref<1x10000x128xf32, #tpu.memory_space<hbm>>
    %dma_wait3A_376 = tpu.memref_squeeze %dma_wait3A_375 : memref<1x10000x128xf32, #tpu.memory_space<hbm>> -> memref<10000x128xf32, #tpu.memory_space<hbm>>
    %dma_wait3A_377 = arith.constant 0 : i32
    %dma_wait3A_378 = tpu.memref_slice %dma_wait3A_376[%add3A_363, %dma_wait3A_377] : memref<10000x128xf32, #tpu.memory_space<hbm>> -> memref<208x64xf32, #tpu.memory_space<hbm>>
    %dma_wait3A_379 = arith.constant 0 : i32
    %dma_wait3A_380 = arith.constant 0 : i32
    %dma_wait3A_381 = tpu.memref_slice %arg9[%dma_wait3A_379, %dma_wait3A_380] : memref<480x64xf32, #tpu.memory_space<vmem>> -> memref<208x64xf32, #tpu.memory_space<vmem>>
    tpu.wait_dma2 semaphore(%arg17 : memref<!tpu.dma_semaphore, #tpu.memory_space<semaphore_mem>>) src(%dma_wait3A_381 : memref<208x64xf32, #tpu.memory_space<vmem>>) dst(%dma_wait3A_378 : memref<208x64xf32, #tpu.memory_space<hbm>>)
    %eq3A_382 = arith.constant 15 : i32
    %eq3A_383 = arith.cmpi eq, %arg1, %eq3A_382 : i32
    %convert_element_type3A_384 = arith.extui %eq3A_383 : i1 to i32
    %cond3A_385 = arith.constant 0 : i32
    %cond3A_386 = arith.cmpi ne, %convert_element_type3A_384, %cond3A_385 : i32
    scf.if %cond3A_386 {
      "tpu.region"() ({
        %run_scoped3A = tpu.sem_alloc : memref<!tpu.dma_semaphore, #tpu.memory_space<semaphore_mem>>
        %dma_start3A_387 = arith.constant 416 : i32
        %dma_start3A_388 = arith.constant 0 : i32
        %dma_start3A_389 = tpu.memref_slice %arg9[%dma_start3A_387, %dma_start3A_388] : memref<480x64xf32, #tpu.memory_space<vmem>> -> memref<16x64xf32, #tpu.memory_space<vmem>>
        %dma_start3A_390 = arith.constant 9984 : i32
        %dma_start3A_391 = arith.constant 0 : i32
        %dma_start3A_392 = tpu.memref_slice %arg10[%dma_start3A_390, %dma_start3A_391] : memref<10000x64xf32, #tpu.memory_space<vmem_shared>> -> memref<16x64xf32, #tpu.memory_space<vmem_shared>>
        %dma_start3A_393 = arith.constant 416 : i32
        %dma_start3A_394 = arith.constant 0 : i32
        %dma_start3A_395 = tpu.memref_slice %arg9[%dma_start3A_393, %dma_start3A_394] : memref<480x64xf32, #tpu.memory_space<vmem>> -> memref<16x64xf32, #tpu.memory_space<vmem>>
        %dma_start3A_396 = arith.constant 9984 : i32
        %dma_start3A_397 = arith.constant 0 : i32
        %dma_start3A_398 = tpu.memref_slice %arg10[%dma_start3A_396, %dma_start3A_397] : memref<10000x64xf32, #tpu.memory_space<vmem_shared>> -> memref<16x64xf32, #tpu.memory_space<vmem_shared>>
        tpu.enqueue_dma source(%dma_start3A_398 : memref<16x64xf32, #tpu.memory_space<vmem_shared>>) target(%dma_start3A_395 : memref<16x64xf32, #tpu.memory_space<vmem>>) target_semaphore(%run_scoped3A : memref<!tpu.dma_semaphore, #tpu.memory_space<semaphore_mem>>)
        %dma_wait3A_399 = arith.constant 416 : i32
        %dma_wait3A_400 = arith.constant 0 : i32
        %dma_wait3A_401 = tpu.memref_slice %arg9[%dma_wait3A_399, %dma_wait3A_400] : memref<480x64xf32, #tpu.memory_space<vmem>> -> memref<16x64xf32, #tpu.memory_space<vmem>>
        %dma_wait3A_402 = arith.constant 9984 : i32
        %dma_wait3A_403 = arith.constant 0 : i32
        %dma_wait3A_404 = tpu.memref_slice %arg10[%dma_wait3A_402, %dma_wait3A_403] : memref<10000x64xf32, #tpu.memory_space<vmem_shared>> -> memref<16x64xf32, #tpu.memory_space<vmem_shared>>
        %dma_wait3A_405 = arith.constant 416 : i32
        %dma_wait3A_406 = arith.constant 0 : i32
        %dma_wait3A_407 = tpu.memref_slice %arg9[%dma_wait3A_405, %dma_wait3A_406] : memref<480x64xf32, #tpu.memory_space<vmem>> -> memref<16x64xf32, #tpu.memory_space<vmem>>
        %dma_wait3A_408 = arith.constant 9984 : i32
        %dma_wait3A_409 = arith.constant 0 : i32
        %dma_wait3A_410 = tpu.memref_slice %arg10[%dma_wait3A_408, %dma_wait3A_409] : memref<10000x64xf32, #tpu.memory_space<vmem_shared>> -> memref<16x64xf32, #tpu.memory_space<vmem_shared>>
        tpu.wait_dma2 semaphore(%run_scoped3A : memref<!tpu.dma_semaphore, #tpu.memory_space<semaphore_mem>>) src(%dma_wait3A_410 : memref<16x64xf32, #tpu.memory_space<vmem_shared>>) dst(%dma_wait3A_407 : memref<16x64xf32, #tpu.memory_space<vmem>>)
        tpu.yield
      }) : () -> ()
      "tpu.region"() ({
        %run_scoped3A = tpu.sem_alloc : memref<!tpu.dma_semaphore, #tpu.memory_space<semaphore_mem>>
        %dma_start3A_387 = arith.constant 416 : i32
        %dma_start3A_388 = arith.constant 0 : i32
        %dma_start3A_389 = tpu.memref_slice %arg9[%dma_start3A_387, %dma_start3A_388] : memref<480x64xf32, #tpu.memory_space<vmem>> -> memref<16x64xf32, #tpu.memory_space<vmem>>
        %dma_start3A_390 = arith.constant 0 : i32
        %dma_start3A_391 = arith.constant 0 : i32
        %dma_start3A_392 = tpu.memref_slice %arg6[%arg0, %dma_start3A_390, %dma_start3A_391] : memref<2x10000x128xf32, #tpu.memory_space<hbm>> -> memref<1x10000x128xf32, #tpu.memory_space<hbm>>
        %dma_start3A_393 = tpu.memref_squeeze %dma_start3A_392 : memref<1x10000x128xf32, #tpu.memory_space<hbm>> -> memref<10000x128xf32, #tpu.memory_space<hbm>>
        %dma_start3A_394 = arith.constant 9984 : i32
        %dma_start3A_395 = arith.constant 0 : i32
        %dma_start3A_396 = tpu.memref_slice %dma_start3A_393[%dma_start3A_394, %dma_start3A_395] : memref<10000x128xf32, #tpu.memory_space<hbm>> -> memref<16x64xf32, #tpu.memory_space<hbm>>
        %dma_start3A_397 = arith.constant 0 : i32
        %dma_start3A_398 = arith.constant 0 : i32
        %dma_start3A_399 = tpu.memref_slice %arg6[%arg0, %dma_start3A_397, %dma_start3A_398] : memref<2x10000x128xf32, #tpu.memory_space<hbm>> -> memref<1x10000x128xf32, #tpu.memory_space<hbm>>
        %dma_start3A_400 = tpu.memref_squeeze %dma_start3A_399 : memref<1x10000x128xf32, #tpu.memory_space<hbm>> -> memref<10000x128xf32, #tpu.memory_space<hbm>>
        %dma_start3A_401 = arith.constant 9984 : i32
        %dma_start3A_402 = arith.constant 0 : i32
        %dma_start3A_403 = tpu.memref_slice %dma_start3A_400[%dma_start3A_401, %dma_start3A_402] : memref<10000x128xf32, #tpu.memory_space<hbm>> -> memref<16x64xf32, #tpu.memory_space<hbm>>
        %dma_start3A_404 = arith.constant 416 : i32
        %dma_start3A_405 = arith.constant 0 : i32
        %dma_start3A_406 = tpu.memref_slice %arg9[%dma_start3A_404, %dma_start3A_405] : memref<480x64xf32, #tpu.memory_space<vmem>> -> memref<16x64xf32, #tpu.memory_space<vmem>>
        tpu.enqueue_dma source(%dma_start3A_406 : memref<16x64xf32, #tpu.memory_space<vmem>>) target(%dma_start3A_403 : memref<16x64xf32, #tpu.memory_space<hbm>>) target_semaphore(%run_scoped3A : memref<!tpu.dma_semaphore, #tpu.memory_space<semaphore_mem>>)
        %dma_wait3A_407 = arith.constant 416 : i32
        %dma_wait3A_408 = arith.constant 0 : i32
        %dma_wait3A_409 = tpu.memref_slice %arg9[%dma_wait3A_407, %dma_wait3A_408] : memref<480x64xf32, #tpu.memory_space<vmem>> -> memref<16x64xf32, #tpu.memory_space<vmem>>
        %dma_wait3A_410 = arith.constant 0 : i32
        %dma_wait3A_411 = arith.constant 0 : i32
        %dma_wait3A_412 = tpu.memref_slice %arg6[%arg0, %dma_wait3A_410, %dma_wait3A_411] : memref<2x10000x128xf32, #tpu.memory_space<hbm>> -> memref<1x10000x128xf32, #tpu.memory_space<hbm>>
        %dma_wait3A_413 = tpu.memref_squeeze %dma_wait3A_412 : memref<1x10000x128xf32, #tpu.memory_space<hbm>> -> memref<10000x128xf32, #tpu.memory_space<hbm>>
        %dma_wait3A_414 = arith.constant 9984 : i32
        %dma_wait3A_415 = arith.constant 0 : i32
        %dma_wait3A_416 = tpu.memref_slice %dma_wait3A_413[%dma_wait3A_414, %dma_wait3A_415] : memref<10000x128xf32, #tpu.memory_space<hbm>> -> memref<16x64xf32, #tpu.memory_space<hbm>>
        %dma_wait3A_417 = arith.constant 0 : i32
        %dma_wait3A_418 = arith.constant 0 : i32
        %dma_wait3A_419 = tpu.memref_slice %arg6[%arg0, %dma_wait3A_417, %dma_wait3A_418] : memref<2x10000x128xf32, #tpu.memory_space<hbm>> -> memref<1x10000x128xf32, #tpu.memory_space<hbm>>
        %dma_wait3A_420 = tpu.memref_squeeze %dma_wait3A_419 : memref<1x10000x128xf32, #tpu.memory_space<hbm>> -> memref<10000x128xf32, #tpu.memory_space<hbm>>
        %dma_wait3A_421 = arith.constant 9984 : i32
        %dma_wait3A_422 = arith.constant 0 : i32
        %dma_wait3A_423 = tpu.memref_slice %dma_wait3A_420[%dma_wait3A_421, %dma_wait3A_422] : memref<10000x128xf32, #tpu.memory_space<hbm>> -> memref<16x64xf32, #tpu.memory_space<hbm>>
        %dma_wait3A_424 = arith.constant 416 : i32
        %dma_wait3A_425 = arith.constant 0 : i32
        %dma_wait3A_426 = tpu.memref_slice %arg9[%dma_wait3A_424, %dma_wait3A_425] : memref<480x64xf32, #tpu.memory_space<vmem>> -> memref<16x64xf32, #tpu.memory_space<vmem>>
        tpu.wait_dma2 semaphore(%run_scoped3A : memref<!tpu.dma_semaphore, #tpu.memory_space<semaphore_mem>>) src(%dma_wait3A_426 : memref<16x64xf32, #tpu.memory_space<vmem>>) dst(%dma_wait3A_423 : memref<16x64xf32, #tpu.memory_space<hbm>>)
        tpu.yield
      }) : () -> ()
    } else {
    }
    return
  }
}

module attributes {stable_mosaic.version = 14 : i64} {
  func.func @body(%arg0: i32, %arg1: memref<2000x128xf32, #tpu.memory_space<vmem>>, %arg2: memref<128x128xf32, #tpu.memory_space<vmem>>, %arg3: memref<2x2000x1xf32, #tpu.memory_space<vmem>>, %arg4: memref<2000x128xf32, #tpu.memory_space<vmem>>, %arg5: memref<2000x1xf32, #tpu.memory_space<vmem>>) attributes {dimension_semantics = [#tpu.dimension_semantics<arbitrary>], iteration_bounds = array<i64: 5>, scalar_prefetch = 0 : i64, scratch_operands = 0 : i64, tpu.core_type = #tpu.core_type<tc>, window_params = [{transform_indices = @transform_0, window_bounds = array<i64: 2000, 128>}, {pipeline_mode = #tpu.pipeline_mode<synchronous>, transform_indices = @transform_1, window_bounds = array<i64: 128, 128>}, {transform_indices = @transform_2, window_bounds = array<i64: 2, 2000, 1>}, {transform_indices = @transform_3, window_bounds = array<i64: 2000, 128>}, {transform_indices = @transform_4, window_bounds = array<i64: 2000, 1>}]} {
    %get3A = arith.constant 0 : index
    %get3A_0 = arith.constant 0 : index
    %get3A_1 = arith.constant 0 : index
    %get3A_2 = vector.load %arg3[%get3A, %get3A_0, %get3A_1] : memref<2x2000x1xf32, #tpu.memory_space<vmem>>, vector<1x2000x1xf32>
    %get3A_3 = vector.shape_cast %get3A_2 : vector<1x2000x1xf32> to vector<2000x1xf32>
    %get3A_4 = arith.constant 1 : index
    %get3A_5 = arith.constant 0 : index
    %get3A_6 = arith.constant 0 : index
    %get3A_7 = vector.load %arg3[%get3A_4, %get3A_5, %get3A_6] : memref<2x2000x1xf32, #tpu.memory_space<vmem>>, vector<1x2000x1xf32>
    %get3A_8 = vector.shape_cast %get3A_7 : vector<1x2000x1xf32> to vector<2000x1xf32>
    %add3A = arith.addf %get3A_3, %get3A_8 : vector<2000x1xf32>
    %add3A_9 = arith.constant 1.000000e+00 : f32
    %add3A_10 = vector.broadcast %add3A_9 : f32 to vector<2000x1xf32>
    %add3A_11 = arith.addf %add3A, %add3A_10 : vector<2000x1xf32>
    %rsqrt3A = math.rsqrt %add3A_11 : vector<2000x1xf32>
    %swap3A = arith.constant 0 : index
    %swap3A_12 = arith.constant 0 : index
    %swap3A_13 = vector.load %arg5[%swap3A, %swap3A_12] : memref<2000x1xf32, #tpu.memory_space<vmem>>, vector<2000x1xf32>
    tpu.vector_store %arg5[%swap3A, %swap3A_12], %rsqrt3A {strides = array<i32>} : memref<2000x1xf32, #tpu.memory_space<vmem>>, vector<2000x1xf32>,
    %get3A_14 = arith.constant 0 : index
    %get3A_15 = arith.constant 0 : index
    %get3A_16 = vector.load %arg1[%get3A_14, %get3A_15] : memref<2000x128xf32, #tpu.memory_space<vmem>>, vector<2000x128xf32>
    %get3A_17 = arith.constant 0 : index
    %get3A_18 = arith.constant 0 : index
    %get3A_19 = vector.load %arg2[%get3A_17, %get3A_18] : memref<128x128xf32, #tpu.memory_space<vmem>>, vector<128x128xf32>
    %dot_general3A = arith.constant dense<0.000000e+00> : vector<2000x128xf32>
    %dot_general3A_20 = tpu.matmul %get3A_16, %get3A_19, %dot_general3A {dimension_numbers = #tpu.dot_dimension_numbers<[1], [0], [0], [1], [0, 0, 1, 1], [], []>, transpose_lhs_hint = false} : vector<2000x128xf32>, vector<128x128xf32>, vector<2000x128xf32> -> vector<2000x128xf32>
    %mul3A = vector.broadcast %rsqrt3A : vector<2000x1xf32> to vector<2000x128xf32>
    %mul3A_21 = arith.mulf %dot_general3A_20, %mul3A : vector<2000x128xf32>
    %swap3A_22 = arith.constant 0 : index
    %swap3A_23 = arith.constant 0 : index
    %swap3A_24 = vector.load %arg4[%swap3A_22, %swap3A_23] : memref<2000x128xf32, #tpu.memory_space<vmem>>, vector<2000x128xf32>
    tpu.vector_store %arg4[%swap3A_22, %swap3A_23], %mul3A_21 {strides = array<i32>} : memref<2000x128xf32, #tpu.memory_space<vmem>>, vector<2000x128xf32>,
    return
  }
  func.func @transform_0(%arg0: i32) -> (i32, i32) {
    %c0_i32 = arith.constant 0 : i32
    %c0_i32_0 = arith.constant 0 : i32
    return %arg0, %c0_i32 : i32, i32
  }
  func.func @transform_1(%arg0: i32) -> (i32, i32) {
    %c0_i32 = arith.constant 0 : i32
    %c0_i32_0 = arith.constant 0 : i32
    %c0_i32_1 = arith.constant 0 : i32
    return %c0_i32, %c0_i32_0 : i32, i32
  }
  func.func @transform_2(%arg0: i32) -> (i32, i32, i32) {
    %c0_i32 = arith.constant 0 : i32
    %c0_i32_0 = arith.constant 0 : i32
    %c0_i32_1 = arith.constant 0 : i32
    return %c0_i32, %arg0, %c0_i32_0 : i32, i32, i32
  }
  func.func @transform_3(%arg0: i32) -> (i32, i32) {
    %c0_i32 = arith.constant 0 : i32
    %c0_i32_0 = arith.constant 0 : i32
    return %arg0, %c0_i32 : i32, i32
  }
  func.func @transform_4(%arg0: i32) -> (i32, i32) {
    %c0_i32 = arith.constant 0 : i32
    %c0_i32_0 = arith.constant 0 : i32
    return %arg0, %c0_i32 : i32, i32
  }
}

module attributes {stable_mosaic.version = 14 : i64} {
  func.func @body(%arg0: i32, %arg1: memref<2x2000x128xf32, #tpu.memory_space<vmem>>, %arg2: memref<2000x128xf32, #tpu.memory_space<vmem>>, %arg3: memref<2000x1xf32, #tpu.memory_space<vmem>>, %arg4: memref<1x128xf32, #tpu.memory_space<vmem>>, %arg5: memref<1x128xf32, #tpu.memory_space<vmem>>, %arg6: memref<1x128xf32, #tpu.memory_space<vmem>>, %arg7: memref<128x128xf32, #tpu.memory_space<vmem>>, %arg8: memref<2000x128xf32, #tpu.memory_space<vmem>>) attributes {dimension_semantics = [#tpu.dimension_semantics<arbitrary>], iteration_bounds = array<i64: 5>, scalar_prefetch = 0 : i64, scratch_operands = 0 : i64, tpu.core_type = #tpu.core_type<tc>, window_params = [{transform_indices = @transform_0, window_bounds = array<i64: 2, 2000, 128>}, {transform_indices = @transform_1, window_bounds = array<i64: 2000, 128>}, {transform_indices = @transform_2, window_bounds = array<i64: 2000, 1>}, {pipeline_mode = #tpu.pipeline_mode<synchronous>, transform_indices = @transform_3, window_bounds = array<i64: 1, 128>}, {pipeline_mode = #tpu.pipeline_mode<synchronous>, transform_indices = @transform_4, window_bounds = array<i64: 1, 128>}, {pipeline_mode = #tpu.pipeline_mode<synchronous>, transform_indices = @transform_5, window_bounds = array<i64: 1, 128>}, {pipeline_mode = #tpu.pipeline_mode<synchronous>, transform_indices = @transform_6, window_bounds = array<i64: 128, 128>}, {transform_indices = @transform_7, window_bounds = array<i64: 2000, 128>}]} {
    %get3A = arith.constant 0 : index
    %get3A_0 = arith.constant 0 : index
    %get3A_1 = arith.constant 0 : index
    %get3A_2 = vector.load %arg1[%get3A, %get3A_0, %get3A_1] : memref<2x2000x128xf32, #tpu.memory_space<vmem>>, vector<1x2000x128xf32>
    %get3A_3 = vector.shape_cast %get3A_2 : vector<1x2000x128xf32> to vector<2000x128xf32>
    %slice3A = vector.extract_strided_slice %get3A_3 {offsets = [0, 0], sizes = [2000, 64], strides = [1, 1]} : vector<2000x128xf32> to vector<2000x64xf32>
    %get3A_4 = arith.constant 1 : index
    %get3A_5 = arith.constant 0 : index
    %get3A_6 = arith.constant 0 : index
    %get3A_7 = vector.load %arg1[%get3A_4, %get3A_5, %get3A_6] : memref<2x2000x128xf32, #tpu.memory_space<vmem>>, vector<1x2000x128xf32>
    %get3A_8 = vector.shape_cast %get3A_7 : vector<1x2000x128xf32> to vector<2000x128xf32>
    %slice3A_9 = vector.extract_strided_slice %get3A_8 {offsets = [0, 0], sizes = [2000, 64], strides = [1, 1]} : vector<2000x128xf32> to vector<2000x64xf32>
    %concatenate3A = tpu.concatenate %slice3A, %slice3A_9 in 1 : vector<2000x64xf32>, vector<2000x64xf32> -> vector<2000x128xf32>
    %get3A_10 = arith.constant 0 : index
    %get3A_11 = arith.constant 0 : index
    %get3A_12 = vector.load %arg2[%get3A_10, %get3A_11] : memref<2000x128xf32, #tpu.memory_space<vmem>>, vector<2000x128xf32>
    %add3A = arith.addf %concatenate3A, %get3A_12 : vector<2000x128xf32>
    %get3A_13 = arith.constant 0 : index
    %get3A_14 = arith.constant 0 : index
    %get3A_15 = vector.load %arg3[%get3A_13, %get3A_14] : memref<2000x1xf32, #tpu.memory_space<vmem>>, vector<2000x1xf32>
    %mul3A = vector.broadcast %get3A_15 : vector<2000x1xf32> to vector<2000x128xf32>
    %mul3A_16 = arith.mulf %add3A, %mul3A : vector<2000x128xf32>
    %get3A_17 = arith.constant 0 : index
    %get3A_18 = arith.constant 0 : index
    %get3A_19 = vector.load %arg4[%get3A_17, %get3A_18] : memref<1x128xf32, #tpu.memory_space<vmem>>, vector<1x128xf32>
    %add3A_20 = vector.broadcast %get3A_19 : vector<1x128xf32> to vector<2000x128xf32>
    %add3A_21 = arith.addf %mul3A_16, %add3A_20 : vector<2000x128xf32>
    %reduce_sum3A = arith.constant dense<0.000000e+00> : vector<2000xf32>
    %reduce_sum3A_22 = vector.multi_reduction <add>, %add3A_21, %reduce_sum3A [1] : vector<2000x128xf32> to vector<2000xf32>
    %broadcast_in_dim3A = vector.shape_cast %reduce_sum3A_22 : vector<2000xf32> to vector<2000x1xf32>
    %div3A = arith.constant 1.280000e+02 : f32
    %div3A_23 = vector.broadcast %div3A : f32 to vector<2000x1xf32>
    %div3A_24 = arith.divf %broadcast_in_dim3A, %div3A_23 : vector<2000x1xf32>
    %sub3A = vector.broadcast %div3A_24 : vector<2000x1xf32> to vector<2000x128xf32>
    %sub3A_25 = arith.subf %add3A_21, %sub3A : vector<2000x128xf32>
    %mul3A_26 = arith.mulf %sub3A_25, %sub3A_25 : vector<2000x128xf32>
    %reduce_sum3A_27 = arith.constant dense<0.000000e+00> : vector<2000xf32>
    %reduce_sum3A_28 = vector.multi_reduction <add>, %mul3A_26, %reduce_sum3A_27 [1] : vector<2000x128xf32> to vector<2000xf32>
    %broadcast_in_dim3A_29 = vector.shape_cast %reduce_sum3A_28 : vector<2000xf32> to vector<2000x1xf32>
    %div3A_30 = arith.constant 1.280000e+02 : f32
    %div3A_31 = vector.broadcast %div3A_30 : f32 to vector<2000x1xf32>
    %div3A_32 = arith.divf %broadcast_in_dim3A_29, %div3A_31 : vector<2000x1xf32>
    %add3A_33 = arith.constant 9.99999974E-6 : f32
    %add3A_34 = vector.broadcast %add3A_33 : f32 to vector<2000x1xf32>
    %add3A_35 = arith.addf %div3A_32, %add3A_34 : vector<2000x1xf32>
    %rsqrt3A = math.rsqrt %add3A_35 : vector<2000x1xf32>
    %mul3A_36 = vector.broadcast %rsqrt3A : vector<2000x1xf32> to vector<2000x128xf32>
    %mul3A_37 = arith.mulf %sub3A_25, %mul3A_36 : vector<2000x128xf32>
    %get3A_38 = arith.constant 0 : index
    %get3A_39 = arith.constant 0 : index
    %get3A_40 = vector.load %arg5[%get3A_38, %get3A_39] : memref<1x128xf32, #tpu.memory_space<vmem>>, vector<1x128xf32>
    %mul3A_41 = vector.broadcast %get3A_40 : vector<1x128xf32> to vector<2000x128xf32>
    %mul3A_42 = arith.mulf %mul3A_37, %mul3A_41 : vector<2000x128xf32>
    %get3A_43 = arith.constant 0 : index
    %get3A_44 = arith.constant 0 : index
    %get3A_45 = vector.load %arg6[%get3A_43, %get3A_44] : memref<1x128xf32, #tpu.memory_space<vmem>>, vector<1x128xf32>
    %add3A_46 = vector.broadcast %get3A_45 : vector<1x128xf32> to vector<2000x128xf32>
    %add3A_47 = arith.addf %mul3A_42, %add3A_46 : vector<2000x128xf32>
    %max3A = arith.constant 0.000000e+00 : f32
    %max3A_48 = vector.broadcast %max3A : f32 to vector<2000x128xf32>
    %max3A_49 = arith.maximumf %add3A_47, %max3A_48 : vector<2000x128xf32>
    %get3A_50 = arith.constant 0 : index
    %get3A_51 = arith.constant 0 : index
    %get3A_52 = vector.load %arg7[%get3A_50, %get3A_51] : memref<128x128xf32, #tpu.memory_space<vmem>>, vector<128x128xf32>
    %dot_general3A = arith.constant dense<0.000000e+00> : vector<2000x128xf32>
    %dot_general3A_53 = tpu.matmul %max3A_49, %get3A_52, %dot_general3A {dimension_numbers = #tpu.dot_dimension_numbers<[1], [0], [0], [1], [0, 0, 1, 1], [], []>, transpose_lhs_hint = false} : vector<2000x128xf32>, vector<128x128xf32>, vector<2000x128xf32> -> vector<2000x128xf32>
    %get3A_54 = arith.constant 0 : index
    %get3A_55 = arith.constant 0 : index
    %get3A_56 = vector.load %arg3[%get3A_54, %get3A_55] : memref<2000x1xf32, #tpu.memory_space<vmem>>, vector<2000x1xf32>
    %mul3A_57 = vector.broadcast %get3A_56 : vector<2000x1xf32> to vector<2000x128xf32>
    %mul3A_58 = arith.mulf %dot_general3A_53, %mul3A_57 : vector<2000x128xf32>
    %swap3A = arith.constant 0 : index
    %swap3A_59 = arith.constant 0 : index
    %swap3A_60 = vector.load %arg8[%swap3A, %swap3A_59] : memref<2000x128xf32, #tpu.memory_space<vmem>>, vector<2000x128xf32>
    tpu.vector_store %arg8[%swap3A, %swap3A_59], %mul3A_58 {strides = array<i32>} : memref<2000x128xf32, #tpu.memory_space<vmem>>, vector<2000x128xf32>,
    return
  }
  func.func @transform_0(%arg0: i32) -> (i32, i32, i32) {
    %c0_i32 = arith.constant 0 : i32
    %c0_i32_0 = arith.constant 0 : i32
    %c0_i32_1 = arith.constant 0 : i32
    return %c0_i32, %arg0, %c0_i32_0 : i32, i32, i32
  }
  func.func @transform_1(%arg0: i32) -> (i32, i32) {
    %c0_i32 = arith.constant 0 : i32
    %c0_i32_0 = arith.constant 0 : i32
    return %arg0, %c0_i32 : i32, i32
  }
  func.func @transform_2(%arg0: i32) -> (i32, i32) {
    %c0_i32 = arith.constant 0 : i32
    %c0_i32_0 = arith.constant 0 : i32
    return %arg0, %c0_i32 : i32, i32
  }
  func.func @transform_3(%arg0: i32) -> (i32, i32) {
    %c0_i32 = arith.constant 0 : i32
    %c0_i32_0 = arith.constant 0 : i32
    %c0_i32_1 = arith.constant 0 : i32
    return %c0_i32, %c0_i32_0 : i32, i32
  }
  func.func @transform_4(%arg0: i32) -> (i32, i32) {
    %c0_i32 = arith.constant 0 : i32
    %c0_i32_0 = arith.constant 0 : i32
    %c0_i32_1 = arith.constant 0 : i32
    return %c0_i32, %c0_i32_0 : i32, i32
  }
  func.func @transform_5(%arg0: i32) -> (i32, i32) {
    %c0_i32 = arith.constant 0 : i32
    %c0_i32_0 = arith.constant 0 : i32
    %c0_i32_1 = arith.constant 0 : i32
    return %c0_i32, %c0_i32_0 : i32, i32
  }
  func.func @transform_6(%arg0: i32) -> (i32, i32) {
    %c0_i32 = arith.constant 0 : i32
    %c0_i32_0 = arith.constant 0 : i32
    %c0_i32_1 = arith.constant 0 : i32
    return %c0_i32, %c0_i32_0 : i32, i32
  }
  func.func @transform_7(%arg0: i32) -> (i32, i32) {
    %c0_i32 = arith.constant 0 : i32
    %c0_i32_0 = arith.constant 0 : i32
    return %arg0, %c0_i32 : i32, i32
  }
}

module attributes {stable_mosaic.version = 14 : i64} {
  func.func @body(%arg0: i32, %arg1: memref<2x2000x128xf32, #tpu.memory_space<vmem>>, %arg2: memref<2000x128xf32, #tpu.memory_space<vmem>>, %arg3: memref<2000x1xf32, #tpu.memory_space<vmem>>, %arg4: memref<1x128xf32, #tpu.memory_space<vmem>>, %arg5: memref<1x128xf32, #tpu.memory_space<vmem>>, %arg6: memref<1x128xf32, #tpu.memory_space<vmem>>, %arg7: memref<128x128xf32, #tpu.memory_space<vmem>>, %arg8: memref<1x128xf32, #tpu.memory_space<vmem>>, %arg9: memref<1x128xf32, #tpu.memory_space<vmem>>, %arg10: memref<1x128xf32, #tpu.memory_space<vmem>>) attributes {dimension_semantics = [#tpu.dimension_semantics<arbitrary>], iteration_bounds = array<i64: 5>, scalar_prefetch = 0 : i64, scratch_operands = 1 : i64, tpu.core_type = #tpu.core_type<tc>, window_params = [{transform_indices = @transform_0, window_bounds = array<i64: 2, 2000, 128>}, {transform_indices = @transform_1, window_bounds = array<i64: 2000, 128>}, {transform_indices = @transform_2, window_bounds = array<i64: 2000, 1>}, {pipeline_mode = #tpu.pipeline_mode<synchronous>, transform_indices = @transform_3, window_bounds = array<i64: 1, 128>}, {pipeline_mode = #tpu.pipeline_mode<synchronous>, transform_indices = @transform_4, window_bounds = array<i64: 1, 128>}, {pipeline_mode = #tpu.pipeline_mode<synchronous>, transform_indices = @transform_5, window_bounds = array<i64: 1, 128>}, {pipeline_mode = #tpu.pipeline_mode<synchronous>, transform_indices = @transform_6, window_bounds = array<i64: 128, 128>}, {pipeline_mode = #tpu.pipeline_mode<synchronous>, transform_indices = @transform_7, window_bounds = array<i64: 1, 128>}, {pipeline_mode = #tpu.pipeline_mode<synchronous>, transform_indices = @transform_8, window_bounds = array<i64: 1, 128>}]} {
    %eq3A = arith.constant 0 : i32
    %eq3A_0 = arith.cmpi eq, %arg0, %eq3A : i32
    %convert_element_type3A = arith.extui %eq3A_0 : i1 to i32
    %cond3A = arith.constant 0 : i32
    %cond3A_1 = arith.cmpi ne, %convert_element_type3A, %cond3A : i32
    scf.if %cond3A_1 {
      %broadcast_in_dim3A_66 = arith.constant 0.000000e+00 : f32
      %broadcast_in_dim3A_67 = vector.broadcast %broadcast_in_dim3A_66 : f32 to vector<1x128xf32>
      %swap3A_68 = arith.constant 0 : index
      %swap3A_69 = arith.constant 0 : index
      %swap3A_70 = vector.load %arg10[%swap3A_68, %swap3A_69] : memref<1x128xf32, #tpu.memory_space<vmem>>, vector<1x128xf32>
      tpu.vector_store %arg10[%swap3A_68, %swap3A_69], %broadcast_in_dim3A_67 {strides = array<i32>} : memref<1x128xf32, #tpu.memory_space<vmem>>, vector<1x128xf32>,
    } else {
    }
    %get3A = arith.constant 0 : index
    %get3A_2 = arith.constant 0 : index
    %get3A_3 = arith.constant 0 : index
    %get3A_4 = vector.load %arg1[%get3A, %get3A_2, %get3A_3] : memref<2x2000x128xf32, #tpu.memory_space<vmem>>, vector<1x2000x128xf32>
    %get3A_5 = vector.shape_cast %get3A_4 : vector<1x2000x128xf32> to vector<2000x128xf32>
    %slice3A = vector.extract_strided_slice %get3A_5 {offsets = [0, 0], sizes = [2000, 64], strides = [1, 1]} : vector<2000x128xf32> to vector<2000x64xf32>
    %get3A_6 = arith.constant 1 : index
    %get3A_7 = arith.constant 0 : index
    %get3A_8 = arith.constant 0 : index
    %get3A_9 = vector.load %arg1[%get3A_6, %get3A_7, %get3A_8] : memref<2x2000x128xf32, #tpu.memory_space<vmem>>, vector<1x2000x128xf32>
    %get3A_10 = vector.shape_cast %get3A_9 : vector<1x2000x128xf32> to vector<2000x128xf32>
    %slice3A_11 = vector.extract_strided_slice %get3A_10 {offsets = [0, 0], sizes = [2000, 64], strides = [1, 1]} : vector<2000x128xf32> to vector<2000x64xf32>
    %concatenate3A = tpu.concatenate %slice3A, %slice3A_11 in 1 : vector<2000x64xf32>, vector<2000x64xf32> -> vector<2000x128xf32>
    %get3A_12 = arith.constant 0 : index
    %get3A_13 = arith.constant 0 : index
    %get3A_14 = vector.load %arg2[%get3A_12, %get3A_13] : memref<2000x128xf32, #tpu.memory_space<vmem>>, vector<2000x128xf32>
    %add3A = arith.addf %concatenate3A, %get3A_14 : vector<2000x128xf32>
    %get3A_15 = arith.constant 0 : index
    %get3A_16 = arith.constant 0 : index
    %get3A_17 = vector.load %arg3[%get3A_15, %get3A_16] : memref<2000x1xf32, #tpu.memory_space<vmem>>, vector<2000x1xf32>
    %mul3A = vector.broadcast %get3A_17 : vector<2000x1xf32> to vector<2000x128xf32>
    %mul3A_18 = arith.mulf %add3A, %mul3A : vector<2000x128xf32>
    %get3A_19 = arith.constant 0 : index
    %get3A_20 = arith.constant 0 : index
    %get3A_21 = vector.load %arg4[%get3A_19, %get3A_20] : memref<1x128xf32, #tpu.memory_space<vmem>>, vector<1x128xf32>
    %add3A_22 = vector.broadcast %get3A_21 : vector<1x128xf32> to vector<2000x128xf32>
    %add3A_23 = arith.addf %mul3A_18, %add3A_22 : vector<2000x128xf32>
    %reduce_sum3A = arith.constant dense<0.000000e+00> : vector<2000xf32>
    %reduce_sum3A_24 = vector.multi_reduction <add>, %add3A_23, %reduce_sum3A [1] : vector<2000x128xf32> to vector<2000xf32>
    %broadcast_in_dim3A = vector.shape_cast %reduce_sum3A_24 : vector<2000xf32> to vector<2000x1xf32>
    %div3A = arith.constant 1.280000e+02 : f32
    %div3A_25 = vector.broadcast %div3A : f32 to vector<2000x1xf32>
    %div3A_26 = arith.divf %broadcast_in_dim3A, %div3A_25 : vector<2000x1xf32>
    %sub3A = vector.broadcast %div3A_26 : vector<2000x1xf32> to vector<2000x128xf32>
    %sub3A_27 = arith.subf %add3A_23, %sub3A : vector<2000x128xf32>
    %mul3A_28 = arith.mulf %sub3A_27, %sub3A_27 : vector<2000x128xf32>
    %reduce_sum3A_29 = arith.constant dense<0.000000e+00> : vector<2000xf32>
    %reduce_sum3A_30 = vector.multi_reduction <add>, %mul3A_28, %reduce_sum3A_29 [1] : vector<2000x128xf32> to vector<2000xf32>
    %broadcast_in_dim3A_31 = vector.shape_cast %reduce_sum3A_30 : vector<2000xf32> to vector<2000x1xf32>
    %div3A_32 = arith.constant 1.280000e+02 : f32
    %div3A_33 = vector.broadcast %div3A_32 : f32 to vector<2000x1xf32>
    %div3A_34 = arith.divf %broadcast_in_dim3A_31, %div3A_33 : vector<2000x1xf32>
    %add3A_35 = arith.constant 9.99999974E-6 : f32
    %add3A_36 = vector.broadcast %add3A_35 : f32 to vector<2000x1xf32>
    %add3A_37 = arith.addf %div3A_34, %add3A_36 : vector<2000x1xf32>
    %rsqrt3A = math.rsqrt %add3A_37 : vector<2000x1xf32>
    %mul3A_38 = vector.broadcast %rsqrt3A : vector<2000x1xf32> to vector<2000x128xf32>
    %mul3A_39 = arith.mulf %sub3A_27, %mul3A_38 : vector<2000x128xf32>
    %get3A_40 = arith.constant 0 : index
    %get3A_41 = arith.constant 0 : index
    %get3A_42 = vector.load %arg5[%get3A_40, %get3A_41] : memref<1x128xf32, #tpu.memory_space<vmem>>, vector<1x128xf32>
    %mul3A_43 = vector.broadcast %get3A_42 : vector<1x128xf32> to vector<2000x128xf32>
    %mul3A_44 = arith.mulf %mul3A_39, %mul3A_43 : vector<2000x128xf32>
    %get3A_45 = arith.constant 0 : index
    %get3A_46 = arith.constant 0 : index
    %get3A_47 = vector.load %arg6[%get3A_45, %get3A_46] : memref<1x128xf32, #tpu.memory_space<vmem>>, vector<1x128xf32>
    %add3A_48 = vector.broadcast %get3A_47 : vector<1x128xf32> to vector<2000x128xf32>
    %add3A_49 = arith.addf %mul3A_44, %add3A_48 : vector<2000x128xf32>
    %max3A = arith.constant 0.000000e+00 : f32
    %max3A_50 = vector.broadcast %max3A : f32 to vector<2000x128xf32>
    %max3A_51 = arith.maximumf %add3A_49, %max3A_50 : vector<2000x128xf32>
    %get3A_52 = arith.constant 0 : index
    %get3A_53 = arith.constant 0 : index
    %get3A_54 = vector.load %arg10[%get3A_52, %get3A_53] : memref<1x128xf32, #tpu.memory_space<vmem>>, vector<1x128xf32>
    %reduce_sum3A_55 = arith.constant dense<0.000000e+00> : vector<128xf32>
    %reduce_sum3A_56 = vector.multi_reduction <add>, %max3A_51, %reduce_sum3A_55 [0] : vector<2000x128xf32> to vector<128xf32>
    %broadcast_in_dim3A_57 = vector.shape_cast %reduce_sum3A_56 : vector<128xf32> to vector<1x128xf32>
    %add3A_58 = arith.addf %get3A_54, %broadcast_in_dim3A_57 : vector<1x128xf32>
    %swap3A = arith.constant 0 : index
    %swap3A_59 = arith.constant 0 : index
    %swap3A_60 = vector.load %arg10[%swap3A, %swap3A_59] : memref<1x128xf32, #tpu.memory_space<vmem>>, vector<1x128xf32>
    tpu.vector_store %arg10[%swap3A, %swap3A_59], %add3A_58 {strides = array<i32>} : memref<1x128xf32, #tpu.memory_space<vmem>>, vector<1x128xf32>,
    %eq3A_61 = arith.constant 4 : i32
    %eq3A_62 = arith.cmpi eq, %arg0, %eq3A_61 : i32
    %convert_element_type3A_63 = arith.extui %eq3A_62 : i1 to i32
    %cond3A_64 = arith.constant 0 : i32
    %cond3A_65 = arith.cmpi ne, %convert_element_type3A_63, %cond3A_64 : i32
    scf.if %cond3A_65 {
      %get3A_66 = arith.constant 0 : index
      %get3A_67 = arith.constant 0 : index
      %get3A_68 = vector.load %arg10[%get3A_66, %get3A_67] : memref<1x128xf32, #tpu.memory_space<vmem>>, vector<1x128xf32>
      %mul3A_69 = arith.constant 9.99999974E-5 : f32
      %mul3A_70 = vector.broadcast %mul3A_69 : f32 to vector<1x128xf32>
      %mul3A_71 = arith.mulf %get3A_68, %mul3A_70 : vector<1x128xf32>
      %get3A_72 = arith.constant 0 : index
      %get3A_73 = arith.constant 0 : index
      %get3A_74 = vector.load %arg7[%get3A_72, %get3A_73] : memref<128x128xf32, #tpu.memory_space<vmem>>, vector<128x128xf32>
      %dot_general3A = arith.constant dense<0.000000e+00> : vector<1x128xf32>
      %dot_general3A_75 = tpu.matmul %mul3A_71, %get3A_74, %dot_general3A {dimension_numbers = #tpu.dot_dimension_numbers<[1], [0], [0], [1], [0, 0, 1, 1], [], []>, transpose_lhs_hint = false} : vector<1x128xf32>, vector<128x128xf32>, vector<1x128xf32> -> vector<1x128xf32>
      %get3A_76 = arith.constant 0 : index
      %get3A_77 = arith.constant 0 : index
      %get3A_78 = vector.load %arg8[%get3A_76, %get3A_77] : memref<1x128xf32, #tpu.memory_space<vmem>>, vector<1x128xf32>
      %add3A_79 = arith.addf %dot_general3A_75, %get3A_78 : vector<1x128xf32>
      %swap3A_80 = arith.constant 0 : index
      %swap3A_81 = arith.constant 0 : index
      %swap3A_82 = vector.load %arg9[%swap3A_80, %swap3A_81] : memref<1x128xf32, #tpu.memory_space<vmem>>, vector<1x128xf32>
      tpu.vector_store %arg9[%swap3A_80, %swap3A_81], %add3A_79 {strides = array<i32>} : memref<1x128xf32, #tpu.memory_space<vmem>>, vector<1x128xf32>,
    } else {
    }
    return
  }
  func.func @transform_0(%arg0: i32) -> (i32, i32, i32) {
    %c0_i32 = arith.constant 0 : i32
    %c0_i32_0 = arith.constant 0 : i32
    %c0_i32_1 = arith.constant 0 : i32
    return %c0_i32, %arg0, %c0_i32_0 : i32, i32, i32
  }
  func.func @transform_1(%arg0: i32) -> (i32, i32) {
    %c0_i32 = arith.constant 0 : i32
    %c0_i32_0 = arith.constant 0 : i32
    return %arg0, %c0_i32 : i32, i32
  }
  func.func @transform_2(%arg0: i32) -> (i32, i32) {
    %c0_i32 = arith.constant 0 : i32
    %c0_i32_0 = arith.constant 0 : i32
    return %arg0, %c0_i32 : i32, i32
  }
  func.func @transform_3(%arg0: i32) -> (i32, i32) {
    %c0_i32 = arith.constant 0 : i32
    %c0_i32_0 = arith.constant 0 : i32
    %c0_i32_1 = arith.constant 0 : i32
    return %c0_i32, %c0_i32_0 : i32, i32
  }
  func.func @transform_4(%arg0: i32) -> (i32, i32) {
    %c0_i32 = arith.constant 0 : i32
    %c0_i32_0 = arith.constant 0 : i32
    %c0_i32_1 = arith.constant 0 : i32
    return %c0_i32, %c0_i32_0 : i32, i32
  }
  func.func @transform_5(%arg0: i32) -> (i32, i32) {
    %c0_i32 = arith.constant 0 : i32
    %c0_i32_0 = arith.constant 0 : i32
    %c0_i32_1 = arith.constant 0 : i32
    return %c0_i32, %c0_i32_0 : i32, i32
  }
  func.func @transform_6(%arg0: i32) -> (i32, i32) {
    %c0_i32 = arith.constant 0 : i32
    %c0_i32_0 = arith.constant 0 : i32
    %c0_i32_1 = arith.constant 0 : i32
    return %c0_i32, %c0_i32_0 : i32, i32
  }
  func.func @transform_7(%arg0: i32) -> (i32, i32) {
    %c0_i32 = arith.constant 0 : i32
    %c0_i32_0 = arith.constant 0 : i32
    %c0_i32_1 = arith.constant 0 : i32
    return %c0_i32, %c0_i32_0 : i32, i32
  }
  func.func @transform_8(%arg0: i32) -> (i32, i32) {
    %c0_i32 = arith.constant 0 : i32
    %c0_i32_0 = arith.constant 0 : i32
    %c0_i32_1 = arith.constant 0 : i32
    return %c0_i32, %c0_i32_0 : i32, i32
  }
}

</mosaic_0001>

<sc_bundles>
// kernel: kernel.10.cloned.1.call-start
scs
__scs_entry_jumppad:
0x0: {  	(pc) =	sbr.rel $0x88, $3  }
0x1: {  	(tag) =	ssettag $0x0;
	lr =	simm.s32 $0x1  }
0x2: {  	[smem:$0x3F91] =	sst lr;
	_ =	strace $0xD0000000  }
0x3: {  	_ = 	snop  }
0x4: {  	_ = 	snop  }
0x5: {  	_ = 	snop  }
0x6: {  	_ = 	snop  }
0x7: {  	_ = 	snop  }
__scs_overlays_trampoline_lowered:
0x8: {  	[smem:$0x3FA0] =	sst s0  }
0x9: {  	[smem:$0x3FA1] =	sst s1  }
0xa: {  	[smem:$0x3FA2] =	sst s2  }
0xb: {  	[smem:$0x3FA3] =	sst s3  }
0xc: {  	[smem:$0x3FA4] =	sst s4  }
0xd: {  	[smem:$0x3FA5] =	sst s5  }
0xe: {  	[smem:$0x3FA6] =	sst s6  }
0xf: {  	[smem:$0x3FA7] =	sst s7  }
0x10: {  	[smem:$0x3FA8] =	sst s8  }
0x11: {  	[smem:$0x3FA9] =	sst s9;
	s0 =	simm.s32 @!p0 $0x0  }
0x12: {  	s1 =	sld [smem:$0x3F8F];
	s0 =	simm.s32 @p0 $0x1  }
0x13: {  	[smem:$0x3FAA] =	sst s0;
	s0 =	simm.s32 @!p1 $0x0  }
0x14: {  	s2 =	sld [smem:$0x3F8E];
	s0 =	simm.s32 @p1 $0x1  }
0x15: {  	[smem:$0x3FAB] =	sst s0;
	s0 =	simm.s32 @!p2 $0x0  }
0x16: {  	s3 =	sld [smem:$0x3FDB];
	s0 =	simm.s32 @p2 $0x1  }
0x17: {  	s4 =	simm.s32 $0x1BF5;
	[smem:$0x3FAD] =	sst s0  }
0x18: {  	s0 =	sld [smem:$0x3F90];
	_ =	swait.ge [sflag:s4], $0x0  }
0x19: {  	s7 =	sld [smem:$0x3F91]  }
0x1a: {  	s8 =	sadd.s32 $0xFFFFE003, lr  }
0x1b: {  	s9 =	sadd.s32 $0xFFFFFEF7, lr;
	s5 =	simm.s32 $0xFFFFFFFF;
	p2 =	slt.u32 s8, $0xFFFFF086  }
0x1c: {  	p1 =	slt.u32 s9, $0xF7A;
	s5 =	simm.s32 @!p2 $0x0  }
0x1d: {  	s5 =	simm.s32 @p1 $0x1;
	p0 =	seq.s32 s7, s2  }
0x1e: {  	s7 =	smul.u32 @!p0 $0xF7A, s2;
	p2 =	seq.s32 @!p0 s5, $0x0  }
0x1f: {  	s9 =	smul.u32 $0xF7A, s1;
	s8 =	simm.s32 @!p0 $0x1BF5;
	p2 =	por !p2, p0  }
0x20: {  	[sflag:s8] =	ssyncset.s32 @!p0 $0xFFFFF086;
	s6 =	sadd.s32 @!p0 s3, s7;
	s7 =	simm.s32 @!p0 $0x108  }
0x21: {  	s3 =	sadd.s32 s3, s9;
	s6 =	sadd.s32 @!p0 $0x88, s6;
	s7 =	simm.s32 @p2 $0x1082  }
0x22: {  	[simem:s7], [sflag:s8] =	dma.local @!p0 [hbm:s6], $0xF7A  }
0x23: {  	s9 =	sor.u32 $0xD0000000, s2;
	s6 =	simm.s32 $0x108;
	_ =	swait.ge @!p0 [sflag:s8], $0x0  }
0x24: {  	s3 =	sadd.s32 $0x88, s3;
	s6 =	simm.s32 @!p1 $0x1082;
	[sflag:s4] =	ssyncset.s32 $0xFFFFF086  }
0x25: {  	[simem:s6], [sflag:s4] =	dma.local [hbm:s3], $0xF7A  }
0x26: {  	[smem:$0x3F91] =	sst s1;
	(tag) =	ssettag s2;
	_ =	strace s9  }
0x27: {  	s1 =	sld [smem:$0x3FA1]  }
0x28: {  	s2 =	sld [smem:$0x3FA2]  }
0x29: {  	s4 =	sld [smem:$0x3FA4]  }
0x2a: {  	p0 =	seq.s32 s5, $0x0;
	s5 =	sld [smem:$0x3FA5]  }
0x2b: {  	s6 =	sld [smem:$0x3FA6]  }
0x2c: {  	s7 =	sld [smem:$0x3FA7]  }
0x2d: {  	s3 =	simm.s32 $0x108;
	s8 =	sld [smem:$0x3FA8]  }
0x2e: {  	s3 =	simm.s32 @!p0 $0x1082;
	s9 =	sld [smem:$0x3FA9]  }
0x2f: {  	lr =	sadd.s32 s0, s3;
	s0 =	sld [smem:$0x3FA0]  }
0x30: {  	s3 =	sld [smem:$0x3FA3]  }
0x31: {  	[smem:$0x3FAC] =	sst s10  }
0x32: {  	s10 =	sld [smem:$0x3FAA];
	_ =	sdelay $0x3  }
0x33: {  	p0 =	seq.s32 s10, $0x1;
	s10 =	sld [smem:$0x3FAC];
	_ =	sdelay $0x3  }
0x34: {  	[smem:$0x3FAC] =	sst s10  }
0x35: {  	s10 =	sld [smem:$0x3FAB];
	_ =	sdelay $0x3  }
0x36: {  	p1 =	seq.s32 s10, $0x1;
	s10 =	sld [smem:$0x3FAC];
	_ =	sdelay $0x3  }
0x37: {  	[smem:$0x3FAC] =	sst s10  }
0x38: {  	s10 =	sld [smem:$0x3FAD]  }
0x39: {  	_ = 	snop;
	(pc) =	sbr.ind lr, $3  }
0x3a: {  	_ = 	snop  }
0x3b: {  	_ = 	snop  }
0x3c: {  	p2 =	seq.s32 s10, $0x1;
	s10 =	sld [smem:$0x3FAC]  }
0x3d: {  	_ =	shalt  }
0x3e: {  	_ =	shalt  }
0x3f: {  	_ =	shalt  }
0x40: {  	_ =	shalt  }
0x41: {  	_ =	shalt  }
0x42: {  	_ =	shalt  }
0x43: {  	_ =	shalt  }
0x44: {  	_ =	shalt  }
0x45: {  	_ =	shalt  }
0x46: {  	_ =	shalt  }
0x47: {  	_ =	shalt  }
0x48: {  	_ =	shalt  }
0x49: {  	_ =	shalt  }
0x4a: {  	_ =	shalt  }
0x4b: {  	_ =	shalt  }
0x4c: {  	_ =	shalt  }
0x4d: {  	_ =	shalt  }
0x4e: {  	_ =	shalt  }
0x4f: {  	_ =	shalt  }
0x50: {  	_ =	shalt  }
0x51: {  	_ =	shalt  }
0x52: {  	_ =	shalt  }
0x53: {  	_ =	shalt  }
0x54: {  	_ =	shalt  }
0x55: {  	_ =	shalt  }
0x56: {  	_ =	shalt  }
0x57: {  	_ =	shalt  }
0x58: {  	_ =	shalt  }
0x59: {  	_ =	shalt  }
0x5a: {  	_ =	shalt  }
0x5b: {  	_ =	shalt  }
0x5c: {  	_ =	shalt  }
0x5d: {  	_ =	shalt  }
0x5e: {  	_ =	shalt  }
0x5f: {  	_ =	shalt  }
0x60: {  	_ =	shalt  }
0x61: {  	_ =	shalt  }
0x62: {  	_ =	shalt  }
0x63: {  	_ =	shalt  }
0x64: {  	_ =	shalt  }
0x65: {  	_ =	shalt  }
0x66: {  	_ =	shalt  }
0x67: {  	_ =	shalt  }
0x68: {  	_ =	shalt  }
0x69: {  	_ =	shalt  }
0x6a: {  	_ =	shalt  }
0x6b: {  	_ =	shalt  }
0x6c: {  	_ =	shalt  }
0x6d: {  	_ =	shalt  }
0x6e: {  	_ =	shalt  }
0x6f: {  	_ =	shalt  }
0x70: {  	_ =	shalt  }
0x71: {  	_ =	shalt  }
0x72: {  	_ =	shalt  }
0x73: {  	_ =	shalt  }
0x74: {  	_ =	shalt  }
0x75: {  	_ =	shalt  }
0x76: {  	_ =	shalt  }
0x77: {  	_ =	shalt  }
0x78: {  	_ =	shalt  }
0x79: {  	_ =	shalt  }
0x7a: {  	_ =	shalt  }
0x7b: {  	_ =	shalt  }
0x7c: {  	_ =	shalt  }
0x7d: {  	_ =	shalt  }
0x7e: {  	_ =	shalt  }
0x7f: {  	_ =	shalt  }
0x80: {  	_ =	shalt  }
0x81: {  	_ =	shalt  }
0x82: {  	_ =	shalt  }
0x83: {  	_ =	shalt  }
0x84: {  	_ =	shalt  }
0x85: {  	_ =	shalt  }
0x86: {  	_ =	shalt  }
0x87: {  	_ =	shalt  }
.Lfunc_end0:
.L_simem_size_0:
called_computation_lowered:
.L_overlay_start_0:
0x88: {  	s2 =	sld [smem:$0x3FD9]  }
0x89: {  	s3 =	sld [smem:$0x3FFE];
	_ =	sdelay $0x1  }
0x8a: {  	s1 =	srdreg.scid  }
0x8b: {  	s0 =	sand.u32 $0x1, s1  }
0x8c: {  	s16 =	sshll.u32 s0, $0xA;
	s2 =	sadd.s32 s3, s2  }
0x8d: {  	s2 =	sadd.s32 s2, s16  }
0x8e: {  	[smem:$0x3FB8] =	sst s2  }
0x8f: {  	_ = 	snop  }
0x90: {  	(tm) =	ssettm $0x1  }
0x91: {  	s17 =	sld [smem:$0x3FFB];
	_ =	sdelay $0x3  }
0x92: {  	_ =	strace s17  }
0x93: {  	s2 =	sld [smem:$0x3FFC];
	_ =	sdelay $0x3  }
0x94: {  	_ =	strace s2  }
0x95: {  	s2 =	sld [smem:$0x3FFD];
	_ =	sdelay $0x3  }
0x96: {  	_ =	strace s2  }
0x97: {  	_ =	strace $0x8FFFFFFF  }
0x98: {  	s18 =	sld [smem:$0x3FDB];
	_ =	sdelay $0x1  }
0x99: {  	s19 =	simm.s32 $_scs_section_size  }
0x9a: {  	s4 =	simm.s32 $_size__tile_overlayer_lowered;
	s5 =	simm.s32 $_tile_overlayer_lowered  }
0x9b: {  	s22 =	simm.s32 $0x1BFF;
	s21 =	sshll.u32 s5, $0x1;
	s2 =	sadd.s32 s19, s18  }
0x9c: {  	s6 =	simm.s32 $0x0;
	s20 =	sshll.u32 s4, $0x1;
	s4 =	sadd.s32 s21, s2  }
0x9d: {  	[timem:s6], [sflag:s22] =	dma.local [hbm:s4], s20  }
0x9e: {  	_ =	swait.ge [sflag:s22], s20  }
0x9f: {  	s3 =	ssub.s32 $0x0, s20;
	[sflag:s22] =	ssyncset.done $0x0  }
0xa0: {  	[sflag:s22] =	ssyncadd.s32 s3;
	_ =	sdelay $0x1  }
0xa1: {  	s23 =	simm.s32 $0x1B8B  }
0xa2: {  	_ =	swait.ge [sflag:s23], $0x1  }
0xa3: {  	[sflag:s23] =	ssyncset.done $0x0  }
0xa4: {  	s25 =	simm.s32 $0x1B8E;
	s24 =	sld [smem:$0x3FFE];
	[sflag:s23] =	ssyncadd.s32 $0xFFFFFFFF  }
0xa5: {  	s26 =	simm.s32 $execute0_lowered;
	[smem:$0x3FD2] =	sst s25  }
0xa6: {  	s4 =	sshll.u32 s26, $0x1;
	_ =	strace $0x80000046;
	[dreg:$0x1] =	wrdreg $0xFFFFFFFF  }
0xa7: {  	s28 =	simm.s32 $_size_execute0_lowered;
	s2 =	sadd.s32 s2, s4;
	[dreg:$0x0] =	wrdreg $0x0  }
0xa8: {  	s4 =	sshll.u32 s28, $0x1;
	[dreg:$0x2] =	wrdreg s2  }
0xa9: {  	[dreg:$0x3] =	wrdreg s4  }
0xaa: {  	[dreg:$0x4] =	wrdreg $0xC0  }
0xab: {  	_ =	task [dreg:s6], $0x5FFFF  }
0xac: {  	[dreg:$0x1] =	wrdreg $0xFFFFFFFF  }
0xad: {  	[dreg:$0x0] =	wrdreg $0x60  }
0xae: {  	[dreg:$0x2] =	wrdreg s24  }
0xaf: {  	[dreg:$0x3] =	wrdreg $0x29D00  }
0xb0: {  	[dreg:$0x4] =	wrdreg $0x9  }
0xb1: {  	_ =	task.clear_ibuf [dreg:s6], $0x5FFFF;
	_ =	strace $0x90000046  }
0xb2: {  	s29 =	simm.s32 $0x9;
	_ =	strace $0x80000048  }
0xb3: {  	_ =	swait.ge [sflag:s29], $0x1  }
0xb4: {  	[sflag:s29] =	ssyncadd.s32 $0xFFFFFFFF  }
0xb5: {  	_ =	strace $0x90000048  }
0xb6: {  	_ =	sfence  }
0xb7: {  	s30 =	sld [smem:$0x0];
	_ =	sdelay $0x2  }
0xb8: {  	s31 =	sshll.u32 s1, $0xD;
	s1 =	sshrl.u32 s1, $0x2  }
0xb9: {  	s3 =	sand.u32 $0x4000, s31;
	s1 =	sadd.s32 s1, s30  }
0xba: {  	s0 =	sor.u32 s3, s0;
	s1 =	sshll.u32 s1, $0x11  }
0xbb: {  	s0 =	sor.u32 s1, s0  }
0xbc: {  	s0 =	sadd.s32 $0x8F2B, s0  }
0xbd: {  	[sflag:s0] =	ssyncadd.remote.s32 $0x1  }
0xbe: {  	_ =	sfence.sel $0xFFFF  }
0xbf: {  	[dreg:$0x0] =	wrdreg $0xFFFFFFFF;
	(pc) =	sbr.abs _section_cstart, $3  }
0xc0: {  	[dreg:$0x1] =	wrdreg $0xFFFFFFFF  }
0xc1: {  	_ =	task.clear_ibuf [dreg:s6], $0x2FFFF;
	_ =	strace $0x9FFFFFFF  }
0xc2: {  	(tm) =	ssettm $0x7FFFFFFF  }
0xc3: {  	_ =	shalt  }
tec
execute0_lowered:
.L_overlay_start_1:
0x0: {  	(tag) =	ssettag $0x1  }
0x1: {  	s5 =	rddreg [dreg:$0x0]  }
0x2: {  	s2 =	rddreg [dreg:$0x1]  }
0x3: {  	s0 =	rddreg [dreg:$0x2]  }
0x4: {  	s1 =	stileid.u32;
	s3 =	simm.s32 $0x0;
	s6 =	srdreg.scid  }
0x5: {  	s13 =	simm.s32 $0x50;
	s14 =	simm.s32 $0x2710;
	s15 =	simm.s32 $0x0  }
0x6: {  	s4 =	smul.u32 $0x9C4, s1;
	[smem:$0x7FF] =	sst s3;
	s6 =	sand.u32 $0x1, s6  }
0x7: {  	s10 =	smul.u32 $0x270, s1;
	s12 =	sadd.s32 $0xE600, s5;
	p0 =	sne.s32 s1, $0xF  }
0x8: {  	_ =	strace $0x80000047;
	s8 =	smul.u32 $0x4E2, s6;
	s9 =	ssub.s32 $0x2, s6  }
0x9: {  	s29 =	smul.u32 $0x2710, s6;
	s7 =	sadd.s32 s4, s5;
	s4 =	sadd.s32 $0xE000, s5  }
0xa: {  	s11 =	sshrl.u32 s9, $0x1;
	s6 =	sadd.s32 s10, s2;
	s7 =	sadd.s32 s8, s7  }
0xb: {  	s11 =	ssub.s32 s9, s11;
	s30 =	sadd.s32 s10, s29;
	s8 =	sshrl.u32 s29, $0x3  }
0xc: {  	s5 =	sadd.s32 $0x4200, s7;
	s7 =	sadd.s32 $0x2700, s2;
	s9 =	sshrl.u32 s30, $0x3  }
0xd: {  	s31 =	sadd.s32 s12, s8;
	s10 =	smax.u32 s11, $0x1;
	s11 =	simm.s32 $0x1  }
0xe: {  	v0 =	vimm.f32 $1.000000000e+00;
	s8 =	sadd.s32 s12, s9;
	s9 =	sadd.s32 $0x4E0, s31;
	s12 =	simm.s32 $0x2760  }
.LBB2_1:
0xf: {  	[tilespmem:s3], [sflag:$0x1] =	stream.linear.gather [hbm4b:s5+s3], $0x2710, $0x38;
	[tilespmem:$0x2C48] =	vst v63  }
0x10: {  	_ =	swait.ge [sflag:s11], $0x2710  }
0x11: {  	[sflag:s11] =	ssyncset.done $0x0  }
0x12: {  	[sflag:s11] =	ssyncadd.s32 $0xFFFFD8F0  }
0x13: {  	[tilespmem:$0x2710] =	vst v0  }
0x14: {  	[tilespmem:$0x2720] =	vst v0  }
0x15: {  	[tilespmem:$0x2730] =	vst v0  }
0x16: {  	[tilespmem:$0x2740] =	vst v0  }
0x17: {  	[tilespmem:$0x2750] =	vst v0  }
0x18: {  	[tilespmem:s12], [sflag:$0x1] =	stream.linear.gather [hbm4b:s4+s3], $0x270, $0x38;
	[tilespmem:$0x2C48] =	vst v63  }
0x19: {  	_ =	swait.ge [sflag:s11], $0x270  }
0x1a: {  	[sflag:s11] =	ssyncset.done $0x0  }
0x1b: {  	[sflag:s11] =	ssyncadd.s32 $0xFFFFFD90  }
0x1c: {  	[spmem:s6] =	stream.linear.scatter [tilespmem:s12], [sflag:$0x1], $0x270, $0x38;
	[tilespmem:$0x2C48] =	vst v63  }
0x1d: {  	_ =	swait.ge [sflag:s11], $0x270  }
0x1e: {  	[sflag:s11] =	ssyncset.done $0x0  }
0x1f: {  	s16 =	simm.s32 @!p0 $0x2760;
	[sflag:s11] =	ssyncadd.s32 $0xFFFFFD90  }
0x20: {  	[spmem:s7] =	stream.linear.scatter @!p0 [tilespmem:s16], [sflag:$0x1], $0x10, $0x38;
	[tilespmem:$0x2C48] =	vst v63  }
0x21: {  	s16 =	simm.s32 @!p0 $0x1  }
0x22: {  	_ =	swait.ge @!p0 [sflag:s16], $0x10  }
0x23: {  	[sflag:s16] =	ssyncset.done @!p0 $0x0  }
0x24: {  	[sflag:s16] =	ssyncadd.s32 @!p0 $0xFFFFFFF0  }
0x25: {  	s31 =	simm.s32 $0x0;
	[bflag:$0x0] =	sbarrier.arrive $0xFFFF  }
0x26: {  	[spmem:s2] =	stream.indirect.scatter.add.f32 [tilespmem:s14], [sflag:$0x1], $0x1, s31, s13, $0xb8;
	[tilespmem:$0x2C48] =	vst v63  }
0x27: {  	_ =	swait.ge [sflag:s11], $0x50  }
0x28: {  	s16 =	simm.s32 $0x140;
	[sflag:s11] =	ssyncset.done $0x0  }
.LBB2_2:
0x29: {  	s17 =	sshra.s32 s16, $0x2;
	[sflag:s11] =	ssyncadd.s32 $0xFFFFFFB0;
	p1 =	sne.s32 s16, $0x9B00  }
0x2a: {  	[spmem:s2] =	stream.indirect.scatter.add.f32 [tilespmem:s14], [sflag:$0x1], $0x1, s17, s13, $0xb8;
	[tilespmem:$0x2C48] =	vst v63  }
.Ltmp0:
0x2b: {  	_ = 	snop;
	(pc) =	sbr.rel @p1 .LBB2_2-.Ltmp0, $4  }
0x2c: {  	_ = 	snop  }
0x2d: {  	s16 =	sadd.s32 $0x140, s16  }
0x2e: {  	_ =	swait.ge [sflag:s11], $0x50  }
0x2f: {  	[sflag:s11] =	ssyncset.done $0x0  }
0x30: {  	[sflag:s11] =	ssyncadd.s32 $0xFFFFFFB0  }
0x31: {  	[bflag:$0x0] =	sbarrier.arrive $0xFFFF  }
0x32: {  	[tilespmem:s12], [sflag:$0x1] =	stream.linear.gather [spmem:s6], $0x270, $0x38;
	[tilespmem:$0x2C48] =	vst v63  }
0x33: {  	_ =	swait.ge [sflag:s11], $0x270  }
0x34: {  	[sflag:s11] =	ssyncset.done $0x0  }
0x35: {  	[sflag:s11] =	ssyncadd.s32 $0xFFFFFD90  }
0x36: {  	[hbm4b:s8+s3] =	stream.linear.scatter [tilespmem:s12], [sflag:$0x1], $0x270, $0x38;
	[tilespmem:$0x2C48] =	vst v63  }
0x37: {  	_ =	swait.ge [sflag:s11], $0x270  }
0x38: {  	[sflag:s11] =	ssyncset.done $0x0  }
0x39: {  	s16 =	simm.s32 @!p0 $0x2760;
	s17 =	simm.s32 @!p0 $0x1;
	[sflag:s11] =	ssyncadd.s32 $0xFFFFFD90  }
0x3a: {  	[tilespmem:s16], [sflag:$0x1] =	stream.linear.gather @!p0 [spmem:s7], $0x10, $0x38;
	[tilespmem:$0x2C48] =	vst v63  }
0x3b: {  	s15 =	sadd.s32 $0x1, s15;
	_ =	swait.ge @!p0 [sflag:s17], $0x10  }
0x3c: {  	p1 =	sne.s32 s15, s10;
	[sflag:s17] =	ssyncset.done @!p0 $0x0  }
.Ltmp1:
0x3d: {  	s18 =	simm.s32 @!p0 $0x0;
	[sflag:s17] =	ssyncadd.s32 @!p0 $0xFFFFFFF0;
	(pc) =	sbr.rel @p1 .LBB2_1-.Ltmp1, $4  }
0x3e: {  	[hbm4b:s9+s18] =	stream.linear.scatter @!p0 [tilespmem:s16], [sflag:$0x1], $0x10, $0x38;
	[tilespmem:$0x2C48] =	vst v63  }
0x3f: {  	_ =	swait.ge @!p0 [sflag:s17], $0x10  }
0x40: {  	[sflag:s17] =	ssyncset.done @!p0 $0x0  }
0x41: {  	[sflag:s17] =	ssyncadd.s32 @!p0 $0xFFFFFFF0  }
0x42: {  	_ =	sfence.sel $0x180000  }
0x43: {  	[bflag:$0x0] =	sbarrier.arrive $0xFFFF  }
0x44: {  	p0 =	sne.s32 s1, $0x0;
	_ =	strace $0x90000047  }
0x45: {  	s0 =	sadd.s32 @!p0 $0x100000, s0;
	[bflag:$0x2] =	sbarrier.arrive $0xFFFF  }
0x46: {  	[sflag:s0] =	ssyncadd.tile.s32 @!p0 $0x1;
	_ =	shalt  }
.Lfunc_end2:
_tile_overlayer_lowered:
.L_overlay_start_2:
0x47: {  	(tag) =	ssettag $0x2  }
0x48: {  	s0 =	rddreg [dreg:$0x0];
	s2 =	stileid.u32  }
0x49: {  	s1 =	rddreg [dreg:$0x1];
	p0 =	sne.s32 s2, $0x0  }
0x4a: {  	s3 =	rddreg [dreg:$0x2];
	[bflag:$0x3] =	sbarrier.arrive $0xFFFF;
	s2 =	simm.s32 @!p0 $0x1C01  }
0x4b: {  	[timem:s3], [sflag:s2] =	dma.local @!p0 [hbm:s0], s1  }
0x4c: {  	s0 =	simm.s32 @!p0 $0x1  }
0x4d: {  	_ =	swait.ge @!p0 [sflag:s0], s1  }
0x4e: {  	s1 =	ssub.s32 @!p0 $0x0, s1;
	[sflag:s0] =	ssyncset.done @!p0 $0x0  }
0x4f: {  	[sflag:s0] =	ssyncadd.s32 @!p0 s1  }
0x50: {  	[bflag:$0x3] =	sbarrier.arrive $0xFFFF  }
0x51: {  	_ =	shalt  }

// kernel: kernel.13.cloned.1.call-start
scs
__scs_entry_jumppad:
0x0: {  	(pc) =	sbr.rel $0x88, $3  }
0x1: {  	(tag) =	ssettag $0x0;
	lr =	simm.s32 $0x1  }
0x2: {  	[smem:$0x3F91] =	sst lr;
	_ =	strace $0xD0000000  }
0x3: {  	_ = 	snop  }
0x4: {  	_ = 	snop  }
0x5: {  	_ = 	snop  }
0x6: {  	_ = 	snop  }
0x7: {  	_ = 	snop  }
__scs_overlays_trampoline_lowered:
0x8: {  	[smem:$0x3FA0] =	sst s0  }
0x9: {  	[smem:$0x3FA1] =	sst s1  }
0xa: {  	[smem:$0x3FA2] =	sst s2  }
0xb: {  	[smem:$0x3FA3] =	sst s3  }
0xc: {  	[smem:$0x3FA4] =	sst s4  }
0xd: {  	[smem:$0x3FA5] =	sst s5  }
0xe: {  	[smem:$0x3FA6] =	sst s6  }
0xf: {  	[smem:$0x3FA7] =	sst s7  }
0x10: {  	[smem:$0x3FA8] =	sst s8  }
0x11: {  	[smem:$0x3FA9] =	sst s9;
	s0 =	simm.s32 @!p0 $0x0  }
0x12: {  	s1 =	sld [smem:$0x3F8F];
	s0 =	simm.s32 @p0 $0x1  }
0x13: {  	[smem:$0x3FAA] =	sst s0;
	s0 =	simm.s32 @!p1 $0x0  }
0x14: {  	s2 =	sld [smem:$0x3F8E];
	s0 =	simm.s32 @p1 $0x1  }
0x15: {  	[smem:$0x3FAB] =	sst s0;
	s0 =	simm.s32 @!p2 $0x0  }
0x16: {  	s3 =	sld [smem:$0x3FDB];
	s0 =	simm.s32 @p2 $0x1  }
0x17: {  	s4 =	simm.s32 $0x1BF5;
	[smem:$0x3FAD] =	sst s0  }
0x18: {  	s0 =	sld [smem:$0x3F90];
	_ =	swait.ge [sflag:s4], $0x0  }
0x19: {  	s7 =	sld [smem:$0x3F91]  }
0x1a: {  	s8 =	sadd.s32 $0xFFFFE003, lr  }
0x1b: {  	s9 =	sadd.s32 $0xFFFFFEF7, lr;
	s5 =	simm.s32 $0xFFFFFFFF;
	p2 =	slt.u32 s8, $0xFFFFF086  }
0x1c: {  	p1 =	slt.u32 s9, $0xF7A;
	s5 =	simm.s32 @!p2 $0x0  }
0x1d: {  	s5 =	simm.s32 @p1 $0x1;
	p0 =	seq.s32 s7, s2  }
0x1e: {  	s7 =	smul.u32 @!p0 $0xF7A, s2;
	p2 =	seq.s32 @!p0 s5, $0x0  }
0x1f: {  	s9 =	smul.u32 $0xF7A, s1;
	s8 =	simm.s32 @!p0 $0x1BF5;
	p2 =	por !p2, p0  }
0x20: {  	[sflag:s8] =	ssyncset.s32 @!p0 $0xFFFFF086;
	s6 =	sadd.s32 @!p0 s3, s7;
	s7 =	simm.s32 @!p0 $0x108  }
0x21: {  	s3 =	sadd.s32 s3, s9;
	s6 =	sadd.s32 @!p0 $0x88, s6;
	s7 =	simm.s32 @p2 $0x1082  }
0x22: {  	[simem:s7], [sflag:s8] =	dma.local @!p0 [hbm:s6], $0xF7A  }
0x23: {  	s9 =	sor.u32 $0xD0000000, s2;
	s6 =	simm.s32 $0x108;
	_ =	swait.ge @!p0 [sflag:s8], $0x0  }
0x24: {  	s3 =	sadd.s32 $0x88, s3;
	s6 =	simm.s32 @!p1 $0x1082;
	[sflag:s4] =	ssyncset.s32 $0xFFFFF086  }
0x25: {  	[simem:s6], [sflag:s4] =	dma.local [hbm:s3], $0xF7A  }
0x26: {  	[smem:$0x3F91] =	sst s1;
	(tag) =	ssettag s2;
	_ =	strace s9  }
0x27: {  	s1 =	sld [smem:$0x3FA1]  }
0x28: {  	s2 =	sld [smem:$0x3FA2]  }
0x29: {  	s4 =	sld [smem:$0x3FA4]  }
0x2a: {  	p0 =	seq.s32 s5, $0x0;
	s5 =	sld [smem:$0x3FA5]  }
0x2b: {  	s6 =	sld [smem:$0x3FA6]  }
0x2c: {  	s7 =	sld [smem:$0x3FA7]  }
0x2d: {  	s3 =	simm.s32 $0x108;
	s8 =	sld [smem:$0x3FA8]  }
0x2e: {  	s3 =	simm.s32 @!p0 $0x1082;
	s9 =	sld [smem:$0x3FA9]  }
0x2f: {  	lr =	sadd.s32 s0, s3;
	s0 =	sld [smem:$0x3FA0]  }
0x30: {  	s3 =	sld [smem:$0x3FA3]  }
0x31: {  	[smem:$0x3FAC] =	sst s10  }
0x32: {  	s10 =	sld [smem:$0x3FAA];
	_ =	sdelay $0x3  }
0x33: {  	p0 =	seq.s32 s10, $0x1;
	s10 =	sld [smem:$0x3FAC];
	_ =	sdelay $0x3  }
0x34: {  	[smem:$0x3FAC] =	sst s10  }
0x35: {  	s10 =	sld [smem:$0x3FAB];
	_ =	sdelay $0x3  }
0x36: {  	p1 =	seq.s32 s10, $0x1;
	s10 =	sld [smem:$0x3FAC];
	_ =	sdelay $0x3  }
0x37: {  	[smem:$0x3FAC] =	sst s10  }
0x38: {  	s10 =	sld [smem:$0x3FAD]  }
0x39: {  	_ = 	snop;
	(pc) =	sbr.ind lr, $3  }
0x3a: {  	_ = 	snop  }
0x3b: {  	_ = 	snop  }
0x3c: {  	p2 =	seq.s32 s10, $0x1;
	s10 =	sld [smem:$0x3FAC]  }
0x3d: {  	_ =	shalt  }
0x3e: {  	_ =	shalt  }
0x3f: {  	_ =	shalt  }
0x40: {  	_ =	shalt  }
0x41: {  	_ =	shalt  }
0x42: {  	_ =	shalt  }
0x43: {  	_ =	shalt  }
0x44: {  	_ =	shalt  }
0x45: {  	_ =	shalt  }
0x46: {  	_ =	shalt  }
0x47: {  	_ =	shalt  }
0x48: {  	_ =	shalt  }
0x49: {  	_ =	shalt  }
0x4a: {  	_ =	shalt  }
0x4b: {  	_ =	shalt  }
0x4c: {  	_ =	shalt  }
0x4d: {  	_ =	shalt  }
0x4e: {  	_ =	shalt  }
0x4f: {  	_ =	shalt  }
0x50: {  	_ =	shalt  }
0x51: {  	_ =	shalt  }
0x52: {  	_ =	shalt  }
0x53: {  	_ =	shalt  }
0x54: {  	_ =	shalt  }
0x55: {  	_ =	shalt  }
0x56: {  	_ =	shalt  }
0x57: {  	_ =	shalt  }
0x58: {  	_ =	shalt  }
0x59: {  	_ =	shalt  }
0x5a: {  	_ =	shalt  }
0x5b: {  	_ =	shalt  }
0x5c: {  	_ =	shalt  }
0x5d: {  	_ =	shalt  }
0x5e: {  	_ =	shalt  }
0x5f: {  	_ =	shalt  }
0x60: {  	_ =	shalt  }
0x61: {  	_ =	shalt  }
0x62: {  	_ =	shalt  }
0x63: {  	_ =	shalt  }
0x64: {  	_ =	shalt  }
0x65: {  	_ =	shalt  }
0x66: {  	_ =	shalt  }
0x67: {  	_ =	shalt  }
0x68: {  	_ =	shalt  }
0x69: {  	_ =	shalt  }
0x6a: {  	_ =	shalt  }
0x6b: {  	_ =	shalt  }
0x6c: {  	_ =	shalt  }
0x6d: {  	_ =	shalt  }
0x6e: {  	_ =	shalt  }
0x6f: {  	_ =	shalt  }
0x70: {  	_ =	shalt  }
0x71: {  	_ =	shalt  }
0x72: {  	_ =	shalt  }
0x73: {  	_ =	shalt  }
0x74: {  	_ =	shalt  }
0x75: {  	_ =	shalt  }
0x76: {  	_ =	shalt  }
0x77: {  	_ =	shalt  }
0x78: {  	_ =	shalt  }
0x79: {  	_ =	shalt  }
0x7a: {  	_ =	shalt  }
0x7b: {  	_ =	shalt  }
0x7c: {  	_ =	shalt  }
0x7d: {  	_ =	shalt  }
0x7e: {  	_ =	shalt  }
0x7f: {  	_ =	shalt  }
0x80: {  	_ =	shalt  }
0x81: {  	_ =	shalt  }
0x82: {  	_ =	shalt  }
0x83: {  	_ =	shalt  }
0x84: {  	_ =	shalt  }
0x85: {  	_ =	shalt  }
0x86: {  	_ =	shalt  }
0x87: {  	_ =	shalt  }
.Lfunc_end0:
.L_simem_size_0:
called_computation.1_lowered:
.L_overlay_start_0:
0x88: {  	s2 =	sld [smem:$0x3FD9]  }
0x89: {  	s3 =	sld [smem:$0x3FFE];
	_ =	sdelay $0x1  }
0x8a: {  	s1 =	srdreg.scid  }
0x8b: {  	s0 =	sand.u32 $0x1, s1  }
0x8c: {  	s16 =	sshll.u32 s0, $0xA;
	s2 =	sadd.s32 s3, s2  }
0x8d: {  	s2 =	sadd.s32 s2, s16  }
0x8e: {  	[smem:$0x3FB8] =	sst s2  }
0x8f: {  	_ = 	snop  }
0x90: {  	(tm) =	ssettm $0x1  }
0x91: {  	s17 =	sld [smem:$0x3FFB];
	_ =	sdelay $0x3  }
0x92: {  	_ =	strace s17  }
0x93: {  	s2 =	sld [smem:$0x3FFC];
	_ =	sdelay $0x3  }
0x94: {  	_ =	strace s2  }
0x95: {  	s2 =	sld [smem:$0x3FFD];
	_ =	sdelay $0x3  }
0x96: {  	_ =	strace s2  }
0x97: {  	_ =	strace $0x8FFFFFFF  }
0x98: {  	s18 =	sld [smem:$0x3FDB];
	_ =	sdelay $0x1  }
0x99: {  	s19 =	simm.s32 $_scs_section_size  }
0x9a: {  	s4 =	simm.s32 $_size__tile_overlayer_lowered;
	s5 =	simm.s32 $_tile_overlayer_lowered  }
0x9b: {  	s22 =	simm.s32 $0x1BFF;
	s21 =	sshll.u32 s5, $0x1;
	s2 =	sadd.s32 s19, s18  }
0x9c: {  	s6 =	simm.s32 $0x0;
	s20 =	sshll.u32 s4, $0x1;
	s4 =	sadd.s32 s21, s2  }
0x9d: {  	[timem:s6], [sflag:s22] =	dma.local [hbm:s4], s20  }
0x9e: {  	_ =	swait.ge [sflag:s22], s20  }
0x9f: {  	s3 =	ssub.s32 $0x0, s20;
	[sflag:s22] =	ssyncset.done $0x0  }
0xa0: {  	[sflag:s22] =	ssyncadd.s32 s3;
	_ =	sdelay $0x1  }
0xa1: {  	s23 =	simm.s32 $0x1B8B  }
0xa2: {  	_ =	swait.ge [sflag:s23], $0x1  }
0xa3: {  	[sflag:s23] =	ssyncset.done $0x0  }
0xa4: {  	s25 =	simm.s32 $0x1B8E;
	s24 =	sld [smem:$0x3FFE];
	[sflag:s23] =	ssyncadd.s32 $0xFFFFFFFF  }
0xa5: {  	s26 =	simm.s32 $execute0_lowered;
	[smem:$0x3FD2] =	sst s25  }
0xa6: {  	s4 =	sshll.u32 s26, $0x1;
	_ =	strace $0x80000049;
	[dreg:$0x1] =	wrdreg $0xFFFFFFFF  }
0xa7: {  	s28 =	simm.s32 $_size_execute0_lowered;
	s2 =	sadd.s32 s2, s4;
	[dreg:$0x0] =	wrdreg $0x0  }
0xa8: {  	s4 =	sshll.u32 s28, $0x1;
	[dreg:$0x2] =	wrdreg s2  }
0xa9: {  	[dreg:$0x3] =	wrdreg s4  }
0xaa: {  	[dreg:$0x4] =	wrdreg $0xC0  }
0xab: {  	_ =	task [dreg:s6], $0x5FFFF  }
0xac: {  	[dreg:$0x1] =	wrdreg $0xFFFFFFFF  }
0xad: {  	[dreg:$0x0] =	wrdreg $0x60  }
0xae: {  	[dreg:$0x2] =	wrdreg s24  }
0xaf: {  	[dreg:$0x3] =	wrdreg $0x114400  }
0xb0: {  	[dreg:$0x4] =	wrdreg $0x9  }
0xb1: {  	_ =	task.clear_ibuf [dreg:s6], $0x5FFFF;
	_ =	strace $0x90000049  }
0xb2: {  	s29 =	simm.s32 $0x9;
	_ =	strace $0x8000004B  }
0xb3: {  	_ =	swait.ge [sflag:s29], $0x1  }
0xb4: {  	[sflag:s29] =	ssyncadd.s32 $0xFFFFFFFF  }
0xb5: {  	_ =	strace $0x9000004B  }
0xb6: {  	_ =	sfence  }
0xb7: {  	s30 =	sld [smem:$0x0];
	_ =	sdelay $0x2  }
0xb8: {  	s31 =	sshll.u32 s1, $0xD;
	s1 =	sshrl.u32 s1, $0x2  }
0xb9: {  	s3 =	sand.u32 $0x4000, s31;
	s1 =	sadd.s32 s1, s30  }
0xba: {  	s0 =	sor.u32 s3, s0;
	s1 =	sshll.u32 s1, $0x11  }
0xbb: {  	s0 =	sor.u32 s1, s0  }
0xbc: {  	s0 =	sadd.s32 $0x8F2B, s0  }
0xbd: {  	[sflag:s0] =	ssyncadd.remote.s32 $0x1  }
0xbe: {  	_ =	sfence.sel $0xFFFF  }
0xbf: {  	[dreg:$0x0] =	wrdreg $0xFFFFFFFF;
	(pc) =	sbr.abs _section_cstart, $3  }
0xc0: {  	[dreg:$0x1] =	wrdreg $0xFFFFFFFF  }
0xc1: {  	_ =	task.clear_ibuf [dreg:s6], $0x2FFFF;
	_ =	strace $0x9FFFFFFF  }
0xc2: {  	(tm) =	ssettm $0x7FFFFFFF  }
0xc3: {  	_ =	shalt  }
tec
execute0_lowered:
.L_overlay_start_1:
0x0: {  	(tag) =	ssettag $0x1  }
0x1: {  	s0 =	rddreg [dreg:$0x0];
	s1 =	srdreg.scid  }
0x2: {  	s3 =	stileid.u32;
	s2 =	rddreg [dreg:$0x1]  }
0x3: {  	s6 =	simm.s32 $0x0;
	s15 =	simm.s32 $0x9C40;
	s16 =	simm.s32 $0xD  }
0x4: {  	s17 =	simm.s32 $0x1;
	s18 =	simm.s32 $0x2;
	s19 =	simm.s32 $0x50  }
0x5: {  	s20 =	simm.s32 $0xB040;
	s28 =	simm.s32 $0xD840;
	s30 =	simm.s32 $0xEC40  }
0x6: {  	s29 =	simm.s32 $0x7;
	s31 =	simm.s32 $0x8;
	s5 =	smul.u32 $0x4E20, s3  }
0x7: {  	s1 =	sand.u32 $0x1, s1;
	[smem:$0x7FF] =	sst s6;
	s22 =	smul.u32 $0x270, s3  }
0x8: {  	s8 =	sadd.s32 $0xE000, s0;
	s9 =	smul.u32 $0x27000, s3;
	s12 =	sadd.s32 $0x9C000, s2  }
0x9: {  	p0 =	sne.s32 s3, $0xF;
	s4 =	smul.u32 $0x4E200, s1;
	_ =	strace $0x8000004A  }
0xa: {  	s7 =	smul.u32 $0x27100, s1;
	[dreg:$0x3] =	wrdreg s8;
	s1 =	ssub.s32 $0x2, s1  }
0xb: {  	s23 =	sshrl.u32 s1, $0x1;
	s24 =	sshrl.u32 s9, $0x2;
	s25 =	sadd.s32 $0xD0, s22  }
0xc: {  	s26 =	sadd.s32 $0x1A0, s22;
	s22 =	simm.s32 $0xC440;
	s21 =	sadd.s32 s5, s4  }
0xd: {  	s4 =	sadd.s32 $0x22A00, s0;
	s5 =	sshrl.u32 s5, $0x3;
	s1 =	ssub.s32 s1, s23  }
0xe: {  	s9 =	sadd.s32 s24, s2;
	s13 =	sshll.u32 s25, $0x6;
	s8 =	sshll.u32 s26, $0x6  }
0xf: {  	s23 =	sshll.u32 s25, $0x4;
	s24 =	sshll.u32 s26, $0x4;
	s6 =	sshrl.u32 s21, $0x3  }
0x10: {  	s5 =	sadd.s32 s5, s0;
	s10 =	sadd.s32 s13, s2;
	s11 =	sadd.s32 s8, s2  }
0x11: {  	s21 =	smul.u32 $0x2700, s3;
	s1 =	smax.u32 s1, $0x1;
	s13 =	simm.s32 $0xC  }
0x12: {  	s8 =	simm.s32 $0x0;
	s6 =	sadd.s32 s6, s0;
	s0 =	sadd.s32 s7, s0  }
0x13: {  	s5 =	sadd.s32 $0x4200, s5;
	[dreg:$0x7] =	wrdreg s1;
	s1 =	simm.s32 $0x4  }
0x14: {  	s7 =	simm.s32 $0xA;
	s6 =	sadd.s32 $0xF000, s6;
	[dreg:$0x5] =	wrdreg s5  }
0x15: {  	s14 =	sadd.s32 $0x49C00, s0;
	s5 =	simm.s32 $0x9;
	[dreg:$0x4] =	wrdreg s6  }
0x16: {  	s0 =	sadd.s32 s21, s14;
	s25 =	sadd.s32 s23, s14;
	[dreg:$0x6] =	wrdreg s14  }
0x17: {  	s26 =	sadd.s32 s24, s14;
	s21 =	simm.s32 $0x3;
	[dreg:$0x8] =	wrdreg s0  }
0x18: {  	s6 =	simm.s32 $0x6;
	s14 =	simm.s32 $0xB;
	[dreg:$0x9] =	wrdreg s25  }
0x19: {  	[dreg:$0xa] =	wrdreg s26;
	s0 =	simm.s32 $0x10040;
	s26 =	simm.s32 $0x5  }
.LBB2_1:
0x1a: {  	[dreg:$0xb] =	wrdreg s8  }
0x1b: {  	s3 =	simm.s32 $0x0;
	s25 =	rddreg [dreg:$0x4]  }
0x1c: {  	[tilespmem:s3], [sflag:$0x1] =	stream.linear.gather [hbm4b:s25+s3], $0x4E20, $0x38;
	[tilespmem:$0x1B080] =	vst v63  }
0x1d: {  	s23 =	rddreg [dreg:$0x5];
	s24 =	simm.s32 $0x4E20  }
0x1e: {  	[tilespmem:s24], [sflag:$0x2] =	stream.linear.gather [hbm4b:s23+s3], $0x4E20, $0x38;
	[tilespmem:$0x1B080] =	vst v63  }
0x1f: {  	s25 =	rddreg [dreg:$0x3]  }
0x20: {  	[tilespmem:s15], [sflag:$0xD] =	stream.linear.gather [hbm4b:s25+s3], $0x3400, $0x38;
	[tilespmem:$0x1B080] =	vst v63  }
0x21: {  	_ =	swait.ge [sflag:s16], $0x3400  }
0x22: {  	[sflag:s16] =	ssyncset.done $0x0  }
0x23: {  	[sflag:s16] =	ssyncadd.s32 $0xFFFFCC00  }
0x24: {  	[spmem:s9] =	stream.linear.scatter [tilespmem:s15], [sflag:$0xD], $0x3400, $0x38;
	[tilespmem:$0x1B080] =	vst v63  }
0x25: {  	_ =	swait.ge [sflag:s16], $0x3400  }
0x26: {  	[sflag:s16] =	ssyncset.done $0x0  }
0x27: {  	[sflag:s16] =	ssyncadd.s32 $0xFFFFCC00  }
0x28: {  	[spmem:s10] =	stream.linear.scatter [tilespmem:s15], [sflag:$0xD], $0x3400, $0x38;
	[tilespmem:$0x1B080] =	vst v63  }
0x29: {  	_ =	swait.ge [sflag:s16], $0x3400  }
0x2a: {  	[sflag:s16] =	ssyncset.done $0x0  }
0x2b: {  	[sflag:s16] =	ssyncadd.s32 $0xFFFFCC00  }
0x2c: {  	[spmem:s11] =	stream.linear.scatter [tilespmem:s15], [sflag:$0xD], $0x3400, $0x38;
	[tilespmem:$0x1B080] =	vst v63  }
0x2d: {  	_ =	swait.ge [sflag:s16], $0x3400  }
0x2e: {  	[sflag:s16] =	ssyncset.done $0x0  }
0x2f: {  	s23 =	simm.s32 @!p0 $0x9C40;
	[sflag:s16] =	ssyncadd.s32 $0xFFFFCC00  }
0x30: {  	[spmem:s12] =	stream.linear.scatter @!p0 [tilespmem:s23], [sflag:$0xD], $0x400, $0x38;
	[tilespmem:$0x1B080] =	vst v63  }
0x31: {  	s23 =	simm.s32 @!p0 $0xD  }
0x32: {  	_ =	swait.ge @!p0 [sflag:s23], $0x400  }
0x33: {  	[sflag:s23] =	ssyncset.done @!p0 $0x0  }
0x34: {  	[sflag:s23] =	ssyncadd.s32 @!p0 $0xFFFFFC00  }
0x35: {  	_ =	swait.ge [sflag:s17], $0x4E20  }
0x36: {  	[sflag:s17] =	ssyncset.done $0x0  }
0x37: {  	[sflag:s17] =	ssyncadd.s32 $0xFFFFB1E0  }
0x38: {  	_ =	swait.ge [sflag:s18], $0x4E20  }
0x39: {  	[sflag:s18] =	ssyncset.done $0x0  }
0x3a: {  	[sflag:s18] =	ssyncadd.s32 $0xFFFFB1E0  }
0x3b: {  	[bflag:$0x0] =	sbarrier.arrive $0xFFFF  }
0x3c: {  	[tilespmem:s15], [sflag:$0x1] =	stream.indirect.gather [hbm4b:s4+s19], $0x40, s3, s19, $0xb8;
	[tilespmem:$0x1B080] =	vst v63  }
0x3d: {  	_ = 	snop  }
0x3e: {  	[tilespmem:s20], [sflag:$0x2] =	stream.indirect.gather [hbm4b:s4+s19], $0x40, s19, s19, $0xb8;
	[tilespmem:$0x1B080] =	vst v63  }
0x3f: {  	s8 =	simm.s32 $0xA0  }
0x40: {  	[tilespmem:s22], [sflag:$0x3] =	stream.indirect.gather [hbm4b:s4+s19], $0x40, s8, s19, $0xb8;
	[tilespmem:$0x1B080] =	vst v63  }
0x41: {  	s23 =	simm.s32 $0xF0  }
0x42: {  	[tilespmem:s28], [sflag:$0x4] =	stream.indirect.gather [hbm4b:s4+s19], $0x40, s23, s19, $0xb8;
	[tilespmem:$0x1B080] =	vst v63  }
0x43: {  	_ =	swait.ge [sflag:s17], $0x1400  }
0x44: {  	[sflag:s17] =	ssyncset.done $0x0  }
0x45: {  	[sflag:s17] =	ssyncadd.s32 $0xFFFFEC00  }
0x46: {  	[spmem:s2] =	stream.indirect.scatter.add.f32 [tilespmem:s15], [sflag:$0x7], $0x40, s24, s19, $0xb8;
	[tilespmem:$0x1B080] =	vst v63  }
0x47: {  	s24 =	simm.s32 $0x140  }
0x48: {  	[tilespmem:s30], [sflag:$0x5] =	stream.indirect.gather [hbm4b:s4+s19], $0x40, s24, s19, $0xb8;
	[tilespmem:$0x1B080] =	vst v63  }
0x49: {  	_ =	swait.ge [sflag:s18], $0x1400  }
0x4a: {  	[sflag:s18] =	ssyncset.done $0x0  }
0x4b: {  	s25 =	simm.s32 $0x4E70;
	[sflag:s18] =	ssyncadd.s32 $0xFFFFEC00  }
0x4c: {  	[spmem:s2] =	stream.indirect.scatter.add.f32 [tilespmem:s20], [sflag:$0x8], $0x40, s25, s19, $0xb8;
	[tilespmem:$0x1B080] =	vst v63  }
0x4d: {  	s8 =	simm.s32 $0x190  }
0x4e: {  	[tilespmem:s0], [sflag:$0x6] =	stream.indirect.gather [hbm4b:s4+s19], $0x40, s8, s19, $0xb8;
	[tilespmem:$0x1B080] =	vst v63  }
0x4f: {  	_ =	swait.ge [sflag:s21], $0x1400  }
0x50: {  	[sflag:s21] =	ssyncset.done $0x0  }
0x51: {  	s23 =	simm.s32 $0x4EC0;
	[sflag:s21] =	ssyncadd.s32 $0xFFFFEC00  }
0x52: {  	[spmem:s2] =	stream.indirect.scatter.add.f32 [tilespmem:s22], [sflag:$0x9], $0x40, s23, s19, $0xb8;
	[tilespmem:$0x1B080] =	vst v63  }
0x53: {  	_ =	swait.ge [sflag:s29], $0x1400  }
0x54: {  	[sflag:s29] =	ssyncset.done $0x0  }
0x55: {  	s24 =	simm.s32 $0x1E0;
	[sflag:s29] =	ssyncadd.s32 $0xFFFFEC00  }
0x56: {  	[tilespmem:s15], [sflag:$0x1] =	stream.indirect.gather [hbm4b:s4+s19], $0x40, s24, s19, $0xb8;
	[tilespmem:$0x1B080] =	vst v63  }
0x57: {  	_ =	swait.ge [sflag:s1], $0x1400  }
0x58: {  	[sflag:s1] =	ssyncset.done $0x0  }
0x59: {  	s25 =	simm.s32 $0x4F10;
	[sflag:s1] =	ssyncadd.s32 $0xFFFFEC00  }
0x5a: {  	[spmem:s2] =	stream.indirect.scatter.add.f32 [tilespmem:s28], [sflag:$0xA], $0x40, s25, s19, $0xb8;
	[tilespmem:$0x1B080] =	vst v63  }
0x5b: {  	_ =	swait.ge [sflag:s31], $0x1400  }
0x5c: {  	[sflag:s31] =	ssyncset.done $0x0  }
0x5d: {  	s8 =	simm.s32 $0x230;
	[sflag:s31] =	ssyncadd.s32 $0xFFFFEC00  }
0x5e: {  	[tilespmem:s20], [sflag:$0x2] =	stream.indirect.gather [hbm4b:s4+s19], $0x40, s8, s19, $0xb8;
	[tilespmem:$0x1B080] =	vst v63  }
0x5f: {  	_ =	swait.ge [sflag:s26], $0x1400  }
0x60: {  	[sflag:s26] =	ssyncset.done $0x0  }
0x61: {  	s23 =	simm.s32 $0x4F60;
	[sflag:s26] =	ssyncadd.s32 $0xFFFFEC00  }
0x62: {  	[spmem:s2] =	stream.indirect.scatter.add.f32 [tilespmem:s30], [sflag:$0xB], $0x40, s23, s19, $0xb8;
	[tilespmem:$0x1B080] =	vst v63  }
0x63: {  	_ =	swait.ge [sflag:s5], $0x1400  }
0x64: {  	[sflag:s5] =	ssyncset.done $0x0  }
0x65: {  	s24 =	simm.s32 $0x280;
	[sflag:s5] =	ssyncadd.s32 $0xFFFFEC00  }
0x66: {  	[tilespmem:s22], [sflag:$0x3] =	stream.indirect.gather [hbm4b:s4+s19], $0x40, s24, s19, $0xb8;
	[tilespmem:$0x1B080] =	vst v63  }
0x67: {  	_ =	swait.ge [sflag:s6], $0x1400  }
0x68: {  	[sflag:s6] =	ssyncset.done $0x0  }
0x69: {  	s25 =	simm.s32 $0x4FB0;
	[sflag:s6] =	ssyncadd.s32 $0xFFFFEC00  }
0x6a: {  	[spmem:s2] =	stream.indirect.scatter.add.f32 [tilespmem:s0], [sflag:$0xC], $0x40, s25, s19, $0xb8;
	[tilespmem:$0x1B080] =	vst v63  }
0x6b: {  	_ =	swait.ge [sflag:s7], $0x1400  }
0x6c: {  	[sflag:s7] =	ssyncset.done $0x0  }
0x6d: {  	s8 =	simm.s32 $0x2D0;
	[sflag:s7] =	ssyncadd.s32 $0xFFFFEC00  }
0x6e: {  	[tilespmem:s28], [sflag:$0x4] =	stream.indirect.gather [hbm4b:s4+s19], $0x40, s8, s19, $0xb8;
	[tilespmem:$0x1B080] =	vst v63  }
0x6f: {  	_ =	swait.ge [sflag:s17], $0x1400  }
0x70: {  	[sflag:s17] =	ssyncset.done $0x0  }
0x71: {  	s24 =	simm.s32 $0x5000;
	[sflag:s17] =	ssyncadd.s32 $0xFFFFEC00  }
0x72: {  	[spmem:s2] =	stream.indirect.scatter.add.f32 [tilespmem:s15], [sflag:$0x7], $0x40, s24, s19, $0xb8;
	[tilespmem:$0x1B080] =	vst v63  }
0x73: {  	_ =	swait.ge [sflag:s14], $0x1400  }
0x74: {  	[sflag:s14] =	ssyncset.done $0x0  }
0x75: {  	s25 =	simm.s32 $0x320;
	[sflag:s14] =	ssyncadd.s32 $0xFFFFEC00  }
0x76: {  	[tilespmem:s30], [sflag:$0x5] =	stream.indirect.gather [hbm4b:s4+s19], $0x40, s25, s19, $0xb8;
	[tilespmem:$0x1B080] =	vst v63  }
0x77: {  	_ =	swait.ge [sflag:s18], $0x1400  }
0x78: {  	[sflag:s18] =	ssyncset.done $0x0  }
0x79: {  	s3 =	simm.s32 $0x5050;
	[sflag:s18] =	ssyncadd.s32 $0xFFFFEC00  }
0x7a: {  	[spmem:s2] =	stream.indirect.scatter.add.f32 [tilespmem:s20], [sflag:$0x8], $0x40, s3, s19, $0xb8;
	[tilespmem:$0x1B080] =	vst v63  }
0x7b: {  	_ =	swait.ge [sflag:s13], $0x1400  }
0x7c: {  	[sflag:s13] =	ssyncset.done $0x0  }
0x7d: {  	s8 =	simm.s32 $0x370;
	[sflag:s13] =	ssyncadd.s32 $0xFFFFEC00  }
0x7e: {  	[tilespmem:s0], [sflag:$0x6] =	stream.indirect.gather [hbm4b:s4+s19], $0x40, s8, s19, $0xb8;
	[tilespmem:$0x1B080] =	vst v63  }
0x7f: {  	_ =	swait.ge [sflag:s21], $0x1400  }
0x80: {  	[sflag:s21] =	ssyncset.done $0x0  }
0x81: {  	s24 =	simm.s32 $0x50A0;
	[sflag:s21] =	ssyncadd.s32 $0xFFFFEC00  }
0x82: {  	[spmem:s2] =	stream.indirect.scatter.add.f32 [tilespmem:s22], [sflag:$0x9], $0x40, s24, s19, $0xb8;
	[tilespmem:$0x1B080] =	vst v63  }
0x83: {  	_ =	swait.ge [sflag:s29], $0x1400  }
0x84: {  	[sflag:s29] =	ssyncset.done $0x0  }
0x85: {  	s25 =	simm.s32 $0x3C0;
	[sflag:s29] =	ssyncadd.s32 $0xFFFFEC00  }
0x86: {  	[tilespmem:s15], [sflag:$0x1] =	stream.indirect.gather [hbm4b:s4+s19], $0x40, s25, s19, $0xb8;
	[tilespmem:$0x1B080] =	vst v63  }
0x87: {  	_ =	swait.ge [sflag:s1], $0x1400  }
0x88: {  	[sflag:s1] =	ssyncset.done $0x0  }
0x89: {  	s3 =	simm.s32 $0x50F0;
	[sflag:s1] =	ssyncadd.s32 $0xFFFFEC00  }
0x8a: {  	[spmem:s2] =	stream.indirect.scatter.add.f32 [tilespmem:s28], [sflag:$0xA], $0x40, s3, s19, $0xb8;
	[tilespmem:$0x1B080] =	vst v63  }
0x8b: {  	_ =	swait.ge [sflag:s31], $0x1400  }
0x8c: {  	[sflag:s31] =	ssyncset.done $0x0  }
0x8d: {  	s8 =	simm.s32 $0x410;
	[sflag:s31] =	ssyncadd.s32 $0xFFFFEC00  }
0x8e: {  	[tilespmem:s20], [sflag:$0x2] =	stream.indirect.gather [hbm4b:s4+s19], $0x40, s8, s19, $0xb8;
	[tilespmem:$0x1B080] =	vst v63  }
0x8f: {  	_ =	swait.ge [sflag:s26], $0x1400  }
0x90: {  	[sflag:s26] =	ssyncset.done $0x0  }
0x91: {  	s24 =	simm.s32 $0x5140;
	[sflag:s26] =	ssyncadd.s32 $0xFFFFEC00  }
0x92: {  	[spmem:s2] =	stream.indirect.scatter.add.f32 [tilespmem:s30], [sflag:$0xB], $0x40, s24, s19, $0xb8;
	[tilespmem:$0x1B080] =	vst v63  }
0x93: {  	_ =	swait.ge [sflag:s5], $0x1400  }
0x94: {  	[sflag:s5] =	ssyncset.done $0x0  }
0x95: {  	s25 =	simm.s32 $0x460;
	[sflag:s5] =	ssyncadd.s32 $0xFFFFEC00  }
0x96: {  	[tilespmem:s22], [sflag:$0x3] =	stream.indirect.gather [hbm4b:s4+s19], $0x40, s25, s19, $0xb8;
	[tilespmem:$0x1B080] =	vst v63  }
0x97: {  	_ =	swait.ge [sflag:s6], $0x1400  }
0x98: {  	[sflag:s6] =	ssyncset.done $0x0  }
0x99: {  	s23 =	simm.s32 $0x5190;
	s25 =	simm.s32 $0x780;
	[sflag:s6] =	ssyncadd.s32 $0xFFFFEC00  }
.LBB2_2:
0x9a: {  	[spmem:s2] =	stream.indirect.scatter.add.f32 [tilespmem:s0], [sflag:$0xC], $0x40, s23, s19, $0xb8;
	[tilespmem:$0x1B080] =	vst v63  }
0x9b: {  	s23 =	smov.u32 s25  }
0x9c: {  	p1 =	sne.s32 s25, $0x12480;
	s25 =	sadd.s32 $0x780, s25;
	_ =	swait.ge [sflag:s7], $0x1400  }
0x9d: {  	s23 =	sshra.s32 s23, $0x2;
	[sflag:s7] =	ssyncset.done $0x0  }
0x9e: {  	s24 =	sadd.s32 $0x2D0, s23;
	[sflag:s7] =	ssyncadd.s32 $0xFFFFEC00  }
0x9f: {  	[tilespmem:s28], [sflag:$0x4] =	stream.indirect.gather [hbm4b:s4+s19], $0x40, s24, s19, $0xb8;
	[tilespmem:$0x1B080] =	vst v63  }
0xa0: {  	_ =	swait.ge [sflag:s17], $0x1400  }
0xa1: {  	[sflag:s17] =	ssyncset.done $0x0  }
0xa2: {  	s24 =	sadd.s32 $0x5000, s23;
	[sflag:s17] =	ssyncadd.s32 $0xFFFFEC00  }
0xa3: {  	[spmem:s2] =	stream.indirect.scatter.add.f32 [tilespmem:s15], [sflag:$0x7], $0x40, s24, s19, $0xb8;
	[tilespmem:$0x1B080] =	vst v63  }
0xa4: {  	_ =	swait.ge [sflag:s14], $0x1400  }
0xa5: {  	[sflag:s14] =	ssyncset.done $0x0  }
0xa6: {  	s24 =	sadd.s32 $0x320, s23;
	[sflag:s14] =	ssyncadd.s32 $0xFFFFEC00  }
0xa7: {  	[tilespmem:s30], [sflag:$0x5] =	stream.indirect.gather [hbm4b:s4+s19], $0x40, s24, s19, $0xb8;
	[tilespmem:$0x1B080] =	vst v63  }
0xa8: {  	_ =	swait.ge [sflag:s18], $0x1400  }
0xa9: {  	[sflag:s18] =	ssyncset.done $0x0  }
0xaa: {  	s24 =	sadd.s32 $0x5050, s23;
	[sflag:s18] =	ssyncadd.s32 $0xFFFFEC00  }
0xab: {  	[spmem:s2] =	stream.indirect.scatter.add.f32 [tilespmem:s20], [sflag:$0x8], $0x40, s24, s19, $0xb8;
	[tilespmem:$0x1B080] =	vst v63  }
0xac: {  	_ =	swait.ge [sflag:s13], $0x1400  }
0xad: {  	[sflag:s13] =	ssyncset.done $0x0  }
0xae: {  	s24 =	sadd.s32 $0x370, s23;
	[sflag:s13] =	ssyncadd.s32 $0xFFFFEC00  }
0xaf: {  	[tilespmem:s0], [sflag:$0x6] =	stream.indirect.gather [hbm4b:s4+s19], $0x40, s24, s19, $0xb8;
	[tilespmem:$0x1B080] =	vst v63  }
0xb0: {  	_ =	swait.ge [sflag:s21], $0x1400  }
0xb1: {  	[sflag:s21] =	ssyncset.done $0x0  }
0xb2: {  	s24 =	sadd.s32 $0x50A0, s23;
	[sflag:s21] =	ssyncadd.s32 $0xFFFFEC00  }
0xb3: {  	[spmem:s2] =	stream.indirect.scatter.add.f32 [tilespmem:s22], [sflag:$0x9], $0x40, s24, s19, $0xb8;
	[tilespmem:$0x1B080] =	vst v63  }
0xb4: {  	_ =	swait.ge [sflag:s29], $0x1400  }
0xb5: {  	[sflag:s29] =	ssyncset.done $0x0  }
0xb6: {  	s24 =	sadd.s32 $0x3C0, s23;
	[sflag:s29] =	ssyncadd.s32 $0xFFFFEC00  }
0xb7: {  	[tilespmem:s15], [sflag:$0x1] =	stream.indirect.gather [hbm4b:s4+s19], $0x40, s24, s19, $0xb8;
	[tilespmem:$0x1B080] =	vst v63  }
0xb8: {  	_ =	swait.ge [sflag:s1], $0x1400  }
0xb9: {  	[sflag:s1] =	ssyncset.done $0x0  }
0xba: {  	s24 =	sadd.s32 $0x50F0, s23;
	[sflag:s1] =	ssyncadd.s32 $0xFFFFEC00  }
0xbb: {  	[spmem:s2] =	stream.indirect.scatter.add.f32 [tilespmem:s28], [sflag:$0xA], $0x40, s24, s19, $0xb8;
	[tilespmem:$0x1B080] =	vst v63  }
0xbc: {  	_ =	swait.ge [sflag:s31], $0x1400  }
0xbd: {  	[sflag:s31] =	ssyncset.done $0x0  }
0xbe: {  	s24 =	sadd.s32 $0x410, s23;
	[sflag:s31] =	ssyncadd.s32 $0xFFFFEC00  }
0xbf: {  	[tilespmem:s20], [sflag:$0x2] =	stream.indirect.gather [hbm4b:s4+s19], $0x40, s24, s19, $0xb8;
	[tilespmem:$0x1B080] =	vst v63  }
0xc0: {  	_ =	swait.ge [sflag:s26], $0x1400  }
0xc1: {  	[sflag:s26] =	ssyncset.done $0x0  }
0xc2: {  	s24 =	sadd.s32 $0x5140, s23;
	[sflag:s26] =	ssyncadd.s32 $0xFFFFEC00  }
0xc3: {  	[spmem:s2] =	stream.indirect.scatter.add.f32 [tilespmem:s30], [sflag:$0xB], $0x40, s24, s19, $0xb8;
	[tilespmem:$0x1B080] =	vst v63  }
0xc4: {  	_ =	swait.ge [sflag:s5], $0x1400  }
0xc5: {  	[sflag:s5] =	ssyncset.done $0x0  }
.Ltmp0:
0xc6: {  	s24 =	sadd.s32 $0x460, s23;
	[sflag:s5] =	ssyncadd.s32 $0xFFFFEC00;
	(pc) =	sbr.rel @p1 .LBB2_2-.Ltmp0, $4  }
0xc7: {  	[tilespmem:s22], [sflag:$0x3] =	stream.indirect.gather [hbm4b:s4+s19], $0x40, s24, s19, $0xb8;
	[tilespmem:$0x1B080] =	vst v63  }
0xc8: {  	_ =	swait.ge [sflag:s6], $0x1400  }
0xc9: {  	[sflag:s6] =	ssyncset.done $0x0  }
0xca: {  	s23 =	sadd.s32 $0x5190, s23;
	[sflag:s6] =	ssyncadd.s32 $0xFFFFEC00  }
0xcb: {  	[spmem:s2] =	stream.indirect.scatter.add.f32 [tilespmem:s0], [sflag:$0xC], $0x40, s23, s19, $0xb8;
	[tilespmem:$0x1B080] =	vst v63  }
0xcc: {  	_ =	swait.ge [sflag:s7], $0x1400  }
0xcd: {  	[sflag:s7] =	ssyncset.done $0x0  }
0xce: {  	s3 =	simm.s32 $0x4DD0;
	[sflag:s7] =	ssyncadd.s32 $0xFFFFEC00  }
0xcf: {  	[tilespmem:s28], [sflag:$0x4] =	stream.indirect.gather [hbm4b:s4+s19], $0x40, s3, s19, $0xb8;
	[tilespmem:$0x1B080] =	vst v63  }
0xd0: {  	_ =	swait.ge [sflag:s17], $0x1400  }
0xd1: {  	[sflag:s17] =	ssyncset.done $0x0  }
0xd2: {  	s24 =	simm.s32 $0x9B00;
	[sflag:s17] =	ssyncadd.s32 $0xFFFFEC00  }
0xd3: {  	[spmem:s2] =	stream.indirect.scatter.add.f32 [tilespmem:s15], [sflag:$0x7], $0x40, s24, s19, $0xb8;
	[tilespmem:$0x1B080] =	vst v63  }
0xd4: {  	_ =	swait.ge [sflag:s14], $0x1400  }
0xd5: {  	[sflag:s14] =	ssyncset.done $0x0  }
0xd6: {  	[sflag:s14] =	ssyncadd.s32 $0xFFFFEC00  }
0xd7: {  	_ =	swait.ge [sflag:s18], $0x1400  }
0xd8: {  	[sflag:s18] =	ssyncset.done $0x0  }
0xd9: {  	s25 =	simm.s32 $0x9B50;
	[sflag:s18] =	ssyncadd.s32 $0xFFFFEC00  }
0xda: {  	[spmem:s2] =	stream.indirect.scatter.add.f32 [tilespmem:s20], [sflag:$0x8], $0x40, s25, s19, $0xb8;
	[tilespmem:$0x1B080] =	vst v63  }
0xdb: {  	_ =	swait.ge [sflag:s13], $0x1400  }
0xdc: {  	[sflag:s13] =	ssyncset.done $0x0  }
0xdd: {  	[sflag:s13] =	ssyncadd.s32 $0xFFFFEC00  }
0xde: {  	_ =	swait.ge [sflag:s21], $0x1400  }
0xdf: {  	[sflag:s21] =	ssyncset.done $0x0  }
0xe0: {  	s8 =	simm.s32 $0x9BA0;
	[sflag:s21] =	ssyncadd.s32 $0xFFFFEC00  }
0xe1: {  	[spmem:s2] =	stream.indirect.scatter.add.f32 [tilespmem:s22], [sflag:$0x9], $0x40, s8, s19, $0xb8;
	[tilespmem:$0x1B080] =	vst v63  }
0xe2: {  	_ =	swait.ge [sflag:s29], $0x1400  }
0xe3: {  	[sflag:s29] =	ssyncset.done $0x0  }
0xe4: {  	[sflag:s29] =	ssyncadd.s32 $0xFFFFEC00  }
0xe5: {  	_ =	swait.ge [sflag:s1], $0x1400  }
0xe6: {  	[sflag:s1] =	ssyncset.done $0x0  }
0xe7: {  	s23 =	simm.s32 $0x9BF0;
	[sflag:s1] =	ssyncadd.s32 $0xFFFFEC00  }
0xe8: {  	[spmem:s2] =	stream.indirect.scatter.add.f32 [tilespmem:s28], [sflag:$0xA], $0x40, s23, s19, $0xb8;
	[tilespmem:$0x1B080] =	vst v63  }
0xe9: {  	_ =	swait.ge [sflag:s31], $0x1400  }
0xea: {  	[sflag:s31] =	ssyncset.done $0x0  }
0xeb: {  	[sflag:s31] =	ssyncadd.s32 $0xFFFFEC00  }
0xec: {  	_ =	swait.ge [sflag:s5], $0x1400  }
0xed: {  	[sflag:s5] =	ssyncset.done $0x0  }
0xee: {  	[sflag:s5] =	ssyncadd.s32 $0xFFFFEC00  }
0xef: {  	_ =	swait.ge [sflag:s7], $0x1400  }
0xf0: {  	[sflag:s7] =	ssyncset.done $0x0  }
0xf1: {  	[sflag:s7] =	ssyncadd.s32 $0xFFFFEC00  }
0xf2: {  	[bflag:$0x0] =	sbarrier.arrive $0xFFFF  }
0xf3: {  	[tilespmem:s15], [sflag:$0xD] =	stream.linear.gather [spmem:s9], $0x3400, $0x38;
	[tilespmem:$0x1B080] =	vst v63  }
0xf4: {  	_ =	swait.ge [sflag:s16], $0x3400  }
0xf5: {  	s8 =	simm.s32 $0x40;
	[sflag:s16] =	ssyncset.done $0x0  }
0xf6: {  	s23 =	simm.s32 $0x80;
	s24 =	rddreg [dreg:$0x8];
	[sflag:s16] =	ssyncadd.s32 $0xFFFFCC00  }
0xf7: {  	[hbm4b:s24+s8] =	stream.strided.scatter [tilespmem:s15], [sflag:$0x7], $0x3400, s23, s8, $0x38;
	[tilespmem:$0x1B080] =	vst v63  }
0xf8: {  	s24 =	simm.s32 $0xD040  }
0xf9: {  	[tilespmem:s24], [sflag:$0xD] =	stream.linear.gather [spmem:s10], $0x3400, $0x38;
	[tilespmem:$0x1B080] =	vst v63  }
0xfa: {  	_ =	swait.ge [sflag:s16], $0x3400  }
0xfb: {  	[sflag:s16] =	ssyncset.done $0x0  }
0xfc: {  	s25 =	rddreg [dreg:$0x9];
	[sflag:s16] =	ssyncadd.s32 $0xFFFFCC00  }
0xfd: {  	[hbm4b:s25+s8] =	stream.strided.scatter [tilespmem:s24], [sflag:$0x8], $0x3400, s23, s8, $0x38;
	[tilespmem:$0x1B080] =	vst v63  }
0xfe: {  	_ =	swait.ge [sflag:s29], $0x3400  }
0xff: {  	[sflag:s29] =	ssyncset.done $0x0  }
0x100: {  	[sflag:s29] =	ssyncadd.s32 $0xFFFFCC00  }
0x101: {  	[tilespmem:s15], [sflag:$0xD] =	stream.linear.gather [spmem:s11], $0x3400, $0x38;
	[tilespmem:$0x1B080] =	vst v63  }
0x102: {  	_ =	swait.ge [sflag:s16], $0x3400  }
0x103: {  	[sflag:s16] =	ssyncset.done $0x0  }
0x104: {  	s25 =	rddreg [dreg:$0xa];
	[sflag:s16] =	ssyncadd.s32 $0xFFFFCC00  }
0x105: {  	[hbm4b:s25+s8] =	stream.strided.scatter [tilespmem:s15], [sflag:$0x7], $0x3400, s23, s8, $0x38;
	[tilespmem:$0x1B080] =	vst v63  }
0x106: {  	_ =	swait.ge [sflag:s31], $0x3400  }
0x107: {  	[sflag:s31] =	ssyncset.done $0x0  }
0x108: {  	[sflag:s31] =	ssyncadd.s32 $0xFFFFCC00  }
0x109: {  	_ =	swait.ge [sflag:s29], $0x3400  }
0x10a: {  	[sflag:s29] =	ssyncset.done $0x0  }
0x10b: {  	s24 =	simm.s32 @!p0 $0xD;
	s23 =	simm.s32 @!p0 $0x10440;
	[sflag:s29] =	ssyncadd.s32 $0xFFFFCC00  }
0x10c: {  	[tilespmem:s23], [sflag:$0xD] =	stream.linear.gather @!p0 [spmem:s12], $0x400, $0x38;
	[tilespmem:$0x1B080] =	vst v63  }
0x10d: {  	_ =	swait.ge @!p0 [sflag:s24], $0x400  }
0x10e: {  	s8 =	simm.s32 @!p0 $0x80;
	[sflag:s24] =	ssyncset.done @!p0 $0x0;
	s3 =	rddreg [dreg:$0x6]  }
0x10f: {  	[sflag:s24] =	ssyncadd.s32 @!p0 $0xFFFFFC00;
	s25 =	sadd.s32 @!p0 $0x27000, s3;
	s3 =	simm.s32 @!p0 $0x40  }
0x110: {  	[hbm4b:s25+s3] =	stream.strided.scatter @!p0 [tilespmem:s23], [sflag:$0xD], $0x400, s8, s3, $0x38;
	[tilespmem:$0x1B080] =	vst v63  }
0x111: {  	_ =	swait.ge @!p0 [sflag:s24], $0x400  }
0x112: {  	s23 =	rddreg [dreg:$0xb]  }
0x113: {  	s25 =	rddreg [dreg:$0x7];
	s8 =	sadd.s32 $0x1, s23  }
0x114: {  	p1 =	sne.s32 s8, s25  }
.Ltmp1:
0x115: {  	_ = 	snop;
	(pc) =	sbr.rel @p1 .LBB2_1-.Ltmp1, $3  }
0x116: {  	_ =	sdelay $0x1  }
0x117: {  	[sflag:s24] =	ssyncset.done @!p0 $0x0  }
0x118: {  	[sflag:s24] =	ssyncadd.s32 @!p0 $0xFFFFFC00  }
0x119: {  	_ =	sfence.sel $0x180000  }
0x11a: {  	[bflag:$0x0] =	sbarrier.arrive $0xFFFF  }
0x11b: {  	_ =	strace $0x9000004A  }
0x11c: {  	s0 =	stileid.u32;
	[bflag:$0x2] =	sbarrier.arrive $0xFFFF  }
0x11d: {  	p0 =	sne.s32 s0, $0x0;
	s0 =	rddreg [dreg:$0x2]  }
0x11e: {  	s0 =	sadd.s32 @!p0 $0x100000, s0  }
0x11f: {  	[sflag:s0] =	ssyncadd.tile.s32 @!p0 $0x1;
	_ =	shalt  }
.Lfunc_end2:
_tile_overlayer_lowered:
.L_overlay_start_2:
0x120: {  	(tag) =	ssettag $0x2  }
0x121: {  	s0 =	rddreg [dreg:$0x0];
	s2 =	stileid.u32  }
0x122: {  	s1 =	rddreg [dreg:$0x1];
	p0 =	sne.s32 s2, $0x0  }
0x123: {  	s3 =	rddreg [dreg:$0x2];
	[bflag:$0x3] =	sbarrier.arrive $0xFFFF;
	s2 =	simm.s32 @!p0 $0x1C0D  }
0x124: {  	[timem:s3], [sflag:s2] =	dma.local @!p0 [hbm:s0], s1  }
0x125: {  	s0 =	simm.s32 @!p0 $0xD  }
0x126: {  	_ =	swait.ge @!p0 [sflag:s0], s1  }
0x127: {  	s1 =	ssub.s32 @!p0 $0x0, s1;
	[sflag:s0] =	ssyncset.done @!p0 $0x0  }
0x128: {  	[sflag:s0] =	ssyncadd.s32 @!p0 s1  }
0x129: {  	[bflag:$0x3] =	sbarrier.arrive $0xFFFF  }
0x12a: {  	_ =	shalt  }

// kernel: kernel.16.cloned.1.call-start
scs
__scs_entry_jumppad:
0x0: {  	(pc) =	sbr.rel $0x88, $3  }
0x1: {  	(tag) =	ssettag $0x0;
	lr =	simm.s32 $0x1  }
0x2: {  	[smem:$0x3F91] =	sst lr;
	_ =	strace $0xD0000000  }
0x3: {  	_ = 	snop  }
0x4: {  	_ = 	snop  }
0x5: {  	_ = 	snop  }
0x6: {  	_ = 	snop  }
0x7: {  	_ = 	snop  }
__scs_overlays_trampoline_lowered:
0x8: {  	[smem:$0x3FA0] =	sst s0  }
0x9: {  	[smem:$0x3FA1] =	sst s1  }
0xa: {  	[smem:$0x3FA2] =	sst s2  }
0xb: {  	[smem:$0x3FA3] =	sst s3  }
0xc: {  	[smem:$0x3FA4] =	sst s4  }
0xd: {  	[smem:$0x3FA5] =	sst s5  }
0xe: {  	[smem:$0x3FA6] =	sst s6  }
0xf: {  	[smem:$0x3FA7] =	sst s7  }
0x10: {  	[smem:$0x3FA8] =	sst s8  }
0x11: {  	[smem:$0x3FA9] =	sst s9;
	s0 =	simm.s32 @!p0 $0x0  }
0x12: {  	s1 =	sld [smem:$0x3F8F];
	s0 =	simm.s32 @p0 $0x1  }
0x13: {  	[smem:$0x3FAA] =	sst s0;
	s0 =	simm.s32 @!p1 $0x0  }
0x14: {  	s2 =	sld [smem:$0x3F8E];
	s0 =	simm.s32 @p1 $0x1  }
0x15: {  	[smem:$0x3FAB] =	sst s0;
	s0 =	simm.s32 @!p2 $0x0  }
0x16: {  	s3 =	sld [smem:$0x3FDB];
	s0 =	simm.s32 @p2 $0x1  }
0x17: {  	s4 =	simm.s32 $0x1BF5;
	[smem:$0x3FAD] =	sst s0  }
0x18: {  	s0 =	sld [smem:$0x3F90];
	_ =	swait.ge [sflag:s4], $0x0  }
0x19: {  	s7 =	sld [smem:$0x3F91]  }
0x1a: {  	s8 =	sadd.s32 $0xFFFFE003, lr  }
0x1b: {  	s9 =	sadd.s32 $0xFFFFFEF7, lr;
	s5 =	simm.s32 $0xFFFFFFFF;
	p2 =	slt.u32 s8, $0xFFFFF086  }
0x1c: {  	p1 =	slt.u32 s9, $0xF7A;
	s5 =	simm.s32 @!p2 $0x0  }
0x1d: {  	s5 =	simm.s32 @p1 $0x1;
	p0 =	seq.s32 s7, s2  }
0x1e: {  	s7 =	smul.u32 @!p0 $0xF7A, s2;
	p2 =	seq.s32 @!p0 s5, $0x0  }
0x1f: {  	s9 =	smul.u32 $0xF7A, s1;
	s8 =	simm.s32 @!p0 $0x1BF5;
	p2 =	por !p2, p0  }
0x20: {  	[sflag:s8] =	ssyncset.s32 @!p0 $0xFFFFF086;
	s6 =	sadd.s32 @!p0 s3, s7;
	s7 =	simm.s32 @!p0 $0x108  }
0x21: {  	s3 =	sadd.s32 s3, s9;
	s6 =	sadd.s32 @!p0 $0x88, s6;
	s7 =	simm.s32 @p2 $0x1082  }
0x22: {  	[simem:s7], [sflag:s8] =	dma.local @!p0 [hbm:s6], $0xF7A  }
0x23: {  	s9 =	sor.u32 $0xD0000000, s2;
	s6 =	simm.s32 $0x108;
	_ =	swait.ge @!p0 [sflag:s8], $0x0  }
0x24: {  	s3 =	sadd.s32 $0x88, s3;
	s6 =	simm.s32 @!p1 $0x1082;
	[sflag:s4] =	ssyncset.s32 $0xFFFFF086  }
0x25: {  	[simem:s6], [sflag:s4] =	dma.local [hbm:s3], $0xF7A  }
0x26: {  	[smem:$0x3F91] =	sst s1;
	(tag) =	ssettag s2;
	_ =	strace s9  }
0x27: {  	s1 =	sld [smem:$0x3FA1]  }
0x28: {  	s2 =	sld [smem:$0x3FA2]  }
0x29: {  	s4 =	sld [smem:$0x3FA4]  }
0x2a: {  	p0 =	seq.s32 s5, $0x0;
	s5 =	sld [smem:$0x3FA5]  }
0x2b: {  	s6 =	sld [smem:$0x3FA6]  }
0x2c: {  	s7 =	sld [smem:$0x3FA7]  }
0x2d: {  	s3 =	simm.s32 $0x108;
	s8 =	sld [smem:$0x3FA8]  }
0x2e: {  	s3 =	simm.s32 @!p0 $0x1082;
	s9 =	sld [smem:$0x3FA9]  }
0x2f: {  	lr =	sadd.s32 s0, s3;
	s0 =	sld [smem:$0x3FA0]  }
0x30: {  	s3 =	sld [smem:$0x3FA3]  }
0x31: {  	[smem:$0x3FAC] =	sst s10  }
0x32: {  	s10 =	sld [smem:$0x3FAA];
	_ =	sdelay $0x3  }
0x33: {  	p0 =	seq.s32 s10, $0x1;
	s10 =	sld [smem:$0x3FAC];
	_ =	sdelay $0x3  }
0x34: {  	[smem:$0x3FAC] =	sst s10  }
0x35: {  	s10 =	sld [smem:$0x3FAB];
	_ =	sdelay $0x3  }
0x36: {  	p1 =	seq.s32 s10, $0x1;
	s10 =	sld [smem:$0x3FAC];
	_ =	sdelay $0x3  }
0x37: {  	[smem:$0x3FAC] =	sst s10  }
0x38: {  	s10 =	sld [smem:$0x3FAD]  }
0x39: {  	_ = 	snop;
	(pc) =	sbr.ind lr, $3  }
0x3a: {  	_ = 	snop  }
0x3b: {  	_ = 	snop  }
0x3c: {  	p2 =	seq.s32 s10, $0x1;
	s10 =	sld [smem:$0x3FAC]  }
0x3d: {  	_ =	shalt  }
0x3e: {  	_ =	shalt  }
0x3f: {  	_ =	shalt  }
0x40: {  	_ =	shalt  }
0x41: {  	_ =	shalt  }
0x42: {  	_ =	shalt  }
0x43: {  	_ =	shalt  }
0x44: {  	_ =	shalt  }
0x45: {  	_ =	shalt  }
0x46: {  	_ =	shalt  }
0x47: {  	_ =	shalt  }
0x48: {  	_ =	shalt  }
0x49: {  	_ =	shalt  }
0x4a: {  	_ =	shalt  }
0x4b: {  	_ =	shalt  }
0x4c: {  	_ =	shalt  }
0x4d: {  	_ =	shalt  }
0x4e: {  	_ =	shalt  }
0x4f: {  	_ =	shalt  }
0x50: {  	_ =	shalt  }
0x51: {  	_ =	shalt  }
0x52: {  	_ =	shalt  }
0x53: {  	_ =	shalt  }
0x54: {  	_ =	shalt  }
0x55: {  	_ =	shalt  }
0x56: {  	_ =	shalt  }
0x57: {  	_ =	shalt  }
0x58: {  	_ =	shalt  }
0x59: {  	_ =	shalt  }
0x5a: {  	_ =	shalt  }
0x5b: {  	_ =	shalt  }
0x5c: {  	_ =	shalt  }
0x5d: {  	_ =	shalt  }
0x5e: {  	_ =	shalt  }
0x5f: {  	_ =	shalt  }
0x60: {  	_ =	shalt  }
0x61: {  	_ =	shalt  }
0x62: {  	_ =	shalt  }
0x63: {  	_ =	shalt  }
0x64: {  	_ =	shalt  }
0x65: {  	_ =	shalt  }
0x66: {  	_ =	shalt  }
0x67: {  	_ =	shalt  }
0x68: {  	_ =	shalt  }
0x69: {  	_ =	shalt  }
0x6a: {  	_ =	shalt  }
0x6b: {  	_ =	shalt  }
0x6c: {  	_ =	shalt  }
0x6d: {  	_ =	shalt  }
0x6e: {  	_ =	shalt  }
0x6f: {  	_ =	shalt  }
0x70: {  	_ =	shalt  }
0x71: {  	_ =	shalt  }
0x72: {  	_ =	shalt  }
0x73: {  	_ =	shalt  }
0x74: {  	_ =	shalt  }
0x75: {  	_ =	shalt  }
0x76: {  	_ =	shalt  }
0x77: {  	_ =	shalt  }
0x78: {  	_ =	shalt  }
0x79: {  	_ =	shalt  }
0x7a: {  	_ =	shalt  }
0x7b: {  	_ =	shalt  }
0x7c: {  	_ =	shalt  }
0x7d: {  	_ =	shalt  }
0x7e: {  	_ =	shalt  }
0x7f: {  	_ =	shalt  }
0x80: {  	_ =	shalt  }
0x81: {  	_ =	shalt  }
0x82: {  	_ =	shalt  }
0x83: {  	_ =	shalt  }
0x84: {  	_ =	shalt  }
0x85: {  	_ =	shalt  }
0x86: {  	_ =	shalt  }
0x87: {  	_ =	shalt  }
.Lfunc_end0:
.L_simem_size_0:
called_computation.2_lowered:
.L_overlay_start_0:
0x88: {  	s2 =	sld [smem:$0x3FD9]  }
0x89: {  	s3 =	sld [smem:$0x3FFE];
	_ =	sdelay $0x1  }
0x8a: {  	s1 =	srdreg.scid  }
0x8b: {  	s0 =	sand.u32 $0x1, s1  }
0x8c: {  	s16 =	sshll.u32 s0, $0xA;
	s2 =	sadd.s32 s3, s2  }
0x8d: {  	s2 =	sadd.s32 s2, s16  }
0x8e: {  	[smem:$0x3FB8] =	sst s2  }
0x8f: {  	_ = 	snop  }
0x90: {  	(tm) =	ssettm $0x1  }
0x91: {  	s17 =	sld [smem:$0x3FFB];
	_ =	sdelay $0x3  }
0x92: {  	_ =	strace s17  }
0x93: {  	s2 =	sld [smem:$0x3FFC];
	_ =	sdelay $0x3  }
0x94: {  	_ =	strace s2  }
0x95: {  	s2 =	sld [smem:$0x3FFD];
	_ =	sdelay $0x3  }
0x96: {  	_ =	strace s2  }
0x97: {  	_ =	strace $0x8FFFFFFF  }
0x98: {  	s18 =	sld [smem:$0x3FDB];
	_ =	sdelay $0x1  }
0x99: {  	s19 =	simm.s32 $_scs_section_size  }
0x9a: {  	s4 =	simm.s32 $_size__tile_overlayer_lowered;
	s5 =	simm.s32 $_tile_overlayer_lowered  }
0x9b: {  	s22 =	simm.s32 $0x1BFF;
	s21 =	sshll.u32 s5, $0x1;
	s2 =	sadd.s32 s19, s18  }
0x9c: {  	s6 =	simm.s32 $0x0;
	s20 =	sshll.u32 s4, $0x1;
	s4 =	sadd.s32 s21, s2  }
0x9d: {  	[timem:s6], [sflag:s22] =	dma.local [hbm:s4], s20  }
0x9e: {  	_ =	swait.ge [sflag:s22], s20  }
0x9f: {  	s3 =	ssub.s32 $0x0, s20;
	[sflag:s22] =	ssyncset.done $0x0  }
0xa0: {  	[sflag:s22] =	ssyncadd.s32 s3;
	_ =	sdelay $0x1  }
0xa1: {  	s23 =	simm.s32 $0x1B8B  }
0xa2: {  	_ =	swait.ge [sflag:s23], $0x1  }
0xa3: {  	[sflag:s23] =	ssyncset.done $0x0  }
0xa4: {  	s25 =	simm.s32 $0x1B8E;
	s24 =	sld [smem:$0x3FFE];
	[sflag:s23] =	ssyncadd.s32 $0xFFFFFFFF  }
0xa5: {  	s26 =	simm.s32 $execute0_lowered;
	[smem:$0x3FD2] =	sst s25  }
0xa6: {  	s4 =	sshll.u32 s26, $0x1;
	_ =	strace $0x8000004C;
	[dreg:$0x1] =	wrdreg $0xFFFFFFFF  }
0xa7: {  	s28 =	simm.s32 $_size_execute0_lowered;
	s2 =	sadd.s32 s2, s4;
	[dreg:$0x0] =	wrdreg $0x0  }
0xa8: {  	s4 =	sshll.u32 s28, $0x1;
	[dreg:$0x2] =	wrdreg s2  }
0xa9: {  	[dreg:$0x3] =	wrdreg s4  }
0xaa: {  	[dreg:$0x4] =	wrdreg $0xC0  }
0xab: {  	_ =	task [dreg:s6], $0x5FFFF  }
0xac: {  	[dreg:$0x1] =	wrdreg $0xFFFFFFFF  }
0xad: {  	[dreg:$0x0] =	wrdreg $0x60  }
0xae: {  	[dreg:$0x2] =	wrdreg s24  }
0xaf: {  	[dreg:$0x3] =	wrdreg $0x114400  }
0xb0: {  	[dreg:$0x4] =	wrdreg $0x9  }
0xb1: {  	_ =	task.clear_ibuf [dreg:s6], $0x5FFFF;
	_ =	strace $0x9000004C  }
0xb2: {  	s29 =	simm.s32 $0x9;
	_ =	strace $0x8000004E  }
0xb3: {  	_ =	swait.ge [sflag:s29], $0x1  }
0xb4: {  	[sflag:s29] =	ssyncadd.s32 $0xFFFFFFFF  }
0xb5: {  	_ =	strace $0x9000004E  }
0xb6: {  	_ =	sfence  }
0xb7: {  	s30 =	sld [smem:$0x0];
	_ =	sdelay $0x2  }
0xb8: {  	s31 =	sshll.u32 s1, $0xD;
	s1 =	sshrl.u32 s1, $0x2  }
0xb9: {  	s3 =	sand.u32 $0x4000, s31;
	s1 =	sadd.s32 s1, s30  }
0xba: {  	s0 =	sor.u32 s3, s0;
	s1 =	sshll.u32 s1, $0x11  }
0xbb: {  	s0 =	sor.u32 s1, s0  }
0xbc: {  	s0 =	sadd.s32 $0x8F2B, s0  }
0xbd: {  	[sflag:s0] =	ssyncadd.remote.s32 $0x1  }
0xbe: {  	_ =	sfence.sel $0xFFFF  }
0xbf: {  	[dreg:$0x0] =	wrdreg $0xFFFFFFFF;
	(pc) =	sbr.abs _section_cstart, $3  }
0xc0: {  	[dreg:$0x1] =	wrdreg $0xFFFFFFFF  }
0xc1: {  	_ =	task.clear_ibuf [dreg:s6], $0x2FFFF;
	_ =	strace $0x9FFFFFFF  }
0xc2: {  	(tm) =	ssettm $0x7FFFFFFF  }
0xc3: {  	_ =	shalt  }
tec
execute0_lowered:
.L_overlay_start_1:
0x0: {  	(tag) =	ssettag $0x1  }
0x1: {  	s0 =	rddreg [dreg:$0x0];
	s1 =	srdreg.scid  }
0x2: {  	s3 =	stileid.u32;
	s2 =	rddreg [dreg:$0x1]  }
0x3: {  	s6 =	simm.s32 $0x0;
	s15 =	simm.s32 $0x9C40;
	s16 =	simm.s32 $0xD  }
0x4: {  	s17 =	simm.s32 $0x1;
	s18 =	simm.s32 $0x2;
	s19 =	simm.s32 $0x50  }
0x5: {  	s20 =	simm.s32 $0xB040;
	s28 =	simm.s32 $0xD840;
	s30 =	simm.s32 $0xEC40  }
0x6: {  	s29 =	simm.s32 $0x7;
	s31 =	simm.s32 $0x8;
	s5 =	smul.u32 $0x4E20, s3  }
0x7: {  	s1 =	sand.u32 $0x1, s1;
	[smem:$0x7FF] =	sst s6;
	s22 =	smul.u32 $0x270, s3  }
0x8: {  	s8 =	sadd.s32 $0xE000, s0;
	s9 =	smul.u32 $0x27000, s3;
	s12 =	sadd.s32 $0x9C000, s2  }
0x9: {  	p0 =	sne.s32 s3, $0xF;
	s4 =	smul.u32 $0x4E200, s1;
	_ =	strace $0x8000004D  }
0xa: {  	s7 =	smul.u32 $0x27100, s1;
	[dreg:$0x3] =	wrdreg s8;
	s1 =	ssub.s32 $0x2, s1  }
0xb: {  	s23 =	sshrl.u32 s1, $0x1;
	s24 =	sshrl.u32 s9, $0x2;
	s25 =	sadd.s32 $0xD0, s22  }
0xc: {  	s26 =	sadd.s32 $0x1A0, s22;
	s22 =	simm.s32 $0xC440;
	s21 =	sadd.s32 s5, s4  }
0xd: {  	s4 =	sadd.s32 $0x22A00, s0;
	s5 =	sshrl.u32 s5, $0x3;
	s1 =	ssub.s32 s1, s23  }
0xe: {  	s9 =	sadd.s32 s24, s2;
	s13 =	sshll.u32 s25, $0x6;
	s8 =	sshll.u32 s26, $0x6  }
0xf: {  	s23 =	sshll.u32 s25, $0x4;
	s24 =	sshll.u32 s26, $0x4;
	s6 =	sshrl.u32 s21, $0x3  }
0x10: {  	s5 =	sadd.s32 s5, s0;
	s10 =	sadd.s32 s13, s2;
	s11 =	sadd.s32 s8, s2  }
0x11: {  	s21 =	smul.u32 $0x2700, s3;
	s1 =	smax.u32 s1, $0x1;
	s13 =	simm.s32 $0xC  }
0x12: {  	s8 =	simm.s32 $0x0;
	s6 =	sadd.s32 s6, s0;
	s0 =	sadd.s32 s7, s0  }
0x13: {  	s5 =	sadd.s32 $0x4200, s5;
	[dreg:$0x7] =	wrdreg s1;
	s1 =	simm.s32 $0x4  }
0x14: {  	s7 =	simm.s32 $0xA;
	s6 =	sadd.s32 $0xF000, s6;
	[dreg:$0x5] =	wrdreg s5  }
0x15: {  	s14 =	sadd.s32 $0x49C00, s0;
	s5 =	simm.s32 $0x9;
	[dreg:$0x4] =	wrdreg s6  }
0x16: {  	s0 =	sadd.s32 s21, s14;
	s25 =	sadd.s32 s23, s14;
	[dreg:$0x6] =	wrdreg s14  }
0x17: {  	s26 =	sadd.s32 s24, s14;
	s21 =	simm.s32 $0x3;
	[dreg:$0x8] =	wrdreg s0  }
0x18: {  	s6 =	simm.s32 $0x6;
	s14 =	simm.s32 $0xB;
	[dreg:$0x9] =	wrdreg s25  }
0x19: {  	[dreg:$0xa] =	wrdreg s26;
	s0 =	simm.s32 $0x10040;
	s26 =	simm.s32 $0x5  }
.LBB2_1:
0x1a: {  	[dreg:$0xb] =	wrdreg s8  }
0x1b: {  	s3 =	simm.s32 $0x0;
	s25 =	rddreg [dreg:$0x4]  }
0x1c: {  	[tilespmem:s3], [sflag:$0x1] =	stream.linear.gather [hbm4b:s25+s3], $0x4E20, $0x38;
	[tilespmem:$0x1B080] =	vst v63  }
0x1d: {  	s23 =	rddreg [dreg:$0x5];
	s24 =	simm.s32 $0x4E20  }
0x1e: {  	[tilespmem:s24], [sflag:$0x2] =	stream.linear.gather [hbm4b:s23+s3], $0x4E20, $0x38;
	[tilespmem:$0x1B080] =	vst v63  }
0x1f: {  	s25 =	rddreg [dreg:$0x3]  }
0x20: {  	[tilespmem:s15], [sflag:$0xD] =	stream.linear.gather [hbm4b:s25+s3], $0x3400, $0x38;
	[tilespmem:$0x1B080] =	vst v63  }
0x21: {  	_ =	swait.ge [sflag:s16], $0x3400  }
0x22: {  	[sflag:s16] =	ssyncset.done $0x0  }
0x23: {  	[sflag:s16] =	ssyncadd.s32 $0xFFFFCC00  }
0x24: {  	[spmem:s9] =	stream.linear.scatter [tilespmem:s15], [sflag:$0xD], $0x3400, $0x38;
	[tilespmem:$0x1B080] =	vst v63  }
0x25: {  	_ =	swait.ge [sflag:s16], $0x3400  }
0x26: {  	[sflag:s16] =	ssyncset.done $0x0  }
0x27: {  	[sflag:s16] =	ssyncadd.s32 $0xFFFFCC00  }
0x28: {  	[spmem:s10] =	stream.linear.scatter [tilespmem:s15], [sflag:$0xD], $0x3400, $0x38;
	[tilespmem:$0x1B080] =	vst v63  }
0x29: {  	_ =	swait.ge [sflag:s16], $0x3400  }
0x2a: {  	[sflag:s16] =	ssyncset.done $0x0  }
0x2b: {  	[sflag:s16] =	ssyncadd.s32 $0xFFFFCC00  }
0x2c: {  	[spmem:s11] =	stream.linear.scatter [tilespmem:s15], [sflag:$0xD], $0x3400, $0x38;
	[tilespmem:$0x1B080] =	vst v63  }
0x2d: {  	_ =	swait.ge [sflag:s16], $0x3400  }
0x2e: {  	[sflag:s16] =	ssyncset.done $0x0  }
0x2f: {  	s23 =	simm.s32 @!p0 $0x9C40;
	[sflag:s16] =	ssyncadd.s32 $0xFFFFCC00  }
0x30: {  	[spmem:s12] =	stream.linear.scatter @!p0 [tilespmem:s23], [sflag:$0xD], $0x400, $0x38;
	[tilespmem:$0x1B080] =	vst v63  }
0x31: {  	s23 =	simm.s32 @!p0 $0xD  }
0x32: {  	_ =	swait.ge @!p0 [sflag:s23], $0x400  }
0x33: {  	[sflag:s23] =	ssyncset.done @!p0 $0x0  }
0x34: {  	[sflag:s23] =	ssyncadd.s32 @!p0 $0xFFFFFC00  }
0x35: {  	_ =	swait.ge [sflag:s17], $0x4E20  }
0x36: {  	[sflag:s17] =	ssyncset.done $0x0  }
0x37: {  	[sflag:s17] =	ssyncadd.s32 $0xFFFFB1E0  }
0x38: {  	_ =	swait.ge [sflag:s18], $0x4E20  }
0x39: {  	[sflag:s18] =	ssyncset.done $0x0  }
0x3a: {  	[sflag:s18] =	ssyncadd.s32 $0xFFFFB1E0  }
0x3b: {  	[bflag:$0x0] =	sbarrier.arrive $0xFFFF  }
0x3c: {  	[tilespmem:s15], [sflag:$0x1] =	stream.indirect.gather [hbm4b:s4+s19], $0x40, s3, s19, $0xb8;
	[tilespmem:$0x1B080] =	vst v63  }
0x3d: {  	_ = 	snop  }
0x3e: {  	[tilespmem:s20], [sflag:$0x2] =	stream.indirect.gather [hbm4b:s4+s19], $0x40, s19, s19, $0xb8;
	[tilespmem:$0x1B080] =	vst v63  }
0x3f: {  	s8 =	simm.s32 $0xA0  }
0x40: {  	[tilespmem:s22], [sflag:$0x3] =	stream.indirect.gather [hbm4b:s4+s19], $0x40, s8, s19, $0xb8;
	[tilespmem:$0x1B080] =	vst v63  }
0x41: {  	s23 =	simm.s32 $0xF0  }
0x42: {  	[tilespmem:s28], [sflag:$0x4] =	stream.indirect.gather [hbm4b:s4+s19], $0x40, s23, s19, $0xb8;
	[tilespmem:$0x1B080] =	vst v63  }
0x43: {  	_ =	swait.ge [sflag:s17], $0x1400  }
0x44: {  	[sflag:s17] =	ssyncset.done $0x0  }
0x45: {  	[sflag:s17] =	ssyncadd.s32 $0xFFFFEC00  }
0x46: {  	[spmem:s2] =	stream.indirect.scatter.add.f32 [tilespmem:s15], [sflag:$0x7], $0x40, s24, s19, $0xb8;
	[tilespmem:$0x1B080] =	vst v63  }
0x47: {  	s24 =	simm.s32 $0x140  }
0x48: {  	[tilespmem:s30], [sflag:$0x5] =	stream.indirect.gather [hbm4b:s4+s19], $0x40, s24, s19, $0xb8;
	[tilespmem:$0x1B080] =	vst v63  }
0x49: {  	_ =	swait.ge [sflag:s18], $0x1400  }
0x4a: {  	[sflag:s18] =	ssyncset.done $0x0  }
0x4b: {  	s25 =	simm.s32 $0x4E70;
	[sflag:s18] =	ssyncadd.s32 $0xFFFFEC00  }
0x4c: {  	[spmem:s2] =	stream.indirect.scatter.add.f32 [tilespmem:s20], [sflag:$0x8], $0x40, s25, s19, $0xb8;
	[tilespmem:$0x1B080] =	vst v63  }
0x4d: {  	s8 =	simm.s32 $0x190  }
0x4e: {  	[tilespmem:s0], [sflag:$0x6] =	stream.indirect.gather [hbm4b:s4+s19], $0x40, s8, s19, $0xb8;
	[tilespmem:$0x1B080] =	vst v63  }
0x4f: {  	_ =	swait.ge [sflag:s21], $0x1400  }
0x50: {  	[sflag:s21] =	ssyncset.done $0x0  }
0x51: {  	s23 =	simm.s32 $0x4EC0;
	[sflag:s21] =	ssyncadd.s32 $0xFFFFEC00  }
0x52: {  	[spmem:s2] =	stream.indirect.scatter.add.f32 [tilespmem:s22], [sflag:$0x9], $0x40, s23, s19, $0xb8;
	[tilespmem:$0x1B080] =	vst v63  }
0x53: {  	_ =	swait.ge [sflag:s29], $0x1400  }
0x54: {  	[sflag:s29] =	ssyncset.done $0x0  }
0x55: {  	s24 =	simm.s32 $0x1E0;
	[sflag:s29] =	ssyncadd.s32 $0xFFFFEC00  }
0x56: {  	[tilespmem:s15], [sflag:$0x1] =	stream.indirect.gather [hbm4b:s4+s19], $0x40, s24, s19, $0xb8;
	[tilespmem:$0x1B080] =	vst v63  }
0x57: {  	_ =	swait.ge [sflag:s1], $0x1400  }
0x58: {  	[sflag:s1] =	ssyncset.done $0x0  }
0x59: {  	s25 =	simm.s32 $0x4F10;
	[sflag:s1] =	ssyncadd.s32 $0xFFFFEC00  }
0x5a: {  	[spmem:s2] =	stream.indirect.scatter.add.f32 [tilespmem:s28], [sflag:$0xA], $0x40, s25, s19, $0xb8;
	[tilespmem:$0x1B080] =	vst v63  }
0x5b: {  	_ =	swait.ge [sflag:s31], $0x1400  }
0x5c: {  	[sflag:s31] =	ssyncset.done $0x0  }
0x5d: {  	s8 =	simm.s32 $0x230;
	[sflag:s31] =	ssyncadd.s32 $0xFFFFEC00  }
0x5e: {  	[tilespmem:s20], [sflag:$0x2] =	stream.indirect.gather [hbm4b:s4+s19], $0x40, s8, s19, $0xb8;
	[tilespmem:$0x1B080] =	vst v63  }
0x5f: {  	_ =	swait.ge [sflag:s26], $0x1400  }
0x60: {  	[sflag:s26] =	ssyncset.done $0x0  }
0x61: {  	s23 =	simm.s32 $0x4F60;
	[sflag:s26] =	ssyncadd.s32 $0xFFFFEC00  }
0x62: {  	[spmem:s2] =	stream.indirect.scatter.add.f32 [tilespmem:s30], [sflag:$0xB], $0x40, s23, s19, $0xb8;
	[tilespmem:$0x1B080] =	vst v63  }
0x63: {  	_ =	swait.ge [sflag:s5], $0x1400  }
0x64: {  	[sflag:s5] =	ssyncset.done $0x0  }
0x65: {  	s24 =	simm.s32 $0x280;
	[sflag:s5] =	ssyncadd.s32 $0xFFFFEC00  }
0x66: {  	[tilespmem:s22], [sflag:$0x3] =	stream.indirect.gather [hbm4b:s4+s19], $0x40, s24, s19, $0xb8;
	[tilespmem:$0x1B080] =	vst v63  }
0x67: {  	_ =	swait.ge [sflag:s6], $0x1400  }
0x68: {  	[sflag:s6] =	ssyncset.done $0x0  }
0x69: {  	s25 =	simm.s32 $0x4FB0;
	[sflag:s6] =	ssyncadd.s32 $0xFFFFEC00  }
0x6a: {  	[spmem:s2] =	stream.indirect.scatter.add.f32 [tilespmem:s0], [sflag:$0xC], $0x40, s25, s19, $0xb8;
	[tilespmem:$0x1B080] =	vst v63  }
0x6b: {  	_ =	swait.ge [sflag:s7], $0x1400  }
0x6c: {  	[sflag:s7] =	ssyncset.done $0x0  }
0x6d: {  	s8 =	simm.s32 $0x2D0;
	[sflag:s7] =	ssyncadd.s32 $0xFFFFEC00  }
0x6e: {  	[tilespmem:s28], [sflag:$0x4] =	stream.indirect.gather [hbm4b:s4+s19], $0x40, s8, s19, $0xb8;
	[tilespmem:$0x1B080] =	vst v63  }
0x6f: {  	_ =	swait.ge [sflag:s17], $0x1400  }
0x70: {  	[sflag:s17] =	ssyncset.done $0x0  }
0x71: {  	s24 =	simm.s32 $0x5000;
	[sflag:s17] =	ssyncadd.s32 $0xFFFFEC00  }
0x72: {  	[spmem:s2] =	stream.indirect.scatter.add.f32 [tilespmem:s15], [sflag:$0x7], $0x40, s24, s19, $0xb8;
	[tilespmem:$0x1B080] =	vst v63  }
0x73: {  	_ =	swait.ge [sflag:s14], $0x1400  }
0x74: {  	[sflag:s14] =	ssyncset.done $0x0  }
0x75: {  	s25 =	simm.s32 $0x320;
	[sflag:s14] =	ssyncadd.s32 $0xFFFFEC00  }
0x76: {  	[tilespmem:s30], [sflag:$0x5] =	stream.indirect.gather [hbm4b:s4+s19], $0x40, s25, s19, $0xb8;
	[tilespmem:$0x1B080] =	vst v63  }
0x77: {  	_ =	swait.ge [sflag:s18], $0x1400  }
0x78: {  	[sflag:s18] =	ssyncset.done $0x0  }
0x79: {  	s3 =	simm.s32 $0x5050;
	[sflag:s18] =	ssyncadd.s32 $0xFFFFEC00  }
0x7a: {  	[spmem:s2] =	stream.indirect.scatter.add.f32 [tilespmem:s20], [sflag:$0x8], $0x40, s3, s19, $0xb8;
	[tilespmem:$0x1B080] =	vst v63  }
0x7b: {  	_ =	swait.ge [sflag:s13], $0x1400  }
0x7c: {  	[sflag:s13] =	ssyncset.done $0x0  }
0x7d: {  	s8 =	simm.s32 $0x370;
	[sflag:s13] =	ssyncadd.s32 $0xFFFFEC00  }
0x7e: {  	[tilespmem:s0], [sflag:$0x6] =	stream.indirect.gather [hbm4b:s4+s19], $0x40, s8, s19, $0xb8;
	[tilespmem:$0x1B080] =	vst v63  }
0x7f: {  	_ =	swait.ge [sflag:s21], $0x1400  }
0x80: {  	[sflag:s21] =	ssyncset.done $0x0  }
0x81: {  	s24 =	simm.s32 $0x50A0;
	[sflag:s21] =	ssyncadd.s32 $0xFFFFEC00  }
0x82: {  	[spmem:s2] =	stream.indirect.scatter.add.f32 [tilespmem:s22], [sflag:$0x9], $0x40, s24, s19, $0xb8;
	[tilespmem:$0x1B080] =	vst v63  }
0x83: {  	_ =	swait.ge [sflag:s29], $0x1400  }
0x84: {  	[sflag:s29] =	ssyncset.done $0x0  }
0x85: {  	s25 =	simm.s32 $0x3C0;
	[sflag:s29] =	ssyncadd.s32 $0xFFFFEC00  }
0x86: {  	[tilespmem:s15], [sflag:$0x1] =	stream.indirect.gather [hbm4b:s4+s19], $0x40, s25, s19, $0xb8;
	[tilespmem:$0x1B080] =	vst v63  }
0x87: {  	_ =	swait.ge [sflag:s1], $0x1400  }
0x88: {  	[sflag:s1] =	ssyncset.done $0x0  }
0x89: {  	s3 =	simm.s32 $0x50F0;
	[sflag:s1] =	ssyncadd.s32 $0xFFFFEC00  }
0x8a: {  	[spmem:s2] =	stream.indirect.scatter.add.f32 [tilespmem:s28], [sflag:$0xA], $0x40, s3, s19, $0xb8;
	[tilespmem:$0x1B080] =	vst v63  }
0x8b: {  	_ =	swait.ge [sflag:s31], $0x1400  }
0x8c: {  	[sflag:s31] =	ssyncset.done $0x0  }
0x8d: {  	s8 =	simm.s32 $0x410;
	[sflag:s31] =	ssyncadd.s32 $0xFFFFEC00  }
0x8e: {  	[tilespmem:s20], [sflag:$0x2] =	stream.indirect.gather [hbm4b:s4+s19], $0x40, s8, s19, $0xb8;
	[tilespmem:$0x1B080] =	vst v63  }
0x8f: {  	_ =	swait.ge [sflag:s26], $0x1400  }
0x90: {  	[sflag:s26] =	ssyncset.done $0x0  }
0x91: {  	s24 =	simm.s32 $0x5140;
	[sflag:s26] =	ssyncadd.s32 $0xFFFFEC00  }
0x92: {  	[spmem:s2] =	stream.indirect.scatter.add.f32 [tilespmem:s30], [sflag:$0xB], $0x40, s24, s19, $0xb8;
	[tilespmem:$0x1B080] =	vst v63  }
0x93: {  	_ =	swait.ge [sflag:s5], $0x1400  }
0x94: {  	[sflag:s5] =	ssyncset.done $0x0  }
0x95: {  	s25 =	simm.s32 $0x460;
	[sflag:s5] =	ssyncadd.s32 $0xFFFFEC00  }
0x96: {  	[tilespmem:s22], [sflag:$0x3] =	stream.indirect.gather [hbm4b:s4+s19], $0x40, s25, s19, $0xb8;
	[tilespmem:$0x1B080] =	vst v63  }
0x97: {  	_ =	swait.ge [sflag:s6], $0x1400  }
0x98: {  	[sflag:s6] =	ssyncset.done $0x0  }
0x99: {  	s23 =	simm.s32 $0x5190;
	s25 =	simm.s32 $0x780;
	[sflag:s6] =	ssyncadd.s32 $0xFFFFEC00  }
.LBB2_2:
0x9a: {  	[spmem:s2] =	stream.indirect.scatter.add.f32 [tilespmem:s0], [sflag:$0xC], $0x40, s23, s19, $0xb8;
	[tilespmem:$0x1B080] =	vst v63  }
0x9b: {  	s23 =	smov.u32 s25  }
0x9c: {  	p1 =	sne.s32 s25, $0x12480;
	s25 =	sadd.s32 $0x780, s25;
	_ =	swait.ge [sflag:s7], $0x1400  }
0x9d: {  	s23 =	sshra.s32 s23, $0x2;
	[sflag:s7] =	ssyncset.done $0x0  }
0x9e: {  	s24 =	sadd.s32 $0x2D0, s23;
	[sflag:s7] =	ssyncadd.s32 $0xFFFFEC00  }
0x9f: {  	[tilespmem:s28], [sflag:$0x4] =	stream.indirect.gather [hbm4b:s4+s19], $0x40, s24, s19, $0xb8;
	[tilespmem:$0x1B080] =	vst v63  }
0xa0: {  	_ =	swait.ge [sflag:s17], $0x1400  }
0xa1: {  	[sflag:s17] =	ssyncset.done $0x0  }
0xa2: {  	s24 =	sadd.s32 $0x5000, s23;
	[sflag:s17] =	ssyncadd.s32 $0xFFFFEC00  }
0xa3: {  	[spmem:s2] =	stream.indirect.scatter.add.f32 [tilespmem:s15], [sflag:$0x7], $0x40, s24, s19, $0xb8;
	[tilespmem:$0x1B080] =	vst v63  }
0xa4: {  	_ =	swait.ge [sflag:s14], $0x1400  }
0xa5: {  	[sflag:s14] =	ssyncset.done $0x0  }
0xa6: {  	s24 =	sadd.s32 $0x320, s23;
	[sflag:s14] =	ssyncadd.s32 $0xFFFFEC00  }
0xa7: {  	[tilespmem:s30], [sflag:$0x5] =	stream.indirect.gather [hbm4b:s4+s19], $0x40, s24, s19, $0xb8;
	[tilespmem:$0x1B080] =	vst v63  }
0xa8: {  	_ =	swait.ge [sflag:s18], $0x1400  }
0xa9: {  	[sflag:s18] =	ssyncset.done $0x0  }
0xaa: {  	s24 =	sadd.s32 $0x5050, s23;
	[sflag:s18] =	ssyncadd.s32 $0xFFFFEC00  }
0xab: {  	[spmem:s2] =	stream.indirect.scatter.add.f32 [tilespmem:s20], [sflag:$0x8], $0x40, s24, s19, $0xb8;
	[tilespmem:$0x1B080] =	vst v63  }
0xac: {  	_ =	swait.ge [sflag:s13], $0x1400  }
0xad: {  	[sflag:s13] =	ssyncset.done $0x0  }
0xae: {  	s24 =	sadd.s32 $0x370, s23;
	[sflag:s13] =	ssyncadd.s32 $0xFFFFEC00  }
0xaf: {  	[tilespmem:s0], [sflag:$0x6] =	stream.indirect.gather [hbm4b:s4+s19], $0x40, s24, s19, $0xb8;
	[tilespmem:$0x1B080] =	vst v63  }
0xb0: {  	_ =	swait.ge [sflag:s21], $0x1400  }
0xb1: {  	[sflag:s21] =	ssyncset.done $0x0  }
0xb2: {  	s24 =	sadd.s32 $0x50A0, s23;
	[sflag:s21] =	ssyncadd.s32 $0xFFFFEC00  }
0xb3: {  	[spmem:s2] =	stream.indirect.scatter.add.f32 [tilespmem:s22], [sflag:$0x9], $0x40, s24, s19, $0xb8;
	[tilespmem:$0x1B080] =	vst v63  }
0xb4: {  	_ =	swait.ge [sflag:s29], $0x1400  }
0xb5: {  	[sflag:s29] =	ssyncset.done $0x0  }
0xb6: {  	s24 =	sadd.s32 $0x3C0, s23;
	[sflag:s29] =	ssyncadd.s32 $0xFFFFEC00  }
0xb7: {  	[tilespmem:s15], [sflag:$0x1] =	stream.indirect.gather [hbm4b:s4+s19], $0x40, s24, s19, $0xb8;
	[tilespmem:$0x1B080] =	vst v63  }
0xb8: {  	_ =	swait.ge [sflag:s1], $0x1400  }
0xb9: {  	[sflag:s1] =	ssyncset.done $0x0  }
0xba: {  	s24 =	sadd.s32 $0x50F0, s23;
	[sflag:s1] =	ssyncadd.s32 $0xFFFFEC00  }
0xbb: {  	[spmem:s2] =	stream.indirect.scatter.add.f32 [tilespmem:s28], [sflag:$0xA], $0x40, s24, s19, $0xb8;
	[tilespmem:$0x1B080] =	vst v63  }
0xbc: {  	_ =	swait.ge [sflag:s31], $0x1400  }
0xbd: {  	[sflag:s31] =	ssyncset.done $0x0  }
0xbe: {  	s24 =	sadd.s32 $0x410, s23;
	[sflag:s31] =	ssyncadd.s32 $0xFFFFEC00  }
0xbf: {  	[tilespmem:s20], [sflag:$0x2] =	stream.indirect.gather [hbm4b:s4+s19], $0x40, s24, s19, $0xb8;
	[tilespmem:$0x1B080] =	vst v63  }
0xc0: {  	_ =	swait.ge [sflag:s26], $0x1400  }
0xc1: {  	[sflag:s26] =	ssyncset.done $0x0  }
0xc2: {  	s24 =	sadd.s32 $0x5140, s23;
	[sflag:s26] =	ssyncadd.s32 $0xFFFFEC00  }
0xc3: {  	[spmem:s2] =	stream.indirect.scatter.add.f32 [tilespmem:s30], [sflag:$0xB], $0x40, s24, s19, $0xb8;
	[tilespmem:$0x1B080] =	vst v63  }
0xc4: {  	_ =	swait.ge [sflag:s5], $0x1400  }
0xc5: {  	[sflag:s5] =	ssyncset.done $0x0  }
.Ltmp0:
0xc6: {  	s24 =	sadd.s32 $0x460, s23;
	[sflag:s5] =	ssyncadd.s32 $0xFFFFEC00;
	(pc) =	sbr.rel @p1 .LBB2_2-.Ltmp0, $4  }
0xc7: {  	[tilespmem:s22], [sflag:$0x3] =	stream.indirect.gather [hbm4b:s4+s19], $0x40, s24, s19, $0xb8;
	[tilespmem:$0x1B080] =	vst v63  }
0xc8: {  	_ =	swait.ge [sflag:s6], $0x1400  }
0xc9: {  	[sflag:s6] =	ssyncset.done $0x0  }
0xca: {  	s23 =	sadd.s32 $0x5190, s23;
	[sflag:s6] =	ssyncadd.s32 $0xFFFFEC00  }
0xcb: {  	[spmem:s2] =	stream.indirect.scatter.add.f32 [tilespmem:s0], [sflag:$0xC], $0x40, s23, s19, $0xb8;
	[tilespmem:$0x1B080] =	vst v63  }
0xcc: {  	_ =	swait.ge [sflag:s7], $0x1400  }
0xcd: {  	[sflag:s7] =	ssyncset.done $0x0  }
0xce: {  	s3 =	simm.s32 $0x4DD0;
	[sflag:s7] =	ssyncadd.s32 $0xFFFFEC00  }
0xcf: {  	[tilespmem:s28], [sflag:$0x4] =	stream.indirect.gather [hbm4b:s4+s19], $0x40, s3, s19, $0xb8;
	[tilespmem:$0x1B080] =	vst v63  }
0xd0: {  	_ =	swait.ge [sflag:s17], $0x1400  }
0xd1: {  	[sflag:s17] =	ssyncset.done $0x0  }
0xd2: {  	s24 =	simm.s32 $0x9B00;
	[sflag:s17] =	ssyncadd.s32 $0xFFFFEC00  }
0xd3: {  	[spmem:s2] =	stream.indirect.scatter.add.f32 [tilespmem:s15], [sflag:$0x7], $0x40, s24, s19, $0xb8;
	[tilespmem:$0x1B080] =	vst v63  }
0xd4: {  	_ =	swait.ge [sflag:s14], $0x1400  }
0xd5: {  	[sflag:s14] =	ssyncset.done $0x0  }
0xd6: {  	[sflag:s14] =	ssyncadd.s32 $0xFFFFEC00  }
0xd7: {  	_ =	swait.ge [sflag:s18], $0x1400  }
0xd8: {  	[sflag:s18] =	ssyncset.done $0x0  }
0xd9: {  	s25 =	simm.s32 $0x9B50;
	[sflag:s18] =	ssyncadd.s32 $0xFFFFEC00  }
0xda: {  	[spmem:s2] =	stream.indirect.scatter.add.f32 [tilespmem:s20], [sflag:$0x8], $0x40, s25, s19, $0xb8;
	[tilespmem:$0x1B080] =	vst v63  }
0xdb: {  	_ =	swait.ge [sflag:s13], $0x1400  }
0xdc: {  	[sflag:s13] =	ssyncset.done $0x0  }
0xdd: {  	[sflag:s13] =	ssyncadd.s32 $0xFFFFEC00  }
0xde: {  	_ =	swait.ge [sflag:s21], $0x1400  }
0xdf: {  	[sflag:s21] =	ssyncset.done $0x0  }
0xe0: {  	s8 =	simm.s32 $0x9BA0;
	[sflag:s21] =	ssyncadd.s32 $0xFFFFEC00  }
0xe1: {  	[spmem:s2] =	stream.indirect.scatter.add.f32 [tilespmem:s22], [sflag:$0x9], $0x40, s8, s19, $0xb8;
	[tilespmem:$0x1B080] =	vst v63  }
0xe2: {  	_ =	swait.ge [sflag:s29], $0x1400  }
0xe3: {  	[sflag:s29] =	ssyncset.done $0x0  }
0xe4: {  	[sflag:s29] =	ssyncadd.s32 $0xFFFFEC00  }
0xe5: {  	_ =	swait.ge [sflag:s1], $0x1400  }
0xe6: {  	[sflag:s1] =	ssyncset.done $0x0  }
0xe7: {  	s23 =	simm.s32 $0x9BF0;
	[sflag:s1] =	ssyncadd.s32 $0xFFFFEC00  }
0xe8: {  	[spmem:s2] =	stream.indirect.scatter.add.f32 [tilespmem:s28], [sflag:$0xA], $0x40, s23, s19, $0xb8;
	[tilespmem:$0x1B080] =	vst v63  }
0xe9: {  	_ =	swait.ge [sflag:s31], $0x1400  }
0xea: {  	[sflag:s31] =	ssyncset.done $0x0  }
0xeb: {  	[sflag:s31] =	ssyncadd.s32 $0xFFFFEC00  }
0xec: {  	_ =	swait.ge [sflag:s5], $0x1400  }
0xed: {  	[sflag:s5] =	ssyncset.done $0x0  }
0xee: {  	[sflag:s5] =	ssyncadd.s32 $0xFFFFEC00  }
0xef: {  	_ =	swait.ge [sflag:s7], $0x1400  }
0xf0: {  	[sflag:s7] =	ssyncset.done $0x0  }
0xf1: {  	[sflag:s7] =	ssyncadd.s32 $0xFFFFEC00  }
0xf2: {  	[bflag:$0x0] =	sbarrier.arrive $0xFFFF  }
0xf3: {  	[tilespmem:s15], [sflag:$0xD] =	stream.linear.gather [spmem:s9], $0x3400, $0x38;
	[tilespmem:$0x1B080] =	vst v63  }
0xf4: {  	_ =	swait.ge [sflag:s16], $0x3400  }
0xf5: {  	s8 =	simm.s32 $0x40;
	[sflag:s16] =	ssyncset.done $0x0  }
0xf6: {  	s23 =	simm.s32 $0x80;
	s24 =	rddreg [dreg:$0x8];
	[sflag:s16] =	ssyncadd.s32 $0xFFFFCC00  }
0xf7: {  	[hbm4b:s24+s8] =	stream.strided.scatter [tilespmem:s15], [sflag:$0x7], $0x3400, s23, s8, $0x38;
	[tilespmem:$0x1B080] =	vst v63  }
0xf8: {  	s24 =	simm.s32 $0xD040  }
0xf9: {  	[tilespmem:s24], [sflag:$0xD] =	stream.linear.gather [spmem:s10], $0x3400, $0x38;
	[tilespmem:$0x1B080] =	vst v63  }
0xfa: {  	_ =	swait.ge [sflag:s16], $0x3400  }
0xfb: {  	[sflag:s16] =	ssyncset.done $0x0  }
0xfc: {  	s25 =	rddreg [dreg:$0x9];
	[sflag:s16] =	ssyncadd.s32 $0xFFFFCC00  }
0xfd: {  	[hbm4b:s25+s8] =	stream.strided.scatter [tilespmem:s24], [sflag:$0x8], $0x3400, s23, s8, $0x38;
	[tilespmem:$0x1B080] =	vst v63  }
0xfe: {  	_ =	swait.ge [sflag:s29], $0x3400  }
0xff: {  	[sflag:s29] =	ssyncset.done $0x0  }
0x100: {  	[sflag:s29] =	ssyncadd.s32 $0xFFFFCC00  }
0x101: {  	[tilespmem:s15], [sflag:$0xD] =	stream.linear.gather [spmem:s11], $0x3400, $0x38;
	[tilespmem:$0x1B080] =	vst v63  }
0x102: {  	_ =	swait.ge [sflag:s16], $0x3400  }
0x103: {  	[sflag:s16] =	ssyncset.done $0x0  }
0x104: {  	s25 =	rddreg [dreg:$0xa];
	[sflag:s16] =	ssyncadd.s32 $0xFFFFCC00  }
0x105: {  	[hbm4b:s25+s8] =	stream.strided.scatter [tilespmem:s15], [sflag:$0x7], $0x3400, s23, s8, $0x38;
	[tilespmem:$0x1B080] =	vst v63  }
0x106: {  	_ =	swait.ge [sflag:s31], $0x3400  }
0x107: {  	[sflag:s31] =	ssyncset.done $0x0  }
0x108: {  	[sflag:s31] =	ssyncadd.s32 $0xFFFFCC00  }
0x109: {  	_ =	swait.ge [sflag:s29], $0x3400  }
0x10a: {  	[sflag:s29] =	ssyncset.done $0x0  }
0x10b: {  	s24 =	simm.s32 @!p0 $0xD;
	s23 =	simm.s32 @!p0 $0x10440;
	[sflag:s29] =	ssyncadd.s32 $0xFFFFCC00  }
0x10c: {  	[tilespmem:s23], [sflag:$0xD] =	stream.linear.gather @!p0 [spmem:s12], $0x400, $0x38;
	[tilespmem:$0x1B080] =	vst v63  }
0x10d: {  	_ =	swait.ge @!p0 [sflag:s24], $0x400  }
0x10e: {  	s8 =	simm.s32 @!p0 $0x80;
	[sflag:s24] =	ssyncset.done @!p0 $0x0;
	s3 =	rddreg [dreg:$0x6]  }
0x10f: {  	[sflag:s24] =	ssyncadd.s32 @!p0 $0xFFFFFC00;
	s25 =	sadd.s32 @!p0 $0x27000, s3;
	s3 =	simm.s32 @!p0 $0x40  }
0x110: {  	[hbm4b:s25+s3] =	stream.strided.scatter @!p0 [tilespmem:s23], [sflag:$0xD], $0x400, s8, s3, $0x38;
	[tilespmem:$0x1B080] =	vst v63  }
0x111: {  	_ =	swait.ge @!p0 [sflag:s24], $0x400  }
0x112: {  	s23 =	rddreg [dreg:$0xb]  }
0x113: {  	s25 =	rddreg [dreg:$0x7];
	s8 =	sadd.s32 $0x1, s23  }
0x114: {  	p1 =	sne.s32 s8, s25  }
.Ltmp1:
0x115: {  	_ = 	snop;
	(pc) =	sbr.rel @p1 .LBB2_1-.Ltmp1, $3  }
0x116: {  	_ =	sdelay $0x1  }
0x117: {  	[sflag:s24] =	ssyncset.done @!p0 $0x0  }
0x118: {  	[sflag:s24] =	ssyncadd.s32 @!p0 $0xFFFFFC00  }
0x119: {  	_ =	sfence.sel $0x180000  }
0x11a: {  	[bflag:$0x0] =	sbarrier.arrive $0xFFFF  }
0x11b: {  	_ =	strace $0x9000004D  }
0x11c: {  	s0 =	stileid.u32;
	[bflag:$0x2] =	sbarrier.arrive $0xFFFF  }
0x11d: {  	p0 =	sne.s32 s0, $0x0;
	s0 =	rddreg [dreg:$0x2]  }
0x11e: {  	s0 =	sadd.s32 @!p0 $0x100000, s0  }
0x11f: {  	[sflag:s0] =	ssyncadd.tile.s32 @!p0 $0x1;
	_ =	shalt  }
.Lfunc_end2:
_tile_overlayer_lowered:
.L_overlay_start_2:
0x120: {  	(tag) =	ssettag $0x2  }
0x121: {  	s0 =	rddreg [dreg:$0x0];
	s2 =	stileid.u32  }
0x122: {  	s1 =	rddreg [dreg:$0x1];
	p0 =	sne.s32 s2, $0x0  }
0x123: {  	s3 =	rddreg [dreg:$0x2];
	[bflag:$0x3] =	sbarrier.arrive $0xFFFF;
	s2 =	simm.s32 @!p0 $0x1C0D  }
0x124: {  	[timem:s3], [sflag:s2] =	dma.local @!p0 [hbm:s0], s1  }
0x125: {  	s0 =	simm.s32 @!p0 $0xD  }
0x126: {  	_ =	swait.ge @!p0 [sflag:s0], s1  }
0x127: {  	s1 =	ssub.s32 @!p0 $0x0, s1;
	[sflag:s0] =	ssyncset.done @!p0 $0x0  }
0x128: {  	[sflag:s0] =	ssyncadd.s32 @!p0 s1  }
0x129: {  	[bflag:$0x3] =	sbarrier.arrive $0xFFFF  }
0x12a: {  	_ =	shalt  }

// kernel: kernel.19.cloned.1.call-start
scs
__scs_entry_jumppad:
0x0: {  	(pc) =	sbr.rel $0x88, $3  }
0x1: {  	(tag) =	ssettag $0x0;
	lr =	simm.s32 $0x1  }
0x2: {  	[smem:$0x3F91] =	sst lr;
	_ =	strace $0xD0000000  }
0x3: {  	_ = 	snop  }
0x4: {  	_ = 	snop  }
0x5: {  	_ = 	snop  }
0x6: {  	_ = 	snop  }
0x7: {  	_ = 	snop  }
__scs_overlays_trampoline_lowered:
0x8: {  	[smem:$0x3FA0] =	sst s0  }
0x9: {  	[smem:$0x3FA1] =	sst s1  }
0xa: {  	[smem:$0x3FA2] =	sst s2  }
0xb: {  	[smem:$0x3FA3] =	sst s3  }
0xc: {  	[smem:$0x3FA4] =	sst s4  }
0xd: {  	[smem:$0x3FA5] =	sst s5  }
0xe: {  	[smem:$0x3FA6] =	sst s6  }
0xf: {  	[smem:$0x3FA7] =	sst s7  }
0x10: {  	[smem:$0x3FA8] =	sst s8  }
0x11: {  	[smem:$0x3FA9] =	sst s9;
	s0 =	simm.s32 @!p0 $0x0  }
0x12: {  	s1 =	sld [smem:$0x3F8F];
	s0 =	simm.s32 @p0 $0x1  }
0x13: {  	[smem:$0x3FAA] =	sst s0;
	s0 =	simm.s32 @!p1 $0x0  }
0x14: {  	s2 =	sld [smem:$0x3F8E];
	s0 =	simm.s32 @p1 $0x1  }
0x15: {  	[smem:$0x3FAB] =	sst s0;
	s0 =	simm.s32 @!p2 $0x0  }
0x16: {  	s3 =	sld [smem:$0x3FDB];
	s0 =	simm.s32 @p2 $0x1  }
0x17: {  	s4 =	simm.s32 $0x1BF5;
	[smem:$0x3FAD] =	sst s0  }
0x18: {  	s0 =	sld [smem:$0x3F90];
	_ =	swait.ge [sflag:s4], $0x0  }
0x19: {  	s7 =	sld [smem:$0x3F91]  }
0x1a: {  	s8 =	sadd.s32 $0xFFFFE003, lr  }
0x1b: {  	s9 =	sadd.s32 $0xFFFFFEF7, lr;
	s5 =	simm.s32 $0xFFFFFFFF;
	p2 =	slt.u32 s8, $0xFFFFF086  }
0x1c: {  	p1 =	slt.u32 s9, $0xF7A;
	s5 =	simm.s32 @!p2 $0x0  }
0x1d: {  	s5 =	simm.s32 @p1 $0x1;
	p0 =	seq.s32 s7, s2  }
0x1e: {  	s7 =	smul.u32 @!p0 $0xF7A, s2;
	p2 =	seq.s32 @!p0 s5, $0x0  }
0x1f: {  	s9 =	smul.u32 $0xF7A, s1;
	s8 =	simm.s32 @!p0 $0x1BF5;
	p2 =	por !p2, p0  }
0x20: {  	[sflag:s8] =	ssyncset.s32 @!p0 $0xFFFFF086;
	s6 =	sadd.s32 @!p0 s3, s7;
	s7 =	simm.s32 @!p0 $0x108  }
0x21: {  	s3 =	sadd.s32 s3, s9;
	s6 =	sadd.s32 @!p0 $0x88, s6;
	s7 =	simm.s32 @p2 $0x1082  }
0x22: {  	[simem:s7], [sflag:s8] =	dma.local @!p0 [hbm:s6], $0xF7A  }
0x23: {  	s9 =	sor.u32 $0xD0000000, s2;
	s6 =	simm.s32 $0x108;
	_ =	swait.ge @!p0 [sflag:s8], $0x0  }
0x24: {  	s3 =	sadd.s32 $0x88, s3;
	s6 =	simm.s32 @!p1 $0x1082;
	[sflag:s4] =	ssyncset.s32 $0xFFFFF086  }
0x25: {  	[simem:s6], [sflag:s4] =	dma.local [hbm:s3], $0xF7A  }
0x26: {  	[smem:$0x3F91] =	sst s1;
	(tag) =	ssettag s2;
	_ =	strace s9  }
0x27: {  	s1 =	sld [smem:$0x3FA1]  }
0x28: {  	s2 =	sld [smem:$0x3FA2]  }
0x29: {  	s4 =	sld [smem:$0x3FA4]  }
0x2a: {  	p0 =	seq.s32 s5, $0x0;
	s5 =	sld [smem:$0x3FA5]  }
0x2b: {  	s6 =	sld [smem:$0x3FA6]  }
0x2c: {  	s7 =	sld [smem:$0x3FA7]  }
0x2d: {  	s3 =	simm.s32 $0x108;
	s8 =	sld [smem:$0x3FA8]  }
0x2e: {  	s3 =	simm.s32 @!p0 $0x1082;
	s9 =	sld [smem:$0x3FA9]  }
0x2f: {  	lr =	sadd.s32 s0, s3;
	s0 =	sld [smem:$0x3FA0]  }
0x30: {  	s3 =	sld [smem:$0x3FA3]  }
0x31: {  	[smem:$0x3FAC] =	sst s10  }
0x32: {  	s10 =	sld [smem:$0x3FAA];
	_ =	sdelay $0x3  }
0x33: {  	p0 =	seq.s32 s10, $0x1;
	s10 =	sld [smem:$0x3FAC];
	_ =	sdelay $0x3  }
0x34: {  	[smem:$0x3FAC] =	sst s10  }
0x35: {  	s10 =	sld [smem:$0x3FAB];
	_ =	sdelay $0x3  }
0x36: {  	p1 =	seq.s32 s10, $0x1;
	s10 =	sld [smem:$0x3FAC];
	_ =	sdelay $0x3  }
0x37: {  	[smem:$0x3FAC] =	sst s10  }
0x38: {  	s10 =	sld [smem:$0x3FAD]  }
0x39: {  	_ = 	snop;
	(pc) =	sbr.ind lr, $3  }
0x3a: {  	_ = 	snop  }
0x3b: {  	_ = 	snop  }
0x3c: {  	p2 =	seq.s32 s10, $0x1;
	s10 =	sld [smem:$0x3FAC]  }
0x3d: {  	_ =	shalt  }
0x3e: {  	_ =	shalt  }
0x3f: {  	_ =	shalt  }
0x40: {  	_ =	shalt  }
0x41: {  	_ =	shalt  }
0x42: {  	_ =	shalt  }
0x43: {  	_ =	shalt  }
0x44: {  	_ =	shalt  }
0x45: {  	_ =	shalt  }
0x46: {  	_ =	shalt  }
0x47: {  	_ =	shalt  }
0x48: {  	_ =	shalt  }
0x49: {  	_ =	shalt  }
0x4a: {  	_ =	shalt  }
0x4b: {  	_ =	shalt  }
0x4c: {  	_ =	shalt  }
0x4d: {  	_ =	shalt  }
0x4e: {  	_ =	shalt  }
0x4f: {  	_ =	shalt  }
0x50: {  	_ =	shalt  }
0x51: {  	_ =	shalt  }
0x52: {  	_ =	shalt  }
0x53: {  	_ =	shalt  }
0x54: {  	_ =	shalt  }
0x55: {  	_ =	shalt  }
0x56: {  	_ =	shalt  }
0x57: {  	_ =	shalt  }
0x58: {  	_ =	shalt  }
0x59: {  	_ =	shalt  }
0x5a: {  	_ =	shalt  }
0x5b: {  	_ =	shalt  }
0x5c: {  	_ =	shalt  }
0x5d: {  	_ =	shalt  }
0x5e: {  	_ =	shalt  }
0x5f: {  	_ =	shalt  }
0x60: {  	_ =	shalt  }
0x61: {  	_ =	shalt  }
0x62: {  	_ =	shalt  }
0x63: {  	_ =	shalt  }
0x64: {  	_ =	shalt  }
0x65: {  	_ =	shalt  }
0x66: {  	_ =	shalt  }
0x67: {  	_ =	shalt  }
0x68: {  	_ =	shalt  }
0x69: {  	_ =	shalt  }
0x6a: {  	_ =	shalt  }
0x6b: {  	_ =	shalt  }
0x6c: {  	_ =	shalt  }
0x6d: {  	_ =	shalt  }
0x6e: {  	_ =	shalt  }
0x6f: {  	_ =	shalt  }
0x70: {  	_ =	shalt  }
0x71: {  	_ =	shalt  }
0x72: {  	_ =	shalt  }
0x73: {  	_ =	shalt  }
0x74: {  	_ =	shalt  }
0x75: {  	_ =	shalt  }
0x76: {  	_ =	shalt  }
0x77: {  	_ =	shalt  }
0x78: {  	_ =	shalt  }
0x79: {  	_ =	shalt  }
0x7a: {  	_ =	shalt  }
0x7b: {  	_ =	shalt  }
0x7c: {  	_ =	shalt  }
0x7d: {  	_ =	shalt  }
0x7e: {  	_ =	shalt  }
0x7f: {  	_ =	shalt  }
0x80: {  	_ =	shalt  }
0x81: {  	_ =	shalt  }
0x82: {  	_ =	shalt  }
0x83: {  	_ =	shalt  }
0x84: {  	_ =	shalt  }
0x85: {  	_ =	shalt  }
0x86: {  	_ =	shalt  }
0x87: {  	_ =	shalt  }
.Lfunc_end0:
.L_simem_size_0:
called_computation.3_lowered:
.L_overlay_start_0:
0x88: {  	s2 =	sld [smem:$0x3FD9]  }
0x89: {  	s3 =	sld [smem:$0x3FFE];
	_ =	sdelay $0x1  }
0x8a: {  	s1 =	srdreg.scid  }
0x8b: {  	s0 =	sand.u32 $0x1, s1  }
0x8c: {  	s16 =	sshll.u32 s0, $0xA;
	s2 =	sadd.s32 s3, s2  }
0x8d: {  	s2 =	sadd.s32 s2, s16  }
0x8e: {  	[smem:$0x3FB8] =	sst s2  }
0x8f: {  	_ = 	snop  }
0x90: {  	(tm) =	ssettm $0x1  }
0x91: {  	s17 =	sld [smem:$0x3FFB];
	_ =	sdelay $0x3  }
0x92: {  	_ =	strace s17  }
0x93: {  	s2 =	sld [smem:$0x3FFC];
	_ =	sdelay $0x3  }
0x94: {  	_ =	strace s2  }
0x95: {  	s2 =	sld [smem:$0x3FFD];
	_ =	sdelay $0x3  }
0x96: {  	_ =	strace s2  }
0x97: {  	_ =	strace $0x8FFFFFFF  }
0x98: {  	s18 =	sld [smem:$0x3FDB];
	_ =	sdelay $0x1  }
0x99: {  	s19 =	simm.s32 $_scs_section_size  }
0x9a: {  	s4 =	simm.s32 $_size__tile_overlayer_lowered;
	s5 =	simm.s32 $_tile_overlayer_lowered  }
0x9b: {  	s22 =	simm.s32 $0x1BFF;
	s21 =	sshll.u32 s5, $0x1;
	s2 =	sadd.s32 s19, s18  }
0x9c: {  	s6 =	simm.s32 $0x0;
	s20 =	sshll.u32 s4, $0x1;
	s4 =	sadd.s32 s21, s2  }
0x9d: {  	[timem:s6], [sflag:s22] =	dma.local [hbm:s4], s20  }
0x9e: {  	_ =	swait.ge [sflag:s22], s20  }
0x9f: {  	s3 =	ssub.s32 $0x0, s20;
	[sflag:s22] =	ssyncset.done $0x0  }
0xa0: {  	[sflag:s22] =	ssyncadd.s32 s3;
	_ =	sdelay $0x1  }
0xa1: {  	s23 =	simm.s32 $0x1B8B  }
0xa2: {  	_ =	swait.ge [sflag:s23], $0x1  }
0xa3: {  	[sflag:s23] =	ssyncset.done $0x0  }
0xa4: {  	s25 =	simm.s32 $0x1B8E;
	s24 =	sld [smem:$0x3FFE];
	[sflag:s23] =	ssyncadd.s32 $0xFFFFFFFF  }
0xa5: {  	s26 =	simm.s32 $execute0_lowered;
	[smem:$0x3FD2] =	sst s25  }
0xa6: {  	s4 =	sshll.u32 s26, $0x1;
	_ =	strace $0x8000004F;
	[dreg:$0x1] =	wrdreg $0xFFFFFFFF  }
0xa7: {  	s28 =	simm.s32 $_size_execute0_lowered;
	s2 =	sadd.s32 s2, s4;
	[dreg:$0x0] =	wrdreg $0x0  }
0xa8: {  	s4 =	sshll.u32 s28, $0x1;
	[dreg:$0x2] =	wrdreg s2  }
0xa9: {  	[dreg:$0x3] =	wrdreg s4  }
0xaa: {  	[dreg:$0x4] =	wrdreg $0xC0  }
0xab: {  	_ =	task [dreg:s6], $0x5FFFF  }
0xac: {  	[dreg:$0x1] =	wrdreg $0xFFFFFFFF  }
0xad: {  	[dreg:$0x0] =	wrdreg $0x60  }
0xae: {  	[dreg:$0x2] =	wrdreg s24  }
0xaf: {  	[dreg:$0x3] =	wrdreg $0x114400  }
0xb0: {  	[dreg:$0x4] =	wrdreg $0x9  }
0xb1: {  	_ =	task.clear_ibuf [dreg:s6], $0x5FFFF;
	_ =	strace $0x9000004F  }
0xb2: {  	s29 =	simm.s32 $0x9;
	_ =	strace $0x80000051  }
0xb3: {  	_ =	swait.ge [sflag:s29], $0x1  }
0xb4: {  	[sflag:s29] =	ssyncadd.s32 $0xFFFFFFFF  }
0xb5: {  	_ =	strace $0x90000051  }
0xb6: {  	_ =	sfence  }
0xb7: {  	s30 =	sld [smem:$0x0];
	_ =	sdelay $0x2  }
0xb8: {  	s31 =	sshll.u32 s1, $0xD;
	s1 =	sshrl.u32 s1, $0x2  }
0xb9: {  	s3 =	sand.u32 $0x4000, s31;
	s1 =	sadd.s32 s1, s30  }
0xba: {  	s0 =	sor.u32 s3, s0;
	s1 =	sshll.u32 s1, $0x11  }
0xbb: {  	s0 =	sor.u32 s1, s0  }
0xbc: {  	s0 =	sadd.s32 $0x8F2B, s0  }
0xbd: {  	[sflag:s0] =	ssyncadd.remote.s32 $0x1  }
0xbe: {  	_ =	sfence.sel $0xFFFF  }
0xbf: {  	[dreg:$0x0] =	wrdreg $0xFFFFFFFF;
	(pc) =	sbr.abs _section_cstart, $3  }
0xc0: {  	[dreg:$0x1] =	wrdreg $0xFFFFFFFF  }
0xc1: {  	_ =	task.clear_ibuf [dreg:s6], $0x2FFFF;
	_ =	strace $0x9FFFFFFF  }
0xc2: {  	(tm) =	ssettm $0x7FFFFFFF  }
0xc3: {  	_ =	shalt  }
tec
execute0_lowered:
.L_overlay_start_1:
0x0: {  	(tag) =	ssettag $0x1  }
0x1: {  	s0 =	rddreg [dreg:$0x0];
	s1 =	srdreg.scid  }
0x2: {  	s3 =	stileid.u32;
	s2 =	rddreg [dreg:$0x1]  }
0x3: {  	s6 =	simm.s32 $0x0;
	s15 =	simm.s32 $0x9C40;
	s16 =	simm.s32 $0xD  }
0x4: {  	s17 =	simm.s32 $0x1;
	s18 =	simm.s32 $0x2;
	s19 =	simm.s32 $0x50  }
0x5: {  	s20 =	simm.s32 $0xB040;
	s28 =	simm.s32 $0xD840;
	s30 =	simm.s32 $0xEC40  }
0x6: {  	s29 =	simm.s32 $0x7;
	s31 =	simm.s32 $0x8;
	s5 =	smul.u32 $0x4E20, s3  }
0x7: {  	s1 =	sand.u32 $0x1, s1;
	[smem:$0x7FF] =	sst s6;
	s22 =	smul.u32 $0x270, s3  }
0x8: {  	s8 =	sadd.s32 $0xE000, s0;
	s9 =	smul.u32 $0x27000, s3;
	s12 =	sadd.s32 $0x9C000, s2  }
0x9: {  	p0 =	sne.s32 s3, $0xF;
	s4 =	smul.u32 $0x4E200, s1;
	_ =	strace $0x80000050  }
0xa: {  	s7 =	smul.u32 $0x27100, s1;
	[dreg:$0x3] =	wrdreg s8;
	s1 =	ssub.s32 $0x2, s1  }
0xb: {  	s23 =	sshrl.u32 s1, $0x1;
	s24 =	sshrl.u32 s9, $0x2;
	s25 =	sadd.s32 $0xD0, s22  }
0xc: {  	s26 =	sadd.s32 $0x1A0, s22;
	s22 =	simm.s32 $0xC440;
	s21 =	sadd.s32 s5, s4  }
0xd: {  	s4 =	sadd.s32 $0x22A00, s0;
	s5 =	sshrl.u32 s5, $0x3;
	s1 =	ssub.s32 s1, s23  }
0xe: {  	s9 =	sadd.s32 s24, s2;
	s13 =	sshll.u32 s25, $0x6;
	s8 =	sshll.u32 s26, $0x6  }
0xf: {  	s23 =	sshll.u32 s25, $0x4;
	s24 =	sshll.u32 s26, $0x4;
	s6 =	sshrl.u32 s21, $0x3  }
0x10: {  	s5 =	sadd.s32 s5, s0;
	s10 =	sadd.s32 s13, s2;
	s11 =	sadd.s32 s8, s2  }
0x11: {  	s21 =	smul.u32 $0x2700, s3;
	s1 =	smax.u32 s1, $0x1;
	s13 =	simm.s32 $0xC  }
0x12: {  	s8 =	simm.s32 $0x0;
	s6 =	sadd.s32 s6, s0;
	s0 =	sadd.s32 s7, s0  }
0x13: {  	s5 =	sadd.s32 $0x4200, s5;
	[dreg:$0x7] =	wrdreg s1;
	s1 =	simm.s32 $0x4  }
0x14: {  	s7 =	simm.s32 $0xA;
	s6 =	sadd.s32 $0xF000, s6;
	[dreg:$0x5] =	wrdreg s5  }
0x15: {  	s14 =	sadd.s32 $0x49C00, s0;
	s5 =	simm.s32 $0x9;
	[dreg:$0x4] =	wrdreg s6  }
0x16: {  	s0 =	sadd.s32 s21, s14;
	s25 =	sadd.s32 s23, s14;
	[dreg:$0x6] =	wrdreg s14  }
0x17: {  	s26 =	sadd.s32 s24, s14;
	s21 =	simm.s32 $0x3;
	[dreg:$0x8] =	wrdreg s0  }
0x18: {  	s6 =	simm.s32 $0x6;
	s14 =	simm.s32 $0xB;
	[dreg:$0x9] =	wrdreg s25  }
0x19: {  	[dreg:$0xa] =	wrdreg s26;
	s0 =	simm.s32 $0x10040;
	s26 =	simm.s32 $0x5  }
.LBB2_1:
0x1a: {  	[dreg:$0xb] =	wrdreg s8  }
0x1b: {  	s3 =	simm.s32 $0x0;
	s25 =	rddreg [dreg:$0x4]  }
0x1c: {  	[tilespmem:s3], [sflag:$0x1] =	stream.linear.gather [hbm4b:s25+s3], $0x4E20, $0x38;
	[tilespmem:$0x1B080] =	vst v63  }
0x1d: {  	s23 =	rddreg [dreg:$0x5];
	s24 =	simm.s32 $0x4E20  }
0x1e: {  	[tilespmem:s24], [sflag:$0x2] =	stream.linear.gather [hbm4b:s23+s3], $0x4E20, $0x38;
	[tilespmem:$0x1B080] =	vst v63  }
0x1f: {  	s25 =	rddreg [dreg:$0x3]  }
0x20: {  	[tilespmem:s15], [sflag:$0xD] =	stream.linear.gather [hbm4b:s25+s3], $0x3400, $0x38;
	[tilespmem:$0x1B080] =	vst v63  }
0x21: {  	_ =	swait.ge [sflag:s16], $0x3400  }
0x22: {  	[sflag:s16] =	ssyncset.done $0x0  }
0x23: {  	[sflag:s16] =	ssyncadd.s32 $0xFFFFCC00  }
0x24: {  	[spmem:s9] =	stream.linear.scatter [tilespmem:s15], [sflag:$0xD], $0x3400, $0x38;
	[tilespmem:$0x1B080] =	vst v63  }
0x25: {  	_ =	swait.ge [sflag:s16], $0x3400  }
0x26: {  	[sflag:s16] =	ssyncset.done $0x0  }
0x27: {  	[sflag:s16] =	ssyncadd.s32 $0xFFFFCC00  }
0x28: {  	[spmem:s10] =	stream.linear.scatter [tilespmem:s15], [sflag:$0xD], $0x3400, $0x38;
	[tilespmem:$0x1B080] =	vst v63  }
0x29: {  	_ =	swait.ge [sflag:s16], $0x3400  }
0x2a: {  	[sflag:s16] =	ssyncset.done $0x0  }
0x2b: {  	[sflag:s16] =	ssyncadd.s32 $0xFFFFCC00  }
0x2c: {  	[spmem:s11] =	stream.linear.scatter [tilespmem:s15], [sflag:$0xD], $0x3400, $0x38;
	[tilespmem:$0x1B080] =	vst v63  }
0x2d: {  	_ =	swait.ge [sflag:s16], $0x3400  }
0x2e: {  	[sflag:s16] =	ssyncset.done $0x0  }
0x2f: {  	s23 =	simm.s32 @!p0 $0x9C40;
	[sflag:s16] =	ssyncadd.s32 $0xFFFFCC00  }
0x30: {  	[spmem:s12] =	stream.linear.scatter @!p0 [tilespmem:s23], [sflag:$0xD], $0x400, $0x38;
	[tilespmem:$0x1B080] =	vst v63  }
0x31: {  	s23 =	simm.s32 @!p0 $0xD  }
0x32: {  	_ =	swait.ge @!p0 [sflag:s23], $0x400  }
0x33: {  	[sflag:s23] =	ssyncset.done @!p0 $0x0  }
0x34: {  	[sflag:s23] =	ssyncadd.s32 @!p0 $0xFFFFFC00  }
0x35: {  	_ =	swait.ge [sflag:s17], $0x4E20  }
0x36: {  	[sflag:s17] =	ssyncset.done $0x0  }
0x37: {  	[sflag:s17] =	ssyncadd.s32 $0xFFFFB1E0  }
0x38: {  	_ =	swait.ge [sflag:s18], $0x4E20  }
0x39: {  	[sflag:s18] =	ssyncset.done $0x0  }
0x3a: {  	[sflag:s18] =	ssyncadd.s32 $0xFFFFB1E0  }
0x3b: {  	[bflag:$0x0] =	sbarrier.arrive $0xFFFF  }
0x3c: {  	[tilespmem:s15], [sflag:$0x1] =	stream.indirect.gather [hbm4b:s4+s19], $0x40, s3, s19, $0xb8;
	[tilespmem:$0x1B080] =	vst v63  }
0x3d: {  	_ = 	snop  }
0x3e: {  	[tilespmem:s20], [sflag:$0x2] =	stream.indirect.gather [hbm4b:s4+s19], $0x40, s19, s19, $0xb8;
	[tilespmem:$0x1B080] =	vst v63  }
0x3f: {  	s8 =	simm.s32 $0xA0  }
0x40: {  	[tilespmem:s22], [sflag:$0x3] =	stream.indirect.gather [hbm4b:s4+s19], $0x40, s8, s19, $0xb8;
	[tilespmem:$0x1B080] =	vst v63  }
0x41: {  	s23 =	simm.s32 $0xF0  }
0x42: {  	[tilespmem:s28], [sflag:$0x4] =	stream.indirect.gather [hbm4b:s4+s19], $0x40, s23, s19, $0xb8;
	[tilespmem:$0x1B080] =	vst v63  }
0x43: {  	_ =	swait.ge [sflag:s17], $0x1400  }
0x44: {  	[sflag:s17] =	ssyncset.done $0x0  }
0x45: {  	[sflag:s17] =	ssyncadd.s32 $0xFFFFEC00  }
0x46: {  	[spmem:s2] =	stream.indirect.scatter.add.f32 [tilespmem:s15], [sflag:$0x7], $0x40, s24, s19, $0xb8;
	[tilespmem:$0x1B080] =	vst v63  }
0x47: {  	s24 =	simm.s32 $0x140  }
0x48: {  	[tilespmem:s30], [sflag:$0x5] =	stream.indirect.gather [hbm4b:s4+s19], $0x40, s24, s19, $0xb8;
	[tilespmem:$0x1B080] =	vst v63  }
0x49: {  	_ =	swait.ge [sflag:s18], $0x1400  }
0x4a: {  	[sflag:s18] =	ssyncset.done $0x0  }
0x4b: {  	s25 =	simm.s32 $0x4E70;
	[sflag:s18] =	ssyncadd.s32 $0xFFFFEC00  }
0x4c: {  	[spmem:s2] =	stream.indirect.scatter.add.f32 [tilespmem:s20], [sflag:$0x8], $0x40, s25, s19, $0xb8;
	[tilespmem:$0x1B080] =	vst v63  }
0x4d: {  	s8 =	simm.s32 $0x190  }
0x4e: {  	[tilespmem:s0], [sflag:$0x6] =	stream.indirect.gather [hbm4b:s4+s19], $0x40, s8, s19, $0xb8;
	[tilespmem:$0x1B080] =	vst v63  }
0x4f: {  	_ =	swait.ge [sflag:s21], $0x1400  }
0x50: {  	[sflag:s21] =	ssyncset.done $0x0  }
0x51: {  	s23 =	simm.s32 $0x4EC0;
	[sflag:s21] =	ssyncadd.s32 $0xFFFFEC00  }
0x52: {  	[spmem:s2] =	stream.indirect.scatter.add.f32 [tilespmem:s22], [sflag:$0x9], $0x40, s23, s19, $0xb8;
	[tilespmem:$0x1B080] =	vst v63  }
0x53: {  	_ =	swait.ge [sflag:s29], $0x1400  }
0x54: {  	[sflag:s29] =	ssyncset.done $0x0  }
0x55: {  	s24 =	simm.s32 $0x1E0;
	[sflag:s29] =	ssyncadd.s32 $0xFFFFEC00  }
0x56: {  	[tilespmem:s15], [sflag:$0x1] =	stream.indirect.gather [hbm4b:s4+s19], $0x40, s24, s19, $0xb8;
	[tilespmem:$0x1B080] =	vst v63  }
0x57: {  	_ =	swait.ge [sflag:s1], $0x1400  }
0x58: {  	[sflag:s1] =	ssyncset.done $0x0  }
0x59: {  	s25 =	simm.s32 $0x4F10;
	[sflag:s1] =	ssyncadd.s32 $0xFFFFEC00  }
0x5a: {  	[spmem:s2] =	stream.indirect.scatter.add.f32 [tilespmem:s28], [sflag:$0xA], $0x40, s25, s19, $0xb8;
	[tilespmem:$0x1B080] =	vst v63  }
0x5b: {  	_ =	swait.ge [sflag:s31], $0x1400  }
0x5c: {  	[sflag:s31] =	ssyncset.done $0x0  }
0x5d: {  	s8 =	simm.s32 $0x230;
	[sflag:s31] =	ssyncadd.s32 $0xFFFFEC00  }
0x5e: {  	[tilespmem:s20], [sflag:$0x2] =	stream.indirect.gather [hbm4b:s4+s19], $0x40, s8, s19, $0xb8;
	[tilespmem:$0x1B080] =	vst v63  }
0x5f: {  	_ =	swait.ge [sflag:s26], $0x1400  }
0x60: {  	[sflag:s26] =	ssyncset.done $0x0  }
0x61: {  	s23 =	simm.s32 $0x4F60;
	[sflag:s26] =	ssyncadd.s32 $0xFFFFEC00  }
0x62: {  	[spmem:s2] =	stream.indirect.scatter.add.f32 [tilespmem:s30], [sflag:$0xB], $0x40, s23, s19, $0xb8;
	[tilespmem:$0x1B080] =	vst v63  }
0x63: {  	_ =	swait.ge [sflag:s5], $0x1400  }
0x64: {  	[sflag:s5] =	ssyncset.done $0x0  }
0x65: {  	s24 =	simm.s32 $0x280;
	[sflag:s5] =	ssyncadd.s32 $0xFFFFEC00  }
0x66: {  	[tilespmem:s22], [sflag:$0x3] =	stream.indirect.gather [hbm4b:s4+s19], $0x40, s24, s19, $0xb8;
	[tilespmem:$0x1B080] =	vst v63  }
0x67: {  	_ =	swait.ge [sflag:s6], $0x1400  }
0x68: {  	[sflag:s6] =	ssyncset.done $0x0  }
0x69: {  	s25 =	simm.s32 $0x4FB0;
	[sflag:s6] =	ssyncadd.s32 $0xFFFFEC00  }
0x6a: {  	[spmem:s2] =	stream.indirect.scatter.add.f32 [tilespmem:s0], [sflag:$0xC], $0x40, s25, s19, $0xb8;
	[tilespmem:$0x1B080] =	vst v63  }
0x6b: {  	_ =	swait.ge [sflag:s7], $0x1400  }
0x6c: {  	[sflag:s7] =	ssyncset.done $0x0  }
0x6d: {  	s8 =	simm.s32 $0x2D0;
	[sflag:s7] =	ssyncadd.s32 $0xFFFFEC00  }
0x6e: {  	[tilespmem:s28], [sflag:$0x4] =	stream.indirect.gather [hbm4b:s4+s19], $0x40, s8, s19, $0xb8;
	[tilespmem:$0x1B080] =	vst v63  }
0x6f: {  	_ =	swait.ge [sflag:s17], $0x1400  }
0x70: {  	[sflag:s17] =	ssyncset.done $0x0  }
0x71: {  	s24 =	simm.s32 $0x5000;
	[sflag:s17] =	ssyncadd.s32 $0xFFFFEC00  }
0x72: {  	[spmem:s2] =	stream.indirect.scatter.add.f32 [tilespmem:s15], [sflag:$0x7], $0x40, s24, s19, $0xb8;
	[tilespmem:$0x1B080] =	vst v63  }
0x73: {  	_ =	swait.ge [sflag:s14], $0x1400  }
0x74: {  	[sflag:s14] =	ssyncset.done $0x0  }
0x75: {  	s25 =	simm.s32 $0x320;
	[sflag:s14] =	ssyncadd.s32 $0xFFFFEC00  }
0x76: {  	[tilespmem:s30], [sflag:$0x5] =	stream.indirect.gather [hbm4b:s4+s19], $0x40, s25, s19, $0xb8;
	[tilespmem:$0x1B080] =	vst v63  }
0x77: {  	_ =	swait.ge [sflag:s18], $0x1400  }
0x78: {  	[sflag:s18] =	ssyncset.done $0x0  }
0x79: {  	s3 =	simm.s32 $0x5050;
	[sflag:s18] =	ssyncadd.s32 $0xFFFFEC00  }
0x7a: {  	[spmem:s2] =	stream.indirect.scatter.add.f32 [tilespmem:s20], [sflag:$0x8], $0x40, s3, s19, $0xb8;
	[tilespmem:$0x1B080] =	vst v63  }
0x7b: {  	_ =	swait.ge [sflag:s13], $0x1400  }
0x7c: {  	[sflag:s13] =	ssyncset.done $0x0  }
0x7d: {  	s8 =	simm.s32 $0x370;
	[sflag:s13] =	ssyncadd.s32 $0xFFFFEC00  }
0x7e: {  	[tilespmem:s0], [sflag:$0x6] =	stream.indirect.gather [hbm4b:s4+s19], $0x40, s8, s19, $0xb8;
	[tilespmem:$0x1B080] =	vst v63  }
0x7f: {  	_ =	swait.ge [sflag:s21], $0x1400  }
0x80: {  	[sflag:s21] =	ssyncset.done $0x0  }
0x81: {  	s24 =	simm.s32 $0x50A0;
	[sflag:s21] =	ssyncadd.s32 $0xFFFFEC00  }
0x82: {  	[spmem:s2] =	stream.indirect.scatter.add.f32 [tilespmem:s22], [sflag:$0x9], $0x40, s24, s19, $0xb8;
	[tilespmem:$0x1B080] =	vst v63  }
0x83: {  	_ =	swait.ge [sflag:s29], $0x1400  }
0x84: {  	[sflag:s29] =	ssyncset.done $0x0  }
0x85: {  	s25 =	simm.s32 $0x3C0;
	[sflag:s29] =	ssyncadd.s32 $0xFFFFEC00  }
0x86: {  	[tilespmem:s15], [sflag:$0x1] =	stream.indirect.gather [hbm4b:s4+s19], $0x40, s25, s19, $0xb8;
	[tilespmem:$0x1B080] =	vst v63  }
0x87: {  	_ =	swait.ge [sflag:s1], $0x1400  }
0x88: {  	[sflag:s1] =	ssyncset.done $0x0  }
0x89: {  	s3 =	simm.s32 $0x50F0;
	[sflag:s1] =	ssyncadd.s32 $0xFFFFEC00  }
0x8a: {  	[spmem:s2] =	stream.indirect.scatter.add.f32 [tilespmem:s28], [sflag:$0xA], $0x40, s3, s19, $0xb8;
	[tilespmem:$0x1B080] =	vst v63  }
0x8b: {  	_ =	swait.ge [sflag:s31], $0x1400  }
0x8c: {  	[sflag:s31] =	ssyncset.done $0x0  }
0x8d: {  	s8 =	simm.s32 $0x410;
	[sflag:s31] =	ssyncadd.s32 $0xFFFFEC00  }
0x8e: {  	[tilespmem:s20], [sflag:$0x2] =	stream.indirect.gather [hbm4b:s4+s19], $0x40, s8, s19, $0xb8;
	[tilespmem:$0x1B080] =	vst v63  }
0x8f: {  	_ =	swait.ge [sflag:s26], $0x1400  }
0x90: {  	[sflag:s26] =	ssyncset.done $0x0  }
0x91: {  	s24 =	simm.s32 $0x5140;
	[sflag:s26] =	ssyncadd.s32 $0xFFFFEC00  }
0x92: {  	[spmem:s2] =	stream.indirect.scatter.add.f32 [tilespmem:s30], [sflag:$0xB], $0x40, s24, s19, $0xb8;
	[tilespmem:$0x1B080] =	vst v63  }
0x93: {  	_ =	swait.ge [sflag:s5], $0x1400  }
0x94: {  	[sflag:s5] =	ssyncset.done $0x0  }
0x95: {  	s25 =	simm.s32 $0x460;
	[sflag:s5] =	ssyncadd.s32 $0xFFFFEC00  }
0x96: {  	[tilespmem:s22], [sflag:$0x3] =	stream.indirect.gather [hbm4b:s4+s19], $0x40, s25, s19, $0xb8;
	[tilespmem:$0x1B080] =	vst v63  }
0x97: {  	_ =	swait.ge [sflag:s6], $0x1400  }
0x98: {  	[sflag:s6] =	ssyncset.done $0x0  }
0x99: {  	s23 =	simm.s32 $0x5190;
	s25 =	simm.s32 $0x780;
	[sflag:s6] =	ssyncadd.s32 $0xFFFFEC00  }
.LBB2_2:
0x9a: {  	[spmem:s2] =	stream.indirect.scatter.add.f32 [tilespmem:s0], [sflag:$0xC], $0x40, s23, s19, $0xb8;
	[tilespmem:$0x1B080] =	vst v63  }
0x9b: {  	s23 =	smov.u32 s25  }
0x9c: {  	p1 =	sne.s32 s25, $0x12480;
	s25 =	sadd.s32 $0x780, s25;
	_ =	swait.ge [sflag:s7], $0x1400  }
0x9d: {  	s23 =	sshra.s32 s23, $0x2;
	[sflag:s7] =	ssyncset.done $0x0  }
0x9e: {  	s24 =	sadd.s32 $0x2D0, s23;
	[sflag:s7] =	ssyncadd.s32 $0xFFFFEC00  }
0x9f: {  	[tilespmem:s28], [sflag:$0x4] =	stream.indirect.gather [hbm4b:s4+s19], $0x40, s24, s19, $0xb8;
	[tilespmem:$0x1B080] =	vst v63  }
0xa0: {  	_ =	swait.ge [sflag:s17], $0x1400  }
0xa1: {  	[sflag:s17] =	ssyncset.done $0x0  }
0xa2: {  	s24 =	sadd.s32 $0x5000, s23;
	[sflag:s17] =	ssyncadd.s32 $0xFFFFEC00  }
0xa3: {  	[spmem:s2] =	stream.indirect.scatter.add.f32 [tilespmem:s15], [sflag:$0x7], $0x40, s24, s19, $0xb8;
	[tilespmem:$0x1B080] =	vst v63  }
0xa4: {  	_ =	swait.ge [sflag:s14], $0x1400  }
0xa5: {  	[sflag:s14] =	ssyncset.done $0x0  }
0xa6: {  	s24 =	sadd.s32 $0x320, s23;
	[sflag:s14] =	ssyncadd.s32 $0xFFFFEC00  }
0xa7: {  	[tilespmem:s30], [sflag:$0x5] =	stream.indirect.gather [hbm4b:s4+s19], $0x40, s24, s19, $0xb8;
	[tilespmem:$0x1B080] =	vst v63  }
0xa8: {  	_ =	swait.ge [sflag:s18], $0x1400  }
0xa9: {  	[sflag:s18] =	ssyncset.done $0x0  }
0xaa: {  	s24 =	sadd.s32 $0x5050, s23;
	[sflag:s18] =	ssyncadd.s32 $0xFFFFEC00  }
0xab: {  	[spmem:s2] =	stream.indirect.scatter.add.f32 [tilespmem:s20], [sflag:$0x8], $0x40, s24, s19, $0xb8;
	[tilespmem:$0x1B080] =	vst v63  }
0xac: {  	_ =	swait.ge [sflag:s13], $0x1400  }
0xad: {  	[sflag:s13] =	ssyncset.done $0x0  }
0xae: {  	s24 =	sadd.s32 $0x370, s23;
	[sflag:s13] =	ssyncadd.s32 $0xFFFFEC00  }
0xaf: {  	[tilespmem:s0], [sflag:$0x6] =	stream.indirect.gather [hbm4b:s4+s19], $0x40, s24, s19, $0xb8;
	[tilespmem:$0x1B080] =	vst v63  }
0xb0: {  	_ =	swait.ge [sflag:s21], $0x1400  }
0xb1: {  	[sflag:s21] =	ssyncset.done $0x0  }
0xb2: {  	s24 =	sadd.s32 $0x50A0, s23;
	[sflag:s21] =	ssyncadd.s32 $0xFFFFEC00  }
0xb3: {  	[spmem:s2] =	stream.indirect.scatter.add.f32 [tilespmem:s22], [sflag:$0x9], $0x40, s24, s19, $0xb8;
	[tilespmem:$0x1B080] =	vst v63  }
0xb4: {  	_ =	swait.ge [sflag:s29], $0x1400  }
0xb5: {  	[sflag:s29] =	ssyncset.done $0x0  }
0xb6: {  	s24 =	sadd.s32 $0x3C0, s23;
	[sflag:s29] =	ssyncadd.s32 $0xFFFFEC00  }
0xb7: {  	[tilespmem:s15], [sflag:$0x1] =	stream.indirect.gather [hbm4b:s4+s19], $0x40, s24, s19, $0xb8;
	[tilespmem:$0x1B080] =	vst v63  }
0xb8: {  	_ =	swait.ge [sflag:s1], $0x1400  }
0xb9: {  	[sflag:s1] =	ssyncset.done $0x0  }
0xba: {  	s24 =	sadd.s32 $0x50F0, s23;
	[sflag:s1] =	ssyncadd.s32 $0xFFFFEC00  }
0xbb: {  	[spmem:s2] =	stream.indirect.scatter.add.f32 [tilespmem:s28], [sflag:$0xA], $0x40, s24, s19, $0xb8;
	[tilespmem:$0x1B080] =	vst v63  }
0xbc: {  	_ =	swait.ge [sflag:s31], $0x1400  }
0xbd: {  	[sflag:s31] =	ssyncset.done $0x0  }
0xbe: {  	s24 =	sadd.s32 $0x410, s23;
	[sflag:s31] =	ssyncadd.s32 $0xFFFFEC00  }
0xbf: {  	[tilespmem:s20], [sflag:$0x2] =	stream.indirect.gather [hbm4b:s4+s19], $0x40, s24, s19, $0xb8;
	[tilespmem:$0x1B080] =	vst v63  }
0xc0: {  	_ =	swait.ge [sflag:s26], $0x1400  }
0xc1: {  	[sflag:s26] =	ssyncset.done $0x0  }
0xc2: {  	s24 =	sadd.s32 $0x5140, s23;
	[sflag:s26] =	ssyncadd.s32 $0xFFFFEC00  }
0xc3: {  	[spmem:s2] =	stream.indirect.scatter.add.f32 [tilespmem:s30], [sflag:$0xB], $0x40, s24, s19, $0xb8;
	[tilespmem:$0x1B080] =	vst v63  }
0xc4: {  	_ =	swait.ge [sflag:s5], $0x1400  }
0xc5: {  	[sflag:s5] =	ssyncset.done $0x0  }
.Ltmp0:
0xc6: {  	s24 =	sadd.s32 $0x460, s23;
	[sflag:s5] =	ssyncadd.s32 $0xFFFFEC00;
	(pc) =	sbr.rel @p1 .LBB2_2-.Ltmp0, $4  }
0xc7: {  	[tilespmem:s22], [sflag:$0x3] =	stream.indirect.gather [hbm4b:s4+s19], $0x40, s24, s19, $0xb8;
	[tilespmem:$0x1B080] =	vst v63  }
0xc8: {  	_ =	swait.ge [sflag:s6], $0x1400  }
0xc9: {  	[sflag:s6] =	ssyncset.done $0x0  }
0xca: {  	s23 =	sadd.s32 $0x5190, s23;
	[sflag:s6] =	ssyncadd.s32 $0xFFFFEC00  }
0xcb: {  	[spmem:s2] =	stream.indirect.scatter.add.f32 [tilespmem:s0], [sflag:$0xC], $0x40, s23, s19, $0xb8;
	[tilespmem:$0x1B080] =	vst v63  }
0xcc: {  	_ =	swait.ge [sflag:s7], $0x1400  }
0xcd: {  	[sflag:s7] =	ssyncset.done $0x0  }
0xce: {  	s3 =	simm.s32 $0x4DD0;
	[sflag:s7] =	ssyncadd.s32 $0xFFFFEC00  }
0xcf: {  	[tilespmem:s28], [sflag:$0x4] =	stream.indirect.gather [hbm4b:s4+s19], $0x40, s3, s19, $0xb8;
	[tilespmem:$0x1B080] =	vst v63  }
0xd0: {  	_ =	swait.ge [sflag:s17], $0x1400  }
0xd1: {  	[sflag:s17] =	ssyncset.done $0x0  }
0xd2: {  	s24 =	simm.s32 $0x9B00;
	[sflag:s17] =	ssyncadd.s32 $0xFFFFEC00  }
0xd3: {  	[spmem:s2] =	stream.indirect.scatter.add.f32 [tilespmem:s15], [sflag:$0x7], $0x40, s24, s19, $0xb8;
	[tilespmem:$0x1B080] =	vst v63  }
0xd4: {  	_ =	swait.ge [sflag:s14], $0x1400  }
0xd5: {  	[sflag:s14] =	ssyncset.done $0x0  }
0xd6: {  	[sflag:s14] =	ssyncadd.s32 $0xFFFFEC00  }
0xd7: {  	_ =	swait.ge [sflag:s18], $0x1400  }
0xd8: {  	[sflag:s18] =	ssyncset.done $0x0  }
0xd9: {  	s25 =	simm.s32 $0x9B50;
	[sflag:s18] =	ssyncadd.s32 $0xFFFFEC00  }
0xda: {  	[spmem:s2] =	stream.indirect.scatter.add.f32 [tilespmem:s20], [sflag:$0x8], $0x40, s25, s19, $0xb8;
	[tilespmem:$0x1B080] =	vst v63  }
0xdb: {  	_ =	swait.ge [sflag:s13], $0x1400  }
0xdc: {  	[sflag:s13] =	ssyncset.done $0x0  }
0xdd: {  	[sflag:s13] =	ssyncadd.s32 $0xFFFFEC00  }
0xde: {  	_ =	swait.ge [sflag:s21], $0x1400  }
0xdf: {  	[sflag:s21] =	ssyncset.done $0x0  }
0xe0: {  	s8 =	simm.s32 $0x9BA0;
	[sflag:s21] =	ssyncadd.s32 $0xFFFFEC00  }
0xe1: {  	[spmem:s2] =	stream.indirect.scatter.add.f32 [tilespmem:s22], [sflag:$0x9], $0x40, s8, s19, $0xb8;
	[tilespmem:$0x1B080] =	vst v63  }
0xe2: {  	_ =	swait.ge [sflag:s29], $0x1400  }
0xe3: {  	[sflag:s29] =	ssyncset.done $0x0  }
0xe4: {  	[sflag:s29] =	ssyncadd.s32 $0xFFFFEC00  }
0xe5: {  	_ =	swait.ge [sflag:s1], $0x1400  }
0xe6: {  	[sflag:s1] =	ssyncset.done $0x0  }
0xe7: {  	s23 =	simm.s32 $0x9BF0;
	[sflag:s1] =	ssyncadd.s32 $0xFFFFEC00  }
0xe8: {  	[spmem:s2] =	stream.indirect.scatter.add.f32 [tilespmem:s28], [sflag:$0xA], $0x40, s23, s19, $0xb8;
	[tilespmem:$0x1B080] =	vst v63  }
0xe9: {  	_ =	swait.ge [sflag:s31], $0x1400  }
0xea: {  	[sflag:s31] =	ssyncset.done $0x0  }
0xeb: {  	[sflag:s31] =	ssyncadd.s32 $0xFFFFEC00  }
0xec: {  	_ =	swait.ge [sflag:s5], $0x1400  }
0xed: {  	[sflag:s5] =	ssyncset.done $0x0  }
0xee: {  	[sflag:s5] =	ssyncadd.s32 $0xFFFFEC00  }
0xef: {  	_ =	swait.ge [sflag:s7], $0x1400  }
0xf0: {  	[sflag:s7] =	ssyncset.done $0x0  }
0xf1: {  	[sflag:s7] =	ssyncadd.s32 $0xFFFFEC00  }
0xf2: {  	[bflag:$0x0] =	sbarrier.arrive $0xFFFF  }
0xf3: {  	[tilespmem:s15], [sflag:$0xD] =	stream.linear.gather [spmem:s9], $0x3400, $0x38;
	[tilespmem:$0x1B080] =	vst v63  }
0xf4: {  	_ =	swait.ge [sflag:s16], $0x3400  }
0xf5: {  	s8 =	simm.s32 $0x40;
	[sflag:s16] =	ssyncset.done $0x0  }
0xf6: {  	s23 =	simm.s32 $0x80;
	s24 =	rddreg [dreg:$0x8];
	[sflag:s16] =	ssyncadd.s32 $0xFFFFCC00  }
0xf7: {  	[hbm4b:s24+s8] =	stream.strided.scatter [tilespmem:s15], [sflag:$0x7], $0x3400, s23, s8, $0x38;
	[tilespmem:$0x1B080] =	vst v63  }
0xf8: {  	s24 =	simm.s32 $0xD040  }
0xf9: {  	[tilespmem:s24], [sflag:$0xD] =	stream.linear.gather [spmem:s10], $0x3400, $0x38;
	[tilespmem:$0x1B080] =	vst v63  }
0xfa: {  	_ =	swait.ge [sflag:s16], $0x3400  }
0xfb: {  	[sflag:s16] =	ssyncset.done $0x0  }
0xfc: {  	s25 =	rddreg [dreg:$0x9];
	[sflag:s16] =	ssyncadd.s32 $0xFFFFCC00  }
0xfd: {  	[hbm4b:s25+s8] =	stream.strided.scatter [tilespmem:s24], [sflag:$0x8], $0x3400, s23, s8, $0x38;
	[tilespmem:$0x1B080] =	vst v63  }
0xfe: {  	_ =	swait.ge [sflag:s29], $0x3400  }
0xff: {  	[sflag:s29] =	ssyncset.done $0x0  }
0x100: {  	[sflag:s29] =	ssyncadd.s32 $0xFFFFCC00  }
0x101: {  	[tilespmem:s15], [sflag:$0xD] =	stream.linear.gather [spmem:s11], $0x3400, $0x38;
	[tilespmem:$0x1B080] =	vst v63  }
0x102: {  	_ =	swait.ge [sflag:s16], $0x3400  }
0x103: {  	[sflag:s16] =	ssyncset.done $0x0  }
0x104: {  	s25 =	rddreg [dreg:$0xa];
	[sflag:s16] =	ssyncadd.s32 $0xFFFFCC00  }
0x105: {  	[hbm4b:s25+s8] =	stream.strided.scatter [tilespmem:s15], [sflag:$0x7], $0x3400, s23, s8, $0x38;
	[tilespmem:$0x1B080] =	vst v63  }
0x106: {  	_ =	swait.ge [sflag:s31], $0x3400  }
0x107: {  	[sflag:s31] =	ssyncset.done $0x0  }
0x108: {  	[sflag:s31] =	ssyncadd.s32 $0xFFFFCC00  }
0x109: {  	_ =	swait.ge [sflag:s29], $0x3400  }
0x10a: {  	[sflag:s29] =	ssyncset.done $0x0  }
0x10b: {  	s24 =	simm.s32 @!p0 $0xD;
	s23 =	simm.s32 @!p0 $0x10440;
	[sflag:s29] =	ssyncadd.s32 $0xFFFFCC00  }
0x10c: {  	[tilespmem:s23], [sflag:$0xD] =	stream.linear.gather @!p0 [spmem:s12], $0x400, $0x38;
	[tilespmem:$0x1B080] =	vst v63  }
0x10d: {  	_ =	swait.ge @!p0 [sflag:s24], $0x400  }
0x10e: {  	s8 =	simm.s32 @!p0 $0x80;
	[sflag:s24] =	ssyncset.done @!p0 $0x0;
	s3 =	rddreg [dreg:$0x6]  }
0x10f: {  	[sflag:s24] =	ssyncadd.s32 @!p0 $0xFFFFFC00;
	s25 =	sadd.s32 @!p0 $0x27000, s3;
	s3 =	simm.s32 @!p0 $0x40  }
0x110: {  	[hbm4b:s25+s3] =	stream.strided.scatter @!p0 [tilespmem:s23], [sflag:$0xD], $0x400, s8, s3, $0x38;
	[tilespmem:$0x1B080] =	vst v63  }
0x111: {  	_ =	swait.ge @!p0 [sflag:s24], $0x400  }
0x112: {  	s23 =	rddreg [dreg:$0xb]  }
0x113: {  	s25 =	rddreg [dreg:$0x7];
	s8 =	sadd.s32 $0x1, s23  }
0x114: {  	p1 =	sne.s32 s8, s25  }
.Ltmp1:
0x115: {  	_ = 	snop;
	(pc) =	sbr.rel @p1 .LBB2_1-.Ltmp1, $3  }
0x116: {  	_ =	sdelay $0x1  }
0x117: {  	[sflag:s24] =	ssyncset.done @!p0 $0x0  }
0x118: {  	[sflag:s24] =	ssyncadd.s32 @!p0 $0xFFFFFC00  }
0x119: {  	_ =	sfence.sel $0x180000  }
0x11a: {  	[bflag:$0x0] =	sbarrier.arrive $0xFFFF  }
0x11b: {  	_ =	strace $0x90000050  }
0x11c: {  	s0 =	stileid.u32;
	[bflag:$0x2] =	sbarrier.arrive $0xFFFF  }
0x11d: {  	p0 =	sne.s32 s0, $0x0;
	s0 =	rddreg [dreg:$0x2]  }
0x11e: {  	s0 =	sadd.s32 @!p0 $0x100000, s0  }
0x11f: {  	[sflag:s0] =	ssyncadd.tile.s32 @!p0 $0x1;
	_ =	shalt  }
.Lfunc_end2:
_tile_overlayer_lowered:
.L_overlay_start_2:
0x120: {  	(tag) =	ssettag $0x2  }
0x121: {  	s0 =	rddreg [dreg:$0x0];
	s2 =	stileid.u32  }
0x122: {  	s1 =	rddreg [dreg:$0x1];
	p0 =	sne.s32 s2, $0x0  }
0x123: {  	s3 =	rddreg [dreg:$0x2];
	[bflag:$0x3] =	sbarrier.arrive $0xFFFF;
	s2 =	simm.s32 @!p0 $0x1C0D  }
0x124: {  	[timem:s3], [sflag:s2] =	dma.local @!p0 [hbm:s0], s1  }
0x125: {  	s0 =	simm.s32 @!p0 $0xD  }
0x126: {  	_ =	swait.ge @!p0 [sflag:s0], s1  }
0x127: {  	s1 =	ssub.s32 @!p0 $0x0, s1;
	[sflag:s0] =	ssyncset.done @!p0 $0x0  }
0x128: {  	[sflag:s0] =	ssyncadd.s32 @!p0 s1  }
0x129: {  	[bflag:$0x3] =	sbarrier.arrive $0xFFFF  }
0x12a: {  	_ =	shalt  }

</sc_bundles>
